<compile_context>
chip_gen: v7x
topology: tpu7x:2x2x1
jax: 0.10.2.dev20260603
libtpu: 0.0.44.dev20260713+nightly
codegen_flags: <defaults>
</compile_context>

<pallas_src>
import functools

import jax
import jax.numpy as jnp
from jax import lax
from jax.experimental import pallas as pl
from jax.experimental.pallas import tpu as pltpu
from jax.experimental.pallas import tpu_sc as plsc

N = 10000
D = 128
E = 320000
G = 64
EPS = 1e-5

NC = 2
NS = 16
DH = D // NC
C = 128
K = 5
EPAD = 512
EP = 2560 * C
EDGES_PER_TILE = EP // NS
NBLK = EDGES_PER_TILE // (K * C)
IDX_ROWS_PER_TILE = EDGES_PER_TILE // C
ROW_STRIDE = 624
ROW_COPY = 640


def _sc_aggregate(h2, ei3, zeros):
    mesh = plsc.VectorSubcoreMesh(core_axis_name="c", subcore_axis_name="s")

    @functools.partial(
        pl.kernel,
        mesh=mesh,
        compiler_params=pltpu.CompilerParams(use_tc_tiling_on_sc=False),
        out_type=jax.ShapeDtypeStruct((N, D), jnp.float32),
        scratch_types=[
            pltpu.VMEM((2, K, C), jnp.int32),
            pltpu.VMEM((2, K, C), jnp.int32),
            pltpu.VMEM((2, K, C, DH), jnp.float32),
            pltpu.VMEM_SHARED((N + EPAD, DH), jnp.float32),
            pltpu.SemaphoreType.DMA,
            pltpu.SemaphoreType.DMA,
            pltpu.SemaphoreType.DMA,
        ],
    )
    def agg_kernel(h_hbm, ei_hbm, zeros_hbm, out_hbm,
                   src_v, dst_v, rows_v, acc_sh, sg0, sg1, ss):
        cid = lax.axis_index("c")
        sid = lax.axis_index("s")
        row0 = sid * ROW_STRIDE
        pltpu.sync_copy(zeros_hbm.at[pl.ds(row0, ROW_COPY)],
                        acc_sh.at[pl.ds(row0, ROW_COPY)])
        plsc.subcore_barrier()
        idx_base = sid * IDX_ROWS_PER_TILE
        sg = (sg0, sg1)
        hplane = h_hbm.at[cid]
        src_hbm = ei_hbm.at[0]
        dst_hbm = ei_hbm.at[1]

        def load_and_fire(b, p):
            roff = idx_base + b * K
            pltpu.sync_copy(src_hbm.at[pl.ds(roff, K)], src_v.at[p])
            pltpu.sync_copy(dst_hbm.at[pl.ds(roff, K)], dst_v.at[p])
            for j in range(K):
                pltpu.async_copy(hplane.at[src_v.at[p].at[j]],
                                 rows_v.at[p].at[j], sg[p])

        load_and_fire(0, 0)
        load_and_fire(1, 1)

        def body(i, carry):
            for p in range(2):
                b = 2 * i + p
                for j in range(K):
                    pltpu.make_async_copy(hplane.at[pl.ds(0, C)],
                                          rows_v.at[p].at[j], sg[p]).wait()
                scatters = [
                    pltpu.async_copy(rows_v.at[p].at[j],
                                     acc_sh.at[dst_v.at[p].at[j]],
                                     ss, add=True)
                    for j in range(K)
                ]
                for cp in scatters:
                    cp.wait()

                @pl.when(b + 2 < NBLK)
                def _():
                    load_and_fire(b + 2, p)
            return carry

        lax.fori_loop(0, NBLK // 2, body, 0)
        plsc.subcore_barrier()
        pltpu.sync_copy(acc_sh.at[pl.ds(row0, ROW_COPY)],
                        out_hbm.at[pl.ds(row0, ROW_COPY), pl.ds(cid * DH, DH)])

    return agg_kernel(h2, ei3, zeros)


def _combine_body(h_ref, a_ref, bn1_ref, b1n_ref,
                  Vw_ref, Vb_ref, Aw_ref, Ab_ref, Rw_ref, Rb_ref,
                  g_ref, be_ref, out_ref, *, final_refs=None):
    h = jnp.concatenate([h_ref[0], h_ref[1]], axis=1)
    aggr = a_ref[...]
    oh_ng = (bn1_ref[...] == lax.broadcasted_iota(jnp.int32, (N, G), 1)
             ).astype(jnp.float32)
    oh_gn = (b1n_ref[...] == lax.broadcasted_iota(jnp.int32, (G, N), 0)
             ).astype(jnp.float32)
    ro = jnp.dot(oh_gn, h, preferred_element_type=jnp.float32)
    roR = jnp.dot(ro, Rw_ref[...], preferred_element_type=jnp.float32)
    hpre = (jnp.dot(h, Vw_ref[...], preferred_element_type=jnp.float32)
            + jnp.dot(aggr, Aw_ref[...], preferred_element_type=jnp.float32)
            + jnp.dot(oh_ng, roR, preferred_element_type=jnp.float32)
            + Vb_ref[...] + Ab_ref[...] + Rb_ref[...])
    hr = jnp.maximum(hpre, 0.0)
    mu = jnp.mean(hr, axis=0, keepdims=True)
    var = jnp.mean((hr - mu) * (hr - mu), axis=0, keepdims=True)
    hbn = g_ref[...] * (hr - mu) * lax.rsqrt(var + EPS) + be_ref[...]
    if final_refs is None:
        out_ref[0] = hbn[:, :DH]
        out_ref[1] = hbn[:, DH:]
    else:
        Ww_ref, Wb_ref = final_refs
        out_ref[...] = (jnp.dot(hbn, Ww_ref[...],
                                preferred_element_type=jnp.float32)
                        + Wb_ref[...])


def _tc_combine(h, aggr, bn1, b1n, Vw, Vb, Aw, Ab, Rw, Rb, g, be,
                Ww=None, Wb=None):
    final = Ww is not None
    args = [h, aggr, bn1, b1n, Vw, Vb.reshape(1, D),
            Aw, Ab.reshape(1, D), Rw, Rb.reshape(1, D),
            g.reshape(1, D), be.reshape(1, D)]
    if final:
        args += [Ww, Wb.reshape(1, D)]

        def body(*refs):
            _combine_body(*refs[:12], refs[14], final_refs=(refs[12], refs[13]))
    else:
        def body(*refs):
            _combine_body(*refs, final_refs=None)

    out_shape = (jax.ShapeDtypeStruct((N, D), jnp.float32) if final
                 else jax.ShapeDtypeStruct((NC, N, DH), jnp.float32))
    return pl.pallas_call(
        body,
        out_shape=out_shape,
    )(*args)


def kernel(x, edge_index, batch, Vw0, Vb0, Aw0, Ab0, Rw0, Rb0, g0, be0,
           Vw1, Vb1, Aw1, Ab1, Rw1, Rb1, g1, be1, Ww, Wb):
    npad = EP - E
    pad_src = (jnp.arange(npad, dtype=jnp.int32) % N).reshape(1, npad)
    pad_dst = N + (jnp.arange(npad, dtype=jnp.int32) % EPAD).reshape(1, npad)
    pad = jnp.concatenate([pad_src, pad_dst], axis=0)
    ei3 = jnp.concatenate([edge_index, pad], axis=1).reshape(2, EP // C, C)
    zeros = jnp.zeros((N, DH), dtype=jnp.float32)
    bn1 = batch.reshape(N, 1)
    b1n = batch.reshape(1, N)
    x2 = x.reshape(N, NC, DH).transpose(1, 0, 2)

    a0 = _sc_aggregate(x2, ei3, zeros)
    h2 = _tc_combine(x2, a0, bn1, b1n, Vw0, Vb0, Aw0, Ab0, Rw0, Rb0, g0, be0)
    a1 = _sc_aggregate(h2, ei3, zeros)
    out = _tc_combine(h2, a1, bn1, b1n, Vw1, Vb1, Aw1, Ab1, Rw1, Rb1,
                      g1, be1, Ww, Wb)
    return out

# --- scband reference (transcript-rebuilt; emitter-appended) ---
"""Pipeline reference for scband-acrgnn-21449066676414 (READ-ONLY COPY).

The authoritative reference and input builder live on the scoring server;
editing this copy changes nothing except your own understanding.
"""

import jax, jax.numpy as jnp
import numpy as np

N = 10000
E = 320000
D_IN = 128
D_H = 128
D_OUT = 128
NUM_GRAPHS = 64
EPS = 1e-5


def setup_inputs(seed: int = 0) -> dict:
    key = jax.random.key(seed)
    ks = jax.random.split(key, 24)
    inp = {}
    inp['x'] = jax.random.normal(ks[0], (N, D_IN), dtype=jnp.float32)
    inp['edge_index'] = jax.random.randint(ks[1], (2, E), 0, N, dtype=jnp.int32)
    inp['batch'] = jnp.sort(jax.random.randint(ks[2], (N,), 0, NUM_GRAPHS, dtype=jnp.int32))
    # layer 0 params (V, A, R linears + batchnorm gamma/beta)
    s0 = 1.0 / np.sqrt(D_IN)
    inp['Vw0'] = jax.random.uniform(ks[3], (D_IN, D_H), minval=-s0, maxval=s0, dtype=jnp.float32)
    inp['Vb0'] = jax.random.uniform(ks[4], (D_H,), minval=-s0, maxval=s0, dtype=jnp.float32)
    inp['Aw0'] = jax.random.uniform(ks[5], (D_IN, D_H), minval=-s0, maxval=s0, dtype=jnp.float32)
    inp['Ab0'] = jax.random.uniform(ks[6], (D_H,), minval=-s0, maxval=s0, dtype=jnp.float32)
    inp['Rw0'] = jax.random.uniform(ks[7], (D_IN, D_H), minval=-s0, maxval=s0, dtype=jnp.float32)
    inp['Rb0'] = jax.random.uniform(ks[8], (D_H,), minval=-s0, maxval=s0, dtype=jnp.float32)
    inp['g0'] = jnp.ones((D_H,), dtype=jnp.float32)
    inp['be0'] = jnp.zeros((D_H,), dtype=jnp.float32)
    # layer 1 params
    s1 = 1.0 / np.sqrt(D_H)
    inp['Vw1'] = jax.random.uniform(ks[9], (D_H, D_H), minval=-s1, maxval=s1, dtype=jnp.float32)
    inp['Vb1'] = jax.random.uniform(ks[10], (D_H,), minval=-s1, maxval=s1, dtype=jnp.float32)
    inp['Aw1'] = jax.random.uniform(ks[11], (D_H, D_H), minval=-s1, maxval=s1, dtype=jnp.float32)
    inp['Ab1'] = jax.random.uniform(ks[12], (D_H,), minval=-s1, maxval=s1, dtype=jnp.float32)
    inp['Rw1'] = jax.random.uniform(ks[13], (D_H, D_H), minval=-s1, maxval=s1, dtype=jnp.float32)
    inp['Rb1'] = jax.random.uniform(ks[14], (D_H,), minval=-s1, maxval=s1, dtype=jnp.float32)
    inp['g1'] = jnp.ones((D_H,), dtype=jnp.float32)
    inp['be1'] = jnp.zeros((D_H,), dtype=jnp.float32)
    # final prediction linear
    inp['Ww'] = jax.random.uniform(ks[15], (D_H, D_OUT), minval=-s1, maxval=s1, dtype=jnp.float32)
    inp['Wb'] = jax.random.uniform(ks[16], (D_OUT,), minval=-s1, maxval=s1, dtype=jnp.float32)
    return inp


def _batch_norm(h, g, b):
    mu = jnp.mean(h, axis=0)
    var = jnp.var(h, axis=0)
    return g * (h - mu) / jnp.sqrt(var + EPS) + b


def reference(x, edge_index, batch, Vw0, Vb0, Aw0, Ab0, Rw0, Rb0, g0, be0, Vw1, Vb1, Aw1, Ab1, Rw1, Rb1, g1, be1, Ww, Wb):
    src = edge_index[0]
    dst = edge_index[1]
    params = [(Vw0, Vb0, Aw0, Ab0, Rw0, Rb0, g0, be0), (Vw1, Vb1, Aw1, Ab1, Rw1, Rb1, g1, be1)]
    h = x
    for (Vw, Vb, Aw, Ab, Rw, Rb, g, be) in params:
        # Aggregate: sum of neighbor features (scatter-add over dst nodes)
        aggr = jnp.zeros((N, h.shape[1]), dtype=h.dtype).at[dst].add(h[src])
        # Readout: per-graph sum, broadcast back to nodes
        ro = jax.ops.segment_sum(h, batch, num_segments=NUM_GRAPHS)
        ro = ro[batch]
        # Combine (simple): V(h) + A(aggr) + R(readout)
        h = h @ Vw + Vb + aggr @ Aw + Ab + ro @ Rw + Rb
        h = jax.nn.relu(h)
        h = _batch_norm(h, g, be)
    return h @ Ww + Wb

if __name__ == "__main__":
    import jax
    _d = setup_inputs()
    print(jax.jit(kernel)(*tuple(_d.values())))

</pallas_src>

<mosaic_0001>
#map = affine_map<(d0, d1) -> (0, 0, 0)>
#map1 = affine_map<(d0, d1) -> (0, 0)>
module attributes {stable_mosaic.version = 14 : i64} {
  func.func @agg_kernel(%arg0: i32, %arg1: i32, %arg2: memref<2x10000x64xf32, #tpu.memory_space<hbm>>, %arg3: memref<2x2560x128xi32, #tpu.memory_space<hbm>>, %arg4: memref<10000x64xf32, #tpu.memory_space<hbm>>, %arg5: memref<10000x128xf32, #tpu.memory_space<hbm>>, %arg6: memref<2x5x128xi32, #tpu.memory_space<vmem>>, %arg7: memref<2x5x128xi32, #tpu.memory_space<vmem>>, %arg8: memref<2x5x128x64xf32, #tpu.memory_space<vmem>>, %arg9: memref<10512x64xf32, #tpu.memory_space<vmem_shared>>, %arg10: memref<!tpu.dma_semaphore, #tpu.memory_space<semaphore_mem>>, %arg11: memref<!tpu.dma_semaphore, #tpu.memory_space<semaphore_mem>>, %arg12: memref<!tpu.dma_semaphore, #tpu.memory_space<semaphore_mem>>) attributes {dimension_semantics = [#tpu.dimension_semantics<core_parallel>, #tpu.dimension_semantics<subcore_parallel>], iteration_bounds = array<i64: 2, 16>, scalar_prefetch = 0 : i64, scratch_operands = 7 : i64, tpu.core_type = #tpu.core_type<sc_vector_subcore>, window_params = [{transform_indices = #map}, {transform_indices = #map}, {transform_indices = #map1}, {transform_indices = #map1}]} {
    %mul3A = arith.constant 624 : i32
    %mul3A_0 = arith.muli %arg1, %mul3A : i32
    "tpu.region"() ({
      %run_scoped3A_292 = tpu.sem_alloc : memref<!tpu.dma_semaphore, #tpu.memory_space<semaphore_mem>>
      %dma_start3A_293 = arith.constant 0 : i32
      %dma_start3A_294 = tpu.memref_slice %arg9[%mul3A_0, %dma_start3A_293] : memref<10512x64xf32, #tpu.memory_space<vmem_shared>> -> memref<640x64xf32, #tpu.memory_space<vmem_shared>>
      %dma_start3A_295 = arith.constant 0 : i32
      %dma_start3A_296 = tpu.memref_slice %arg4[%mul3A_0, %dma_start3A_295] : memref<10000x64xf32, #tpu.memory_space<hbm>> -> memref<640x64xf32, #tpu.memory_space<hbm>>
      tpu.enqueue_dma source(%dma_start3A_296 : memref<640x64xf32, #tpu.memory_space<hbm>>) target(%dma_start3A_294 : memref<640x64xf32, #tpu.memory_space<vmem_shared>>) target_semaphore(%run_scoped3A_292 : memref<!tpu.dma_semaphore, #tpu.memory_space<semaphore_mem>>)
      %dma_wait3A = arith.constant 0 : i32
      %dma_wait3A_297 = tpu.memref_slice %arg9[%mul3A_0, %dma_wait3A] : memref<10512x64xf32, #tpu.memory_space<vmem_shared>> -> memref<640x64xf32, #tpu.memory_space<vmem_shared>>
      %dma_wait3A_298 = arith.constant 0 : i32
      %dma_wait3A_299 = tpu.memref_slice %arg4[%mul3A_0, %dma_wait3A_298] : memref<10000x64xf32, #tpu.memory_space<hbm>> -> memref<640x64xf32, #tpu.memory_space<hbm>>
      tpu.wait_dma2 semaphore(%run_scoped3A_292 : memref<!tpu.dma_semaphore, #tpu.memory_space<semaphore_mem>>) src(%dma_wait3A_299 : memref<640x64xf32, #tpu.memory_space<hbm>>) dst(%dma_wait3A_297 : memref<640x64xf32, #tpu.memory_space<vmem_shared>>)
      tpu.yield
    }) : () -> ()
    %barrier3A = arith.constant 0 : index
    tpu.barrier barrier_id(%barrier3A)
    %mul3A_1 = arith.constant 160 : i32
    %mul3A_2 = arith.muli %arg1, %mul3A_1 : i32
    %add3A = arith.constant 0 : i32
    %add3A_3 = arith.addi %mul3A_2, %add3A : i32
    %run_scoped3A = arith.constant 0 : i32
    %run_scoped3A_4 = arith.constant 0 : i32
    "tpu.region"() ({
      %run_scoped3A_292 = tpu.sem_alloc : memref<!tpu.dma_semaphore, #tpu.memory_space<semaphore_mem>>
      %dma_start3A_293 = arith.constant 0 : i32
      %dma_start3A_294 = arith.constant 0 : i32
      %dma_start3A_295 = tpu.memref_slice %arg6[%run_scoped3A_4, %dma_start3A_293, %dma_start3A_294] : memref<2x5x128xi32, #tpu.memory_space<vmem>> -> memref<1x5x128xi32, #tpu.memory_space<vmem>>
      %dma_start3A_296 = tpu.memref_squeeze %dma_start3A_295 : memref<1x5x128xi32, #tpu.memory_space<vmem>> -> memref<5x128xi32, #tpu.memory_space<vmem>>
      %dma_start3A_297 = arith.constant 0 : i32
      %dma_start3A_298 = arith.constant 0 : i32
      %dma_start3A_299 = tpu.memref_slice %arg3[%run_scoped3A, %dma_start3A_297, %dma_start3A_298] : memref<2x2560x128xi32, #tpu.memory_space<hbm>> -> memref<1x2560x128xi32, #tpu.memory_space<hbm>>
      %dma_start3A_300 = tpu.memref_squeeze %dma_start3A_299 : memref<1x2560x128xi32, #tpu.memory_space<hbm>> -> memref<2560x128xi32, #tpu.memory_space<hbm>>
      %dma_start3A_301 = arith.constant 0 : i32
      %dma_start3A_302 = tpu.memref_slice %dma_start3A_300[%add3A_3, %dma_start3A_301] : memref<2560x128xi32, #tpu.memory_space<hbm>> -> memref<5x128xi32, #tpu.memory_space<hbm>>
      %dma_start3A_303 = arith.constant 0 : i32
      %dma_start3A_304 = arith.constant 0 : i32
      %dma_start3A_305 = tpu.memref_slice %arg6[%run_scoped3A_4, %dma_start3A_303, %dma_start3A_304] : memref<2x5x128xi32, #tpu.memory_space<vmem>> -> memref<1x5x128xi32, #tpu.memory_space<vmem>>
      %dma_start3A_306 = tpu.memref_squeeze %dma_start3A_305 : memref<1x5x128xi32, #tpu.memory_space<vmem>> -> memref<5x128xi32, #tpu.memory_space<vmem>>
      %dma_start3A_307 = arith.constant 0 : i32
      %dma_start3A_308 = arith.constant 0 : i32
      %dma_start3A_309 = tpu.memref_slice %arg3[%run_scoped3A, %dma_start3A_307, %dma_start3A_308] : memref<2x2560x128xi32, #tpu.memory_space<hbm>> -> memref<1x2560x128xi32, #tpu.memory_space<hbm>>
      %dma_start3A_310 = tpu.memref_squeeze %dma_start3A_309 : memref<1x2560x128xi32, #tpu.memory_space<hbm>> -> memref<2560x128xi32, #tpu.memory_space<hbm>>
      %dma_start3A_311 = arith.constant 0 : i32
      %dma_start3A_312 = tpu.memref_slice %dma_start3A_310[%add3A_3, %dma_start3A_311] : memref<2560x128xi32, #tpu.memory_space<hbm>> -> memref<5x128xi32, #tpu.memory_space<hbm>>
      tpu.enqueue_dma source(%dma_start3A_312 : memref<5x128xi32, #tpu.memory_space<hbm>>) target(%dma_start3A_306 : memref<5x128xi32, #tpu.memory_space<vmem>>) target_semaphore(%run_scoped3A_292 : memref<!tpu.dma_semaphore, #tpu.memory_space<semaphore_mem>>)
      %dma_wait3A = arith.constant 0 : i32
      %dma_wait3A_313 = arith.constant 0 : i32
      %dma_wait3A_314 = tpu.memref_slice %arg6[%run_scoped3A_4, %dma_wait3A, %dma_wait3A_313] : memref<2x5x128xi32, #tpu.memory_space<vmem>> -> memref<1x5x128xi32, #tpu.memory_space<vmem>>
      %dma_wait3A_315 = tpu.memref_squeeze %dma_wait3A_314 : memref<1x5x128xi32, #tpu.memory_space<vmem>> -> memref<5x128xi32, #tpu.memory_space<vmem>>
      %dma_wait3A_316 = arith.constant 0 : i32
      %dma_wait3A_317 = arith.constant 0 : i32
      %dma_wait3A_318 = tpu.memref_slice %arg3[%run_scoped3A, %dma_wait3A_316, %dma_wait3A_317] : memref<2x2560x128xi32, #tpu.memory_space<hbm>> -> memref<1x2560x128xi32, #tpu.memory_space<hbm>>
      %dma_wait3A_319 = tpu.memref_squeeze %dma_wait3A_318 : memref<1x2560x128xi32, #tpu.memory_space<hbm>> -> memref<2560x128xi32, #tpu.memory_space<hbm>>
      %dma_wait3A_320 = arith.constant 0 : i32
      %dma_wait3A_321 = tpu.memref_slice %dma_wait3A_319[%add3A_3, %dma_wait3A_320] : memref<2560x128xi32, #tpu.memory_space<hbm>> -> memref<5x128xi32, #tpu.memory_space<hbm>>
      %dma_wait3A_322 = arith.constant 0 : i32
      %dma_wait3A_323 = arith.constant 0 : i32
      %dma_wait3A_324 = tpu.memref_slice %arg6[%run_scoped3A_4, %dma_wait3A_322, %dma_wait3A_323] : memref<2x5x128xi32, #tpu.memory_space<vmem>> -> memref<1x5x128xi32, #tpu.memory_space<vmem>>
      %dma_wait3A_325 = tpu.memref_squeeze %dma_wait3A_324 : memref<1x5x128xi32, #tpu.memory_space<vmem>> -> memref<5x128xi32, #tpu.memory_space<vmem>>
      %dma_wait3A_326 = arith.constant 0 : i32
      %dma_wait3A_327 = arith.constant 0 : i32
      %dma_wait3A_328 = tpu.memref_slice %arg3[%run_scoped3A, %dma_wait3A_326, %dma_wait3A_327] : memref<2x2560x128xi32, #tpu.memory_space<hbm>> -> memref<1x2560x128xi32, #tpu.memory_space<hbm>>
      %dma_wait3A_329 = tpu.memref_squeeze %dma_wait3A_328 : memref<1x2560x128xi32, #tpu.memory_space<hbm>> -> memref<2560x128xi32, #tpu.memory_space<hbm>>
      %dma_wait3A_330 = arith.constant 0 : i32
      %dma_wait3A_331 = tpu.memref_slice %dma_wait3A_329[%add3A_3, %dma_wait3A_330] : memref<2560x128xi32, #tpu.memory_space<hbm>> -> memref<5x128xi32, #tpu.memory_space<hbm>>
      tpu.wait_dma2 semaphore(%run_scoped3A_292 : memref<!tpu.dma_semaphore, #tpu.memory_space<semaphore_mem>>) src(%dma_wait3A_331 : memref<5x128xi32, #tpu.memory_space<hbm>>) dst(%dma_wait3A_325 : memref<5x128xi32, #tpu.memory_space<vmem>>)
      tpu.yield
    }) : () -> ()
    %run_scoped3A_5 = arith.constant 1 : i32
    %run_scoped3A_6 = arith.constant 0 : i32
    "tpu.region"() ({
      %run_scoped3A_292 = tpu.sem_alloc : memref<!tpu.dma_semaphore, #tpu.memory_space<semaphore_mem>>
      %dma_start3A_293 = arith.constant 0 : i32
      %dma_start3A_294 = arith.constant 0 : i32
      %dma_start3A_295 = tpu.memref_slice %arg7[%run_scoped3A_6, %dma_start3A_293, %dma_start3A_294] : memref<2x5x128xi32, #tpu.memory_space<vmem>> -> memref<1x5x128xi32, #tpu.memory_space<vmem>>
      %dma_start3A_296 = tpu.memref_squeeze %dma_start3A_295 : memref<1x5x128xi32, #tpu.memory_space<vmem>> -> memref<5x128xi32, #tpu.memory_space<vmem>>
      %dma_start3A_297 = arith.constant 0 : i32
      %dma_start3A_298 = arith.constant 0 : i32
      %dma_start3A_299 = tpu.memref_slice %arg3[%run_scoped3A_5, %dma_start3A_297, %dma_start3A_298] : memref<2x2560x128xi32, #tpu.memory_space<hbm>> -> memref<1x2560x128xi32, #tpu.memory_space<hbm>>
      %dma_start3A_300 = tpu.memref_squeeze %dma_start3A_299 : memref<1x2560x128xi32, #tpu.memory_space<hbm>> -> memref<2560x128xi32, #tpu.memory_space<hbm>>
      %dma_start3A_301 = arith.constant 0 : i32
      %dma_start3A_302 = tpu.memref_slice %dma_start3A_300[%add3A_3, %dma_start3A_301] : memref<2560x128xi32, #tpu.memory_space<hbm>> -> memref<5x128xi32, #tpu.memory_space<hbm>>
      %dma_start3A_303 = arith.constant 0 : i32
      %dma_start3A_304 = arith.constant 0 : i32
      %dma_start3A_305 = tpu.memref_slice %arg7[%run_scoped3A_6, %dma_start3A_303, %dma_start3A_304] : memref<2x5x128xi32, #tpu.memory_space<vmem>> -> memref<1x5x128xi32, #tpu.memory_space<vmem>>
      %dma_start3A_306 = tpu.memref_squeeze %dma_start3A_305 : memref<1x5x128xi32, #tpu.memory_space<vmem>> -> memref<5x128xi32, #tpu.memory_space<vmem>>
      %dma_start3A_307 = arith.constant 0 : i32
      %dma_start3A_308 = arith.constant 0 : i32
      %dma_start3A_309 = tpu.memref_slice %arg3[%run_scoped3A_5, %dma_start3A_307, %dma_start3A_308] : memref<2x2560x128xi32, #tpu.memory_space<hbm>> -> memref<1x2560x128xi32, #tpu.memory_space<hbm>>
      %dma_start3A_310 = tpu.memref_squeeze %dma_start3A_309 : memref<1x2560x128xi32, #tpu.memory_space<hbm>> -> memref<2560x128xi32, #tpu.memory_space<hbm>>
      %dma_start3A_311 = arith.constant 0 : i32
      %dma_start3A_312 = tpu.memref_slice %dma_start3A_310[%add3A_3, %dma_start3A_311] : memref<2560x128xi32, #tpu.memory_space<hbm>> -> memref<5x128xi32, #tpu.memory_space<hbm>>
      tpu.enqueue_dma source(%dma_start3A_312 : memref<5x128xi32, #tpu.memory_space<hbm>>) target(%dma_start3A_306 : memref<5x128xi32, #tpu.memory_space<vmem>>) target_semaphore(%run_scoped3A_292 : memref<!tpu.dma_semaphore, #tpu.memory_space<semaphore_mem>>)
      %dma_wait3A = arith.constant 0 : i32
      %dma_wait3A_313 = arith.constant 0 : i32
      %dma_wait3A_314 = tpu.memref_slice %arg7[%run_scoped3A_6, %dma_wait3A, %dma_wait3A_313] : memref<2x5x128xi32, #tpu.memory_space<vmem>> -> memref<1x5x128xi32, #tpu.memory_space<vmem>>
      %dma_wait3A_315 = tpu.memref_squeeze %dma_wait3A_314 : memref<1x5x128xi32, #tpu.memory_space<vmem>> -> memref<5x128xi32, #tpu.memory_space<vmem>>
      %dma_wait3A_316 = arith.constant 0 : i32
      %dma_wait3A_317 = arith.constant 0 : i32
      %dma_wait3A_318 = tpu.memref_slice %arg3[%run_scoped3A_5, %dma_wait3A_316, %dma_wait3A_317] : memref<2x2560x128xi32, #tpu.memory_space<hbm>> -> memref<1x2560x128xi32, #tpu.memory_space<hbm>>
      %dma_wait3A_319 = tpu.memref_squeeze %dma_wait3A_318 : memref<1x2560x128xi32, #tpu.memory_space<hbm>> -> memref<2560x128xi32, #tpu.memory_space<hbm>>
      %dma_wait3A_320 = arith.constant 0 : i32
      %dma_wait3A_321 = tpu.memref_slice %dma_wait3A_319[%add3A_3, %dma_wait3A_320] : memref<2560x128xi32, #tpu.memory_space<hbm>> -> memref<5x128xi32, #tpu.memory_space<hbm>>
      %dma_wait3A_322 = arith.constant 0 : i32
      %dma_wait3A_323 = arith.constant 0 : i32
      %dma_wait3A_324 = tpu.memref_slice %arg7[%run_scoped3A_6, %dma_wait3A_322, %dma_wait3A_323] : memref<2x5x128xi32, #tpu.memory_space<vmem>> -> memref<1x5x128xi32, #tpu.memory_space<vmem>>
      %dma_wait3A_325 = tpu.memref_squeeze %dma_wait3A_324 : memref<1x5x128xi32, #tpu.memory_space<vmem>> -> memref<5x128xi32, #tpu.memory_space<vmem>>
      %dma_wait3A_326 = arith.constant 0 : i32
      %dma_wait3A_327 = arith.constant 0 : i32
      %dma_wait3A_328 = tpu.memref_slice %arg3[%run_scoped3A_5, %dma_wait3A_326, %dma_wait3A_327] : memref<2x2560x128xi32, #tpu.memory_space<hbm>> -> memref<1x2560x128xi32, #tpu.memory_space<hbm>>
      %dma_wait3A_329 = tpu.memref_squeeze %dma_wait3A_328 : memref<1x2560x128xi32, #tpu.memory_space<hbm>> -> memref<2560x128xi32, #tpu.memory_space<hbm>>
      %dma_wait3A_330 = arith.constant 0 : i32
      %dma_wait3A_331 = tpu.memref_slice %dma_wait3A_329[%add3A_3, %dma_wait3A_330] : memref<2560x128xi32, #tpu.memory_space<hbm>> -> memref<5x128xi32, #tpu.memory_space<hbm>>
      tpu.wait_dma2 semaphore(%run_scoped3A_292 : memref<!tpu.dma_semaphore, #tpu.memory_space<semaphore_mem>>) src(%dma_wait3A_331 : memref<5x128xi32, #tpu.memory_space<hbm>>) dst(%dma_wait3A_325 : memref<5x128xi32, #tpu.memory_space<vmem>>)
      tpu.yield
    }) : () -> ()
    %dma_start3A = arith.constant 0 : i32
    %dma_start3A_7 = arith.constant 0 : i32
    %dma_start3A_8 = arith.constant 0 : i32
    %dma_start3A_9 = arith.constant 0 : i32
    %dma_start3A_10 = arith.constant 0 : i32
    %dma_start3A_11 = arith.constant 0 : i32
    %dma_start3A_12 = arith.constant 0 : i32
    %dma_start3A_13 = tpu.memref_slice %arg8[%dma_start3A_8, %dma_start3A_10, %dma_start3A_11, %dma_start3A_12] : memref<2x5x128x64xf32, #tpu.memory_space<vmem>> -> memref<1x5x128x64xf32, #tpu.memory_space<vmem>>
    %dma_start3A_14 = tpu.memref_squeeze %dma_start3A_13 : memref<1x5x128x64xf32, #tpu.memory_space<vmem>> -> memref<5x128x64xf32, #tpu.memory_space<vmem>>
    %dma_start3A_15 = arith.constant 0 : i32
    %dma_start3A_16 = arith.constant 0 : i32
    %dma_start3A_17 = tpu.memref_slice %dma_start3A_14[%dma_start3A_9, %dma_start3A_15, %dma_start3A_16] : memref<5x128x64xf32, #tpu.memory_space<vmem>> -> memref<1x128x64xf32, #tpu.memory_space<vmem>>
    %dma_start3A_18 = tpu.memref_squeeze %dma_start3A_17 : memref<1x128x64xf32, #tpu.memory_space<vmem>> -> memref<128x64xf32, #tpu.memory_space<vmem>>
    %dma_start3A_19 = arith.constant 0 : i32
    %dma_start3A_20 = arith.constant 0 : i32
    %dma_start3A_21 = tpu.memref_slice %arg6[%dma_start3A, %dma_start3A_19, %dma_start3A_20] : memref<2x5x128xi32, #tpu.memory_space<vmem>> -> memref<1x5x128xi32, #tpu.memory_space<vmem>>
    %dma_start3A_22 = tpu.memref_squeeze %dma_start3A_21 : memref<1x5x128xi32, #tpu.memory_space<vmem>> -> memref<5x128xi32, #tpu.memory_space<vmem>>
    %dma_start3A_23 = arith.constant 0 : i32
    %dma_start3A_24 = tpu.memref_slice %dma_start3A_22[%dma_start3A_7, %dma_start3A_23] : memref<5x128xi32, #tpu.memory_space<vmem>> -> memref<1x128xi32, #tpu.memory_space<vmem>>
    %dma_start3A_25 = tpu.memref_squeeze %dma_start3A_24 : memref<1x128xi32, #tpu.memory_space<vmem>> -> memref<128xi32, #tpu.memory_space<vmem>>
    %dma_start3A_26 = arith.constant 0 : i32
    %dma_start3A_27 = arith.constant 0 : i32
    %dma_start3A_28 = tpu.memref_slice %arg2[%arg0, %dma_start3A_26, %dma_start3A_27] : memref<2x10000x64xf32, #tpu.memory_space<hbm>> -> memref<1x10000x64xf32, #tpu.memory_space<hbm>>
    %dma_start3A_29 = tpu.memref_squeeze %dma_start3A_28 : memref<1x10000x64xf32, #tpu.memory_space<hbm>> -> memref<10000x64xf32, #tpu.memory_space<hbm>>
    %dma_start3A_30 = arith.constant 0 : i32
    %dma_start3A_31 = arith.constant 0 : i32
    %dma_start3A_32 = tpu.memref_slice %dma_start3A_29[%dma_start3A_30, %dma_start3A_31] : memref<10000x64xf32, #tpu.memory_space<hbm>> -> memref<10000x64xf32, #tpu.memory_space<hbm>>
    tpu.enqueue_indirect_dma source(%dma_start3A_32 : memref<10000x64xf32, #tpu.memory_space<hbm>>) target(%dma_start3A_18 : memref<128x64xf32, #tpu.memory_space<vmem>>) offsets(%dma_start3A_25 : memref<128xi32, #tpu.memory_space<vmem>>) semaphore(%arg10 : memref<!tpu.dma_semaphore, #tpu.memory_space<semaphore_mem>>)
    %dma_start3A_33 = arith.constant 0 : i32
    %dma_start3A_34 = arith.constant 1 : i32
    %dma_start3A_35 = arith.constant 0 : i32
    %dma_start3A_36 = arith.constant 1 : i32
    %dma_start3A_37 = arith.constant 0 : i32
    %dma_start3A_38 = arith.constant 0 : i32
    %dma_start3A_39 = arith.constant 0 : i32
    %dma_start3A_40 = tpu.memref_slice %arg8[%dma_start3A_35, %dma_start3A_37, %dma_start3A_38, %dma_start3A_39] : memref<2x5x128x64xf32, #tpu.memory_space<vmem>> -> memref<1x5x128x64xf32, #tpu.memory_space<vmem>>
    %dma_start3A_41 = tpu.memref_squeeze %dma_start3A_40 : memref<1x5x128x64xf32, #tpu.memory_space<vmem>> -> memref<5x128x64xf32, #tpu.memory_space<vmem>>
    %dma_start3A_42 = arith.constant 0 : i32
    %dma_start3A_43 = arith.constant 0 : i32
    %dma_start3A_44 = tpu.memref_slice %dma_start3A_41[%dma_start3A_36, %dma_start3A_42, %dma_start3A_43] : memref<5x128x64xf32, #tpu.memory_space<vmem>> -> memref<1x128x64xf32, #tpu.memory_space<vmem>>
    %dma_start3A_45 = tpu.memref_squeeze %dma_start3A_44 : memref<1x128x64xf32, #tpu.memory_space<vmem>> -> memref<128x64xf32, #tpu.memory_space<vmem>>
    %dma_start3A_46 = arith.constant 0 : i32
    %dma_start3A_47 = arith.constant 0 : i32
    %dma_start3A_48 = tpu.memref_slice %arg6[%dma_start3A_33, %dma_start3A_46, %dma_start3A_47] : memref<2x5x128xi32, #tpu.memory_space<vmem>> -> memref<1x5x128xi32, #tpu.memory_space<vmem>>
    %dma_start3A_49 = tpu.memref_squeeze %dma_start3A_48 : memref<1x5x128xi32, #tpu.memory_space<vmem>> -> memref<5x128xi32, #tpu.memory_space<vmem>>
    %dma_start3A_50 = arith.constant 0 : i32
    %dma_start3A_51 = tpu.memref_slice %dma_start3A_49[%dma_start3A_34, %dma_start3A_50] : memref<5x128xi32, #tpu.memory_space<vmem>> -> memref<1x128xi32, #tpu.memory_space<vmem>>
    %dma_start3A_52 = tpu.memref_squeeze %dma_start3A_51 : memref<1x128xi32, #tpu.memory_space<vmem>> -> memref<128xi32, #tpu.memory_space<vmem>>
    %dma_start3A_53 = arith.constant 0 : i32
    %dma_start3A_54 = arith.constant 0 : i32
    %dma_start3A_55 = tpu.memref_slice %arg2[%arg0, %dma_start3A_53, %dma_start3A_54] : memref<2x10000x64xf32, #tpu.memory_space<hbm>> -> memref<1x10000x64xf32, #tpu.memory_space<hbm>>
    %dma_start3A_56 = tpu.memref_squeeze %dma_start3A_55 : memref<1x10000x64xf32, #tpu.memory_space<hbm>> -> memref<10000x64xf32, #tpu.memory_space<hbm>>
    %dma_start3A_57 = arith.constant 0 : i32
    %dma_start3A_58 = arith.constant 0 : i32
    %dma_start3A_59 = tpu.memref_slice %dma_start3A_56[%dma_start3A_57, %dma_start3A_58] : memref<10000x64xf32, #tpu.memory_space<hbm>> -> memref<10000x64xf32, #tpu.memory_space<hbm>>
    tpu.enqueue_indirect_dma source(%dma_start3A_59 : memref<10000x64xf32, #tpu.memory_space<hbm>>) target(%dma_start3A_45 : memref<128x64xf32, #tpu.memory_space<vmem>>) offsets(%dma_start3A_52 : memref<128xi32, #tpu.memory_space<vmem>>) semaphore(%arg10 : memref<!tpu.dma_semaphore, #tpu.memory_space<semaphore_mem>>)
    %dma_start3A_60 = arith.constant 0 : i32
    %dma_start3A_61 = arith.constant 2 : i32
    %dma_start3A_62 = arith.constant 0 : i32
    %dma_start3A_63 = arith.constant 2 : i32
    %dma_start3A_64 = arith.constant 0 : i32
    %dma_start3A_65 = arith.constant 0 : i32
    %dma_start3A_66 = arith.constant 0 : i32
    %dma_start3A_67 = tpu.memref_slice %arg8[%dma_start3A_62, %dma_start3A_64, %dma_start3A_65, %dma_start3A_66] : memref<2x5x128x64xf32, #tpu.memory_space<vmem>> -> memref<1x5x128x64xf32, #tpu.memory_space<vmem>>
    %dma_start3A_68 = tpu.memref_squeeze %dma_start3A_67 : memref<1x5x128x64xf32, #tpu.memory_space<vmem>> -> memref<5x128x64xf32, #tpu.memory_space<vmem>>
    %dma_start3A_69 = arith.constant 0 : i32
    %dma_start3A_70 = arith.constant 0 : i32
    %dma_start3A_71 = tpu.memref_slice %dma_start3A_68[%dma_start3A_63, %dma_start3A_69, %dma_start3A_70] : memref<5x128x64xf32, #tpu.memory_space<vmem>> -> memref<1x128x64xf32, #tpu.memory_space<vmem>>
    %dma_start3A_72 = tpu.memref_squeeze %dma_start3A_71 : memref<1x128x64xf32, #tpu.memory_space<vmem>> -> memref<128x64xf32, #tpu.memory_space<vmem>>
    %dma_start3A_73 = arith.constant 0 : i32
    %dma_start3A_74 = arith.constant 0 : i32
    %dma_start3A_75 = tpu.memref_slice %arg6[%dma_start3A_60, %dma_start3A_73, %dma_start3A_74] : memref<2x5x128xi32, #tpu.memory_space<vmem>> -> memref<1x5x128xi32, #tpu.memory_space<vmem>>
    %dma_start3A_76 = tpu.memref_squeeze %dma_start3A_75 : memref<1x5x128xi32, #tpu.memory_space<vmem>> -> memref<5x128xi32, #tpu.memory_space<vmem>>
    %dma_start3A_77 = arith.constant 0 : i32
    %dma_start3A_78 = tpu.memref_slice %dma_start3A_76[%dma_start3A_61, %dma_start3A_77] : memref<5x128xi32, #tpu.memory_space<vmem>> -> memref<1x128xi32, #tpu.memory_space<vmem>>
    %dma_start3A_79 = tpu.memref_squeeze %dma_start3A_78 : memref<1x128xi32, #tpu.memory_space<vmem>> -> memref<128xi32, #tpu.memory_space<vmem>>
    %dma_start3A_80 = arith.constant 0 : i32
    %dma_start3A_81 = arith.constant 0 : i32
    %dma_start3A_82 = tpu.memref_slice %arg2[%arg0, %dma_start3A_80, %dma_start3A_81] : memref<2x10000x64xf32, #tpu.memory_space<hbm>> -> memref<1x10000x64xf32, #tpu.memory_space<hbm>>
    %dma_start3A_83 = tpu.memref_squeeze %dma_start3A_82 : memref<1x10000x64xf32, #tpu.memory_space<hbm>> -> memref<10000x64xf32, #tpu.memory_space<hbm>>
    %dma_start3A_84 = arith.constant 0 : i32
    %dma_start3A_85 = arith.constant 0 : i32
    %dma_start3A_86 = tpu.memref_slice %dma_start3A_83[%dma_start3A_84, %dma_start3A_85] : memref<10000x64xf32, #tpu.memory_space<hbm>> -> memref<10000x64xf32, #tpu.memory_space<hbm>>
    tpu.enqueue_indirect_dma source(%dma_start3A_86 : memref<10000x64xf32, #tpu.memory_space<hbm>>) target(%dma_start3A_72 : memref<128x64xf32, #tpu.memory_space<vmem>>) offsets(%dma_start3A_79 : memref<128xi32, #tpu.memory_space<vmem>>) semaphore(%arg10 : memref<!tpu.dma_semaphore, #tpu.memory_space<semaphore_mem>>)
    %dma_start3A_87 = arith.constant 0 : i32
    %dma_start3A_88 = arith.constant 3 : i32
    %dma_start3A_89 = arith.constant 0 : i32
    %dma_start3A_90 = arith.constant 3 : i32
    %dma_start3A_91 = arith.constant 0 : i32
    %dma_start3A_92 = arith.constant 0 : i32
    %dma_start3A_93 = arith.constant 0 : i32
    %dma_start3A_94 = tpu.memref_slice %arg8[%dma_start3A_89, %dma_start3A_91, %dma_start3A_92, %dma_start3A_93] : memref<2x5x128x64xf32, #tpu.memory_space<vmem>> -> memref<1x5x128x64xf32, #tpu.memory_space<vmem>>
    %dma_start3A_95 = tpu.memref_squeeze %dma_start3A_94 : memref<1x5x128x64xf32, #tpu.memory_space<vmem>> -> memref<5x128x64xf32, #tpu.memory_space<vmem>>
    %dma_start3A_96 = arith.constant 0 : i32
    %dma_start3A_97 = arith.constant 0 : i32
    %dma_start3A_98 = tpu.memref_slice %dma_start3A_95[%dma_start3A_90, %dma_start3A_96, %dma_start3A_97] : memref<5x128x64xf32, #tpu.memory_space<vmem>> -> memref<1x128x64xf32, #tpu.memory_space<vmem>>
    %dma_start3A_99 = tpu.memref_squeeze %dma_start3A_98 : memref<1x128x64xf32, #tpu.memory_space<vmem>> -> memref<128x64xf32, #tpu.memory_space<vmem>>
    %dma_start3A_100 = arith.constant 0 : i32
    %dma_start3A_101 = arith.constant 0 : i32
    %dma_start3A_102 = tpu.memref_slice %arg6[%dma_start3A_87, %dma_start3A_100, %dma_start3A_101] : memref<2x5x128xi32, #tpu.memory_space<vmem>> -> memref<1x5x128xi32, #tpu.memory_space<vmem>>
    %dma_start3A_103 = tpu.memref_squeeze %dma_start3A_102 : memref<1x5x128xi32, #tpu.memory_space<vmem>> -> memref<5x128xi32, #tpu.memory_space<vmem>>
    %dma_start3A_104 = arith.constant 0 : i32
    %dma_start3A_105 = tpu.memref_slice %dma_start3A_103[%dma_start3A_88, %dma_start3A_104] : memref<5x128xi32, #tpu.memory_space<vmem>> -> memref<1x128xi32, #tpu.memory_space<vmem>>
    %dma_start3A_106 = tpu.memref_squeeze %dma_start3A_105 : memref<1x128xi32, #tpu.memory_space<vmem>> -> memref<128xi32, #tpu.memory_space<vmem>>
    %dma_start3A_107 = arith.constant 0 : i32
    %dma_start3A_108 = arith.constant 0 : i32
    %dma_start3A_109 = tpu.memref_slice %arg2[%arg0, %dma_start3A_107, %dma_start3A_108] : memref<2x10000x64xf32, #tpu.memory_space<hbm>> -> memref<1x10000x64xf32, #tpu.memory_space<hbm>>
    %dma_start3A_110 = tpu.memref_squeeze %dma_start3A_109 : memref<1x10000x64xf32, #tpu.memory_space<hbm>> -> memref<10000x64xf32, #tpu.memory_space<hbm>>
    %dma_start3A_111 = arith.constant 0 : i32
    %dma_start3A_112 = arith.constant 0 : i32
    %dma_start3A_113 = tpu.memref_slice %dma_start3A_110[%dma_start3A_111, %dma_start3A_112] : memref<10000x64xf32, #tpu.memory_space<hbm>> -> memref<10000x64xf32, #tpu.memory_space<hbm>>
    tpu.enqueue_indirect_dma source(%dma_start3A_113 : memref<10000x64xf32, #tpu.memory_space<hbm>>) target(%dma_start3A_99 : memref<128x64xf32, #tpu.memory_space<vmem>>) offsets(%dma_start3A_106 : memref<128xi32, #tpu.memory_space<vmem>>) semaphore(%arg10 : memref<!tpu.dma_semaphore, #tpu.memory_space<semaphore_mem>>)
    %dma_start3A_114 = arith.constant 0 : i32
    %dma_start3A_115 = arith.constant 4 : i32
    %dma_start3A_116 = arith.constant 0 : i32
    %dma_start3A_117 = arith.constant 4 : i32
    %dma_start3A_118 = arith.constant 0 : i32
    %dma_start3A_119 = arith.constant 0 : i32
    %dma_start3A_120 = arith.constant 0 : i32
    %dma_start3A_121 = tpu.memref_slice %arg8[%dma_start3A_116, %dma_start3A_118, %dma_start3A_119, %dma_start3A_120] : memref<2x5x128x64xf32, #tpu.memory_space<vmem>> -> memref<1x5x128x64xf32, #tpu.memory_space<vmem>>
    %dma_start3A_122 = tpu.memref_squeeze %dma_start3A_121 : memref<1x5x128x64xf32, #tpu.memory_space<vmem>> -> memref<5x128x64xf32, #tpu.memory_space<vmem>>
    %dma_start3A_123 = arith.constant 0 : i32
    %dma_start3A_124 = arith.constant 0 : i32
    %dma_start3A_125 = tpu.memref_slice %dma_start3A_122[%dma_start3A_117, %dma_start3A_123, %dma_start3A_124] : memref<5x128x64xf32, #tpu.memory_space<vmem>> -> memref<1x128x64xf32, #tpu.memory_space<vmem>>
    %dma_start3A_126 = tpu.memref_squeeze %dma_start3A_125 : memref<1x128x64xf32, #tpu.memory_space<vmem>> -> memref<128x64xf32, #tpu.memory_space<vmem>>
    %dma_start3A_127 = arith.constant 0 : i32
    %dma_start3A_128 = arith.constant 0 : i32
    %dma_start3A_129 = tpu.memref_slice %arg6[%dma_start3A_114, %dma_start3A_127, %dma_start3A_128] : memref<2x5x128xi32, #tpu.memory_space<vmem>> -> memref<1x5x128xi32, #tpu.memory_space<vmem>>
    %dma_start3A_130 = tpu.memref_squeeze %dma_start3A_129 : memref<1x5x128xi32, #tpu.memory_space<vmem>> -> memref<5x128xi32, #tpu.memory_space<vmem>>
    %dma_start3A_131 = arith.constant 0 : i32
    %dma_start3A_132 = tpu.memref_slice %dma_start3A_130[%dma_start3A_115, %dma_start3A_131] : memref<5x128xi32, #tpu.memory_space<vmem>> -> memref<1x128xi32, #tpu.memory_space<vmem>>
    %dma_start3A_133 = tpu.memref_squeeze %dma_start3A_132 : memref<1x128xi32, #tpu.memory_space<vmem>> -> memref<128xi32, #tpu.memory_space<vmem>>
    %dma_start3A_134 = arith.constant 0 : i32
    %dma_start3A_135 = arith.constant 0 : i32
    %dma_start3A_136 = tpu.memref_slice %arg2[%arg0, %dma_start3A_134, %dma_start3A_135] : memref<2x10000x64xf32, #tpu.memory_space<hbm>> -> memref<1x10000x64xf32, #tpu.memory_space<hbm>>
    %dma_start3A_137 = tpu.memref_squeeze %dma_start3A_136 : memref<1x10000x64xf32, #tpu.memory_space<hbm>> -> memref<10000x64xf32, #tpu.memory_space<hbm>>
    %dma_start3A_138 = arith.constant 0 : i32
    %dma_start3A_139 = arith.constant 0 : i32
    %dma_start3A_140 = tpu.memref_slice %dma_start3A_137[%dma_start3A_138, %dma_start3A_139] : memref<10000x64xf32, #tpu.memory_space<hbm>> -> memref<10000x64xf32, #tpu.memory_space<hbm>>
    tpu.enqueue_indirect_dma source(%dma_start3A_140 : memref<10000x64xf32, #tpu.memory_space<hbm>>) target(%dma_start3A_126 : memref<128x64xf32, #tpu.memory_space<vmem>>) offsets(%dma_start3A_133 : memref<128xi32, #tpu.memory_space<vmem>>) semaphore(%arg10 : memref<!tpu.dma_semaphore, #tpu.memory_space<semaphore_mem>>)
    %add3A_141 = arith.constant 5 : i32
    %add3A_142 = arith.addi %mul3A_2, %add3A_141 : i32
    %run_scoped3A_143 = arith.constant 0 : i32
    %run_scoped3A_144 = arith.constant 1 : i32
    "tpu.region"() ({
      %run_scoped3A_292 = tpu.sem_alloc : memref<!tpu.dma_semaphore, #tpu.memory_space<semaphore_mem>>
      %dma_start3A_293 = arith.constant 0 : i32
      %dma_start3A_294 = arith.constant 0 : i32
      %dma_start3A_295 = tpu.memref_slice %arg6[%run_scoped3A_144, %dma_start3A_293, %dma_start3A_294] : memref<2x5x128xi32, #tpu.memory_space<vmem>> -> memref<1x5x128xi32, #tpu.memory_space<vmem>>
      %dma_start3A_296 = tpu.memref_squeeze %dma_start3A_295 : memref<1x5x128xi32, #tpu.memory_space<vmem>> -> memref<5x128xi32, #tpu.memory_space<vmem>>
      %dma_start3A_297 = arith.constant 0 : i32
      %dma_start3A_298 = arith.constant 0 : i32
      %dma_start3A_299 = tpu.memref_slice %arg3[%run_scoped3A_143, %dma_start3A_297, %dma_start3A_298] : memref<2x2560x128xi32, #tpu.memory_space<hbm>> -> memref<1x2560x128xi32, #tpu.memory_space<hbm>>
      %dma_start3A_300 = tpu.memref_squeeze %dma_start3A_299 : memref<1x2560x128xi32, #tpu.memory_space<hbm>> -> memref<2560x128xi32, #tpu.memory_space<hbm>>
      %dma_start3A_301 = arith.constant 0 : i32
      %dma_start3A_302 = tpu.memref_slice %dma_start3A_300[%add3A_142, %dma_start3A_301] : memref<2560x128xi32, #tpu.memory_space<hbm>> -> memref<5x128xi32, #tpu.memory_space<hbm>>
      %dma_start3A_303 = arith.constant 0 : i32
      %dma_start3A_304 = arith.constant 0 : i32
      %dma_start3A_305 = tpu.memref_slice %arg6[%run_scoped3A_144, %dma_start3A_303, %dma_start3A_304] : memref<2x5x128xi32, #tpu.memory_space<vmem>> -> memref<1x5x128xi32, #tpu.memory_space<vmem>>
      %dma_start3A_306 = tpu.memref_squeeze %dma_start3A_305 : memref<1x5x128xi32, #tpu.memory_space<vmem>> -> memref<5x128xi32, #tpu.memory_space<vmem>>
      %dma_start3A_307 = arith.constant 0 : i32
      %dma_start3A_308 = arith.constant 0 : i32
      %dma_start3A_309 = tpu.memref_slice %arg3[%run_scoped3A_143, %dma_start3A_307, %dma_start3A_308] : memref<2x2560x128xi32, #tpu.memory_space<hbm>> -> memref<1x2560x128xi32, #tpu.memory_space<hbm>>
      %dma_start3A_310 = tpu.memref_squeeze %dma_start3A_309 : memref<1x2560x128xi32, #tpu.memory_space<hbm>> -> memref<2560x128xi32, #tpu.memory_space<hbm>>
      %dma_start3A_311 = arith.constant 0 : i32
      %dma_start3A_312 = tpu.memref_slice %dma_start3A_310[%add3A_142, %dma_start3A_311] : memref<2560x128xi32, #tpu.memory_space<hbm>> -> memref<5x128xi32, #tpu.memory_space<hbm>>
      tpu.enqueue_dma source(%dma_start3A_312 : memref<5x128xi32, #tpu.memory_space<hbm>>) target(%dma_start3A_306 : memref<5x128xi32, #tpu.memory_space<vmem>>) target_semaphore(%run_scoped3A_292 : memref<!tpu.dma_semaphore, #tpu.memory_space<semaphore_mem>>)
      %dma_wait3A = arith.constant 0 : i32
      %dma_wait3A_313 = arith.constant 0 : i32
      %dma_wait3A_314 = tpu.memref_slice %arg6[%run_scoped3A_144, %dma_wait3A, %dma_wait3A_313] : memref<2x5x128xi32, #tpu.memory_space<vmem>> -> memref<1x5x128xi32, #tpu.memory_space<vmem>>
      %dma_wait3A_315 = tpu.memref_squeeze %dma_wait3A_314 : memref<1x5x128xi32, #tpu.memory_space<vmem>> -> memref<5x128xi32, #tpu.memory_space<vmem>>
      %dma_wait3A_316 = arith.constant 0 : i32
      %dma_wait3A_317 = arith.constant 0 : i32
      %dma_wait3A_318 = tpu.memref_slice %arg3[%run_scoped3A_143, %dma_wait3A_316, %dma_wait3A_317] : memref<2x2560x128xi32, #tpu.memory_space<hbm>> -> memref<1x2560x128xi32, #tpu.memory_space<hbm>>
      %dma_wait3A_319 = tpu.memref_squeeze %dma_wait3A_318 : memref<1x2560x128xi32, #tpu.memory_space<hbm>> -> memref<2560x128xi32, #tpu.memory_space<hbm>>
      %dma_wait3A_320 = arith.constant 0 : i32
      %dma_wait3A_321 = tpu.memref_slice %dma_wait3A_319[%add3A_142, %dma_wait3A_320] : memref<2560x128xi32, #tpu.memory_space<hbm>> -> memref<5x128xi32, #tpu.memory_space<hbm>>
      %dma_wait3A_322 = arith.constant 0 : i32
      %dma_wait3A_323 = arith.constant 0 : i32
      %dma_wait3A_324 = tpu.memref_slice %arg6[%run_scoped3A_144, %dma_wait3A_322, %dma_wait3A_323] : memref<2x5x128xi32, #tpu.memory_space<vmem>> -> memref<1x5x128xi32, #tpu.memory_space<vmem>>
      %dma_wait3A_325 = tpu.memref_squeeze %dma_wait3A_324 : memref<1x5x128xi32, #tpu.memory_space<vmem>> -> memref<5x128xi32, #tpu.memory_space<vmem>>
      %dma_wait3A_326 = arith.constant 0 : i32
      %dma_wait3A_327 = arith.constant 0 : i32
      %dma_wait3A_328 = tpu.memref_slice %arg3[%run_scoped3A_143, %dma_wait3A_326, %dma_wait3A_327] : memref<2x2560x128xi32, #tpu.memory_space<hbm>> -> memref<1x2560x128xi32, #tpu.memory_space<hbm>>
      %dma_wait3A_329 = tpu.memref_squeeze %dma_wait3A_328 : memref<1x2560x128xi32, #tpu.memory_space<hbm>> -> memref<2560x128xi32, #tpu.memory_space<hbm>>
      %dma_wait3A_330 = arith.constant 0 : i32
      %dma_wait3A_331 = tpu.memref_slice %dma_wait3A_329[%add3A_142, %dma_wait3A_330] : memref<2560x128xi32, #tpu.memory_space<hbm>> -> memref<5x128xi32, #tpu.memory_space<hbm>>
      tpu.wait_dma2 semaphore(%run_scoped3A_292 : memref<!tpu.dma_semaphore, #tpu.memory_space<semaphore_mem>>) src(%dma_wait3A_331 : memref<5x128xi32, #tpu.memory_space<hbm>>) dst(%dma_wait3A_325 : memref<5x128xi32, #tpu.memory_space<vmem>>)
      tpu.yield
    }) : () -> ()
    %run_scoped3A_145 = arith.constant 1 : i32
    %run_scoped3A_146 = arith.constant 1 : i32
    "tpu.region"() ({
      %run_scoped3A_292 = tpu.sem_alloc : memref<!tpu.dma_semaphore, #tpu.memory_space<semaphore_mem>>
      %dma_start3A_293 = arith.constant 0 : i32
      %dma_start3A_294 = arith.constant 0 : i32
      %dma_start3A_295 = tpu.memref_slice %arg7[%run_scoped3A_146, %dma_start3A_293, %dma_start3A_294] : memref<2x5x128xi32, #tpu.memory_space<vmem>> -> memref<1x5x128xi32, #tpu.memory_space<vmem>>
      %dma_start3A_296 = tpu.memref_squeeze %dma_start3A_295 : memref<1x5x128xi32, #tpu.memory_space<vmem>> -> memref<5x128xi32, #tpu.memory_space<vmem>>
      %dma_start3A_297 = arith.constant 0 : i32
      %dma_start3A_298 = arith.constant 0 : i32
      %dma_start3A_299 = tpu.memref_slice %arg3[%run_scoped3A_145, %dma_start3A_297, %dma_start3A_298] : memref<2x2560x128xi32, #tpu.memory_space<hbm>> -> memref<1x2560x128xi32, #tpu.memory_space<hbm>>
      %dma_start3A_300 = tpu.memref_squeeze %dma_start3A_299 : memref<1x2560x128xi32, #tpu.memory_space<hbm>> -> memref<2560x128xi32, #tpu.memory_space<hbm>>
      %dma_start3A_301 = arith.constant 0 : i32
      %dma_start3A_302 = tpu.memref_slice %dma_start3A_300[%add3A_142, %dma_start3A_301] : memref<2560x128xi32, #tpu.memory_space<hbm>> -> memref<5x128xi32, #tpu.memory_space<hbm>>
      %dma_start3A_303 = arith.constant 0 : i32
      %dma_start3A_304 = arith.constant 0 : i32
      %dma_start3A_305 = tpu.memref_slice %arg7[%run_scoped3A_146, %dma_start3A_303, %dma_start3A_304] : memref<2x5x128xi32, #tpu.memory_space<vmem>> -> memref<1x5x128xi32, #tpu.memory_space<vmem>>
      %dma_start3A_306 = tpu.memref_squeeze %dma_start3A_305 : memref<1x5x128xi32, #tpu.memory_space<vmem>> -> memref<5x128xi32, #tpu.memory_space<vmem>>
      %dma_start3A_307 = arith.constant 0 : i32
      %dma_start3A_308 = arith.constant 0 : i32
      %dma_start3A_309 = tpu.memref_slice %arg3[%run_scoped3A_145, %dma_start3A_307, %dma_start3A_308] : memref<2x2560x128xi32, #tpu.memory_space<hbm>> -> memref<1x2560x128xi32, #tpu.memory_space<hbm>>
      %dma_start3A_310 = tpu.memref_squeeze %dma_start3A_309 : memref<1x2560x128xi32, #tpu.memory_space<hbm>> -> memref<2560x128xi32, #tpu.memory_space<hbm>>
      %dma_start3A_311 = arith.constant 0 : i32
      %dma_start3A_312 = tpu.memref_slice %dma_start3A_310[%add3A_142, %dma_start3A_311] : memref<2560x128xi32, #tpu.memory_space<hbm>> -> memref<5x128xi32, #tpu.memory_space<hbm>>
      tpu.enqueue_dma source(%dma_start3A_312 : memref<5x128xi32, #tpu.memory_space<hbm>>) target(%dma_start3A_306 : memref<5x128xi32, #tpu.memory_space<vmem>>) target_semaphore(%run_scoped3A_292 : memref<!tpu.dma_semaphore, #tpu.memory_space<semaphore_mem>>)
      %dma_wait3A = arith.constant 0 : i32
      %dma_wait3A_313 = arith.constant 0 : i32
      %dma_wait3A_314 = tpu.memref_slice %arg7[%run_scoped3A_146, %dma_wait3A, %dma_wait3A_313] : memref<2x5x128xi32, #tpu.memory_space<vmem>> -> memref<1x5x128xi32, #tpu.memory_space<vmem>>
      %dma_wait3A_315 = tpu.memref_squeeze %dma_wait3A_314 : memref<1x5x128xi32, #tpu.memory_space<vmem>> -> memref<5x128xi32, #tpu.memory_space<vmem>>
      %dma_wait3A_316 = arith.constant 0 : i32
      %dma_wait3A_317 = arith.constant 0 : i32
      %dma_wait3A_318 = tpu.memref_slice %arg3[%run_scoped3A_145, %dma_wait3A_316, %dma_wait3A_317] : memref<2x2560x128xi32, #tpu.memory_space<hbm>> -> memref<1x2560x128xi32, #tpu.memory_space<hbm>>
      %dma_wait3A_319 = tpu.memref_squeeze %dma_wait3A_318 : memref<1x2560x128xi32, #tpu.memory_space<hbm>> -> memref<2560x128xi32, #tpu.memory_space<hbm>>
      %dma_wait3A_320 = arith.constant 0 : i32
      %dma_wait3A_321 = tpu.memref_slice %dma_wait3A_319[%add3A_142, %dma_wait3A_320] : memref<2560x128xi32, #tpu.memory_space<hbm>> -> memref<5x128xi32, #tpu.memory_space<hbm>>
      %dma_wait3A_322 = arith.constant 0 : i32
      %dma_wait3A_323 = arith.constant 0 : i32
      %dma_wait3A_324 = tpu.memref_slice %arg7[%run_scoped3A_146, %dma_wait3A_322, %dma_wait3A_323] : memref<2x5x128xi32, #tpu.memory_space<vmem>> -> memref<1x5x128xi32, #tpu.memory_space<vmem>>
      %dma_wait3A_325 = tpu.memref_squeeze %dma_wait3A_324 : memref<1x5x128xi32, #tpu.memory_space<vmem>> -> memref<5x128xi32, #tpu.memory_space<vmem>>
      %dma_wait3A_326 = arith.constant 0 : i32
      %dma_wait3A_327 = arith.constant 0 : i32
      %dma_wait3A_328 = tpu.memref_slice %arg3[%run_scoped3A_145, %dma_wait3A_326, %dma_wait3A_327] : memref<2x2560x128xi32, #tpu.memory_space<hbm>> -> memref<1x2560x128xi32, #tpu.memory_space<hbm>>
      %dma_wait3A_329 = tpu.memref_squeeze %dma_wait3A_328 : memref<1x2560x128xi32, #tpu.memory_space<hbm>> -> memref<2560x128xi32, #tpu.memory_space<hbm>>
      %dma_wait3A_330 = arith.constant 0 : i32
      %dma_wait3A_331 = tpu.memref_slice %dma_wait3A_329[%add3A_142, %dma_wait3A_330] : memref<2560x128xi32, #tpu.memory_space<hbm>> -> memref<5x128xi32, #tpu.memory_space<hbm>>
      tpu.wait_dma2 semaphore(%run_scoped3A_292 : memref<!tpu.dma_semaphore, #tpu.memory_space<semaphore_mem>>) src(%dma_wait3A_331 : memref<5x128xi32, #tpu.memory_space<hbm>>) dst(%dma_wait3A_325 : memref<5x128xi32, #tpu.memory_space<vmem>>)
      tpu.yield
    }) : () -> ()
    %dma_start3A_147 = arith.constant 1 : i32
    %dma_start3A_148 = arith.constant 0 : i32
    %dma_start3A_149 = arith.constant 1 : i32
    %dma_start3A_150 = arith.constant 0 : i32
    %dma_start3A_151 = arith.constant 0 : i32
    %dma_start3A_152 = arith.constant 0 : i32
    %dma_start3A_153 = arith.constant 0 : i32
    %dma_start3A_154 = tpu.memref_slice %arg8[%dma_start3A_149, %dma_start3A_151, %dma_start3A_152, %dma_start3A_153] : memref<2x5x128x64xf32, #tpu.memory_space<vmem>> -> memref<1x5x128x64xf32, #tpu.memory_space<vmem>>
    %dma_start3A_155 = tpu.memref_squeeze %dma_start3A_154 : memref<1x5x128x64xf32, #tpu.memory_space<vmem>> -> memref<5x128x64xf32, #tpu.memory_space<vmem>>
    %dma_start3A_156 = arith.constant 0 : i32
    %dma_start3A_157 = arith.constant 0 : i32
    %dma_start3A_158 = tpu.memref_slice %dma_start3A_155[%dma_start3A_150, %dma_start3A_156, %dma_start3A_157] : memref<5x128x64xf32, #tpu.memory_space<vmem>> -> memref<1x128x64xf32, #tpu.memory_space<vmem>>
    %dma_start3A_159 = tpu.memref_squeeze %dma_start3A_158 : memref<1x128x64xf32, #tpu.memory_space<vmem>> -> memref<128x64xf32, #tpu.memory_space<vmem>>
    %dma_start3A_160 = arith.constant 0 : i32
    %dma_start3A_161 = arith.constant 0 : i32
    %dma_start3A_162 = tpu.memref_slice %arg6[%dma_start3A_147, %dma_start3A_160, %dma_start3A_161] : memref<2x5x128xi32, #tpu.memory_space<vmem>> -> memref<1x5x128xi32, #tpu.memory_space<vmem>>
    %dma_start3A_163 = tpu.memref_squeeze %dma_start3A_162 : memref<1x5x128xi32, #tpu.memory_space<vmem>> -> memref<5x128xi32, #tpu.memory_space<vmem>>
    %dma_start3A_164 = arith.constant 0 : i32
    %dma_start3A_165 = tpu.memref_slice %dma_start3A_163[%dma_start3A_148, %dma_start3A_164] : memref<5x128xi32, #tpu.memory_space<vmem>> -> memref<1x128xi32, #tpu.memory_space<vmem>>
    %dma_start3A_166 = tpu.memref_squeeze %dma_start3A_165 : memref<1x128xi32, #tpu.memory_space<vmem>> -> memref<128xi32, #tpu.memory_space<vmem>>
    %dma_start3A_167 = arith.constant 0 : i32
    %dma_start3A_168 = arith.constant 0 : i32
    %dma_start3A_169 = tpu.memref_slice %arg2[%arg0, %dma_start3A_167, %dma_start3A_168] : memref<2x10000x64xf32, #tpu.memory_space<hbm>> -> memref<1x10000x64xf32, #tpu.memory_space<hbm>>
    %dma_start3A_170 = tpu.memref_squeeze %dma_start3A_169 : memref<1x10000x64xf32, #tpu.memory_space<hbm>> -> memref<10000x64xf32, #tpu.memory_space<hbm>>
    %dma_start3A_171 = arith.constant 0 : i32
    %dma_start3A_172 = arith.constant 0 : i32
    %dma_start3A_173 = tpu.memref_slice %dma_start3A_170[%dma_start3A_171, %dma_start3A_172] : memref<10000x64xf32, #tpu.memory_space<hbm>> -> memref<10000x64xf32, #tpu.memory_space<hbm>>
    tpu.enqueue_indirect_dma source(%dma_start3A_173 : memref<10000x64xf32, #tpu.memory_space<hbm>>) target(%dma_start3A_159 : memref<128x64xf32, #tpu.memory_space<vmem>>) offsets(%dma_start3A_166 : memref<128xi32, #tpu.memory_space<vmem>>) semaphore(%arg11 : memref<!tpu.dma_semaphore, #tpu.memory_space<semaphore_mem>>)
    %dma_start3A_174 = arith.constant 1 : i32
    %dma_start3A_175 = arith.constant 1 : i32
    %dma_start3A_176 = arith.constant 1 : i32
    %dma_start3A_177 = arith.constant 1 : i32
    %dma_start3A_178 = arith.constant 0 : i32
    %dma_start3A_179 = arith.constant 0 : i32
    %dma_start3A_180 = arith.constant 0 : i32
    %dma_start3A_181 = tpu.memref_slice %arg8[%dma_start3A_176, %dma_start3A_178, %dma_start3A_179, %dma_start3A_180] : memref<2x5x128x64xf32, #tpu.memory_space<vmem>> -> memref<1x5x128x64xf32, #tpu.memory_space<vmem>>
    %dma_start3A_182 = tpu.memref_squeeze %dma_start3A_181 : memref<1x5x128x64xf32, #tpu.memory_space<vmem>> -> memref<5x128x64xf32, #tpu.memory_space<vmem>>
    %dma_start3A_183 = arith.constant 0 : i32
    %dma_start3A_184 = arith.constant 0 : i32
    %dma_start3A_185 = tpu.memref_slice %dma_start3A_182[%dma_start3A_177, %dma_start3A_183, %dma_start3A_184] : memref<5x128x64xf32, #tpu.memory_space<vmem>> -> memref<1x128x64xf32, #tpu.memory_space<vmem>>
    %dma_start3A_186 = tpu.memref_squeeze %dma_start3A_185 : memref<1x128x64xf32, #tpu.memory_space<vmem>> -> memref<128x64xf32, #tpu.memory_space<vmem>>
    %dma_start3A_187 = arith.constant 0 : i32
    %dma_start3A_188 = arith.constant 0 : i32
    %dma_start3A_189 = tpu.memref_slice %arg6[%dma_start3A_174, %dma_start3A_187, %dma_start3A_188] : memref<2x5x128xi32, #tpu.memory_space<vmem>> -> memref<1x5x128xi32, #tpu.memory_space<vmem>>
    %dma_start3A_190 = tpu.memref_squeeze %dma_start3A_189 : memref<1x5x128xi32, #tpu.memory_space<vmem>> -> memref<5x128xi32, #tpu.memory_space<vmem>>
    %dma_start3A_191 = arith.constant 0 : i32
    %dma_start3A_192 = tpu.memref_slice %dma_start3A_190[%dma_start3A_175, %dma_start3A_191] : memref<5x128xi32, #tpu.memory_space<vmem>> -> memref<1x128xi32, #tpu.memory_space<vmem>>
    %dma_start3A_193 = tpu.memref_squeeze %dma_start3A_192 : memref<1x128xi32, #tpu.memory_space<vmem>> -> memref<128xi32, #tpu.memory_space<vmem>>
    %dma_start3A_194 = arith.constant 0 : i32
    %dma_start3A_195 = arith.constant 0 : i32
    %dma_start3A_196 = tpu.memref_slice %arg2[%arg0, %dma_start3A_194, %dma_start3A_195] : memref<2x10000x64xf32, #tpu.memory_space<hbm>> -> memref<1x10000x64xf32, #tpu.memory_space<hbm>>
    %dma_start3A_197 = tpu.memref_squeeze %dma_start3A_196 : memref<1x10000x64xf32, #tpu.memory_space<hbm>> -> memref<10000x64xf32, #tpu.memory_space<hbm>>
    %dma_start3A_198 = arith.constant 0 : i32
    %dma_start3A_199 = arith.constant 0 : i32
    %dma_start3A_200 = tpu.memref_slice %dma_start3A_197[%dma_start3A_198, %dma_start3A_199] : memref<10000x64xf32, #tpu.memory_space<hbm>> -> memref<10000x64xf32, #tpu.memory_space<hbm>>
    tpu.enqueue_indirect_dma source(%dma_start3A_200 : memref<10000x64xf32, #tpu.memory_space<hbm>>) target(%dma_start3A_186 : memref<128x64xf32, #tpu.memory_space<vmem>>) offsets(%dma_start3A_193 : memref<128xi32, #tpu.memory_space<vmem>>) semaphore(%arg11 : memref<!tpu.dma_semaphore, #tpu.memory_space<semaphore_mem>>)
    %dma_start3A_201 = arith.constant 1 : i32
    %dma_start3A_202 = arith.constant 2 : i32
    %dma_start3A_203 = arith.constant 1 : i32
    %dma_start3A_204 = arith.constant 2 : i32
    %dma_start3A_205 = arith.constant 0 : i32
    %dma_start3A_206 = arith.constant 0 : i32
    %dma_start3A_207 = arith.constant 0 : i32
    %dma_start3A_208 = tpu.memref_slice %arg8[%dma_start3A_203, %dma_start3A_205, %dma_start3A_206, %dma_start3A_207] : memref<2x5x128x64xf32, #tpu.memory_space<vmem>> -> memref<1x5x128x64xf32, #tpu.memory_space<vmem>>
    %dma_start3A_209 = tpu.memref_squeeze %dma_start3A_208 : memref<1x5x128x64xf32, #tpu.memory_space<vmem>> -> memref<5x128x64xf32, #tpu.memory_space<vmem>>
    %dma_start3A_210 = arith.constant 0 : i32
    %dma_start3A_211 = arith.constant 0 : i32
    %dma_start3A_212 = tpu.memref_slice %dma_start3A_209[%dma_start3A_204, %dma_start3A_210, %dma_start3A_211] : memref<5x128x64xf32, #tpu.memory_space<vmem>> -> memref<1x128x64xf32, #tpu.memory_space<vmem>>
    %dma_start3A_213 = tpu.memref_squeeze %dma_start3A_212 : memref<1x128x64xf32, #tpu.memory_space<vmem>> -> memref<128x64xf32, #tpu.memory_space<vmem>>
    %dma_start3A_214 = arith.constant 0 : i32
    %dma_start3A_215 = arith.constant 0 : i32
    %dma_start3A_216 = tpu.memref_slice %arg6[%dma_start3A_201, %dma_start3A_214, %dma_start3A_215] : memref<2x5x128xi32, #tpu.memory_space<vmem>> -> memref<1x5x128xi32, #tpu.memory_space<vmem>>
    %dma_start3A_217 = tpu.memref_squeeze %dma_start3A_216 : memref<1x5x128xi32, #tpu.memory_space<vmem>> -> memref<5x128xi32, #tpu.memory_space<vmem>>
    %dma_start3A_218 = arith.constant 0 : i32
    %dma_start3A_219 = tpu.memref_slice %dma_start3A_217[%dma_start3A_202, %dma_start3A_218] : memref<5x128xi32, #tpu.memory_space<vmem>> -> memref<1x128xi32, #tpu.memory_space<vmem>>
    %dma_start3A_220 = tpu.memref_squeeze %dma_start3A_219 : memref<1x128xi32, #tpu.memory_space<vmem>> -> memref<128xi32, #tpu.memory_space<vmem>>
    %dma_start3A_221 = arith.constant 0 : i32
    %dma_start3A_222 = arith.constant 0 : i32
    %dma_start3A_223 = tpu.memref_slice %arg2[%arg0, %dma_start3A_221, %dma_start3A_222] : memref<2x10000x64xf32, #tpu.memory_space<hbm>> -> memref<1x10000x64xf32, #tpu.memory_space<hbm>>
    %dma_start3A_224 = tpu.memref_squeeze %dma_start3A_223 : memref<1x10000x64xf32, #tpu.memory_space<hbm>> -> memref<10000x64xf32, #tpu.memory_space<hbm>>
    %dma_start3A_225 = arith.constant 0 : i32
    %dma_start3A_226 = arith.constant 0 : i32
    %dma_start3A_227 = tpu.memref_slice %dma_start3A_224[%dma_start3A_225, %dma_start3A_226] : memref<10000x64xf32, #tpu.memory_space<hbm>> -> memref<10000x64xf32, #tpu.memory_space<hbm>>
    tpu.enqueue_indirect_dma source(%dma_start3A_227 : memref<10000x64xf32, #tpu.memory_space<hbm>>) target(%dma_start3A_213 : memref<128x64xf32, #tpu.memory_space<vmem>>) offsets(%dma_start3A_220 : memref<128xi32, #tpu.memory_space<vmem>>) semaphore(%arg11 : memref<!tpu.dma_semaphore, #tpu.memory_space<semaphore_mem>>)
    %dma_start3A_228 = arith.constant 1 : i32
    %dma_start3A_229 = arith.constant 3 : i32
    %dma_start3A_230 = arith.constant 1 : i32
    %dma_start3A_231 = arith.constant 3 : i32
    %dma_start3A_232 = arith.constant 0 : i32
    %dma_start3A_233 = arith.constant 0 : i32
    %dma_start3A_234 = arith.constant 0 : i32
    %dma_start3A_235 = tpu.memref_slice %arg8[%dma_start3A_230, %dma_start3A_232, %dma_start3A_233, %dma_start3A_234] : memref<2x5x128x64xf32, #tpu.memory_space<vmem>> -> memref<1x5x128x64xf32, #tpu.memory_space<vmem>>
    %dma_start3A_236 = tpu.memref_squeeze %dma_start3A_235 : memref<1x5x128x64xf32, #tpu.memory_space<vmem>> -> memref<5x128x64xf32, #tpu.memory_space<vmem>>
    %dma_start3A_237 = arith.constant 0 : i32
    %dma_start3A_238 = arith.constant 0 : i32
    %dma_start3A_239 = tpu.memref_slice %dma_start3A_236[%dma_start3A_231, %dma_start3A_237, %dma_start3A_238] : memref<5x128x64xf32, #tpu.memory_space<vmem>> -> memref<1x128x64xf32, #tpu.memory_space<vmem>>
    %dma_start3A_240 = tpu.memref_squeeze %dma_start3A_239 : memref<1x128x64xf32, #tpu.memory_space<vmem>> -> memref<128x64xf32, #tpu.memory_space<vmem>>
    %dma_start3A_241 = arith.constant 0 : i32
    %dma_start3A_242 = arith.constant 0 : i32
    %dma_start3A_243 = tpu.memref_slice %arg6[%dma_start3A_228, %dma_start3A_241, %dma_start3A_242] : memref<2x5x128xi32, #tpu.memory_space<vmem>> -> memref<1x5x128xi32, #tpu.memory_space<vmem>>
    %dma_start3A_244 = tpu.memref_squeeze %dma_start3A_243 : memref<1x5x128xi32, #tpu.memory_space<vmem>> -> memref<5x128xi32, #tpu.memory_space<vmem>>
    %dma_start3A_245 = arith.constant 0 : i32
    %dma_start3A_246 = tpu.memref_slice %dma_start3A_244[%dma_start3A_229, %dma_start3A_245] : memref<5x128xi32, #tpu.memory_space<vmem>> -> memref<1x128xi32, #tpu.memory_space<vmem>>
    %dma_start3A_247 = tpu.memref_squeeze %dma_start3A_246 : memref<1x128xi32, #tpu.memory_space<vmem>> -> memref<128xi32, #tpu.memory_space<vmem>>
    %dma_start3A_248 = arith.constant 0 : i32
    %dma_start3A_249 = arith.constant 0 : i32
    %dma_start3A_250 = tpu.memref_slice %arg2[%arg0, %dma_start3A_248, %dma_start3A_249] : memref<2x10000x64xf32, #tpu.memory_space<hbm>> -> memref<1x10000x64xf32, #tpu.memory_space<hbm>>
    %dma_start3A_251 = tpu.memref_squeeze %dma_start3A_250 : memref<1x10000x64xf32, #tpu.memory_space<hbm>> -> memref<10000x64xf32, #tpu.memory_space<hbm>>
    %dma_start3A_252 = arith.constant 0 : i32
    %dma_start3A_253 = arith.constant 0 : i32
    %dma_start3A_254 = tpu.memref_slice %dma_start3A_251[%dma_start3A_252, %dma_start3A_253] : memref<10000x64xf32, #tpu.memory_space<hbm>> -> memref<10000x64xf32, #tpu.memory_space<hbm>>
    tpu.enqueue_indirect_dma source(%dma_start3A_254 : memref<10000x64xf32, #tpu.memory_space<hbm>>) target(%dma_start3A_240 : memref<128x64xf32, #tpu.memory_space<vmem>>) offsets(%dma_start3A_247 : memref<128xi32, #tpu.memory_space<vmem>>) semaphore(%arg11 : memref<!tpu.dma_semaphore, #tpu.memory_space<semaphore_mem>>)
    %dma_start3A_255 = arith.constant 1 : i32
    %dma_start3A_256 = arith.constant 4 : i32
    %dma_start3A_257 = arith.constant 1 : i32
    %dma_start3A_258 = arith.constant 4 : i32
    %dma_start3A_259 = arith.constant 0 : i32
    %dma_start3A_260 = arith.constant 0 : i32
    %dma_start3A_261 = arith.constant 0 : i32
    %dma_start3A_262 = tpu.memref_slice %arg8[%dma_start3A_257, %dma_start3A_259, %dma_start3A_260, %dma_start3A_261] : memref<2x5x128x64xf32, #tpu.memory_space<vmem>> -> memref<1x5x128x64xf32, #tpu.memory_space<vmem>>
    %dma_start3A_263 = tpu.memref_squeeze %dma_start3A_262 : memref<1x5x128x64xf32, #tpu.memory_space<vmem>> -> memref<5x128x64xf32, #tpu.memory_space<vmem>>
    %dma_start3A_264 = arith.constant 0 : i32
    %dma_start3A_265 = arith.constant 0 : i32
    %dma_start3A_266 = tpu.memref_slice %dma_start3A_263[%dma_start3A_258, %dma_start3A_264, %dma_start3A_265] : memref<5x128x64xf32, #tpu.memory_space<vmem>> -> memref<1x128x64xf32, #tpu.memory_space<vmem>>
    %dma_start3A_267 = tpu.memref_squeeze %dma_start3A_266 : memref<1x128x64xf32, #tpu.memory_space<vmem>> -> memref<128x64xf32, #tpu.memory_space<vmem>>
    %dma_start3A_268 = arith.constant 0 : i32
    %dma_start3A_269 = arith.constant 0 : i32
    %dma_start3A_270 = tpu.memref_slice %arg6[%dma_start3A_255, %dma_start3A_268, %dma_start3A_269] : memref<2x5x128xi32, #tpu.memory_space<vmem>> -> memref<1x5x128xi32, #tpu.memory_space<vmem>>
    %dma_start3A_271 = tpu.memref_squeeze %dma_start3A_270 : memref<1x5x128xi32, #tpu.memory_space<vmem>> -> memref<5x128xi32, #tpu.memory_space<vmem>>
    %dma_start3A_272 = arith.constant 0 : i32
    %dma_start3A_273 = tpu.memref_slice %dma_start3A_271[%dma_start3A_256, %dma_start3A_272] : memref<5x128xi32, #tpu.memory_space<vmem>> -> memref<1x128xi32, #tpu.memory_space<vmem>>
    %dma_start3A_274 = tpu.memref_squeeze %dma_start3A_273 : memref<1x128xi32, #tpu.memory_space<vmem>> -> memref<128xi32, #tpu.memory_space<vmem>>
    %dma_start3A_275 = arith.constant 0 : i32
    %dma_start3A_276 = arith.constant 0 : i32
    %dma_start3A_277 = tpu.memref_slice %arg2[%arg0, %dma_start3A_275, %dma_start3A_276] : memref<2x10000x64xf32, #tpu.memory_space<hbm>> -> memref<1x10000x64xf32, #tpu.memory_space<hbm>>
    %dma_start3A_278 = tpu.memref_squeeze %dma_start3A_277 : memref<1x10000x64xf32, #tpu.memory_space<hbm>> -> memref<10000x64xf32, #tpu.memory_space<hbm>>
    %dma_start3A_279 = arith.constant 0 : i32
    %dma_start3A_280 = arith.constant 0 : i32
    %dma_start3A_281 = tpu.memref_slice %dma_start3A_278[%dma_start3A_279, %dma_start3A_280] : memref<10000x64xf32, #tpu.memory_space<hbm>> -> memref<10000x64xf32, #tpu.memory_space<hbm>>
    tpu.enqueue_indirect_dma source(%dma_start3A_281 : memref<10000x64xf32, #tpu.memory_space<hbm>>) target(%dma_start3A_267 : memref<128x64xf32, #tpu.memory_space<vmem>>) offsets(%dma_start3A_274 : memref<128xi32, #tpu.memory_space<vmem>>) semaphore(%arg11 : memref<!tpu.dma_semaphore, #tpu.memory_space<semaphore_mem>>)
    %scan3A = arith.constant 0 : i32
    %scan3A_282 = arith.constant 0 : i32
    %scan3A_283 = arith.constant 1 : i32
    %scan3A_284 = arith.constant 0 : i32
    %scan3A_285 = arith.constant 16 : i32
    %scan3A_286 = arith.addi %scan3A_284, %scan3A_285 : i32
    %scan3A_287 = arith.constant 1 : i32
    scf.for %scan3A_292 = %scan3A_284 to %scan3A_286 step %scan3A_287  : i32 {
      %mul3A_293 = arith.constant 2 : i32
      %mul3A_294 = arith.muli %mul3A_293, %scan3A_292 : i32
      %add3A_295 = arith.constant 0 : i32
      %add3A_296 = arith.addi %mul3A_294, %add3A_295 : i32
      %dma_wait3A = arith.constant 0 : i32
      %dma_wait3A_297 = arith.constant 0 : i32
      %dma_wait3A_298 = arith.constant 0 : i32
      %dma_wait3A_299 = arith.constant 0 : i32
      %dma_wait3A_300 = arith.constant 0 : i32
      %dma_wait3A_301 = tpu.memref_slice %arg8[%dma_wait3A, %dma_wait3A_298, %dma_wait3A_299, %dma_wait3A_300] : memref<2x5x128x64xf32, #tpu.memory_space<vmem>> -> memref<1x5x128x64xf32, #tpu.memory_space<vmem>>
      %dma_wait3A_302 = tpu.memref_squeeze %dma_wait3A_301 : memref<1x5x128x64xf32, #tpu.memory_space<vmem>> -> memref<5x128x64xf32, #tpu.memory_space<vmem>>
      %dma_wait3A_303 = arith.constant 0 : i32
      %dma_wait3A_304 = arith.constant 0 : i32
      %dma_wait3A_305 = tpu.memref_slice %dma_wait3A_302[%dma_wait3A_297, %dma_wait3A_303, %dma_wait3A_304] : memref<5x128x64xf32, #tpu.memory_space<vmem>> -> memref<1x128x64xf32, #tpu.memory_space<vmem>>
      %dma_wait3A_306 = tpu.memref_squeeze %dma_wait3A_305 : memref<1x128x64xf32, #tpu.memory_space<vmem>> -> memref<128x64xf32, #tpu.memory_space<vmem>>
      %dma_wait3A_307 = arith.constant 0 : i32
      %dma_wait3A_308 = arith.constant 0 : i32
      %dma_wait3A_309 = tpu.memref_slice %arg2[%arg0, %dma_wait3A_307, %dma_wait3A_308] : memref<2x10000x64xf32, #tpu.memory_space<hbm>> -> memref<1x10000x64xf32, #tpu.memory_space<hbm>>
      %dma_wait3A_310 = tpu.memref_squeeze %dma_wait3A_309 : memref<1x10000x64xf32, #tpu.memory_space<hbm>> -> memref<10000x64xf32, #tpu.memory_space<hbm>>
      %dma_wait3A_311 = arith.constant 0 : i32
      %dma_wait3A_312 = arith.constant 0 : i32
      %dma_wait3A_313 = tpu.memref_slice %dma_wait3A_310[%dma_wait3A_311, %dma_wait3A_312] : memref<10000x64xf32, #tpu.memory_space<hbm>> -> memref<128x64xf32, #tpu.memory_space<hbm>>
      %dma_wait3A_314 = arith.constant 0 : i32
      %dma_wait3A_315 = arith.constant 0 : i32
      %dma_wait3A_316 = arith.constant 0 : i32
      %dma_wait3A_317 = tpu.memref_slice %arg8[%dma_wait3A, %dma_wait3A_314, %dma_wait3A_315, %dma_wait3A_316] : memref<2x5x128x64xf32, #tpu.memory_space<vmem>> -> memref<1x5x128x64xf32, #tpu.memory_space<vmem>>
      %dma_wait3A_318 = tpu.memref_squeeze %dma_wait3A_317 : memref<1x5x128x64xf32, #tpu.memory_space<vmem>> -> memref<5x128x64xf32, #tpu.memory_space<vmem>>
      %dma_wait3A_319 = arith.constant 0 : i32
      %dma_wait3A_320 = arith.constant 0 : i32
      %dma_wait3A_321 = tpu.memref_slice %dma_wait3A_318[%dma_wait3A_297, %dma_wait3A_319, %dma_wait3A_320] : memref<5x128x64xf32, #tpu.memory_space<vmem>> -> memref<1x128x64xf32, #tpu.memory_space<vmem>>
      %dma_wait3A_322 = tpu.memref_squeeze %dma_wait3A_321 : memref<1x128x64xf32, #tpu.memory_space<vmem>> -> memref<128x64xf32, #tpu.memory_space<vmem>>
      %dma_wait3A_323 = arith.constant 0 : i32
      %dma_wait3A_324 = arith.constant 0 : i32
      %dma_wait3A_325 = tpu.memref_slice %arg2[%arg0, %dma_wait3A_323, %dma_wait3A_324] : memref<2x10000x64xf32, #tpu.memory_space<hbm>> -> memref<1x10000x64xf32, #tpu.memory_space<hbm>>
      %dma_wait3A_326 = tpu.memref_squeeze %dma_wait3A_325 : memref<1x10000x64xf32, #tpu.memory_space<hbm>> -> memref<10000x64xf32, #tpu.memory_space<hbm>>
      %dma_wait3A_327 = arith.constant 0 : i32
      %dma_wait3A_328 = arith.constant 0 : i32
      %dma_wait3A_329 = tpu.memref_slice %dma_wait3A_326[%dma_wait3A_327, %dma_wait3A_328] : memref<10000x64xf32, #tpu.memory_space<hbm>> -> memref<128x64xf32, #tpu.memory_space<hbm>>
      tpu.wait_dma2 semaphore(%arg10 : memref<!tpu.dma_semaphore, #tpu.memory_space<semaphore_mem>>) src(%dma_wait3A_329 : memref<128x64xf32, #tpu.memory_space<hbm>>) dst(%dma_wait3A_322 : memref<128x64xf32, #tpu.memory_space<vmem>>)
      %dma_wait3A_330 = arith.constant 0 : i32
      %dma_wait3A_331 = arith.constant 1 : i32
      %dma_wait3A_332 = arith.constant 0 : i32
      %dma_wait3A_333 = arith.constant 0 : i32
      %dma_wait3A_334 = arith.constant 0 : i32
      %dma_wait3A_335 = tpu.memref_slice %arg8[%dma_wait3A_330, %dma_wait3A_332, %dma_wait3A_333, %dma_wait3A_334] : memref<2x5x128x64xf32, #tpu.memory_space<vmem>> -> memref<1x5x128x64xf32, #tpu.memory_space<vmem>>
      %dma_wait3A_336 = tpu.memref_squeeze %dma_wait3A_335 : memref<1x5x128x64xf32, #tpu.memory_space<vmem>> -> memref<5x128x64xf32, #tpu.memory_space<vmem>>
      %dma_wait3A_337 = arith.constant 0 : i32
      %dma_wait3A_338 = arith.constant 0 : i32
      %dma_wait3A_339 = tpu.memref_slice %dma_wait3A_336[%dma_wait3A_331, %dma_wait3A_337, %dma_wait3A_338] : memref<5x128x64xf32, #tpu.memory_space<vmem>> -> memref<1x128x64xf32, #tpu.memory_space<vmem>>
      %dma_wait3A_340 = tpu.memref_squeeze %dma_wait3A_339 : memref<1x128x64xf32, #tpu.memory_space<vmem>> -> memref<128x64xf32, #tpu.memory_space<vmem>>
      %dma_wait3A_341 = arith.constant 0 : i32
      %dma_wait3A_342 = arith.constant 0 : i32
      %dma_wait3A_343 = tpu.memref_slice %arg2[%arg0, %dma_wait3A_341, %dma_wait3A_342] : memref<2x10000x64xf32, #tpu.memory_space<hbm>> -> memref<1x10000x64xf32, #tpu.memory_space<hbm>>
      %dma_wait3A_344 = tpu.memref_squeeze %dma_wait3A_343 : memref<1x10000x64xf32, #tpu.memory_space<hbm>> -> memref<10000x64xf32, #tpu.memory_space<hbm>>
      %dma_wait3A_345 = arith.constant 0 : i32
      %dma_wait3A_346 = arith.constant 0 : i32
      %dma_wait3A_347 = tpu.memref_slice %dma_wait3A_344[%dma_wait3A_345, %dma_wait3A_346] : memref<10000x64xf32, #tpu.memory_space<hbm>> -> memref<128x64xf32, #tpu.memory_space<hbm>>
      %dma_wait3A_348 = arith.constant 0 : i32
      %dma_wait3A_349 = arith.constant 0 : i32
      %dma_wait3A_350 = arith.constant 0 : i32
      %dma_wait3A_351 = tpu.memref_slice %arg8[%dma_wait3A_330, %dma_wait3A_348, %dma_wait3A_349, %dma_wait3A_350] : memref<2x5x128x64xf32, #tpu.memory_space<vmem>> -> memref<1x5x128x64xf32, #tpu.memory_space<vmem>>
      %dma_wait3A_352 = tpu.memref_squeeze %dma_wait3A_351 : memref<1x5x128x64xf32, #tpu.memory_space<vmem>> -> memref<5x128x64xf32, #tpu.memory_space<vmem>>
      %dma_wait3A_353 = arith.constant 0 : i32
      %dma_wait3A_354 = arith.constant 0 : i32
      %dma_wait3A_355 = tpu.memref_slice %dma_wait3A_352[%dma_wait3A_331, %dma_wait3A_353, %dma_wait3A_354] : memref<5x128x64xf32, #tpu.memory_space<vmem>> -> memref<1x128x64xf32, #tpu.memory_space<vmem>>
      %dma_wait3A_356 = tpu.memref_squeeze %dma_wait3A_355 : memref<1x128x64xf32, #tpu.memory_space<vmem>> -> memref<128x64xf32, #tpu.memory_space<vmem>>
      %dma_wait3A_357 = arith.constant 0 : i32
      %dma_wait3A_358 = arith.constant 0 : i32
      %dma_wait3A_359 = tpu.memref_slice %arg2[%arg0, %dma_wait3A_357, %dma_wait3A_358] : memref<2x10000x64xf32, #tpu.memory_space<hbm>> -> memref<1x10000x64xf32, #tpu.memory_space<hbm>>
      %dma_wait3A_360 = tpu.memref_squeeze %dma_wait3A_359 : memref<1x10000x64xf32, #tpu.memory_space<hbm>> -> memref<10000x64xf32, #tpu.memory_space<hbm>>
      %dma_wait3A_361 = arith.constant 0 : i32
      %dma_wait3A_362 = arith.constant 0 : i32
      %dma_wait3A_363 = tpu.memref_slice %dma_wait3A_360[%dma_wait3A_361, %dma_wait3A_362] : memref<10000x64xf32, #tpu.memory_space<hbm>> -> memref<128x64xf32, #tpu.memory_space<hbm>>
      tpu.wait_dma2 semaphore(%arg10 : memref<!tpu.dma_semaphore, #tpu.memory_space<semaphore_mem>>) src(%dma_wait3A_363 : memref<128x64xf32, #tpu.memory_space<hbm>>) dst(%dma_wait3A_356 : memref<128x64xf32, #tpu.memory_space<vmem>>)
      %dma_wait3A_364 = arith.constant 0 : i32
      %dma_wait3A_365 = arith.constant 2 : i32
      %dma_wait3A_366 = arith.constant 0 : i32
      %dma_wait3A_367 = arith.constant 0 : i32
      %dma_wait3A_368 = arith.constant 0 : i32
      %dma_wait3A_369 = tpu.memref_slice %arg8[%dma_wait3A_364, %dma_wait3A_366, %dma_wait3A_367, %dma_wait3A_368] : memref<2x5x128x64xf32, #tpu.memory_space<vmem>> -> memref<1x5x128x64xf32, #tpu.memory_space<vmem>>
      %dma_wait3A_370 = tpu.memref_squeeze %dma_wait3A_369 : memref<1x5x128x64xf32, #tpu.memory_space<vmem>> -> memref<5x128x64xf32, #tpu.memory_space<vmem>>
      %dma_wait3A_371 = arith.constant 0 : i32
      %dma_wait3A_372 = arith.constant 0 : i32
      %dma_wait3A_373 = tpu.memref_slice %dma_wait3A_370[%dma_wait3A_365, %dma_wait3A_371, %dma_wait3A_372] : memref<5x128x64xf32, #tpu.memory_space<vmem>> -> memref<1x128x64xf32, #tpu.memory_space<vmem>>
      %dma_wait3A_374 = tpu.memref_squeeze %dma_wait3A_373 : memref<1x128x64xf32, #tpu.memory_space<vmem>> -> memref<128x64xf32, #tpu.memory_space<vmem>>
      %dma_wait3A_375 = arith.constant 0 : i32
      %dma_wait3A_376 = arith.constant 0 : i32
      %dma_wait3A_377 = tpu.memref_slice %arg2[%arg0, %dma_wait3A_375, %dma_wait3A_376] : memref<2x10000x64xf32, #tpu.memory_space<hbm>> -> memref<1x10000x64xf32, #tpu.memory_space<hbm>>
      %dma_wait3A_378 = tpu.memref_squeeze %dma_wait3A_377 : memref<1x10000x64xf32, #tpu.memory_space<hbm>> -> memref<10000x64xf32, #tpu.memory_space<hbm>>
      %dma_wait3A_379 = arith.constant 0 : i32
      %dma_wait3A_380 = arith.constant 0 : i32
      %dma_wait3A_381 = tpu.memref_slice %dma_wait3A_378[%dma_wait3A_379, %dma_wait3A_380] : memref<10000x64xf32, #tpu.memory_space<hbm>> -> memref<128x64xf32, #tpu.memory_space<hbm>>
      %dma_wait3A_382 = arith.constant 0 : i32
      %dma_wait3A_383 = arith.constant 0 : i32
      %dma_wait3A_384 = arith.constant 0 : i32
      %dma_wait3A_385 = tpu.memref_slice %arg8[%dma_wait3A_364, %dma_wait3A_382, %dma_wait3A_383, %dma_wait3A_384] : memref<2x5x128x64xf32, #tpu.memory_space<vmem>> -> memref<1x5x128x64xf32, #tpu.memory_space<vmem>>
      %dma_wait3A_386 = tpu.memref_squeeze %dma_wait3A_385 : memref<1x5x128x64xf32, #tpu.memory_space<vmem>> -> memref<5x128x64xf32, #tpu.memory_space<vmem>>
      %dma_wait3A_387 = arith.constant 0 : i32
      %dma_wait3A_388 = arith.constant 0 : i32
      %dma_wait3A_389 = tpu.memref_slice %dma_wait3A_386[%dma_wait3A_365, %dma_wait3A_387, %dma_wait3A_388] : memref<5x128x64xf32, #tpu.memory_space<vmem>> -> memref<1x128x64xf32, #tpu.memory_space<vmem>>
      %dma_wait3A_390 = tpu.memref_squeeze %dma_wait3A_389 : memref<1x128x64xf32, #tpu.memory_space<vmem>> -> memref<128x64xf32, #tpu.memory_space<vmem>>
      %dma_wait3A_391 = arith.constant 0 : i32
      %dma_wait3A_392 = arith.constant 0 : i32
      %dma_wait3A_393 = tpu.memref_slice %arg2[%arg0, %dma_wait3A_391, %dma_wait3A_392] : memref<2x10000x64xf32, #tpu.memory_space<hbm>> -> memref<1x10000x64xf32, #tpu.memory_space<hbm>>
      %dma_wait3A_394 = tpu.memref_squeeze %dma_wait3A_393 : memref<1x10000x64xf32, #tpu.memory_space<hbm>> -> memref<10000x64xf32, #tpu.memory_space<hbm>>
      %dma_wait3A_395 = arith.constant 0 : i32
      %dma_wait3A_396 = arith.constant 0 : i32
      %dma_wait3A_397 = tpu.memref_slice %dma_wait3A_394[%dma_wait3A_395, %dma_wait3A_396] : memref<10000x64xf32, #tpu.memory_space<hbm>> -> memref<128x64xf32, #tpu.memory_space<hbm>>
      tpu.wait_dma2 semaphore(%arg10 : memref<!tpu.dma_semaphore, #tpu.memory_space<semaphore_mem>>) src(%dma_wait3A_397 : memref<128x64xf32, #tpu.memory_space<hbm>>) dst(%dma_wait3A_390 : memref<128x64xf32, #tpu.memory_space<vmem>>)
      %dma_wait3A_398 = arith.constant 0 : i32
      %dma_wait3A_399 = arith.constant 3 : i32
      %dma_wait3A_400 = arith.constant 0 : i32
      %dma_wait3A_401 = arith.constant 0 : i32
      %dma_wait3A_402 = arith.constant 0 : i32
      %dma_wait3A_403 = tpu.memref_slice %arg8[%dma_wait3A_398, %dma_wait3A_400, %dma_wait3A_401, %dma_wait3A_402] : memref<2x5x128x64xf32, #tpu.memory_space<vmem>> -> memref<1x5x128x64xf32, #tpu.memory_space<vmem>>
      %dma_wait3A_404 = tpu.memref_squeeze %dma_wait3A_403 : memref<1x5x128x64xf32, #tpu.memory_space<vmem>> -> memref<5x128x64xf32, #tpu.memory_space<vmem>>
      %dma_wait3A_405 = arith.constant 0 : i32
      %dma_wait3A_406 = arith.constant 0 : i32
      %dma_wait3A_407 = tpu.memref_slice %dma_wait3A_404[%dma_wait3A_399, %dma_wait3A_405, %dma_wait3A_406] : memref<5x128x64xf32, #tpu.memory_space<vmem>> -> memref<1x128x64xf32, #tpu.memory_space<vmem>>
      %dma_wait3A_408 = tpu.memref_squeeze %dma_wait3A_407 : memref<1x128x64xf32, #tpu.memory_space<vmem>> -> memref<128x64xf32, #tpu.memory_space<vmem>>
      %dma_wait3A_409 = arith.constant 0 : i32
      %dma_wait3A_410 = arith.constant 0 : i32
      %dma_wait3A_411 = tpu.memref_slice %arg2[%arg0, %dma_wait3A_409, %dma_wait3A_410] : memref<2x10000x64xf32, #tpu.memory_space<hbm>> -> memref<1x10000x64xf32, #tpu.memory_space<hbm>>
      %dma_wait3A_412 = tpu.memref_squeeze %dma_wait3A_411 : memref<1x10000x64xf32, #tpu.memory_space<hbm>> -> memref<10000x64xf32, #tpu.memory_space<hbm>>
      %dma_wait3A_413 = arith.constant 0 : i32
      %dma_wait3A_414 = arith.constant 0 : i32
      %dma_wait3A_415 = tpu.memref_slice %dma_wait3A_412[%dma_wait3A_413, %dma_wait3A_414] : memref<10000x64xf32, #tpu.memory_space<hbm>> -> memref<128x64xf32, #tpu.memory_space<hbm>>
      %dma_wait3A_416 = arith.constant 0 : i32
      %dma_wait3A_417 = arith.constant 0 : i32
      %dma_wait3A_418 = arith.constant 0 : i32
      %dma_wait3A_419 = tpu.memref_slice %arg8[%dma_wait3A_398, %dma_wait3A_416, %dma_wait3A_417, %dma_wait3A_418] : memref<2x5x128x64xf32, #tpu.memory_space<vmem>> -> memref<1x5x128x64xf32, #tpu.memory_space<vmem>>
      %dma_wait3A_420 = tpu.memref_squeeze %dma_wait3A_419 : memref<1x5x128x64xf32, #tpu.memory_space<vmem>> -> memref<5x128x64xf32, #tpu.memory_space<vmem>>
      %dma_wait3A_421 = arith.constant 0 : i32
      %dma_wait3A_422 = arith.constant 0 : i32
      %dma_wait3A_423 = tpu.memref_slice %dma_wait3A_420[%dma_wait3A_399, %dma_wait3A_421, %dma_wait3A_422] : memref<5x128x64xf32, #tpu.memory_space<vmem>> -> memref<1x128x64xf32, #tpu.memory_space<vmem>>
      %dma_wait3A_424 = tpu.memref_squeeze %dma_wait3A_423 : memref<1x128x64xf32, #tpu.memory_space<vmem>> -> memref<128x64xf32, #tpu.memory_space<vmem>>
      %dma_wait3A_425 = arith.constant 0 : i32
      %dma_wait3A_426 = arith.constant 0 : i32
      %dma_wait3A_427 = tpu.memref_slice %arg2[%arg0, %dma_wait3A_425, %dma_wait3A_426] : memref<2x10000x64xf32, #tpu.memory_space<hbm>> -> memref<1x10000x64xf32, #tpu.memory_space<hbm>>
      %dma_wait3A_428 = tpu.memref_squeeze %dma_wait3A_427 : memref<1x10000x64xf32, #tpu.memory_space<hbm>> -> memref<10000x64xf32, #tpu.memory_space<hbm>>
      %dma_wait3A_429 = arith.constant 0 : i32
      %dma_wait3A_430 = arith.constant 0 : i32
      %dma_wait3A_431 = tpu.memref_slice %dma_wait3A_428[%dma_wait3A_429, %dma_wait3A_430] : memref<10000x64xf32, #tpu.memory_space<hbm>> -> memref<128x64xf32, #tpu.memory_space<hbm>>
      tpu.wait_dma2 semaphore(%arg10 : memref<!tpu.dma_semaphore, #tpu.memory_space<semaphore_mem>>) src(%dma_wait3A_431 : memref<128x64xf32, #tpu.memory_space<hbm>>) dst(%dma_wait3A_424 : memref<128x64xf32, #tpu.memory_space<vmem>>)
      %dma_wait3A_432 = arith.constant 0 : i32
      %dma_wait3A_433 = arith.constant 4 : i32
      %dma_wait3A_434 = arith.constant 0 : i32
      %dma_wait3A_435 = arith.constant 0 : i32
      %dma_wait3A_436 = arith.constant 0 : i32
      %dma_wait3A_437 = tpu.memref_slice %arg8[%dma_wait3A_432, %dma_wait3A_434, %dma_wait3A_435, %dma_wait3A_436] : memref<2x5x128x64xf32, #tpu.memory_space<vmem>> -> memref<1x5x128x64xf32, #tpu.memory_space<vmem>>
      %dma_wait3A_438 = tpu.memref_squeeze %dma_wait3A_437 : memref<1x5x128x64xf32, #tpu.memory_space<vmem>> -> memref<5x128x64xf32, #tpu.memory_space<vmem>>
      %dma_wait3A_439 = arith.constant 0 : i32
      %dma_wait3A_440 = arith.constant 0 : i32
      %dma_wait3A_441 = tpu.memref_slice %dma_wait3A_438[%dma_wait3A_433, %dma_wait3A_439, %dma_wait3A_440] : memref<5x128x64xf32, #tpu.memory_space<vmem>> -> memref<1x128x64xf32, #tpu.memory_space<vmem>>
      %dma_wait3A_442 = tpu.memref_squeeze %dma_wait3A_441 : memref<1x128x64xf32, #tpu.memory_space<vmem>> -> memref<128x64xf32, #tpu.memory_space<vmem>>
      %dma_wait3A_443 = arith.constant 0 : i32
      %dma_wait3A_444 = arith.constant 0 : i32
      %dma_wait3A_445 = tpu.memref_slice %arg2[%arg0, %dma_wait3A_443, %dma_wait3A_444] : memref<2x10000x64xf32, #tpu.memory_space<hbm>> -> memref<1x10000x64xf32, #tpu.memory_space<hbm>>
      %dma_wait3A_446 = tpu.memref_squeeze %dma_wait3A_445 : memref<1x10000x64xf32, #tpu.memory_space<hbm>> -> memref<10000x64xf32, #tpu.memory_space<hbm>>
      %dma_wait3A_447 = arith.constant 0 : i32
      %dma_wait3A_448 = arith.constant 0 : i32
      %dma_wait3A_449 = tpu.memref_slice %dma_wait3A_446[%dma_wait3A_447, %dma_wait3A_448] : memref<10000x64xf32, #tpu.memory_space<hbm>> -> memref<128x64xf32, #tpu.memory_space<hbm>>
      %dma_wait3A_450 = arith.constant 0 : i32
      %dma_wait3A_451 = arith.constant 0 : i32
      %dma_wait3A_452 = arith.constant 0 : i32
      %dma_wait3A_453 = tpu.memref_slice %arg8[%dma_wait3A_432, %dma_wait3A_450, %dma_wait3A_451, %dma_wait3A_452] : memref<2x5x128x64xf32, #tpu.memory_space<vmem>> -> memref<1x5x128x64xf32, #tpu.memory_space<vmem>>
      %dma_wait3A_454 = tpu.memref_squeeze %dma_wait3A_453 : memref<1x5x128x64xf32, #tpu.memory_space<vmem>> -> memref<5x128x64xf32, #tpu.memory_space<vmem>>
      %dma_wait3A_455 = arith.constant 0 : i32
      %dma_wait3A_456 = arith.constant 0 : i32
      %dma_wait3A_457 = tpu.memref_slice %dma_wait3A_454[%dma_wait3A_433, %dma_wait3A_455, %dma_wait3A_456] : memref<5x128x64xf32, #tpu.memory_space<vmem>> -> memref<1x128x64xf32, #tpu.memory_space<vmem>>
      %dma_wait3A_458 = tpu.memref_squeeze %dma_wait3A_457 : memref<1x128x64xf32, #tpu.memory_space<vmem>> -> memref<128x64xf32, #tpu.memory_space<vmem>>
      %dma_wait3A_459 = arith.constant 0 : i32
      %dma_wait3A_460 = arith.constant 0 : i32
      %dma_wait3A_461 = tpu.memref_slice %arg2[%arg0, %dma_wait3A_459, %dma_wait3A_460] : memref<2x10000x64xf32, #tpu.memory_space<hbm>> -> memref<1x10000x64xf32, #tpu.memory_space<hbm>>
      %dma_wait3A_462 = tpu.memref_squeeze %dma_wait3A_461 : memref<1x10000x64xf32, #tpu.memory_space<hbm>> -> memref<10000x64xf32, #tpu.memory_space<hbm>>
      %dma_wait3A_463 = arith.constant 0 : i32
      %dma_wait3A_464 = arith.constant 0 : i32
      %dma_wait3A_465 = tpu.memref_slice %dma_wait3A_462[%dma_wait3A_463, %dma_wait3A_464] : memref<10000x64xf32, #tpu.memory_space<hbm>> -> memref<128x64xf32, #tpu.memory_space<hbm>>
      tpu.wait_dma2 semaphore(%arg10 : memref<!tpu.dma_semaphore, #tpu.memory_space<semaphore_mem>>) src(%dma_wait3A_465 : memref<128x64xf32, #tpu.memory_space<hbm>>) dst(%dma_wait3A_458 : memref<128x64xf32, #tpu.memory_space<vmem>>)
      %dma_start3A_466 = arith.constant 0 : i32
      %dma_start3A_467 = arith.constant 0 : i32
      %dma_start3A_468 = arith.constant 0 : i32
      %dma_start3A_469 = arith.constant 0 : i32
      %dma_start3A_470 = arith.constant 0 : i32
      %dma_start3A_471 = arith.constant 0 : i32
      %dma_start3A_472 = arith.constant 0 : i32
      %dma_start3A_473 = tpu.memref_slice %arg8[%dma_start3A_466, %dma_start3A_470, %dma_start3A_471, %dma_start3A_472] : memref<2x5x128x64xf32, #tpu.memory_space<vmem>> -> memref<1x5x128x64xf32, #tpu.memory_space<vmem>>
      %dma_start3A_474 = tpu.memref_squeeze %dma_start3A_473 : memref<1x5x128x64xf32, #tpu.memory_space<vmem>> -> memref<5x128x64xf32, #tpu.memory_space<vmem>>
      %dma_start3A_475 = arith.constant 0 : i32
      %dma_start3A_476 = arith.constant 0 : i32
      %dma_start3A_477 = tpu.memref_slice %dma_start3A_474[%dma_start3A_467, %dma_start3A_475, %dma_start3A_476] : memref<5x128x64xf32, #tpu.memory_space<vmem>> -> memref<1x128x64xf32, #tpu.memory_space<vmem>>
      %dma_start3A_478 = tpu.memref_squeeze %dma_start3A_477 : memref<1x128x64xf32, #tpu.memory_space<vmem>> -> memref<128x64xf32, #tpu.memory_space<vmem>>
      %dma_start3A_479 = arith.constant 0 : i32
      %dma_start3A_480 = arith.constant 0 : i32
      %dma_start3A_481 = tpu.memref_slice %arg7[%dma_start3A_468, %dma_start3A_479, %dma_start3A_480] : memref<2x5x128xi32, #tpu.memory_space<vmem>> -> memref<1x5x128xi32, #tpu.memory_space<vmem>>
      %dma_start3A_482 = tpu.memref_squeeze %dma_start3A_481 : memref<1x5x128xi32, #tpu.memory_space<vmem>> -> memref<5x128xi32, #tpu.memory_space<vmem>>
      %dma_start3A_483 = arith.constant 0 : i32
      %dma_start3A_484 = tpu.memref_slice %dma_start3A_482[%dma_start3A_469, %dma_start3A_483] : memref<5x128xi32, #tpu.memory_space<vmem>> -> memref<1x128xi32, #tpu.memory_space<vmem>>
      %dma_start3A_485 = tpu.memref_squeeze %dma_start3A_484 : memref<1x128xi32, #tpu.memory_space<vmem>> -> memref<128xi32, #tpu.memory_space<vmem>>
      %dma_start3A_486 = arith.constant 0 : i32
      %dma_start3A_487 = arith.constant 0 : i32
      %dma_start3A_488 = tpu.memref_slice %arg9[%dma_start3A_486, %dma_start3A_487] : memref<10512x64xf32, #tpu.memory_space<vmem_shared>> -> memref<10512x64xf32, #tpu.memory_space<vmem_shared>>
      tpu.enqueue_indirect_dma source(%dma_start3A_478 : memref<128x64xf32, #tpu.memory_space<vmem>>) target(%dma_start3A_488 : memref<10512x64xf32, #tpu.memory_space<vmem_shared>>) offsets(%dma_start3A_485 : memref<128xi32, #tpu.memory_space<vmem>>) semaphore(%arg12 : memref<!tpu.dma_semaphore, #tpu.memory_space<semaphore_mem>>) {add = true}
      %dma_start3A_489 = arith.constant 0 : i32
      %dma_start3A_490 = arith.constant 1 : i32
      %dma_start3A_491 = arith.constant 0 : i32
      %dma_start3A_492 = arith.constant 1 : i32
      %dma_start3A_493 = arith.constant 0 : i32
      %dma_start3A_494 = arith.constant 0 : i32
      %dma_start3A_495 = arith.constant 0 : i32
      %dma_start3A_496 = tpu.memref_slice %arg8[%dma_start3A_489, %dma_start3A_493, %dma_start3A_494, %dma_start3A_495] : memref<2x5x128x64xf32, #tpu.memory_space<vmem>> -> memref<1x5x128x64xf32, #tpu.memory_space<vmem>>
      %dma_start3A_497 = tpu.memref_squeeze %dma_start3A_496 : memref<1x5x128x64xf32, #tpu.memory_space<vmem>> -> memref<5x128x64xf32, #tpu.memory_space<vmem>>
      %dma_start3A_498 = arith.constant 0 : i32
      %dma_start3A_499 = arith.constant 0 : i32
      %dma_start3A_500 = tpu.memref_slice %dma_start3A_497[%dma_start3A_490, %dma_start3A_498, %dma_start3A_499] : memref<5x128x64xf32, #tpu.memory_space<vmem>> -> memref<1x128x64xf32, #tpu.memory_space<vmem>>
      %dma_start3A_501 = tpu.memref_squeeze %dma_start3A_500 : memref<1x128x64xf32, #tpu.memory_space<vmem>> -> memref<128x64xf32, #tpu.memory_space<vmem>>
      %dma_start3A_502 = arith.constant 0 : i32
      %dma_start3A_503 = arith.constant 0 : i32
      %dma_start3A_504 = tpu.memref_slice %arg7[%dma_start3A_491, %dma_start3A_502, %dma_start3A_503] : memref<2x5x128xi32, #tpu.memory_space<vmem>> -> memref<1x5x128xi32, #tpu.memory_space<vmem>>
      %dma_start3A_505 = tpu.memref_squeeze %dma_start3A_504 : memref<1x5x128xi32, #tpu.memory_space<vmem>> -> memref<5x128xi32, #tpu.memory_space<vmem>>
      %dma_start3A_506 = arith.constant 0 : i32
      %dma_start3A_507 = tpu.memref_slice %dma_start3A_505[%dma_start3A_492, %dma_start3A_506] : memref<5x128xi32, #tpu.memory_space<vmem>> -> memref<1x128xi32, #tpu.memory_space<vmem>>
      %dma_start3A_508 = tpu.memref_squeeze %dma_start3A_507 : memref<1x128xi32, #tpu.memory_space<vmem>> -> memref<128xi32, #tpu.memory_space<vmem>>
      %dma_start3A_509 = arith.constant 0 : i32
      %dma_start3A_510 = arith.constant 0 : i32
      %dma_start3A_511 = tpu.memref_slice %arg9[%dma_start3A_509, %dma_start3A_510] : memref<10512x64xf32, #tpu.memory_space<vmem_shared>> -> memref<10512x64xf32, #tpu.memory_space<vmem_shared>>
      tpu.enqueue_indirect_dma source(%dma_start3A_501 : memref<128x64xf32, #tpu.memory_space<vmem>>) target(%dma_start3A_511 : memref<10512x64xf32, #tpu.memory_space<vmem_shared>>) offsets(%dma_start3A_508 : memref<128xi32, #tpu.memory_space<vmem>>) semaphore(%arg12 : memref<!tpu.dma_semaphore, #tpu.memory_space<semaphore_mem>>) {add = true}
      %dma_start3A_512 = arith.constant 0 : i32
      %dma_start3A_513 = arith.constant 2 : i32
      %dma_start3A_514 = arith.constant 0 : i32
      %dma_start3A_515 = arith.constant 2 : i32
      %dma_start3A_516 = arith.constant 0 : i32
      %dma_start3A_517 = arith.constant 0 : i32
      %dma_start3A_518 = arith.constant 0 : i32
      %dma_start3A_519 = tpu.memref_slice %arg8[%dma_start3A_512, %dma_start3A_516, %dma_start3A_517, %dma_start3A_518] : memref<2x5x128x64xf32, #tpu.memory_space<vmem>> -> memref<1x5x128x64xf32, #tpu.memory_space<vmem>>
      %dma_start3A_520 = tpu.memref_squeeze %dma_start3A_519 : memref<1x5x128x64xf32, #tpu.memory_space<vmem>> -> memref<5x128x64xf32, #tpu.memory_space<vmem>>
      %dma_start3A_521 = arith.constant 0 : i32
      %dma_start3A_522 = arith.constant 0 : i32
      %dma_start3A_523 = tpu.memref_slice %dma_start3A_520[%dma_start3A_513, %dma_start3A_521, %dma_start3A_522] : memref<5x128x64xf32, #tpu.memory_space<vmem>> -> memref<1x128x64xf32, #tpu.memory_space<vmem>>
      %dma_start3A_524 = tpu.memref_squeeze %dma_start3A_523 : memref<1x128x64xf32, #tpu.memory_space<vmem>> -> memref<128x64xf32, #tpu.memory_space<vmem>>
      %dma_start3A_525 = arith.constant 0 : i32
      %dma_start3A_526 = arith.constant 0 : i32
      %dma_start3A_527 = tpu.memref_slice %arg7[%dma_start3A_514, %dma_start3A_525, %dma_start3A_526] : memref<2x5x128xi32, #tpu.memory_space<vmem>> -> memref<1x5x128xi32, #tpu.memory_space<vmem>>
      %dma_start3A_528 = tpu.memref_squeeze %dma_start3A_527 : memref<1x5x128xi32, #tpu.memory_space<vmem>> -> memref<5x128xi32, #tpu.memory_space<vmem>>
      %dma_start3A_529 = arith.constant 0 : i32
      %dma_start3A_530 = tpu.memref_slice %dma_start3A_528[%dma_start3A_515, %dma_start3A_529] : memref<5x128xi32, #tpu.memory_space<vmem>> -> memref<1x128xi32, #tpu.memory_space<vmem>>
      %dma_start3A_531 = tpu.memref_squeeze %dma_start3A_530 : memref<1x128xi32, #tpu.memory_space<vmem>> -> memref<128xi32, #tpu.memory_space<vmem>>
      %dma_start3A_532 = arith.constant 0 : i32
      %dma_start3A_533 = arith.constant 0 : i32
      %dma_start3A_534 = tpu.memref_slice %arg9[%dma_start3A_532, %dma_start3A_533] : memref<10512x64xf32, #tpu.memory_space<vmem_shared>> -> memref<10512x64xf32, #tpu.memory_space<vmem_shared>>
      tpu.enqueue_indirect_dma source(%dma_start3A_524 : memref<128x64xf32, #tpu.memory_space<vmem>>) target(%dma_start3A_534 : memref<10512x64xf32, #tpu.memory_space<vmem_shared>>) offsets(%dma_start3A_531 : memref<128xi32, #tpu.memory_space<vmem>>) semaphore(%arg12 : memref<!tpu.dma_semaphore, #tpu.memory_space<semaphore_mem>>) {add = true}
      %dma_start3A_535 = arith.constant 0 : i32
      %dma_start3A_536 = arith.constant 3 : i32
      %dma_start3A_537 = arith.constant 0 : i32
      %dma_start3A_538 = arith.constant 3 : i32
      %dma_start3A_539 = arith.constant 0 : i32
      %dma_start3A_540 = arith.constant 0 : i32
      %dma_start3A_541 = arith.constant 0 : i32
      %dma_start3A_542 = tpu.memref_slice %arg8[%dma_start3A_535, %dma_start3A_539, %dma_start3A_540, %dma_start3A_541] : memref<2x5x128x64xf32, #tpu.memory_space<vmem>> -> memref<1x5x128x64xf32, #tpu.memory_space<vmem>>
      %dma_start3A_543 = tpu.memref_squeeze %dma_start3A_542 : memref<1x5x128x64xf32, #tpu.memory_space<vmem>> -> memref<5x128x64xf32, #tpu.memory_space<vmem>>
      %dma_start3A_544 = arith.constant 0 : i32
      %dma_start3A_545 = arith.constant 0 : i32
      %dma_start3A_546 = tpu.memref_slice %dma_start3A_543[%dma_start3A_536, %dma_start3A_544, %dma_start3A_545] : memref<5x128x64xf32, #tpu.memory_space<vmem>> -> memref<1x128x64xf32, #tpu.memory_space<vmem>>
      %dma_start3A_547 = tpu.memref_squeeze %dma_start3A_546 : memref<1x128x64xf32, #tpu.memory_space<vmem>> -> memref<128x64xf32, #tpu.memory_space<vmem>>
      %dma_start3A_548 = arith.constant 0 : i32
      %dma_start3A_549 = arith.constant 0 : i32
      %dma_start3A_550 = tpu.memref_slice %arg7[%dma_start3A_537, %dma_start3A_548, %dma_start3A_549] : memref<2x5x128xi32, #tpu.memory_space<vmem>> -> memref<1x5x128xi32, #tpu.memory_space<vmem>>
      %dma_start3A_551 = tpu.memref_squeeze %dma_start3A_550 : memref<1x5x128xi32, #tpu.memory_space<vmem>> -> memref<5x128xi32, #tpu.memory_space<vmem>>
      %dma_start3A_552 = arith.constant 0 : i32
      %dma_start3A_553 = tpu.memref_slice %dma_start3A_551[%dma_start3A_538, %dma_start3A_552] : memref<5x128xi32, #tpu.memory_space<vmem>> -> memref<1x128xi32, #tpu.memory_space<vmem>>
      %dma_start3A_554 = tpu.memref_squeeze %dma_start3A_553 : memref<1x128xi32, #tpu.memory_space<vmem>> -> memref<128xi32, #tpu.memory_space<vmem>>
      %dma_start3A_555 = arith.constant 0 : i32
      %dma_start3A_556 = arith.constant 0 : i32
      %dma_start3A_557 = tpu.memref_slice %arg9[%dma_start3A_555, %dma_start3A_556] : memref<10512x64xf32, #tpu.memory_space<vmem_shared>> -> memref<10512x64xf32, #tpu.memory_space<vmem_shared>>
      tpu.enqueue_indirect_dma source(%dma_start3A_547 : memref<128x64xf32, #tpu.memory_space<vmem>>) target(%dma_start3A_557 : memref<10512x64xf32, #tpu.memory_space<vmem_shared>>) offsets(%dma_start3A_554 : memref<128xi32, #tpu.memory_space<vmem>>) semaphore(%arg12 : memref<!tpu.dma_semaphore, #tpu.memory_space<semaphore_mem>>) {add = true}
      %dma_start3A_558 = arith.constant 0 : i32
      %dma_start3A_559 = arith.constant 4 : i32
      %dma_start3A_560 = arith.constant 0 : i32
      %dma_start3A_561 = arith.constant 4 : i32
      %dma_start3A_562 = arith.constant 0 : i32
      %dma_start3A_563 = arith.constant 0 : i32
      %dma_start3A_564 = arith.constant 0 : i32
      %dma_start3A_565 = tpu.memref_slice %arg8[%dma_start3A_558, %dma_start3A_562, %dma_start3A_563, %dma_start3A_564] : memref<2x5x128x64xf32, #tpu.memory_space<vmem>> -> memref<1x5x128x64xf32, #tpu.memory_space<vmem>>
      %dma_start3A_566 = tpu.memref_squeeze %dma_start3A_565 : memref<1x5x128x64xf32, #tpu.memory_space<vmem>> -> memref<5x128x64xf32, #tpu.memory_space<vmem>>
      %dma_start3A_567 = arith.constant 0 : i32
      %dma_start3A_568 = arith.constant 0 : i32
      %dma_start3A_569 = tpu.memref_slice %dma_start3A_566[%dma_start3A_559, %dma_start3A_567, %dma_start3A_568] : memref<5x128x64xf32, #tpu.memory_space<vmem>> -> memref<1x128x64xf32, #tpu.memory_space<vmem>>
      %dma_start3A_570 = tpu.memref_squeeze %dma_start3A_569 : memref<1x128x64xf32, #tpu.memory_space<vmem>> -> memref<128x64xf32, #tpu.memory_space<vmem>>
      %dma_start3A_571 = arith.constant 0 : i32
      %dma_start3A_572 = arith.constant 0 : i32
      %dma_start3A_573 = tpu.memref_slice %arg7[%dma_start3A_560, %dma_start3A_571, %dma_start3A_572] : memref<2x5x128xi32, #tpu.memory_space<vmem>> -> memref<1x5x128xi32, #tpu.memory_space<vmem>>
      %dma_start3A_574 = tpu.memref_squeeze %dma_start3A_573 : memref<1x5x128xi32, #tpu.memory_space<vmem>> -> memref<5x128xi32, #tpu.memory_space<vmem>>
      %dma_start3A_575 = arith.constant 0 : i32
      %dma_start3A_576 = tpu.memref_slice %dma_start3A_574[%dma_start3A_561, %dma_start3A_575] : memref<5x128xi32, #tpu.memory_space<vmem>> -> memref<1x128xi32, #tpu.memory_space<vmem>>
      %dma_start3A_577 = tpu.memref_squeeze %dma_start3A_576 : memref<1x128xi32, #tpu.memory_space<vmem>> -> memref<128xi32, #tpu.memory_space<vmem>>
      %dma_start3A_578 = arith.constant 0 : i32
      %dma_start3A_579 = arith.constant 0 : i32
      %dma_start3A_580 = tpu.memref_slice %arg9[%dma_start3A_578, %dma_start3A_579] : memref<10512x64xf32, #tpu.memory_space<vmem_shared>> -> memref<10512x64xf32, #tpu.memory_space<vmem_shared>>
      tpu.enqueue_indirect_dma source(%dma_start3A_570 : memref<128x64xf32, #tpu.memory_space<vmem>>) target(%dma_start3A_580 : memref<10512x64xf32, #tpu.memory_space<vmem_shared>>) offsets(%dma_start3A_577 : memref<128xi32, #tpu.memory_space<vmem>>) semaphore(%arg12 : memref<!tpu.dma_semaphore, #tpu.memory_space<semaphore_mem>>) {add = true}
      %dma_wait3A_581 = arith.constant 0 : i32
      %dma_wait3A_582 = arith.constant 0 : i32
      %dma_wait3A_583 = arith.constant 0 : i32
      %dma_wait3A_584 = arith.constant 0 : i32
      %dma_wait3A_585 = arith.constant 0 : i32
      %dma_wait3A_586 = arith.constant 0 : i32
      %dma_wait3A_587 = arith.constant 0 : i32
      %dma_wait3A_588 = tpu.memref_slice %arg8[%dma_wait3A_581, %dma_wait3A_585, %dma_wait3A_586, %dma_wait3A_587] : memref<2x5x128x64xf32, #tpu.memory_space<vmem>> -> memref<1x5x128x64xf32, #tpu.memory_space<vmem>>
      %dma_wait3A_589 = tpu.memref_squeeze %dma_wait3A_588 : memref<1x5x128x64xf32, #tpu.memory_space<vmem>> -> memref<5x128x64xf32, #tpu.memory_space<vmem>>
      %dma_wait3A_590 = arith.constant 0 : i32
      %dma_wait3A_591 = arith.constant 0 : i32
      %dma_wait3A_592 = tpu.memref_slice %dma_wait3A_589[%dma_wait3A_582, %dma_wait3A_590, %dma_wait3A_591] : memref<5x128x64xf32, #tpu.memory_space<vmem>> -> memref<1x128x64xf32, #tpu.memory_space<vmem>>
      %dma_wait3A_593 = tpu.memref_squeeze %dma_wait3A_592 : memref<1x128x64xf32, #tpu.memory_space<vmem>> -> memref<128x64xf32, #tpu.memory_space<vmem>>
      %dma_wait3A_594 = arith.constant 0 : i32
      %dma_wait3A_595 = arith.constant 0 : i32
      %dma_wait3A_596 = tpu.memref_slice %arg7[%dma_wait3A_583, %dma_wait3A_594, %dma_wait3A_595] : memref<2x5x128xi32, #tpu.memory_space<vmem>> -> memref<1x5x128xi32, #tpu.memory_space<vmem>>
      %dma_wait3A_597 = tpu.memref_squeeze %dma_wait3A_596 : memref<1x5x128xi32, #tpu.memory_space<vmem>> -> memref<5x128xi32, #tpu.memory_space<vmem>>
      %dma_wait3A_598 = arith.constant 0 : i32
      %dma_wait3A_599 = tpu.memref_slice %dma_wait3A_597[%dma_wait3A_584, %dma_wait3A_598] : memref<5x128xi32, #tpu.memory_space<vmem>> -> memref<1x128xi32, #tpu.memory_space<vmem>>
      %dma_wait3A_600 = tpu.memref_squeeze %dma_wait3A_599 : memref<1x128xi32, #tpu.memory_space<vmem>> -> memref<128xi32, #tpu.memory_space<vmem>>
      %dma_wait3A_601 = arith.constant 0 : i32
      %dma_wait3A_602 = arith.constant 0 : i32
      %dma_wait3A_603 = tpu.memref_slice %arg9[%dma_wait3A_601, %dma_wait3A_602] : memref<10512x64xf32, #tpu.memory_space<vmem_shared>> -> memref<10512x64xf32, #tpu.memory_space<vmem_shared>>
      tpu.wait_indirect_dma semaphore(%arg12 : memref<!tpu.dma_semaphore, #tpu.memory_space<semaphore_mem>>) src(%dma_wait3A_593 : memref<128x64xf32, #tpu.memory_space<vmem>>) dst(%dma_wait3A_603 : memref<10512x64xf32, #tpu.memory_space<vmem_shared>>)
      %dma_wait3A_604 = arith.constant 0 : i32
      %dma_wait3A_605 = arith.constant 1 : i32
      %dma_wait3A_606 = arith.constant 0 : i32
      %dma_wait3A_607 = arith.constant 1 : i32
      %dma_wait3A_608 = arith.constant 0 : i32
      %dma_wait3A_609 = arith.constant 0 : i32
      %dma_wait3A_610 = arith.constant 0 : i32
      %dma_wait3A_611 = tpu.memref_slice %arg8[%dma_wait3A_604, %dma_wait3A_608, %dma_wait3A_609, %dma_wait3A_610] : memref<2x5x128x64xf32, #tpu.memory_space<vmem>> -> memref<1x5x128x64xf32, #tpu.memory_space<vmem>>
      %dma_wait3A_612 = tpu.memref_squeeze %dma_wait3A_611 : memref<1x5x128x64xf32, #tpu.memory_space<vmem>> -> memref<5x128x64xf32, #tpu.memory_space<vmem>>
      %dma_wait3A_613 = arith.constant 0 : i32
      %dma_wait3A_614 = arith.constant 0 : i32
      %dma_wait3A_615 = tpu.memref_slice %dma_wait3A_612[%dma_wait3A_605, %dma_wait3A_613, %dma_wait3A_614] : memref<5x128x64xf32, #tpu.memory_space<vmem>> -> memref<1x128x64xf32, #tpu.memory_space<vmem>>
      %dma_wait3A_616 = tpu.memref_squeeze %dma_wait3A_615 : memref<1x128x64xf32, #tpu.memory_space<vmem>> -> memref<128x64xf32, #tpu.memory_space<vmem>>
      %dma_wait3A_617 = arith.constant 0 : i32
      %dma_wait3A_618 = arith.constant 0 : i32
      %dma_wait3A_619 = tpu.memref_slice %arg7[%dma_wait3A_606, %dma_wait3A_617, %dma_wait3A_618] : memref<2x5x128xi32, #tpu.memory_space<vmem>> -> memref<1x5x128xi32, #tpu.memory_space<vmem>>
      %dma_wait3A_620 = tpu.memref_squeeze %dma_wait3A_619 : memref<1x5x128xi32, #tpu.memory_space<vmem>> -> memref<5x128xi32, #tpu.memory_space<vmem>>
      %dma_wait3A_621 = arith.constant 0 : i32
      %dma_wait3A_622 = tpu.memref_slice %dma_wait3A_620[%dma_wait3A_607, %dma_wait3A_621] : memref<5x128xi32, #tpu.memory_space<vmem>> -> memref<1x128xi32, #tpu.memory_space<vmem>>
      %dma_wait3A_623 = tpu.memref_squeeze %dma_wait3A_622 : memref<1x128xi32, #tpu.memory_space<vmem>> -> memref<128xi32, #tpu.memory_space<vmem>>
      %dma_wait3A_624 = arith.constant 0 : i32
      %dma_wait3A_625 = arith.constant 0 : i32
      %dma_wait3A_626 = tpu.memref_slice %arg9[%dma_wait3A_624, %dma_wait3A_625] : memref<10512x64xf32, #tpu.memory_space<vmem_shared>> -> memref<10512x64xf32, #tpu.memory_space<vmem_shared>>
      tpu.wait_indirect_dma semaphore(%arg12 : memref<!tpu.dma_semaphore, #tpu.memory_space<semaphore_mem>>) src(%dma_wait3A_616 : memref<128x64xf32, #tpu.memory_space<vmem>>) dst(%dma_wait3A_626 : memref<10512x64xf32, #tpu.memory_space<vmem_shared>>)
      %dma_wait3A_627 = arith.constant 0 : i32
      %dma_wait3A_628 = arith.constant 2 : i32
      %dma_wait3A_629 = arith.constant 0 : i32
      %dma_wait3A_630 = arith.constant 2 : i32
      %dma_wait3A_631 = arith.constant 0 : i32
      %dma_wait3A_632 = arith.constant 0 : i32
      %dma_wait3A_633 = arith.constant 0 : i32
      %dma_wait3A_634 = tpu.memref_slice %arg8[%dma_wait3A_627, %dma_wait3A_631, %dma_wait3A_632, %dma_wait3A_633] : memref<2x5x128x64xf32, #tpu.memory_space<vmem>> -> memref<1x5x128x64xf32, #tpu.memory_space<vmem>>
      %dma_wait3A_635 = tpu.memref_squeeze %dma_wait3A_634 : memref<1x5x128x64xf32, #tpu.memory_space<vmem>> -> memref<5x128x64xf32, #tpu.memory_space<vmem>>
      %dma_wait3A_636 = arith.constant 0 : i32
      %dma_wait3A_637 = arith.constant 0 : i32
      %dma_wait3A_638 = tpu.memref_slice %dma_wait3A_635[%dma_wait3A_628, %dma_wait3A_636, %dma_wait3A_637] : memref<5x128x64xf32, #tpu.memory_space<vmem>> -> memref<1x128x64xf32, #tpu.memory_space<vmem>>
      %dma_wait3A_639 = tpu.memref_squeeze %dma_wait3A_638 : memref<1x128x64xf32, #tpu.memory_space<vmem>> -> memref<128x64xf32, #tpu.memory_space<vmem>>
      %dma_wait3A_640 = arith.constant 0 : i32
      %dma_wait3A_641 = arith.constant 0 : i32
      %dma_wait3A_642 = tpu.memref_slice %arg7[%dma_wait3A_629, %dma_wait3A_640, %dma_wait3A_641] : memref<2x5x128xi32, #tpu.memory_space<vmem>> -> memref<1x5x128xi32, #tpu.memory_space<vmem>>
      %dma_wait3A_643 = tpu.memref_squeeze %dma_wait3A_642 : memref<1x5x128xi32, #tpu.memory_space<vmem>> -> memref<5x128xi32, #tpu.memory_space<vmem>>
      %dma_wait3A_644 = arith.constant 0 : i32
      %dma_wait3A_645 = tpu.memref_slice %dma_wait3A_643[%dma_wait3A_630, %dma_wait3A_644] : memref<5x128xi32, #tpu.memory_space<vmem>> -> memref<1x128xi32, #tpu.memory_space<vmem>>
      %dma_wait3A_646 = tpu.memref_squeeze %dma_wait3A_645 : memref<1x128xi32, #tpu.memory_space<vmem>> -> memref<128xi32, #tpu.memory_space<vmem>>
      %dma_wait3A_647 = arith.constant 0 : i32
      %dma_wait3A_648 = arith.constant 0 : i32
      %dma_wait3A_649 = tpu.memref_slice %arg9[%dma_wait3A_647, %dma_wait3A_648] : memref<10512x64xf32, #tpu.memory_space<vmem_shared>> -> memref<10512x64xf32, #tpu.memory_space<vmem_shared>>
      tpu.wait_indirect_dma semaphore(%arg12 : memref<!tpu.dma_semaphore, #tpu.memory_space<semaphore_mem>>) src(%dma_wait3A_639 : memref<128x64xf32, #tpu.memory_space<vmem>>) dst(%dma_wait3A_649 : memref<10512x64xf32, #tpu.memory_space<vmem_shared>>)
      %dma_wait3A_650 = arith.constant 0 : i32
      %dma_wait3A_651 = arith.constant 3 : i32
      %dma_wait3A_652 = arith.constant 0 : i32
      %dma_wait3A_653 = arith.constant 3 : i32
      %dma_wait3A_654 = arith.constant 0 : i32
      %dma_wait3A_655 = arith.constant 0 : i32
      %dma_wait3A_656 = arith.constant 0 : i32
      %dma_wait3A_657 = tpu.memref_slice %arg8[%dma_wait3A_650, %dma_wait3A_654, %dma_wait3A_655, %dma_wait3A_656] : memref<2x5x128x64xf32, #tpu.memory_space<vmem>> -> memref<1x5x128x64xf32, #tpu.memory_space<vmem>>
      %dma_wait3A_658 = tpu.memref_squeeze %dma_wait3A_657 : memref<1x5x128x64xf32, #tpu.memory_space<vmem>> -> memref<5x128x64xf32, #tpu.memory_space<vmem>>
      %dma_wait3A_659 = arith.constant 0 : i32
      %dma_wait3A_660 = arith.constant 0 : i32
      %dma_wait3A_661 = tpu.memref_slice %dma_wait3A_658[%dma_wait3A_651, %dma_wait3A_659, %dma_wait3A_660] : memref<5x128x64xf32, #tpu.memory_space<vmem>> -> memref<1x128x64xf32, #tpu.memory_space<vmem>>
      %dma_wait3A_662 = tpu.memref_squeeze %dma_wait3A_661 : memref<1x128x64xf32, #tpu.memory_space<vmem>> -> memref<128x64xf32, #tpu.memory_space<vmem>>
      %dma_wait3A_663 = arith.constant 0 : i32
      %dma_wait3A_664 = arith.constant 0 : i32
      %dma_wait3A_665 = tpu.memref_slice %arg7[%dma_wait3A_652, %dma_wait3A_663, %dma_wait3A_664] : memref<2x5x128xi32, #tpu.memory_space<vmem>> -> memref<1x5x128xi32, #tpu.memory_space<vmem>>
      %dma_wait3A_666 = tpu.memref_squeeze %dma_wait3A_665 : memref<1x5x128xi32, #tpu.memory_space<vmem>> -> memref<5x128xi32, #tpu.memory_space<vmem>>
      %dma_wait3A_667 = arith.constant 0 : i32
      %dma_wait3A_668 = tpu.memref_slice %dma_wait3A_666[%dma_wait3A_653, %dma_wait3A_667] : memref<5x128xi32, #tpu.memory_space<vmem>> -> memref<1x128xi32, #tpu.memory_space<vmem>>
      %dma_wait3A_669 = tpu.memref_squeeze %dma_wait3A_668 : memref<1x128xi32, #tpu.memory_space<vmem>> -> memref<128xi32, #tpu.memory_space<vmem>>
      %dma_wait3A_670 = arith.constant 0 : i32
      %dma_wait3A_671 = arith.constant 0 : i32
      %dma_wait3A_672 = tpu.memref_slice %arg9[%dma_wait3A_670, %dma_wait3A_671] : memref<10512x64xf32, #tpu.memory_space<vmem_shared>> -> memref<10512x64xf32, #tpu.memory_space<vmem_shared>>
      tpu.wait_indirect_dma semaphore(%arg12 : memref<!tpu.dma_semaphore, #tpu.memory_space<semaphore_mem>>) src(%dma_wait3A_662 : memref<128x64xf32, #tpu.memory_space<vmem>>) dst(%dma_wait3A_672 : memref<10512x64xf32, #tpu.memory_space<vmem_shared>>)
      %dma_wait3A_673 = arith.constant 0 : i32
      %dma_wait3A_674 = arith.constant 4 : i32
      %dma_wait3A_675 = arith.constant 0 : i32
      %dma_wait3A_676 = arith.constant 4 : i32
      %dma_wait3A_677 = arith.constant 0 : i32
      %dma_wait3A_678 = arith.constant 0 : i32
      %dma_wait3A_679 = arith.constant 0 : i32
      %dma_wait3A_680 = tpu.memref_slice %arg8[%dma_wait3A_673, %dma_wait3A_677, %dma_wait3A_678, %dma_wait3A_679] : memref<2x5x128x64xf32, #tpu.memory_space<vmem>> -> memref<1x5x128x64xf32, #tpu.memory_space<vmem>>
      %dma_wait3A_681 = tpu.memref_squeeze %dma_wait3A_680 : memref<1x5x128x64xf32, #tpu.memory_space<vmem>> -> memref<5x128x64xf32, #tpu.memory_space<vmem>>
      %dma_wait3A_682 = arith.constant 0 : i32
      %dma_wait3A_683 = arith.constant 0 : i32
      %dma_wait3A_684 = tpu.memref_slice %dma_wait3A_681[%dma_wait3A_674, %dma_wait3A_682, %dma_wait3A_683] : memref<5x128x64xf32, #tpu.memory_space<vmem>> -> memref<1x128x64xf32, #tpu.memory_space<vmem>>
      %dma_wait3A_685 = tpu.memref_squeeze %dma_wait3A_684 : memref<1x128x64xf32, #tpu.memory_space<vmem>> -> memref<128x64xf32, #tpu.memory_space<vmem>>
      %dma_wait3A_686 = arith.constant 0 : i32
      %dma_wait3A_687 = arith.constant 0 : i32
      %dma_wait3A_688 = tpu.memref_slice %arg7[%dma_wait3A_675, %dma_wait3A_686, %dma_wait3A_687] : memref<2x5x128xi32, #tpu.memory_space<vmem>> -> memref<1x5x128xi32, #tpu.memory_space<vmem>>
      %dma_wait3A_689 = tpu.memref_squeeze %dma_wait3A_688 : memref<1x5x128xi32, #tpu.memory_space<vmem>> -> memref<5x128xi32, #tpu.memory_space<vmem>>
      %dma_wait3A_690 = arith.constant 0 : i32
      %dma_wait3A_691 = tpu.memref_slice %dma_wait3A_689[%dma_wait3A_676, %dma_wait3A_690] : memref<5x128xi32, #tpu.memory_space<vmem>> -> memref<1x128xi32, #tpu.memory_space<vmem>>
      %dma_wait3A_692 = tpu.memref_squeeze %dma_wait3A_691 : memref<1x128xi32, #tpu.memory_space<vmem>> -> memref<128xi32, #tpu.memory_space<vmem>>
      %dma_wait3A_693 = arith.constant 0 : i32
      %dma_wait3A_694 = arith.constant 0 : i32
      %dma_wait3A_695 = tpu.memref_slice %arg9[%dma_wait3A_693, %dma_wait3A_694] : memref<10512x64xf32, #tpu.memory_space<vmem_shared>> -> memref<10512x64xf32, #tpu.memory_space<vmem_shared>>
      tpu.wait_indirect_dma semaphore(%arg12 : memref<!tpu.dma_semaphore, #tpu.memory_space<semaphore_mem>>) src(%dma_wait3A_685 : memref<128x64xf32, #tpu.memory_space<vmem>>) dst(%dma_wait3A_695 : memref<10512x64xf32, #tpu.memory_space<vmem_shared>>)
      %add3A_696 = arith.constant 2 : i32
      %add3A_697 = arith.addi %add3A_296, %add3A_696 : i32
      %lt3A = arith.constant 32 : i32
      %lt3A_698 = arith.cmpi slt, %add3A_697, %lt3A : i32
      %convert_element_type3A = arith.extui %lt3A_698 : i1 to i32
      %cond3A = arith.constant 0 : i32
      %cond3A_699 = arith.cmpi ne, %convert_element_type3A, %cond3A : i32
      scf.if %cond3A_699 {
        %add3A_1111 = arith.constant 2 : i32
        %add3A_1112 = arith.addi %add3A_296, %add3A_1111 : i32
        %mul3A_1113 = arith.constant 5 : i32
        %mul3A_1114 = arith.muli %add3A_1112, %mul3A_1113 : i32
        %add3A_1115 = arith.addi %mul3A_2, %mul3A_1114 : i32
        %run_scoped3A_1116 = arith.constant 0 : i32
        "tpu.region"() ({
          %run_scoped3A_1253 = tpu.sem_alloc : memref<!tpu.dma_semaphore, #tpu.memory_space<semaphore_mem>>
          %dma_start3A_1254 = arith.constant 0 : i32
          %dma_start3A_1255 = arith.constant 0 : i32
          %dma_start3A_1256 = tpu.memref_slice %arg6[%run_scoped3A_1116, %dma_start3A_1254, %dma_start3A_1255] : memref<2x5x128xi32, #tpu.memory_space<vmem>> -> memref<1x5x128xi32, #tpu.memory_space<vmem>>
          %dma_start3A_1257 = tpu.memref_squeeze %dma_start3A_1256 : memref<1x5x128xi32, #tpu.memory_space<vmem>> -> memref<5x128xi32, #tpu.memory_space<vmem>>
          %dma_start3A_1258 = arith.constant 0 : i32
          %dma_start3A_1259 = arith.constant 0 : i32
          %dma_start3A_1260 = tpu.memref_slice %arg3[%scan3A_282, %dma_start3A_1258, %dma_start3A_1259] : memref<2x2560x128xi32, #tpu.memory_space<hbm>> -> memref<1x2560x128xi32, #tpu.memory_space<hbm>>
          %dma_start3A_1261 = tpu.memref_squeeze %dma_start3A_1260 : memref<1x2560x128xi32, #tpu.memory_space<hbm>> -> memref<2560x128xi32, #tpu.memory_space<hbm>>
          %dma_start3A_1262 = arith.constant 0 : i32
          %dma_start3A_1263 = tpu.memref_slice %dma_start3A_1261[%add3A_1115, %dma_start3A_1262] : memref<2560x128xi32, #tpu.memory_space<hbm>> -> memref<5x128xi32, #tpu.memory_space<hbm>>
          %dma_start3A_1264 = arith.constant 0 : i32
          %dma_start3A_1265 = arith.constant 0 : i32
          %dma_start3A_1266 = tpu.memref_slice %arg6[%run_scoped3A_1116, %dma_start3A_1264, %dma_start3A_1265] : memref<2x5x128xi32, #tpu.memory_space<vmem>> -> memref<1x5x128xi32, #tpu.memory_space<vmem>>
          %dma_start3A_1267 = tpu.memref_squeeze %dma_start3A_1266 : memref<1x5x128xi32, #tpu.memory_space<vmem>> -> memref<5x128xi32, #tpu.memory_space<vmem>>
          %dma_start3A_1268 = arith.constant 0 : i32
          %dma_start3A_1269 = arith.constant 0 : i32
          %dma_start3A_1270 = tpu.memref_slice %arg3[%scan3A_282, %dma_start3A_1268, %dma_start3A_1269] : memref<2x2560x128xi32, #tpu.memory_space<hbm>> -> memref<1x2560x128xi32, #tpu.memory_space<hbm>>
          %dma_start3A_1271 = tpu.memref_squeeze %dma_start3A_1270 : memref<1x2560x128xi32, #tpu.memory_space<hbm>> -> memref<2560x128xi32, #tpu.memory_space<hbm>>
          %dma_start3A_1272 = arith.constant 0 : i32
          %dma_start3A_1273 = tpu.memref_slice %dma_start3A_1271[%add3A_1115, %dma_start3A_1272] : memref<2560x128xi32, #tpu.memory_space<hbm>> -> memref<5x128xi32, #tpu.memory_space<hbm>>
          tpu.enqueue_dma source(%dma_start3A_1273 : memref<5x128xi32, #tpu.memory_space<hbm>>) target(%dma_start3A_1267 : memref<5x128xi32, #tpu.memory_space<vmem>>) target_semaphore(%run_scoped3A_1253 : memref<!tpu.dma_semaphore, #tpu.memory_space<semaphore_mem>>)
          %dma_wait3A_1274 = arith.constant 0 : i32
          %dma_wait3A_1275 = arith.constant 0 : i32
          %dma_wait3A_1276 = tpu.memref_slice %arg6[%run_scoped3A_1116, %dma_wait3A_1274, %dma_wait3A_1275] : memref<2x5x128xi32, #tpu.memory_space<vmem>> -> memref<1x5x128xi32, #tpu.memory_space<vmem>>
          %dma_wait3A_1277 = tpu.memref_squeeze %dma_wait3A_1276 : memref<1x5x128xi32, #tpu.memory_space<vmem>> -> memref<5x128xi32, #tpu.memory_space<vmem>>
          %dma_wait3A_1278 = arith.constant 0 : i32
          %dma_wait3A_1279 = arith.constant 0 : i32
          %dma_wait3A_1280 = tpu.memref_slice %arg3[%scan3A_282, %dma_wait3A_1278, %dma_wait3A_1279] : memref<2x2560x128xi32, #tpu.memory_space<hbm>> -> memref<1x2560x128xi32, #tpu.memory_space<hbm>>
          %dma_wait3A_1281 = tpu.memref_squeeze %dma_wait3A_1280 : memref<1x2560x128xi32, #tpu.memory_space<hbm>> -> memref<2560x128xi32, #tpu.memory_space<hbm>>
          %dma_wait3A_1282 = arith.constant 0 : i32
          %dma_wait3A_1283 = tpu.memref_slice %dma_wait3A_1281[%add3A_1115, %dma_wait3A_1282] : memref<2560x128xi32, #tpu.memory_space<hbm>> -> memref<5x128xi32, #tpu.memory_space<hbm>>
          %dma_wait3A_1284 = arith.constant 0 : i32
          %dma_wait3A_1285 = arith.constant 0 : i32
          %dma_wait3A_1286 = tpu.memref_slice %arg6[%run_scoped3A_1116, %dma_wait3A_1284, %dma_wait3A_1285] : memref<2x5x128xi32, #tpu.memory_space<vmem>> -> memref<1x5x128xi32, #tpu.memory_space<vmem>>
          %dma_wait3A_1287 = tpu.memref_squeeze %dma_wait3A_1286 : memref<1x5x128xi32, #tpu.memory_space<vmem>> -> memref<5x128xi32, #tpu.memory_space<vmem>>
          %dma_wait3A_1288 = arith.constant 0 : i32
          %dma_wait3A_1289 = arith.constant 0 : i32
          %dma_wait3A_1290 = tpu.memref_slice %arg3[%scan3A_282, %dma_wait3A_1288, %dma_wait3A_1289] : memref<2x2560x128xi32, #tpu.memory_space<hbm>> -> memref<1x2560x128xi32, #tpu.memory_space<hbm>>
          %dma_wait3A_1291 = tpu.memref_squeeze %dma_wait3A_1290 : memref<1x2560x128xi32, #tpu.memory_space<hbm>> -> memref<2560x128xi32, #tpu.memory_space<hbm>>
          %dma_wait3A_1292 = arith.constant 0 : i32
          %dma_wait3A_1293 = tpu.memref_slice %dma_wait3A_1291[%add3A_1115, %dma_wait3A_1292] : memref<2560x128xi32, #tpu.memory_space<hbm>> -> memref<5x128xi32, #tpu.memory_space<hbm>>
          tpu.wait_dma2 semaphore(%run_scoped3A_1253 : memref<!tpu.dma_semaphore, #tpu.memory_space<semaphore_mem>>) src(%dma_wait3A_1293 : memref<5x128xi32, #tpu.memory_space<hbm>>) dst(%dma_wait3A_1287 : memref<5x128xi32, #tpu.memory_space<vmem>>)
          tpu.yield
        }) : () -> ()
        %run_scoped3A_1117 = arith.constant 0 : i32
        "tpu.region"() ({
          %run_scoped3A_1253 = tpu.sem_alloc : memref<!tpu.dma_semaphore, #tpu.memory_space<semaphore_mem>>
          %dma_start3A_1254 = arith.constant 0 : i32
          %dma_start3A_1255 = arith.constant 0 : i32
          %dma_start3A_1256 = tpu.memref_slice %arg7[%run_scoped3A_1117, %dma_start3A_1254, %dma_start3A_1255] : memref<2x5x128xi32, #tpu.memory_space<vmem>> -> memref<1x5x128xi32, #tpu.memory_space<vmem>>
          %dma_start3A_1257 = tpu.memref_squeeze %dma_start3A_1256 : memref<1x5x128xi32, #tpu.memory_space<vmem>> -> memref<5x128xi32, #tpu.memory_space<vmem>>
          %dma_start3A_1258 = arith.constant 0 : i32
          %dma_start3A_1259 = arith.constant 0 : i32
          %dma_start3A_1260 = tpu.memref_slice %arg3[%scan3A_283, %dma_start3A_1258, %dma_start3A_1259] : memref<2x2560x128xi32, #tpu.memory_space<hbm>> -> memref<1x2560x128xi32, #tpu.memory_space<hbm>>
          %dma_start3A_1261 = tpu.memref_squeeze %dma_start3A_1260 : memref<1x2560x128xi32, #tpu.memory_space<hbm>> -> memref<2560x128xi32, #tpu.memory_space<hbm>>
          %dma_start3A_1262 = arith.constant 0 : i32
          %dma_start3A_1263 = tpu.memref_slice %dma_start3A_1261[%add3A_1115, %dma_start3A_1262] : memref<2560x128xi32, #tpu.memory_space<hbm>> -> memref<5x128xi32, #tpu.memory_space<hbm>>
          %dma_start3A_1264 = arith.constant 0 : i32
          %dma_start3A_1265 = arith.constant 0 : i32
          %dma_start3A_1266 = tpu.memref_slice %arg7[%run_scoped3A_1117, %dma_start3A_1264, %dma_start3A_1265] : memref<2x5x128xi32, #tpu.memory_space<vmem>> -> memref<1x5x128xi32, #tpu.memory_space<vmem>>
          %dma_start3A_1267 = tpu.memref_squeeze %dma_start3A_1266 : memref<1x5x128xi32, #tpu.memory_space<vmem>> -> memref<5x128xi32, #tpu.memory_space<vmem>>
          %dma_start3A_1268 = arith.constant 0 : i32
          %dma_start3A_1269 = arith.constant 0 : i32
          %dma_start3A_1270 = tpu.memref_slice %arg3[%scan3A_283, %dma_start3A_1268, %dma_start3A_1269] : memref<2x2560x128xi32, #tpu.memory_space<hbm>> -> memref<1x2560x128xi32, #tpu.memory_space<hbm>>
          %dma_start3A_1271 = tpu.memref_squeeze %dma_start3A_1270 : memref<1x2560x128xi32, #tpu.memory_space<hbm>> -> memref<2560x128xi32, #tpu.memory_space<hbm>>
          %dma_start3A_1272 = arith.constant 0 : i32
          %dma_start3A_1273 = tpu.memref_slice %dma_start3A_1271[%add3A_1115, %dma_start3A_1272] : memref<2560x128xi32, #tpu.memory_space<hbm>> -> memref<5x128xi32, #tpu.memory_space<hbm>>
          tpu.enqueue_dma source(%dma_start3A_1273 : memref<5x128xi32, #tpu.memory_space<hbm>>) target(%dma_start3A_1267 : memref<5x128xi32, #tpu.memory_space<vmem>>) target_semaphore(%run_scoped3A_1253 : memref<!tpu.dma_semaphore, #tpu.memory_space<semaphore_mem>>)
          %dma_wait3A_1274 = arith.constant 0 : i32
          %dma_wait3A_1275 = arith.constant 0 : i32
          %dma_wait3A_1276 = tpu.memref_slice %arg7[%run_scoped3A_1117, %dma_wait3A_1274, %dma_wait3A_1275] : memref<2x5x128xi32, #tpu.memory_space<vmem>> -> memref<1x5x128xi32, #tpu.memory_space<vmem>>
          %dma_wait3A_1277 = tpu.memref_squeeze %dma_wait3A_1276 : memref<1x5x128xi32, #tpu.memory_space<vmem>> -> memref<5x128xi32, #tpu.memory_space<vmem>>
          %dma_wait3A_1278 = arith.constant 0 : i32
          %dma_wait3A_1279 = arith.constant 0 : i32
          %dma_wait3A_1280 = tpu.memref_slice %arg3[%scan3A_283, %dma_wait3A_1278, %dma_wait3A_1279] : memref<2x2560x128xi32, #tpu.memory_space<hbm>> -> memref<1x2560x128xi32, #tpu.memory_space<hbm>>
          %dma_wait3A_1281 = tpu.memref_squeeze %dma_wait3A_1280 : memref<1x2560x128xi32, #tpu.memory_space<hbm>> -> memref<2560x128xi32, #tpu.memory_space<hbm>>
          %dma_wait3A_1282 = arith.constant 0 : i32
          %dma_wait3A_1283 = tpu.memref_slice %dma_wait3A_1281[%add3A_1115, %dma_wait3A_1282] : memref<2560x128xi32, #tpu.memory_space<hbm>> -> memref<5x128xi32, #tpu.memory_space<hbm>>
          %dma_wait3A_1284 = arith.constant 0 : i32
          %dma_wait3A_1285 = arith.constant 0 : i32
          %dma_wait3A_1286 = tpu.memref_slice %arg7[%run_scoped3A_1117, %dma_wait3A_1284, %dma_wait3A_1285] : memref<2x5x128xi32, #tpu.memory_space<vmem>> -> memref<1x5x128xi32, #tpu.memory_space<vmem>>
          %dma_wait3A_1287 = tpu.memref_squeeze %dma_wait3A_1286 : memref<1x5x128xi32, #tpu.memory_space<vmem>> -> memref<5x128xi32, #tpu.memory_space<vmem>>
          %dma_wait3A_1288 = arith.constant 0 : i32
          %dma_wait3A_1289 = arith.constant 0 : i32
          %dma_wait3A_1290 = tpu.memref_slice %arg3[%scan3A_283, %dma_wait3A_1288, %dma_wait3A_1289] : memref<2x2560x128xi32, #tpu.memory_space<hbm>> -> memref<1x2560x128xi32, #tpu.memory_space<hbm>>
          %dma_wait3A_1291 = tpu.memref_squeeze %dma_wait3A_1290 : memref<1x2560x128xi32, #tpu.memory_space<hbm>> -> memref<2560x128xi32, #tpu.memory_space<hbm>>
          %dma_wait3A_1292 = arith.constant 0 : i32
          %dma_wait3A_1293 = tpu.memref_slice %dma_wait3A_1291[%add3A_1115, %dma_wait3A_1292] : memref<2560x128xi32, #tpu.memory_space<hbm>> -> memref<5x128xi32, #tpu.memory_space<hbm>>
          tpu.wait_dma2 semaphore(%run_scoped3A_1253 : memref<!tpu.dma_semaphore, #tpu.memory_space<semaphore_mem>>) src(%dma_wait3A_1293 : memref<5x128xi32, #tpu.memory_space<hbm>>) dst(%dma_wait3A_1287 : memref<5x128xi32, #tpu.memory_space<vmem>>)
          tpu.yield
        }) : () -> ()
        %dma_start3A_1118 = arith.constant 0 : i32
        %dma_start3A_1119 = arith.constant 0 : i32
        %dma_start3A_1120 = arith.constant 0 : i32
        %dma_start3A_1121 = arith.constant 0 : i32
        %dma_start3A_1122 = arith.constant 0 : i32
        %dma_start3A_1123 = arith.constant 0 : i32
        %dma_start3A_1124 = arith.constant 0 : i32
        %dma_start3A_1125 = tpu.memref_slice %arg8[%dma_start3A_1120, %dma_start3A_1122, %dma_start3A_1123, %dma_start3A_1124] : memref<2x5x128x64xf32, #tpu.memory_space<vmem>> -> memref<1x5x128x64xf32, #tpu.memory_space<vmem>>
        %dma_start3A_1126 = tpu.memref_squeeze %dma_start3A_1125 : memref<1x5x128x64xf32, #tpu.memory_space<vmem>> -> memref<5x128x64xf32, #tpu.memory_space<vmem>>
        %dma_start3A_1127 = arith.constant 0 : i32
        %dma_start3A_1128 = arith.constant 0 : i32
        %dma_start3A_1129 = tpu.memref_slice %dma_start3A_1126[%dma_start3A_1121, %dma_start3A_1127, %dma_start3A_1128] : memref<5x128x64xf32, #tpu.memory_space<vmem>> -> memref<1x128x64xf32, #tpu.memory_space<vmem>>
        %dma_start3A_1130 = tpu.memref_squeeze %dma_start3A_1129 : memref<1x128x64xf32, #tpu.memory_space<vmem>> -> memref<128x64xf32, #tpu.memory_space<vmem>>
        %dma_start3A_1131 = arith.constant 0 : i32
        %dma_start3A_1132 = arith.constant 0 : i32
        %dma_start3A_1133 = tpu.memref_slice %arg6[%dma_start3A_1118, %dma_start3A_1131, %dma_start3A_1132] : memref<2x5x128xi32, #tpu.memory_space<vmem>> -> memref<1x5x128xi32, #tpu.memory_space<vmem>>
        %dma_start3A_1134 = tpu.memref_squeeze %dma_start3A_1133 : memref<1x5x128xi32, #tpu.memory_space<vmem>> -> memref<5x128xi32, #tpu.memory_space<vmem>>
        %dma_start3A_1135 = arith.constant 0 : i32
        %dma_start3A_1136 = tpu.memref_slice %dma_start3A_1134[%dma_start3A_1119, %dma_start3A_1135] : memref<5x128xi32, #tpu.memory_space<vmem>> -> memref<1x128xi32, #tpu.memory_space<vmem>>
        %dma_start3A_1137 = tpu.memref_squeeze %dma_start3A_1136 : memref<1x128xi32, #tpu.memory_space<vmem>> -> memref<128xi32, #tpu.memory_space<vmem>>
        %dma_start3A_1138 = arith.constant 0 : i32
        %dma_start3A_1139 = arith.constant 0 : i32
        %dma_start3A_1140 = tpu.memref_slice %arg2[%arg0, %dma_start3A_1138, %dma_start3A_1139] : memref<2x10000x64xf32, #tpu.memory_space<hbm>> -> memref<1x10000x64xf32, #tpu.memory_space<hbm>>
        %dma_start3A_1141 = tpu.memref_squeeze %dma_start3A_1140 : memref<1x10000x64xf32, #tpu.memory_space<hbm>> -> memref<10000x64xf32, #tpu.memory_space<hbm>>
        %dma_start3A_1142 = arith.constant 0 : i32
        %dma_start3A_1143 = arith.constant 0 : i32
        %dma_start3A_1144 = tpu.memref_slice %dma_start3A_1141[%dma_start3A_1142, %dma_start3A_1143] : memref<10000x64xf32, #tpu.memory_space<hbm>> -> memref<10000x64xf32, #tpu.memory_space<hbm>>
        tpu.enqueue_indirect_dma source(%dma_start3A_1144 : memref<10000x64xf32, #tpu.memory_space<hbm>>) target(%dma_start3A_1130 : memref<128x64xf32, #tpu.memory_space<vmem>>) offsets(%dma_start3A_1137 : memref<128xi32, #tpu.memory_space<vmem>>) semaphore(%arg10 : memref<!tpu.dma_semaphore, #tpu.memory_space<semaphore_mem>>)
        %dma_start3A_1145 = arith.constant 0 : i32
        %dma_start3A_1146 = arith.constant 1 : i32
        %dma_start3A_1147 = arith.constant 0 : i32
        %dma_start3A_1148 = arith.constant 1 : i32
        %dma_start3A_1149 = arith.constant 0 : i32
        %dma_start3A_1150 = arith.constant 0 : i32
        %dma_start3A_1151 = arith.constant 0 : i32
        %dma_start3A_1152 = tpu.memref_slice %arg8[%dma_start3A_1147, %dma_start3A_1149, %dma_start3A_1150, %dma_start3A_1151] : memref<2x5x128x64xf32, #tpu.memory_space<vmem>> -> memref<1x5x128x64xf32, #tpu.memory_space<vmem>>
        %dma_start3A_1153 = tpu.memref_squeeze %dma_start3A_1152 : memref<1x5x128x64xf32, #tpu.memory_space<vmem>> -> memref<5x128x64xf32, #tpu.memory_space<vmem>>
        %dma_start3A_1154 = arith.constant 0 : i32
        %dma_start3A_1155 = arith.constant 0 : i32
        %dma_start3A_1156 = tpu.memref_slice %dma_start3A_1153[%dma_start3A_1148, %dma_start3A_1154, %dma_start3A_1155] : memref<5x128x64xf32, #tpu.memory_space<vmem>> -> memref<1x128x64xf32, #tpu.memory_space<vmem>>
        %dma_start3A_1157 = tpu.memref_squeeze %dma_start3A_1156 : memref<1x128x64xf32, #tpu.memory_space<vmem>> -> memref<128x64xf32, #tpu.memory_space<vmem>>
        %dma_start3A_1158 = arith.constant 0 : i32
        %dma_start3A_1159 = arith.constant 0 : i32
        %dma_start3A_1160 = tpu.memref_slice %arg6[%dma_start3A_1145, %dma_start3A_1158, %dma_start3A_1159] : memref<2x5x128xi32, #tpu.memory_space<vmem>> -> memref<1x5x128xi32, #tpu.memory_space<vmem>>
        %dma_start3A_1161 = tpu.memref_squeeze %dma_start3A_1160 : memref<1x5x128xi32, #tpu.memory_space<vmem>> -> memref<5x128xi32, #tpu.memory_space<vmem>>
        %dma_start3A_1162 = arith.constant 0 : i32
        %dma_start3A_1163 = tpu.memref_slice %dma_start3A_1161[%dma_start3A_1146, %dma_start3A_1162] : memref<5x128xi32, #tpu.memory_space<vmem>> -> memref<1x128xi32, #tpu.memory_space<vmem>>
        %dma_start3A_1164 = tpu.memref_squeeze %dma_start3A_1163 : memref<1x128xi32, #tpu.memory_space<vmem>> -> memref<128xi32, #tpu.memory_space<vmem>>
        %dma_start3A_1165 = arith.constant 0 : i32
        %dma_start3A_1166 = arith.constant 0 : i32
        %dma_start3A_1167 = tpu.memref_slice %arg2[%arg0, %dma_start3A_1165, %dma_start3A_1166] : memref<2x10000x64xf32, #tpu.memory_space<hbm>> -> memref<1x10000x64xf32, #tpu.memory_space<hbm>>
        %dma_start3A_1168 = tpu.memref_squeeze %dma_start3A_1167 : memref<1x10000x64xf32, #tpu.memory_space<hbm>> -> memref<10000x64xf32, #tpu.memory_space<hbm>>
        %dma_start3A_1169 = arith.constant 0 : i32
        %dma_start3A_1170 = arith.constant 0 : i32
        %dma_start3A_1171 = tpu.memref_slice %dma_start3A_1168[%dma_start3A_1169, %dma_start3A_1170] : memref<10000x64xf32, #tpu.memory_space<hbm>> -> memref<10000x64xf32, #tpu.memory_space<hbm>>
        tpu.enqueue_indirect_dma source(%dma_start3A_1171 : memref<10000x64xf32, #tpu.memory_space<hbm>>) target(%dma_start3A_1157 : memref<128x64xf32, #tpu.memory_space<vmem>>) offsets(%dma_start3A_1164 : memref<128xi32, #tpu.memory_space<vmem>>) semaphore(%arg10 : memref<!tpu.dma_semaphore, #tpu.memory_space<semaphore_mem>>)
        %dma_start3A_1172 = arith.constant 0 : i32
        %dma_start3A_1173 = arith.constant 2 : i32
        %dma_start3A_1174 = arith.constant 0 : i32
        %dma_start3A_1175 = arith.constant 2 : i32
        %dma_start3A_1176 = arith.constant 0 : i32
        %dma_start3A_1177 = arith.constant 0 : i32
        %dma_start3A_1178 = arith.constant 0 : i32
        %dma_start3A_1179 = tpu.memref_slice %arg8[%dma_start3A_1174, %dma_start3A_1176, %dma_start3A_1177, %dma_start3A_1178] : memref<2x5x128x64xf32, #tpu.memory_space<vmem>> -> memref<1x5x128x64xf32, #tpu.memory_space<vmem>>
        %dma_start3A_1180 = tpu.memref_squeeze %dma_start3A_1179 : memref<1x5x128x64xf32, #tpu.memory_space<vmem>> -> memref<5x128x64xf32, #tpu.memory_space<vmem>>
        %dma_start3A_1181 = arith.constant 0 : i32
        %dma_start3A_1182 = arith.constant 0 : i32
        %dma_start3A_1183 = tpu.memref_slice %dma_start3A_1180[%dma_start3A_1175, %dma_start3A_1181, %dma_start3A_1182] : memref<5x128x64xf32, #tpu.memory_space<vmem>> -> memref<1x128x64xf32, #tpu.memory_space<vmem>>
        %dma_start3A_1184 = tpu.memref_squeeze %dma_start3A_1183 : memref<1x128x64xf32, #tpu.memory_space<vmem>> -> memref<128x64xf32, #tpu.memory_space<vmem>>
        %dma_start3A_1185 = arith.constant 0 : i32
        %dma_start3A_1186 = arith.constant 0 : i32
        %dma_start3A_1187 = tpu.memref_slice %arg6[%dma_start3A_1172, %dma_start3A_1185, %dma_start3A_1186] : memref<2x5x128xi32, #tpu.memory_space<vmem>> -> memref<1x5x128xi32, #tpu.memory_space<vmem>>
        %dma_start3A_1188 = tpu.memref_squeeze %dma_start3A_1187 : memref<1x5x128xi32, #tpu.memory_space<vmem>> -> memref<5x128xi32, #tpu.memory_space<vmem>>
        %dma_start3A_1189 = arith.constant 0 : i32
        %dma_start3A_1190 = tpu.memref_slice %dma_start3A_1188[%dma_start3A_1173, %dma_start3A_1189] : memref<5x128xi32, #tpu.memory_space<vmem>> -> memref<1x128xi32, #tpu.memory_space<vmem>>
        %dma_start3A_1191 = tpu.memref_squeeze %dma_start3A_1190 : memref<1x128xi32, #tpu.memory_space<vmem>> -> memref<128xi32, #tpu.memory_space<vmem>>
        %dma_start3A_1192 = arith.constant 0 : i32
        %dma_start3A_1193 = arith.constant 0 : i32
        %dma_start3A_1194 = tpu.memref_slice %arg2[%arg0, %dma_start3A_1192, %dma_start3A_1193] : memref<2x10000x64xf32, #tpu.memory_space<hbm>> -> memref<1x10000x64xf32, #tpu.memory_space<hbm>>
        %dma_start3A_1195 = tpu.memref_squeeze %dma_start3A_1194 : memref<1x10000x64xf32, #tpu.memory_space<hbm>> -> memref<10000x64xf32, #tpu.memory_space<hbm>>
        %dma_start3A_1196 = arith.constant 0 : i32
        %dma_start3A_1197 = arith.constant 0 : i32
        %dma_start3A_1198 = tpu.memref_slice %dma_start3A_1195[%dma_start3A_1196, %dma_start3A_1197] : memref<10000x64xf32, #tpu.memory_space<hbm>> -> memref<10000x64xf32, #tpu.memory_space<hbm>>
        tpu.enqueue_indirect_dma source(%dma_start3A_1198 : memref<10000x64xf32, #tpu.memory_space<hbm>>) target(%dma_start3A_1184 : memref<128x64xf32, #tpu.memory_space<vmem>>) offsets(%dma_start3A_1191 : memref<128xi32, #tpu.memory_space<vmem>>) semaphore(%arg10 : memref<!tpu.dma_semaphore, #tpu.memory_space<semaphore_mem>>)
        %dma_start3A_1199 = arith.constant 0 : i32
        %dma_start3A_1200 = arith.constant 3 : i32
        %dma_start3A_1201 = arith.constant 0 : i32
        %dma_start3A_1202 = arith.constant 3 : i32
        %dma_start3A_1203 = arith.constant 0 : i32
        %dma_start3A_1204 = arith.constant 0 : i32
        %dma_start3A_1205 = arith.constant 0 : i32
        %dma_start3A_1206 = tpu.memref_slice %arg8[%dma_start3A_1201, %dma_start3A_1203, %dma_start3A_1204, %dma_start3A_1205] : memref<2x5x128x64xf32, #tpu.memory_space<vmem>> -> memref<1x5x128x64xf32, #tpu.memory_space<vmem>>
        %dma_start3A_1207 = tpu.memref_squeeze %dma_start3A_1206 : memref<1x5x128x64xf32, #tpu.memory_space<vmem>> -> memref<5x128x64xf32, #tpu.memory_space<vmem>>
        %dma_start3A_1208 = arith.constant 0 : i32
        %dma_start3A_1209 = arith.constant 0 : i32
        %dma_start3A_1210 = tpu.memref_slice %dma_start3A_1207[%dma_start3A_1202, %dma_start3A_1208, %dma_start3A_1209] : memref<5x128x64xf32, #tpu.memory_space<vmem>> -> memref<1x128x64xf32, #tpu.memory_space<vmem>>
        %dma_start3A_1211 = tpu.memref_squeeze %dma_start3A_1210 : memref<1x128x64xf32, #tpu.memory_space<vmem>> -> memref<128x64xf32, #tpu.memory_space<vmem>>
        %dma_start3A_1212 = arith.constant 0 : i32
        %dma_start3A_1213 = arith.constant 0 : i32
        %dma_start3A_1214 = tpu.memref_slice %arg6[%dma_start3A_1199, %dma_start3A_1212, %dma_start3A_1213] : memref<2x5x128xi32, #tpu.memory_space<vmem>> -> memref<1x5x128xi32, #tpu.memory_space<vmem>>
        %dma_start3A_1215 = tpu.memref_squeeze %dma_start3A_1214 : memref<1x5x128xi32, #tpu.memory_space<vmem>> -> memref<5x128xi32, #tpu.memory_space<vmem>>
        %dma_start3A_1216 = arith.constant 0 : i32
        %dma_start3A_1217 = tpu.memref_slice %dma_start3A_1215[%dma_start3A_1200, %dma_start3A_1216] : memref<5x128xi32, #tpu.memory_space<vmem>> -> memref<1x128xi32, #tpu.memory_space<vmem>>
        %dma_start3A_1218 = tpu.memref_squeeze %dma_start3A_1217 : memref<1x128xi32, #tpu.memory_space<vmem>> -> memref<128xi32, #tpu.memory_space<vmem>>
        %dma_start3A_1219 = arith.constant 0 : i32
        %dma_start3A_1220 = arith.constant 0 : i32
        %dma_start3A_1221 = tpu.memref_slice %arg2[%arg0, %dma_start3A_1219, %dma_start3A_1220] : memref<2x10000x64xf32, #tpu.memory_space<hbm>> -> memref<1x10000x64xf32, #tpu.memory_space<hbm>>
        %dma_start3A_1222 = tpu.memref_squeeze %dma_start3A_1221 : memref<1x10000x64xf32, #tpu.memory_space<hbm>> -> memref<10000x64xf32, #tpu.memory_space<hbm>>
        %dma_start3A_1223 = arith.constant 0 : i32
        %dma_start3A_1224 = arith.constant 0 : i32
        %dma_start3A_1225 = tpu.memref_slice %dma_start3A_1222[%dma_start3A_1223, %dma_start3A_1224] : memref<10000x64xf32, #tpu.memory_space<hbm>> -> memref<10000x64xf32, #tpu.memory_space<hbm>>
        tpu.enqueue_indirect_dma source(%dma_start3A_1225 : memref<10000x64xf32, #tpu.memory_space<hbm>>) target(%dma_start3A_1211 : memref<128x64xf32, #tpu.memory_space<vmem>>) offsets(%dma_start3A_1218 : memref<128xi32, #tpu.memory_space<vmem>>) semaphore(%arg10 : memref<!tpu.dma_semaphore, #tpu.memory_space<semaphore_mem>>)
        %dma_start3A_1226 = arith.constant 0 : i32
        %dma_start3A_1227 = arith.constant 4 : i32
        %dma_start3A_1228 = arith.constant 0 : i32
        %dma_start3A_1229 = arith.constant 4 : i32
        %dma_start3A_1230 = arith.constant 0 : i32
        %dma_start3A_1231 = arith.constant 0 : i32
        %dma_start3A_1232 = arith.constant 0 : i32
        %dma_start3A_1233 = tpu.memref_slice %arg8[%dma_start3A_1228, %dma_start3A_1230, %dma_start3A_1231, %dma_start3A_1232] : memref<2x5x128x64xf32, #tpu.memory_space<vmem>> -> memref<1x5x128x64xf32, #tpu.memory_space<vmem>>
        %dma_start3A_1234 = tpu.memref_squeeze %dma_start3A_1233 : memref<1x5x128x64xf32, #tpu.memory_space<vmem>> -> memref<5x128x64xf32, #tpu.memory_space<vmem>>
        %dma_start3A_1235 = arith.constant 0 : i32
        %dma_start3A_1236 = arith.constant 0 : i32
        %dma_start3A_1237 = tpu.memref_slice %dma_start3A_1234[%dma_start3A_1229, %dma_start3A_1235, %dma_start3A_1236] : memref<5x128x64xf32, #tpu.memory_space<vmem>> -> memref<1x128x64xf32, #tpu.memory_space<vmem>>
        %dma_start3A_1238 = tpu.memref_squeeze %dma_start3A_1237 : memref<1x128x64xf32, #tpu.memory_space<vmem>> -> memref<128x64xf32, #tpu.memory_space<vmem>>
        %dma_start3A_1239 = arith.constant 0 : i32
        %dma_start3A_1240 = arith.constant 0 : i32
        %dma_start3A_1241 = tpu.memref_slice %arg6[%dma_start3A_1226, %dma_start3A_1239, %dma_start3A_1240] : memref<2x5x128xi32, #tpu.memory_space<vmem>> -> memref<1x5x128xi32, #tpu.memory_space<vmem>>
        %dma_start3A_1242 = tpu.memref_squeeze %dma_start3A_1241 : memref<1x5x128xi32, #tpu.memory_space<vmem>> -> memref<5x128xi32, #tpu.memory_space<vmem>>
        %dma_start3A_1243 = arith.constant 0 : i32
        %dma_start3A_1244 = tpu.memref_slice %dma_start3A_1242[%dma_start3A_1227, %dma_start3A_1243] : memref<5x128xi32, #tpu.memory_space<vmem>> -> memref<1x128xi32, #tpu.memory_space<vmem>>
        %dma_start3A_1245 = tpu.memref_squeeze %dma_start3A_1244 : memref<1x128xi32, #tpu.memory_space<vmem>> -> memref<128xi32, #tpu.memory_space<vmem>>
        %dma_start3A_1246 = arith.constant 0 : i32
        %dma_start3A_1247 = arith.constant 0 : i32
        %dma_start3A_1248 = tpu.memref_slice %arg2[%arg0, %dma_start3A_1246, %dma_start3A_1247] : memref<2x10000x64xf32, #tpu.memory_space<hbm>> -> memref<1x10000x64xf32, #tpu.memory_space<hbm>>
        %dma_start3A_1249 = tpu.memref_squeeze %dma_start3A_1248 : memref<1x10000x64xf32, #tpu.memory_space<hbm>> -> memref<10000x64xf32, #tpu.memory_space<hbm>>
        %dma_start3A_1250 = arith.constant 0 : i32
        %dma_start3A_1251 = arith.constant 0 : i32
        %dma_start3A_1252 = tpu.memref_slice %dma_start3A_1249[%dma_start3A_1250, %dma_start3A_1251] : memref<10000x64xf32, #tpu.memory_space<hbm>> -> memref<10000x64xf32, #tpu.memory_space<hbm>>
        tpu.enqueue_indirect_dma source(%dma_start3A_1252 : memref<10000x64xf32, #tpu.memory_space<hbm>>) target(%dma_start3A_1238 : memref<128x64xf32, #tpu.memory_space<vmem>>) offsets(%dma_start3A_1245 : memref<128xi32, #tpu.memory_space<vmem>>) semaphore(%arg10 : memref<!tpu.dma_semaphore, #tpu.memory_space<semaphore_mem>>)
      } else {
      }
      %mul3A_700 = arith.constant 2 : i32
      %mul3A_701 = arith.muli %mul3A_700, %scan3A_292 : i32
      %add3A_702 = arith.constant 1 : i32
      %add3A_703 = arith.addi %mul3A_701, %add3A_702 : i32
      %dma_wait3A_704 = arith.constant 1 : i32
      %dma_wait3A_705 = arith.constant 0 : i32
      %dma_wait3A_706 = arith.constant 0 : i32
      %dma_wait3A_707 = arith.constant 0 : i32
      %dma_wait3A_708 = arith.constant 0 : i32
      %dma_wait3A_709 = tpu.memref_slice %arg8[%dma_wait3A_704, %dma_wait3A_706, %dma_wait3A_707, %dma_wait3A_708] : memref<2x5x128x64xf32, #tpu.memory_space<vmem>> -> memref<1x5x128x64xf32, #tpu.memory_space<vmem>>
      %dma_wait3A_710 = tpu.memref_squeeze %dma_wait3A_709 : memref<1x5x128x64xf32, #tpu.memory_space<vmem>> -> memref<5x128x64xf32, #tpu.memory_space<vmem>>
      %dma_wait3A_711 = arith.constant 0 : i32
      %dma_wait3A_712 = arith.constant 0 : i32
      %dma_wait3A_713 = tpu.memref_slice %dma_wait3A_710[%dma_wait3A_705, %dma_wait3A_711, %dma_wait3A_712] : memref<5x128x64xf32, #tpu.memory_space<vmem>> -> memref<1x128x64xf32, #tpu.memory_space<vmem>>
      %dma_wait3A_714 = tpu.memref_squeeze %dma_wait3A_713 : memref<1x128x64xf32, #tpu.memory_space<vmem>> -> memref<128x64xf32, #tpu.memory_space<vmem>>
      %dma_wait3A_715 = arith.constant 0 : i32
      %dma_wait3A_716 = arith.constant 0 : i32
      %dma_wait3A_717 = tpu.memref_slice %arg2[%arg0, %dma_wait3A_715, %dma_wait3A_716] : memref<2x10000x64xf32, #tpu.memory_space<hbm>> -> memref<1x10000x64xf32, #tpu.memory_space<hbm>>
      %dma_wait3A_718 = tpu.memref_squeeze %dma_wait3A_717 : memref<1x10000x64xf32, #tpu.memory_space<hbm>> -> memref<10000x64xf32, #tpu.memory_space<hbm>>
      %dma_wait3A_719 = arith.constant 0 : i32
      %dma_wait3A_720 = arith.constant 0 : i32
      %dma_wait3A_721 = tpu.memref_slice %dma_wait3A_718[%dma_wait3A_719, %dma_wait3A_720] : memref<10000x64xf32, #tpu.memory_space<hbm>> -> memref<128x64xf32, #tpu.memory_space<hbm>>
      %dma_wait3A_722 = arith.constant 0 : i32
      %dma_wait3A_723 = arith.constant 0 : i32
      %dma_wait3A_724 = arith.constant 0 : i32
      %dma_wait3A_725 = tpu.memref_slice %arg8[%dma_wait3A_704, %dma_wait3A_722, %dma_wait3A_723, %dma_wait3A_724] : memref<2x5x128x64xf32, #tpu.memory_space<vmem>> -> memref<1x5x128x64xf32, #tpu.memory_space<vmem>>
      %dma_wait3A_726 = tpu.memref_squeeze %dma_wait3A_725 : memref<1x5x128x64xf32, #tpu.memory_space<vmem>> -> memref<5x128x64xf32, #tpu.memory_space<vmem>>
      %dma_wait3A_727 = arith.constant 0 : i32
      %dma_wait3A_728 = arith.constant 0 : i32
      %dma_wait3A_729 = tpu.memref_slice %dma_wait3A_726[%dma_wait3A_705, %dma_wait3A_727, %dma_wait3A_728] : memref<5x128x64xf32, #tpu.memory_space<vmem>> -> memref<1x128x64xf32, #tpu.memory_space<vmem>>
      %dma_wait3A_730 = tpu.memref_squeeze %dma_wait3A_729 : memref<1x128x64xf32, #tpu.memory_space<vmem>> -> memref<128x64xf32, #tpu.memory_space<vmem>>
      %dma_wait3A_731 = arith.constant 0 : i32
      %dma_wait3A_732 = arith.constant 0 : i32
      %dma_wait3A_733 = tpu.memref_slice %arg2[%arg0, %dma_wait3A_731, %dma_wait3A_732] : memref<2x10000x64xf32, #tpu.memory_space<hbm>> -> memref<1x10000x64xf32, #tpu.memory_space<hbm>>
      %dma_wait3A_734 = tpu.memref_squeeze %dma_wait3A_733 : memref<1x10000x64xf32, #tpu.memory_space<hbm>> -> memref<10000x64xf32, #tpu.memory_space<hbm>>
      %dma_wait3A_735 = arith.constant 0 : i32
      %dma_wait3A_736 = arith.constant 0 : i32
      %dma_wait3A_737 = tpu.memref_slice %dma_wait3A_734[%dma_wait3A_735, %dma_wait3A_736] : memref<10000x64xf32, #tpu.memory_space<hbm>> -> memref<128x64xf32, #tpu.memory_space<hbm>>
      tpu.wait_dma2 semaphore(%arg11 : memref<!tpu.dma_semaphore, #tpu.memory_space<semaphore_mem>>) src(%dma_wait3A_737 : memref<128x64xf32, #tpu.memory_space<hbm>>) dst(%dma_wait3A_730 : memref<128x64xf32, #tpu.memory_space<vmem>>)
      %dma_wait3A_738 = arith.constant 1 : i32
      %dma_wait3A_739 = arith.constant 1 : i32
      %dma_wait3A_740 = arith.constant 0 : i32
      %dma_wait3A_741 = arith.constant 0 : i32
      %dma_wait3A_742 = arith.constant 0 : i32
      %dma_wait3A_743 = tpu.memref_slice %arg8[%dma_wait3A_738, %dma_wait3A_740, %dma_wait3A_741, %dma_wait3A_742] : memref<2x5x128x64xf32, #tpu.memory_space<vmem>> -> memref<1x5x128x64xf32, #tpu.memory_space<vmem>>
      %dma_wait3A_744 = tpu.memref_squeeze %dma_wait3A_743 : memref<1x5x128x64xf32, #tpu.memory_space<vmem>> -> memref<5x128x64xf32, #tpu.memory_space<vmem>>
      %dma_wait3A_745 = arith.constant 0 : i32
      %dma_wait3A_746 = arith.constant 0 : i32
      %dma_wait3A_747 = tpu.memref_slice %dma_wait3A_744[%dma_wait3A_739, %dma_wait3A_745, %dma_wait3A_746] : memref<5x128x64xf32, #tpu.memory_space<vmem>> -> memref<1x128x64xf32, #tpu.memory_space<vmem>>
      %dma_wait3A_748 = tpu.memref_squeeze %dma_wait3A_747 : memref<1x128x64xf32, #tpu.memory_space<vmem>> -> memref<128x64xf32, #tpu.memory_space<vmem>>
      %dma_wait3A_749 = arith.constant 0 : i32
      %dma_wait3A_750 = arith.constant 0 : i32
      %dma_wait3A_751 = tpu.memref_slice %arg2[%arg0, %dma_wait3A_749, %dma_wait3A_750] : memref<2x10000x64xf32, #tpu.memory_space<hbm>> -> memref<1x10000x64xf32, #tpu.memory_space<hbm>>
      %dma_wait3A_752 = tpu.memref_squeeze %dma_wait3A_751 : memref<1x10000x64xf32, #tpu.memory_space<hbm>> -> memref<10000x64xf32, #tpu.memory_space<hbm>>
      %dma_wait3A_753 = arith.constant 0 : i32
      %dma_wait3A_754 = arith.constant 0 : i32
      %dma_wait3A_755 = tpu.memref_slice %dma_wait3A_752[%dma_wait3A_753, %dma_wait3A_754] : memref<10000x64xf32, #tpu.memory_space<hbm>> -> memref<128x64xf32, #tpu.memory_space<hbm>>
      %dma_wait3A_756 = arith.constant 0 : i32
      %dma_wait3A_757 = arith.constant 0 : i32
      %dma_wait3A_758 = arith.constant 0 : i32
      %dma_wait3A_759 = tpu.memref_slice %arg8[%dma_wait3A_738, %dma_wait3A_756, %dma_wait3A_757, %dma_wait3A_758] : memref<2x5x128x64xf32, #tpu.memory_space<vmem>> -> memref<1x5x128x64xf32, #tpu.memory_space<vmem>>
      %dma_wait3A_760 = tpu.memref_squeeze %dma_wait3A_759 : memref<1x5x128x64xf32, #tpu.memory_space<vmem>> -> memref<5x128x64xf32, #tpu.memory_space<vmem>>
      %dma_wait3A_761 = arith.constant 0 : i32
      %dma_wait3A_762 = arith.constant 0 : i32
      %dma_wait3A_763 = tpu.memref_slice %dma_wait3A_760[%dma_wait3A_739, %dma_wait3A_761, %dma_wait3A_762] : memref<5x128x64xf32, #tpu.memory_space<vmem>> -> memref<1x128x64xf32, #tpu.memory_space<vmem>>
      %dma_wait3A_764 = tpu.memref_squeeze %dma_wait3A_763 : memref<1x128x64xf32, #tpu.memory_space<vmem>> -> memref<128x64xf32, #tpu.memory_space<vmem>>
      %dma_wait3A_765 = arith.constant 0 : i32
      %dma_wait3A_766 = arith.constant 0 : i32
      %dma_wait3A_767 = tpu.memref_slice %arg2[%arg0, %dma_wait3A_765, %dma_wait3A_766] : memref<2x10000x64xf32, #tpu.memory_space<hbm>> -> memref<1x10000x64xf32, #tpu.memory_space<hbm>>
      %dma_wait3A_768 = tpu.memref_squeeze %dma_wait3A_767 : memref<1x10000x64xf32, #tpu.memory_space<hbm>> -> memref<10000x64xf32, #tpu.memory_space<hbm>>
      %dma_wait3A_769 = arith.constant 0 : i32
      %dma_wait3A_770 = arith.constant 0 : i32
      %dma_wait3A_771 = tpu.memref_slice %dma_wait3A_768[%dma_wait3A_769, %dma_wait3A_770] : memref<10000x64xf32, #tpu.memory_space<hbm>> -> memref<128x64xf32, #tpu.memory_space<hbm>>
      tpu.wait_dma2 semaphore(%arg11 : memref<!tpu.dma_semaphore, #tpu.memory_space<semaphore_mem>>) src(%dma_wait3A_771 : memref<128x64xf32, #tpu.memory_space<hbm>>) dst(%dma_wait3A_764 : memref<128x64xf32, #tpu.memory_space<vmem>>)
      %dma_wait3A_772 = arith.constant 1 : i32
      %dma_wait3A_773 = arith.constant 2 : i32
      %dma_wait3A_774 = arith.constant 0 : i32
      %dma_wait3A_775 = arith.constant 0 : i32
      %dma_wait3A_776 = arith.constant 0 : i32
      %dma_wait3A_777 = tpu.memref_slice %arg8[%dma_wait3A_772, %dma_wait3A_774, %dma_wait3A_775, %dma_wait3A_776] : memref<2x5x128x64xf32, #tpu.memory_space<vmem>> -> memref<1x5x128x64xf32, #tpu.memory_space<vmem>>
      %dma_wait3A_778 = tpu.memref_squeeze %dma_wait3A_777 : memref<1x5x128x64xf32, #tpu.memory_space<vmem>> -> memref<5x128x64xf32, #tpu.memory_space<vmem>>
      %dma_wait3A_779 = arith.constant 0 : i32
      %dma_wait3A_780 = arith.constant 0 : i32
      %dma_wait3A_781 = tpu.memref_slice %dma_wait3A_778[%dma_wait3A_773, %dma_wait3A_779, %dma_wait3A_780] : memref<5x128x64xf32, #tpu.memory_space<vmem>> -> memref<1x128x64xf32, #tpu.memory_space<vmem>>
      %dma_wait3A_782 = tpu.memref_squeeze %dma_wait3A_781 : memref<1x128x64xf32, #tpu.memory_space<vmem>> -> memref<128x64xf32, #tpu.memory_space<vmem>>
      %dma_wait3A_783 = arith.constant 0 : i32
      %dma_wait3A_784 = arith.constant 0 : i32
      %dma_wait3A_785 = tpu.memref_slice %arg2[%arg0, %dma_wait3A_783, %dma_wait3A_784] : memref<2x10000x64xf32, #tpu.memory_space<hbm>> -> memref<1x10000x64xf32, #tpu.memory_space<hbm>>
      %dma_wait3A_786 = tpu.memref_squeeze %dma_wait3A_785 : memref<1x10000x64xf32, #tpu.memory_space<hbm>> -> memref<10000x64xf32, #tpu.memory_space<hbm>>
      %dma_wait3A_787 = arith.constant 0 : i32
      %dma_wait3A_788 = arith.constant 0 : i32
      %dma_wait3A_789 = tpu.memref_slice %dma_wait3A_786[%dma_wait3A_787, %dma_wait3A_788] : memref<10000x64xf32, #tpu.memory_space<hbm>> -> memref<128x64xf32, #tpu.memory_space<hbm>>
      %dma_wait3A_790 = arith.constant 0 : i32
      %dma_wait3A_791 = arith.constant 0 : i32
      %dma_wait3A_792 = arith.constant 0 : i32
      %dma_wait3A_793 = tpu.memref_slice %arg8[%dma_wait3A_772, %dma_wait3A_790, %dma_wait3A_791, %dma_wait3A_792] : memref<2x5x128x64xf32, #tpu.memory_space<vmem>> -> memref<1x5x128x64xf32, #tpu.memory_space<vmem>>
      %dma_wait3A_794 = tpu.memref_squeeze %dma_wait3A_793 : memref<1x5x128x64xf32, #tpu.memory_space<vmem>> -> memref<5x128x64xf32, #tpu.memory_space<vmem>>
      %dma_wait3A_795 = arith.constant 0 : i32
      %dma_wait3A_796 = arith.constant 0 : i32
      %dma_wait3A_797 = tpu.memref_slice %dma_wait3A_794[%dma_wait3A_773, %dma_wait3A_795, %dma_wait3A_796] : memref<5x128x64xf32, #tpu.memory_space<vmem>> -> memref<1x128x64xf32, #tpu.memory_space<vmem>>
      %dma_wait3A_798 = tpu.memref_squeeze %dma_wait3A_797 : memref<1x128x64xf32, #tpu.memory_space<vmem>> -> memref<128x64xf32, #tpu.memory_space<vmem>>
      %dma_wait3A_799 = arith.constant 0 : i32
      %dma_wait3A_800 = arith.constant 0 : i32
      %dma_wait3A_801 = tpu.memref_slice %arg2[%arg0, %dma_wait3A_799, %dma_wait3A_800] : memref<2x10000x64xf32, #tpu.memory_space<hbm>> -> memref<1x10000x64xf32, #tpu.memory_space<hbm>>
      %dma_wait3A_802 = tpu.memref_squeeze %dma_wait3A_801 : memref<1x10000x64xf32, #tpu.memory_space<hbm>> -> memref<10000x64xf32, #tpu.memory_space<hbm>>
      %dma_wait3A_803 = arith.constant 0 : i32
      %dma_wait3A_804 = arith.constant 0 : i32
      %dma_wait3A_805 = tpu.memref_slice %dma_wait3A_802[%dma_wait3A_803, %dma_wait3A_804] : memref<10000x64xf32, #tpu.memory_space<hbm>> -> memref<128x64xf32, #tpu.memory_space<hbm>>
      tpu.wait_dma2 semaphore(%arg11 : memref<!tpu.dma_semaphore, #tpu.memory_space<semaphore_mem>>) src(%dma_wait3A_805 : memref<128x64xf32, #tpu.memory_space<hbm>>) dst(%dma_wait3A_798 : memref<128x64xf32, #tpu.memory_space<vmem>>)
      %dma_wait3A_806 = arith.constant 1 : i32
      %dma_wait3A_807 = arith.constant 3 : i32
      %dma_wait3A_808 = arith.constant 0 : i32
      %dma_wait3A_809 = arith.constant 0 : i32
      %dma_wait3A_810 = arith.constant 0 : i32
      %dma_wait3A_811 = tpu.memref_slice %arg8[%dma_wait3A_806, %dma_wait3A_808, %dma_wait3A_809, %dma_wait3A_810] : memref<2x5x128x64xf32, #tpu.memory_space<vmem>> -> memref<1x5x128x64xf32, #tpu.memory_space<vmem>>
      %dma_wait3A_812 = tpu.memref_squeeze %dma_wait3A_811 : memref<1x5x128x64xf32, #tpu.memory_space<vmem>> -> memref<5x128x64xf32, #tpu.memory_space<vmem>>
      %dma_wait3A_813 = arith.constant 0 : i32
      %dma_wait3A_814 = arith.constant 0 : i32
      %dma_wait3A_815 = tpu.memref_slice %dma_wait3A_812[%dma_wait3A_807, %dma_wait3A_813, %dma_wait3A_814] : memref<5x128x64xf32, #tpu.memory_space<vmem>> -> memref<1x128x64xf32, #tpu.memory_space<vmem>>
      %dma_wait3A_816 = tpu.memref_squeeze %dma_wait3A_815 : memref<1x128x64xf32, #tpu.memory_space<vmem>> -> memref<128x64xf32, #tpu.memory_space<vmem>>
      %dma_wait3A_817 = arith.constant 0 : i32
      %dma_wait3A_818 = arith.constant 0 : i32
      %dma_wait3A_819 = tpu.memref_slice %arg2[%arg0, %dma_wait3A_817, %dma_wait3A_818] : memref<2x10000x64xf32, #tpu.memory_space<hbm>> -> memref<1x10000x64xf32, #tpu.memory_space<hbm>>
      %dma_wait3A_820 = tpu.memref_squeeze %dma_wait3A_819 : memref<1x10000x64xf32, #tpu.memory_space<hbm>> -> memref<10000x64xf32, #tpu.memory_space<hbm>>
      %dma_wait3A_821 = arith.constant 0 : i32
      %dma_wait3A_822 = arith.constant 0 : i32
      %dma_wait3A_823 = tpu.memref_slice %dma_wait3A_820[%dma_wait3A_821, %dma_wait3A_822] : memref<10000x64xf32, #tpu.memory_space<hbm>> -> memref<128x64xf32, #tpu.memory_space<hbm>>
      %dma_wait3A_824 = arith.constant 0 : i32
      %dma_wait3A_825 = arith.constant 0 : i32
      %dma_wait3A_826 = arith.constant 0 : i32
      %dma_wait3A_827 = tpu.memref_slice %arg8[%dma_wait3A_806, %dma_wait3A_824, %dma_wait3A_825, %dma_wait3A_826] : memref<2x5x128x64xf32, #tpu.memory_space<vmem>> -> memref<1x5x128x64xf32, #tpu.memory_space<vmem>>
      %dma_wait3A_828 = tpu.memref_squeeze %dma_wait3A_827 : memref<1x5x128x64xf32, #tpu.memory_space<vmem>> -> memref<5x128x64xf32, #tpu.memory_space<vmem>>
      %dma_wait3A_829 = arith.constant 0 : i32
      %dma_wait3A_830 = arith.constant 0 : i32
      %dma_wait3A_831 = tpu.memref_slice %dma_wait3A_828[%dma_wait3A_807, %dma_wait3A_829, %dma_wait3A_830] : memref<5x128x64xf32, #tpu.memory_space<vmem>> -> memref<1x128x64xf32, #tpu.memory_space<vmem>>
      %dma_wait3A_832 = tpu.memref_squeeze %dma_wait3A_831 : memref<1x128x64xf32, #tpu.memory_space<vmem>> -> memref<128x64xf32, #tpu.memory_space<vmem>>
      %dma_wait3A_833 = arith.constant 0 : i32
      %dma_wait3A_834 = arith.constant 0 : i32
      %dma_wait3A_835 = tpu.memref_slice %arg2[%arg0, %dma_wait3A_833, %dma_wait3A_834] : memref<2x10000x64xf32, #tpu.memory_space<hbm>> -> memref<1x10000x64xf32, #tpu.memory_space<hbm>>
      %dma_wait3A_836 = tpu.memref_squeeze %dma_wait3A_835 : memref<1x10000x64xf32, #tpu.memory_space<hbm>> -> memref<10000x64xf32, #tpu.memory_space<hbm>>
      %dma_wait3A_837 = arith.constant 0 : i32
      %dma_wait3A_838 = arith.constant 0 : i32
      %dma_wait3A_839 = tpu.memref_slice %dma_wait3A_836[%dma_wait3A_837, %dma_wait3A_838] : memref<10000x64xf32, #tpu.memory_space<hbm>> -> memref<128x64xf32, #tpu.memory_space<hbm>>
      tpu.wait_dma2 semaphore(%arg11 : memref<!tpu.dma_semaphore, #tpu.memory_space<semaphore_mem>>) src(%dma_wait3A_839 : memref<128x64xf32, #tpu.memory_space<hbm>>) dst(%dma_wait3A_832 : memref<128x64xf32, #tpu.memory_space<vmem>>)
      %dma_wait3A_840 = arith.constant 1 : i32
      %dma_wait3A_841 = arith.constant 4 : i32
      %dma_wait3A_842 = arith.constant 0 : i32
      %dma_wait3A_843 = arith.constant 0 : i32
      %dma_wait3A_844 = arith.constant 0 : i32
      %dma_wait3A_845 = tpu.memref_slice %arg8[%dma_wait3A_840, %dma_wait3A_842, %dma_wait3A_843, %dma_wait3A_844] : memref<2x5x128x64xf32, #tpu.memory_space<vmem>> -> memref<1x5x128x64xf32, #tpu.memory_space<vmem>>
      %dma_wait3A_846 = tpu.memref_squeeze %dma_wait3A_845 : memref<1x5x128x64xf32, #tpu.memory_space<vmem>> -> memref<5x128x64xf32, #tpu.memory_space<vmem>>
      %dma_wait3A_847 = arith.constant 0 : i32
      %dma_wait3A_848 = arith.constant 0 : i32
      %dma_wait3A_849 = tpu.memref_slice %dma_wait3A_846[%dma_wait3A_841, %dma_wait3A_847, %dma_wait3A_848] : memref<5x128x64xf32, #tpu.memory_space<vmem>> -> memref<1x128x64xf32, #tpu.memory_space<vmem>>
      %dma_wait3A_850 = tpu.memref_squeeze %dma_wait3A_849 : memref<1x128x64xf32, #tpu.memory_space<vmem>> -> memref<128x64xf32, #tpu.memory_space<vmem>>
      %dma_wait3A_851 = arith.constant 0 : i32
      %dma_wait3A_852 = arith.constant 0 : i32
      %dma_wait3A_853 = tpu.memref_slice %arg2[%arg0, %dma_wait3A_851, %dma_wait3A_852] : memref<2x10000x64xf32, #tpu.memory_space<hbm>> -> memref<1x10000x64xf32, #tpu.memory_space<hbm>>
      %dma_wait3A_854 = tpu.memref_squeeze %dma_wait3A_853 : memref<1x10000x64xf32, #tpu.memory_space<hbm>> -> memref<10000x64xf32, #tpu.memory_space<hbm>>
      %dma_wait3A_855 = arith.constant 0 : i32
      %dma_wait3A_856 = arith.constant 0 : i32
      %dma_wait3A_857 = tpu.memref_slice %dma_wait3A_854[%dma_wait3A_855, %dma_wait3A_856] : memref<10000x64xf32, #tpu.memory_space<hbm>> -> memref<128x64xf32, #tpu.memory_space<hbm>>
      %dma_wait3A_858 = arith.constant 0 : i32
      %dma_wait3A_859 = arith.constant 0 : i32
      %dma_wait3A_860 = arith.constant 0 : i32
      %dma_wait3A_861 = tpu.memref_slice %arg8[%dma_wait3A_840, %dma_wait3A_858, %dma_wait3A_859, %dma_wait3A_860] : memref<2x5x128x64xf32, #tpu.memory_space<vmem>> -> memref<1x5x128x64xf32, #tpu.memory_space<vmem>>
      %dma_wait3A_862 = tpu.memref_squeeze %dma_wait3A_861 : memref<1x5x128x64xf32, #tpu.memory_space<vmem>> -> memref<5x128x64xf32, #tpu.memory_space<vmem>>
      %dma_wait3A_863 = arith.constant 0 : i32
      %dma_wait3A_864 = arith.constant 0 : i32
      %dma_wait3A_865 = tpu.memref_slice %dma_wait3A_862[%dma_wait3A_841, %dma_wait3A_863, %dma_wait3A_864] : memref<5x128x64xf32, #tpu.memory_space<vmem>> -> memref<1x128x64xf32, #tpu.memory_space<vmem>>
      %dma_wait3A_866 = tpu.memref_squeeze %dma_wait3A_865 : memref<1x128x64xf32, #tpu.memory_space<vmem>> -> memref<128x64xf32, #tpu.memory_space<vmem>>
      %dma_wait3A_867 = arith.constant 0 : i32
      %dma_wait3A_868 = arith.constant 0 : i32
      %dma_wait3A_869 = tpu.memref_slice %arg2[%arg0, %dma_wait3A_867, %dma_wait3A_868] : memref<2x10000x64xf32, #tpu.memory_space<hbm>> -> memref<1x10000x64xf32, #tpu.memory_space<hbm>>
      %dma_wait3A_870 = tpu.memref_squeeze %dma_wait3A_869 : memref<1x10000x64xf32, #tpu.memory_space<hbm>> -> memref<10000x64xf32, #tpu.memory_space<hbm>>
      %dma_wait3A_871 = arith.constant 0 : i32
      %dma_wait3A_872 = arith.constant 0 : i32
      %dma_wait3A_873 = tpu.memref_slice %dma_wait3A_870[%dma_wait3A_871, %dma_wait3A_872] : memref<10000x64xf32, #tpu.memory_space<hbm>> -> memref<128x64xf32, #tpu.memory_space<hbm>>
      tpu.wait_dma2 semaphore(%arg11 : memref<!tpu.dma_semaphore, #tpu.memory_space<semaphore_mem>>) src(%dma_wait3A_873 : memref<128x64xf32, #tpu.memory_space<hbm>>) dst(%dma_wait3A_866 : memref<128x64xf32, #tpu.memory_space<vmem>>)
      %dma_start3A_874 = arith.constant 1 : i32
      %dma_start3A_875 = arith.constant 0 : i32
      %dma_start3A_876 = arith.constant 1 : i32
      %dma_start3A_877 = arith.constant 0 : i32
      %dma_start3A_878 = arith.constant 0 : i32
      %dma_start3A_879 = arith.constant 0 : i32
      %dma_start3A_880 = arith.constant 0 : i32
      %dma_start3A_881 = tpu.memref_slice %arg8[%dma_start3A_874, %dma_start3A_878, %dma_start3A_879, %dma_start3A_880] : memref<2x5x128x64xf32, #tpu.memory_space<vmem>> -> memref<1x5x128x64xf32, #tpu.memory_space<vmem>>
      %dma_start3A_882 = tpu.memref_squeeze %dma_start3A_881 : memref<1x5x128x64xf32, #tpu.memory_space<vmem>> -> memref<5x128x64xf32, #tpu.memory_space<vmem>>
      %dma_start3A_883 = arith.constant 0 : i32
      %dma_start3A_884 = arith.constant 0 : i32
      %dma_start3A_885 = tpu.memref_slice %dma_start3A_882[%dma_start3A_875, %dma_start3A_883, %dma_start3A_884] : memref<5x128x64xf32, #tpu.memory_space<vmem>> -> memref<1x128x64xf32, #tpu.memory_space<vmem>>
      %dma_start3A_886 = tpu.memref_squeeze %dma_start3A_885 : memref<1x128x64xf32, #tpu.memory_space<vmem>> -> memref<128x64xf32, #tpu.memory_space<vmem>>
      %dma_start3A_887 = arith.constant 0 : i32
      %dma_start3A_888 = arith.constant 0 : i32
      %dma_start3A_889 = tpu.memref_slice %arg7[%dma_start3A_876, %dma_start3A_887, %dma_start3A_888] : memref<2x5x128xi32, #tpu.memory_space<vmem>> -> memref<1x5x128xi32, #tpu.memory_space<vmem>>
      %dma_start3A_890 = tpu.memref_squeeze %dma_start3A_889 : memref<1x5x128xi32, #tpu.memory_space<vmem>> -> memref<5x128xi32, #tpu.memory_space<vmem>>
      %dma_start3A_891 = arith.constant 0 : i32
      %dma_start3A_892 = tpu.memref_slice %dma_start3A_890[%dma_start3A_877, %dma_start3A_891] : memref<5x128xi32, #tpu.memory_space<vmem>> -> memref<1x128xi32, #tpu.memory_space<vmem>>
      %dma_start3A_893 = tpu.memref_squeeze %dma_start3A_892 : memref<1x128xi32, #tpu.memory_space<vmem>> -> memref<128xi32, #tpu.memory_space<vmem>>
      %dma_start3A_894 = arith.constant 0 : i32
      %dma_start3A_895 = arith.constant 0 : i32
      %dma_start3A_896 = tpu.memref_slice %arg9[%dma_start3A_894, %dma_start3A_895] : memref<10512x64xf32, #tpu.memory_space<vmem_shared>> -> memref<10512x64xf32, #tpu.memory_space<vmem_shared>>
      tpu.enqueue_indirect_dma source(%dma_start3A_886 : memref<128x64xf32, #tpu.memory_space<vmem>>) target(%dma_start3A_896 : memref<10512x64xf32, #tpu.memory_space<vmem_shared>>) offsets(%dma_start3A_893 : memref<128xi32, #tpu.memory_space<vmem>>) semaphore(%arg12 : memref<!tpu.dma_semaphore, #tpu.memory_space<semaphore_mem>>) {add = true}
      %dma_start3A_897 = arith.constant 1 : i32
      %dma_start3A_898 = arith.constant 1 : i32
      %dma_start3A_899 = arith.constant 1 : i32
      %dma_start3A_900 = arith.constant 1 : i32
      %dma_start3A_901 = arith.constant 0 : i32
      %dma_start3A_902 = arith.constant 0 : i32
      %dma_start3A_903 = arith.constant 0 : i32
      %dma_start3A_904 = tpu.memref_slice %arg8[%dma_start3A_897, %dma_start3A_901, %dma_start3A_902, %dma_start3A_903] : memref<2x5x128x64xf32, #tpu.memory_space<vmem>> -> memref<1x5x128x64xf32, #tpu.memory_space<vmem>>
      %dma_start3A_905 = tpu.memref_squeeze %dma_start3A_904 : memref<1x5x128x64xf32, #tpu.memory_space<vmem>> -> memref<5x128x64xf32, #tpu.memory_space<vmem>>
      %dma_start3A_906 = arith.constant 0 : i32
      %dma_start3A_907 = arith.constant 0 : i32
      %dma_start3A_908 = tpu.memref_slice %dma_start3A_905[%dma_start3A_898, %dma_start3A_906, %dma_start3A_907] : memref<5x128x64xf32, #tpu.memory_space<vmem>> -> memref<1x128x64xf32, #tpu.memory_space<vmem>>
      %dma_start3A_909 = tpu.memref_squeeze %dma_start3A_908 : memref<1x128x64xf32, #tpu.memory_space<vmem>> -> memref<128x64xf32, #tpu.memory_space<vmem>>
      %dma_start3A_910 = arith.constant 0 : i32
      %dma_start3A_911 = arith.constant 0 : i32
      %dma_start3A_912 = tpu.memref_slice %arg7[%dma_start3A_899, %dma_start3A_910, %dma_start3A_911] : memref<2x5x128xi32, #tpu.memory_space<vmem>> -> memref<1x5x128xi32, #tpu.memory_space<vmem>>
      %dma_start3A_913 = tpu.memref_squeeze %dma_start3A_912 : memref<1x5x128xi32, #tpu.memory_space<vmem>> -> memref<5x128xi32, #tpu.memory_space<vmem>>
      %dma_start3A_914 = arith.constant 0 : i32
      %dma_start3A_915 = tpu.memref_slice %dma_start3A_913[%dma_start3A_900, %dma_start3A_914] : memref<5x128xi32, #tpu.memory_space<vmem>> -> memref<1x128xi32, #tpu.memory_space<vmem>>
      %dma_start3A_916 = tpu.memref_squeeze %dma_start3A_915 : memref<1x128xi32, #tpu.memory_space<vmem>> -> memref<128xi32, #tpu.memory_space<vmem>>
      %dma_start3A_917 = arith.constant 0 : i32
      %dma_start3A_918 = arith.constant 0 : i32
      %dma_start3A_919 = tpu.memref_slice %arg9[%dma_start3A_917, %dma_start3A_918] : memref<10512x64xf32, #tpu.memory_space<vmem_shared>> -> memref<10512x64xf32, #tpu.memory_space<vmem_shared>>
      tpu.enqueue_indirect_dma source(%dma_start3A_909 : memref<128x64xf32, #tpu.memory_space<vmem>>) target(%dma_start3A_919 : memref<10512x64xf32, #tpu.memory_space<vmem_shared>>) offsets(%dma_start3A_916 : memref<128xi32, #tpu.memory_space<vmem>>) semaphore(%arg12 : memref<!tpu.dma_semaphore, #tpu.memory_space<semaphore_mem>>) {add = true}
      %dma_start3A_920 = arith.constant 1 : i32
      %dma_start3A_921 = arith.constant 2 : i32
      %dma_start3A_922 = arith.constant 1 : i32
      %dma_start3A_923 = arith.constant 2 : i32
      %dma_start3A_924 = arith.constant 0 : i32
      %dma_start3A_925 = arith.constant 0 : i32
      %dma_start3A_926 = arith.constant 0 : i32
      %dma_start3A_927 = tpu.memref_slice %arg8[%dma_start3A_920, %dma_start3A_924, %dma_start3A_925, %dma_start3A_926] : memref<2x5x128x64xf32, #tpu.memory_space<vmem>> -> memref<1x5x128x64xf32, #tpu.memory_space<vmem>>
      %dma_start3A_928 = tpu.memref_squeeze %dma_start3A_927 : memref<1x5x128x64xf32, #tpu.memory_space<vmem>> -> memref<5x128x64xf32, #tpu.memory_space<vmem>>
      %dma_start3A_929 = arith.constant 0 : i32
      %dma_start3A_930 = arith.constant 0 : i32
      %dma_start3A_931 = tpu.memref_slice %dma_start3A_928[%dma_start3A_921, %dma_start3A_929, %dma_start3A_930] : memref<5x128x64xf32, #tpu.memory_space<vmem>> -> memref<1x128x64xf32, #tpu.memory_space<vmem>>
      %dma_start3A_932 = tpu.memref_squeeze %dma_start3A_931 : memref<1x128x64xf32, #tpu.memory_space<vmem>> -> memref<128x64xf32, #tpu.memory_space<vmem>>
      %dma_start3A_933 = arith.constant 0 : i32
      %dma_start3A_934 = arith.constant 0 : i32
      %dma_start3A_935 = tpu.memref_slice %arg7[%dma_start3A_922, %dma_start3A_933, %dma_start3A_934] : memref<2x5x128xi32, #tpu.memory_space<vmem>> -> memref<1x5x128xi32, #tpu.memory_space<vmem>>
      %dma_start3A_936 = tpu.memref_squeeze %dma_start3A_935 : memref<1x5x128xi32, #tpu.memory_space<vmem>> -> memref<5x128xi32, #tpu.memory_space<vmem>>
      %dma_start3A_937 = arith.constant 0 : i32
      %dma_start3A_938 = tpu.memref_slice %dma_start3A_936[%dma_start3A_923, %dma_start3A_937] : memref<5x128xi32, #tpu.memory_space<vmem>> -> memref<1x128xi32, #tpu.memory_space<vmem>>
      %dma_start3A_939 = tpu.memref_squeeze %dma_start3A_938 : memref<1x128xi32, #tpu.memory_space<vmem>> -> memref<128xi32, #tpu.memory_space<vmem>>
      %dma_start3A_940 = arith.constant 0 : i32
      %dma_start3A_941 = arith.constant 0 : i32
      %dma_start3A_942 = tpu.memref_slice %arg9[%dma_start3A_940, %dma_start3A_941] : memref<10512x64xf32, #tpu.memory_space<vmem_shared>> -> memref<10512x64xf32, #tpu.memory_space<vmem_shared>>
      tpu.enqueue_indirect_dma source(%dma_start3A_932 : memref<128x64xf32, #tpu.memory_space<vmem>>) target(%dma_start3A_942 : memref<10512x64xf32, #tpu.memory_space<vmem_shared>>) offsets(%dma_start3A_939 : memref<128xi32, #tpu.memory_space<vmem>>) semaphore(%arg12 : memref<!tpu.dma_semaphore, #tpu.memory_space<semaphore_mem>>) {add = true}
      %dma_start3A_943 = arith.constant 1 : i32
      %dma_start3A_944 = arith.constant 3 : i32
      %dma_start3A_945 = arith.constant 1 : i32
      %dma_start3A_946 = arith.constant 3 : i32
      %dma_start3A_947 = arith.constant 0 : i32
      %dma_start3A_948 = arith.constant 0 : i32
      %dma_start3A_949 = arith.constant 0 : i32
      %dma_start3A_950 = tpu.memref_slice %arg8[%dma_start3A_943, %dma_start3A_947, %dma_start3A_948, %dma_start3A_949] : memref<2x5x128x64xf32, #tpu.memory_space<vmem>> -> memref<1x5x128x64xf32, #tpu.memory_space<vmem>>
      %dma_start3A_951 = tpu.memref_squeeze %dma_start3A_950 : memref<1x5x128x64xf32, #tpu.memory_space<vmem>> -> memref<5x128x64xf32, #tpu.memory_space<vmem>>
      %dma_start3A_952 = arith.constant 0 : i32
      %dma_start3A_953 = arith.constant 0 : i32
      %dma_start3A_954 = tpu.memref_slice %dma_start3A_951[%dma_start3A_944, %dma_start3A_952, %dma_start3A_953] : memref<5x128x64xf32, #tpu.memory_space<vmem>> -> memref<1x128x64xf32, #tpu.memory_space<vmem>>
      %dma_start3A_955 = tpu.memref_squeeze %dma_start3A_954 : memref<1x128x64xf32, #tpu.memory_space<vmem>> -> memref<128x64xf32, #tpu.memory_space<vmem>>
      %dma_start3A_956 = arith.constant 0 : i32
      %dma_start3A_957 = arith.constant 0 : i32
      %dma_start3A_958 = tpu.memref_slice %arg7[%dma_start3A_945, %dma_start3A_956, %dma_start3A_957] : memref<2x5x128xi32, #tpu.memory_space<vmem>> -> memref<1x5x128xi32, #tpu.memory_space<vmem>>
      %dma_start3A_959 = tpu.memref_squeeze %dma_start3A_958 : memref<1x5x128xi32, #tpu.memory_space<vmem>> -> memref<5x128xi32, #tpu.memory_space<vmem>>
      %dma_start3A_960 = arith.constant 0 : i32
      %dma_start3A_961 = tpu.memref_slice %dma_start3A_959[%dma_start3A_946, %dma_start3A_960] : memref<5x128xi32, #tpu.memory_space<vmem>> -> memref<1x128xi32, #tpu.memory_space<vmem>>
      %dma_start3A_962 = tpu.memref_squeeze %dma_start3A_961 : memref<1x128xi32, #tpu.memory_space<vmem>> -> memref<128xi32, #tpu.memory_space<vmem>>
      %dma_start3A_963 = arith.constant 0 : i32
      %dma_start3A_964 = arith.constant 0 : i32
      %dma_start3A_965 = tpu.memref_slice %arg9[%dma_start3A_963, %dma_start3A_964] : memref<10512x64xf32, #tpu.memory_space<vmem_shared>> -> memref<10512x64xf32, #tpu.memory_space<vmem_shared>>
      tpu.enqueue_indirect_dma source(%dma_start3A_955 : memref<128x64xf32, #tpu.memory_space<vmem>>) target(%dma_start3A_965 : memref<10512x64xf32, #tpu.memory_space<vmem_shared>>) offsets(%dma_start3A_962 : memref<128xi32, #tpu.memory_space<vmem>>) semaphore(%arg12 : memref<!tpu.dma_semaphore, #tpu.memory_space<semaphore_mem>>) {add = true}
      %dma_start3A_966 = arith.constant 1 : i32
      %dma_start3A_967 = arith.constant 4 : i32
      %dma_start3A_968 = arith.constant 1 : i32
      %dma_start3A_969 = arith.constant 4 : i32
      %dma_start3A_970 = arith.constant 0 : i32
      %dma_start3A_971 = arith.constant 0 : i32
      %dma_start3A_972 = arith.constant 0 : i32
      %dma_start3A_973 = tpu.memref_slice %arg8[%dma_start3A_966, %dma_start3A_970, %dma_start3A_971, %dma_start3A_972] : memref<2x5x128x64xf32, #tpu.memory_space<vmem>> -> memref<1x5x128x64xf32, #tpu.memory_space<vmem>>
      %dma_start3A_974 = tpu.memref_squeeze %dma_start3A_973 : memref<1x5x128x64xf32, #tpu.memory_space<vmem>> -> memref<5x128x64xf32, #tpu.memory_space<vmem>>
      %dma_start3A_975 = arith.constant 0 : i32
      %dma_start3A_976 = arith.constant 0 : i32
      %dma_start3A_977 = tpu.memref_slice %dma_start3A_974[%dma_start3A_967, %dma_start3A_975, %dma_start3A_976] : memref<5x128x64xf32, #tpu.memory_space<vmem>> -> memref<1x128x64xf32, #tpu.memory_space<vmem>>
      %dma_start3A_978 = tpu.memref_squeeze %dma_start3A_977 : memref<1x128x64xf32, #tpu.memory_space<vmem>> -> memref<128x64xf32, #tpu.memory_space<vmem>>
      %dma_start3A_979 = arith.constant 0 : i32
      %dma_start3A_980 = arith.constant 0 : i32
      %dma_start3A_981 = tpu.memref_slice %arg7[%dma_start3A_968, %dma_start3A_979, %dma_start3A_980] : memref<2x5x128xi32, #tpu.memory_space<vmem>> -> memref<1x5x128xi32, #tpu.memory_space<vmem>>
      %dma_start3A_982 = tpu.memref_squeeze %dma_start3A_981 : memref<1x5x128xi32, #tpu.memory_space<vmem>> -> memref<5x128xi32, #tpu.memory_space<vmem>>
      %dma_start3A_983 = arith.constant 0 : i32
      %dma_start3A_984 = tpu.memref_slice %dma_start3A_982[%dma_start3A_969, %dma_start3A_983] : memref<5x128xi32, #tpu.memory_space<vmem>> -> memref<1x128xi32, #tpu.memory_space<vmem>>
      %dma_start3A_985 = tpu.memref_squeeze %dma_start3A_984 : memref<1x128xi32, #tpu.memory_space<vmem>> -> memref<128xi32, #tpu.memory_space<vmem>>
      %dma_start3A_986 = arith.constant 0 : i32
      %dma_start3A_987 = arith.constant 0 : i32
      %dma_start3A_988 = tpu.memref_slice %arg9[%dma_start3A_986, %dma_start3A_987] : memref<10512x64xf32, #tpu.memory_space<vmem_shared>> -> memref<10512x64xf32, #tpu.memory_space<vmem_shared>>
      tpu.enqueue_indirect_dma source(%dma_start3A_978 : memref<128x64xf32, #tpu.memory_space<vmem>>) target(%dma_start3A_988 : memref<10512x64xf32, #tpu.memory_space<vmem_shared>>) offsets(%dma_start3A_985 : memref<128xi32, #tpu.memory_space<vmem>>) semaphore(%arg12 : memref<!tpu.dma_semaphore, #tpu.memory_space<semaphore_mem>>) {add = true}
      %dma_wait3A_989 = arith.constant 1 : i32
      %dma_wait3A_990 = arith.constant 0 : i32
      %dma_wait3A_991 = arith.constant 1 : i32
      %dma_wait3A_992 = arith.constant 0 : i32
      %dma_wait3A_993 = arith.constant 0 : i32
      %dma_wait3A_994 = arith.constant 0 : i32
      %dma_wait3A_995 = arith.constant 0 : i32
      %dma_wait3A_996 = tpu.memref_slice %arg8[%dma_wait3A_989, %dma_wait3A_993, %dma_wait3A_994, %dma_wait3A_995] : memref<2x5x128x64xf32, #tpu.memory_space<vmem>> -> memref<1x5x128x64xf32, #tpu.memory_space<vmem>>
      %dma_wait3A_997 = tpu.memref_squeeze %dma_wait3A_996 : memref<1x5x128x64xf32, #tpu.memory_space<vmem>> -> memref<5x128x64xf32, #tpu.memory_space<vmem>>
      %dma_wait3A_998 = arith.constant 0 : i32
      %dma_wait3A_999 = arith.constant 0 : i32
      %dma_wait3A_1000 = tpu.memref_slice %dma_wait3A_997[%dma_wait3A_990, %dma_wait3A_998, %dma_wait3A_999] : memref<5x128x64xf32, #tpu.memory_space<vmem>> -> memref<1x128x64xf32, #tpu.memory_space<vmem>>
      %dma_wait3A_1001 = tpu.memref_squeeze %dma_wait3A_1000 : memref<1x128x64xf32, #tpu.memory_space<vmem>> -> memref<128x64xf32, #tpu.memory_space<vmem>>
      %dma_wait3A_1002 = arith.constant 0 : i32
      %dma_wait3A_1003 = arith.constant 0 : i32
      %dma_wait3A_1004 = tpu.memref_slice %arg7[%dma_wait3A_991, %dma_wait3A_1002, %dma_wait3A_1003] : memref<2x5x128xi32, #tpu.memory_space<vmem>> -> memref<1x5x128xi32, #tpu.memory_space<vmem>>
      %dma_wait3A_1005 = tpu.memref_squeeze %dma_wait3A_1004 : memref<1x5x128xi32, #tpu.memory_space<vmem>> -> memref<5x128xi32, #tpu.memory_space<vmem>>
      %dma_wait3A_1006 = arith.constant 0 : i32
      %dma_wait3A_1007 = tpu.memref_slice %dma_wait3A_1005[%dma_wait3A_992, %dma_wait3A_1006] : memref<5x128xi32, #tpu.memory_space<vmem>> -> memref<1x128xi32, #tpu.memory_space<vmem>>
      %dma_wait3A_1008 = tpu.memref_squeeze %dma_wait3A_1007 : memref<1x128xi32, #tpu.memory_space<vmem>> -> memref<128xi32, #tpu.memory_space<vmem>>
      %dma_wait3A_1009 = arith.constant 0 : i32
      %dma_wait3A_1010 = arith.constant 0 : i32
      %dma_wait3A_1011 = tpu.memref_slice %arg9[%dma_wait3A_1009, %dma_wait3A_1010] : memref<10512x64xf32, #tpu.memory_space<vmem_shared>> -> memref<10512x64xf32, #tpu.memory_space<vmem_shared>>
      tpu.wait_indirect_dma semaphore(%arg12 : memref<!tpu.dma_semaphore, #tpu.memory_space<semaphore_mem>>) src(%dma_wait3A_1001 : memref<128x64xf32, #tpu.memory_space<vmem>>) dst(%dma_wait3A_1011 : memref<10512x64xf32, #tpu.memory_space<vmem_shared>>)
      %dma_wait3A_1012 = arith.constant 1 : i32
      %dma_wait3A_1013 = arith.constant 1 : i32
      %dma_wait3A_1014 = arith.constant 1 : i32
      %dma_wait3A_1015 = arith.constant 1 : i32
      %dma_wait3A_1016 = arith.constant 0 : i32
      %dma_wait3A_1017 = arith.constant 0 : i32
      %dma_wait3A_1018 = arith.constant 0 : i32
      %dma_wait3A_1019 = tpu.memref_slice %arg8[%dma_wait3A_1012, %dma_wait3A_1016, %dma_wait3A_1017, %dma_wait3A_1018] : memref<2x5x128x64xf32, #tpu.memory_space<vmem>> -> memref<1x5x128x64xf32, #tpu.memory_space<vmem>>
      %dma_wait3A_1020 = tpu.memref_squeeze %dma_wait3A_1019 : memref<1x5x128x64xf32, #tpu.memory_space<vmem>> -> memref<5x128x64xf32, #tpu.memory_space<vmem>>
      %dma_wait3A_1021 = arith.constant 0 : i32
      %dma_wait3A_1022 = arith.constant 0 : i32
      %dma_wait3A_1023 = tpu.memref_slice %dma_wait3A_1020[%dma_wait3A_1013, %dma_wait3A_1021, %dma_wait3A_1022] : memref<5x128x64xf32, #tpu.memory_space<vmem>> -> memref<1x128x64xf32, #tpu.memory_space<vmem>>
      %dma_wait3A_1024 = tpu.memref_squeeze %dma_wait3A_1023 : memref<1x128x64xf32, #tpu.memory_space<vmem>> -> memref<128x64xf32, #tpu.memory_space<vmem>>
      %dma_wait3A_1025 = arith.constant 0 : i32
      %dma_wait3A_1026 = arith.constant 0 : i32
      %dma_wait3A_1027 = tpu.memref_slice %arg7[%dma_wait3A_1014, %dma_wait3A_1025, %dma_wait3A_1026] : memref<2x5x128xi32, #tpu.memory_space<vmem>> -> memref<1x5x128xi32, #tpu.memory_space<vmem>>
      %dma_wait3A_1028 = tpu.memref_squeeze %dma_wait3A_1027 : memref<1x5x128xi32, #tpu.memory_space<vmem>> -> memref<5x128xi32, #tpu.memory_space<vmem>>
      %dma_wait3A_1029 = arith.constant 0 : i32
      %dma_wait3A_1030 = tpu.memref_slice %dma_wait3A_1028[%dma_wait3A_1015, %dma_wait3A_1029] : memref<5x128xi32, #tpu.memory_space<vmem>> -> memref<1x128xi32, #tpu.memory_space<vmem>>
      %dma_wait3A_1031 = tpu.memref_squeeze %dma_wait3A_1030 : memref<1x128xi32, #tpu.memory_space<vmem>> -> memref<128xi32, #tpu.memory_space<vmem>>
      %dma_wait3A_1032 = arith.constant 0 : i32
      %dma_wait3A_1033 = arith.constant 0 : i32
      %dma_wait3A_1034 = tpu.memref_slice %arg9[%dma_wait3A_1032, %dma_wait3A_1033] : memref<10512x64xf32, #tpu.memory_space<vmem_shared>> -> memref<10512x64xf32, #tpu.memory_space<vmem_shared>>
      tpu.wait_indirect_dma semaphore(%arg12 : memref<!tpu.dma_semaphore, #tpu.memory_space<semaphore_mem>>) src(%dma_wait3A_1024 : memref<128x64xf32, #tpu.memory_space<vmem>>) dst(%dma_wait3A_1034 : memref<10512x64xf32, #tpu.memory_space<vmem_shared>>)
      %dma_wait3A_1035 = arith.constant 1 : i32
      %dma_wait3A_1036 = arith.constant 2 : i32
      %dma_wait3A_1037 = arith.constant 1 : i32
      %dma_wait3A_1038 = arith.constant 2 : i32
      %dma_wait3A_1039 = arith.constant 0 : i32
      %dma_wait3A_1040 = arith.constant 0 : i32
      %dma_wait3A_1041 = arith.constant 0 : i32
      %dma_wait3A_1042 = tpu.memref_slice %arg8[%dma_wait3A_1035, %dma_wait3A_1039, %dma_wait3A_1040, %dma_wait3A_1041] : memref<2x5x128x64xf32, #tpu.memory_space<vmem>> -> memref<1x5x128x64xf32, #tpu.memory_space<vmem>>
      %dma_wait3A_1043 = tpu.memref_squeeze %dma_wait3A_1042 : memref<1x5x128x64xf32, #tpu.memory_space<vmem>> -> memref<5x128x64xf32, #tpu.memory_space<vmem>>
      %dma_wait3A_1044 = arith.constant 0 : i32
      %dma_wait3A_1045 = arith.constant 0 : i32
      %dma_wait3A_1046 = tpu.memref_slice %dma_wait3A_1043[%dma_wait3A_1036, %dma_wait3A_1044, %dma_wait3A_1045] : memref<5x128x64xf32, #tpu.memory_space<vmem>> -> memref<1x128x64xf32, #tpu.memory_space<vmem>>
      %dma_wait3A_1047 = tpu.memref_squeeze %dma_wait3A_1046 : memref<1x128x64xf32, #tpu.memory_space<vmem>> -> memref<128x64xf32, #tpu.memory_space<vmem>>
      %dma_wait3A_1048 = arith.constant 0 : i32
      %dma_wait3A_1049 = arith.constant 0 : i32
      %dma_wait3A_1050 = tpu.memref_slice %arg7[%dma_wait3A_1037, %dma_wait3A_1048, %dma_wait3A_1049] : memref<2x5x128xi32, #tpu.memory_space<vmem>> -> memref<1x5x128xi32, #tpu.memory_space<vmem>>
      %dma_wait3A_1051 = tpu.memref_squeeze %dma_wait3A_1050 : memref<1x5x128xi32, #tpu.memory_space<vmem>> -> memref<5x128xi32, #tpu.memory_space<vmem>>
      %dma_wait3A_1052 = arith.constant 0 : i32
      %dma_wait3A_1053 = tpu.memref_slice %dma_wait3A_1051[%dma_wait3A_1038, %dma_wait3A_1052] : memref<5x128xi32, #tpu.memory_space<vmem>> -> memref<1x128xi32, #tpu.memory_space<vmem>>
      %dma_wait3A_1054 = tpu.memref_squeeze %dma_wait3A_1053 : memref<1x128xi32, #tpu.memory_space<vmem>> -> memref<128xi32, #tpu.memory_space<vmem>>
      %dma_wait3A_1055 = arith.constant 0 : i32
      %dma_wait3A_1056 = arith.constant 0 : i32
      %dma_wait3A_1057 = tpu.memref_slice %arg9[%dma_wait3A_1055, %dma_wait3A_1056] : memref<10512x64xf32, #tpu.memory_space<vmem_shared>> -> memref<10512x64xf32, #tpu.memory_space<vmem_shared>>
      tpu.wait_indirect_dma semaphore(%arg12 : memref<!tpu.dma_semaphore, #tpu.memory_space<semaphore_mem>>) src(%dma_wait3A_1047 : memref<128x64xf32, #tpu.memory_space<vmem>>) dst(%dma_wait3A_1057 : memref<10512x64xf32, #tpu.memory_space<vmem_shared>>)
      %dma_wait3A_1058 = arith.constant 1 : i32
      %dma_wait3A_1059 = arith.constant 3 : i32
      %dma_wait3A_1060 = arith.constant 1 : i32
      %dma_wait3A_1061 = arith.constant 3 : i32
      %dma_wait3A_1062 = arith.constant 0 : i32
      %dma_wait3A_1063 = arith.constant 0 : i32
      %dma_wait3A_1064 = arith.constant 0 : i32
      %dma_wait3A_1065 = tpu.memref_slice %arg8[%dma_wait3A_1058, %dma_wait3A_1062, %dma_wait3A_1063, %dma_wait3A_1064] : memref<2x5x128x64xf32, #tpu.memory_space<vmem>> -> memref<1x5x128x64xf32, #tpu.memory_space<vmem>>
      %dma_wait3A_1066 = tpu.memref_squeeze %dma_wait3A_1065 : memref<1x5x128x64xf32, #tpu.memory_space<vmem>> -> memref<5x128x64xf32, #tpu.memory_space<vmem>>
      %dma_wait3A_1067 = arith.constant 0 : i32
      %dma_wait3A_1068 = arith.constant 0 : i32
      %dma_wait3A_1069 = tpu.memref_slice %dma_wait3A_1066[%dma_wait3A_1059, %dma_wait3A_1067, %dma_wait3A_1068] : memref<5x128x64xf32, #tpu.memory_space<vmem>> -> memref<1x128x64xf32, #tpu.memory_space<vmem>>
      %dma_wait3A_1070 = tpu.memref_squeeze %dma_wait3A_1069 : memref<1x128x64xf32, #tpu.memory_space<vmem>> -> memref<128x64xf32, #tpu.memory_space<vmem>>
      %dma_wait3A_1071 = arith.constant 0 : i32
      %dma_wait3A_1072 = arith.constant 0 : i32
      %dma_wait3A_1073 = tpu.memref_slice %arg7[%dma_wait3A_1060, %dma_wait3A_1071, %dma_wait3A_1072] : memref<2x5x128xi32, #tpu.memory_space<vmem>> -> memref<1x5x128xi32, #tpu.memory_space<vmem>>
      %dma_wait3A_1074 = tpu.memref_squeeze %dma_wait3A_1073 : memref<1x5x128xi32, #tpu.memory_space<vmem>> -> memref<5x128xi32, #tpu.memory_space<vmem>>
      %dma_wait3A_1075 = arith.constant 0 : i32
      %dma_wait3A_1076 = tpu.memref_slice %dma_wait3A_1074[%dma_wait3A_1061, %dma_wait3A_1075] : memref<5x128xi32, #tpu.memory_space<vmem>> -> memref<1x128xi32, #tpu.memory_space<vmem>>
      %dma_wait3A_1077 = tpu.memref_squeeze %dma_wait3A_1076 : memref<1x128xi32, #tpu.memory_space<vmem>> -> memref<128xi32, #tpu.memory_space<vmem>>
      %dma_wait3A_1078 = arith.constant 0 : i32
      %dma_wait3A_1079 = arith.constant 0 : i32
      %dma_wait3A_1080 = tpu.memref_slice %arg9[%dma_wait3A_1078, %dma_wait3A_1079] : memref<10512x64xf32, #tpu.memory_space<vmem_shared>> -> memref<10512x64xf32, #tpu.memory_space<vmem_shared>>
      tpu.wait_indirect_dma semaphore(%arg12 : memref<!tpu.dma_semaphore, #tpu.memory_space<semaphore_mem>>) src(%dma_wait3A_1070 : memref<128x64xf32, #tpu.memory_space<vmem>>) dst(%dma_wait3A_1080 : memref<10512x64xf32, #tpu.memory_space<vmem_shared>>)
      %dma_wait3A_1081 = arith.constant 1 : i32
      %dma_wait3A_1082 = arith.constant 4 : i32
      %dma_wait3A_1083 = arith.constant 1 : i32
      %dma_wait3A_1084 = arith.constant 4 : i32
      %dma_wait3A_1085 = arith.constant 0 : i32
      %dma_wait3A_1086 = arith.constant 0 : i32
      %dma_wait3A_1087 = arith.constant 0 : i32
      %dma_wait3A_1088 = tpu.memref_slice %arg8[%dma_wait3A_1081, %dma_wait3A_1085, %dma_wait3A_1086, %dma_wait3A_1087] : memref<2x5x128x64xf32, #tpu.memory_space<vmem>> -> memref<1x5x128x64xf32, #tpu.memory_space<vmem>>
      %dma_wait3A_1089 = tpu.memref_squeeze %dma_wait3A_1088 : memref<1x5x128x64xf32, #tpu.memory_space<vmem>> -> memref<5x128x64xf32, #tpu.memory_space<vmem>>
      %dma_wait3A_1090 = arith.constant 0 : i32
      %dma_wait3A_1091 = arith.constant 0 : i32
      %dma_wait3A_1092 = tpu.memref_slice %dma_wait3A_1089[%dma_wait3A_1082, %dma_wait3A_1090, %dma_wait3A_1091] : memref<5x128x64xf32, #tpu.memory_space<vmem>> -> memref<1x128x64xf32, #tpu.memory_space<vmem>>
      %dma_wait3A_1093 = tpu.memref_squeeze %dma_wait3A_1092 : memref<1x128x64xf32, #tpu.memory_space<vmem>> -> memref<128x64xf32, #tpu.memory_space<vmem>>
      %dma_wait3A_1094 = arith.constant 0 : i32
      %dma_wait3A_1095 = arith.constant 0 : i32
      %dma_wait3A_1096 = tpu.memref_slice %arg7[%dma_wait3A_1083, %dma_wait3A_1094, %dma_wait3A_1095] : memref<2x5x128xi32, #tpu.memory_space<vmem>> -> memref<1x5x128xi32, #tpu.memory_space<vmem>>
      %dma_wait3A_1097 = tpu.memref_squeeze %dma_wait3A_1096 : memref<1x5x128xi32, #tpu.memory_space<vmem>> -> memref<5x128xi32, #tpu.memory_space<vmem>>
      %dma_wait3A_1098 = arith.constant 0 : i32
      %dma_wait3A_1099 = tpu.memref_slice %dma_wait3A_1097[%dma_wait3A_1084, %dma_wait3A_1098] : memref<5x128xi32, #tpu.memory_space<vmem>> -> memref<1x128xi32, #tpu.memory_space<vmem>>
      %dma_wait3A_1100 = tpu.memref_squeeze %dma_wait3A_1099 : memref<1x128xi32, #tpu.memory_space<vmem>> -> memref<128xi32, #tpu.memory_space<vmem>>
      %dma_wait3A_1101 = arith.constant 0 : i32
      %dma_wait3A_1102 = arith.constant 0 : i32
      %dma_wait3A_1103 = tpu.memref_slice %arg9[%dma_wait3A_1101, %dma_wait3A_1102] : memref<10512x64xf32, #tpu.memory_space<vmem_shared>> -> memref<10512x64xf32, #tpu.memory_space<vmem_shared>>
      tpu.wait_indirect_dma semaphore(%arg12 : memref<!tpu.dma_semaphore, #tpu.memory_space<semaphore_mem>>) src(%dma_wait3A_1093 : memref<128x64xf32, #tpu.memory_space<vmem>>) dst(%dma_wait3A_1103 : memref<10512x64xf32, #tpu.memory_space<vmem_shared>>)
      %add3A_1104 = arith.constant 2 : i32
      %add3A_1105 = arith.addi %add3A_703, %add3A_1104 : i32
      %lt3A_1106 = arith.constant 32 : i32
      %lt3A_1107 = arith.cmpi slt, %add3A_1105, %lt3A_1106 : i32
      %convert_element_type3A_1108 = arith.extui %lt3A_1107 : i1 to i32
      %cond3A_1109 = arith.constant 0 : i32
      %cond3A_1110 = arith.cmpi ne, %convert_element_type3A_1108, %cond3A_1109 : i32
      scf.if %cond3A_1110 {
        %add3A_1111 = arith.constant 2 : i32
        %add3A_1112 = arith.addi %add3A_703, %add3A_1111 : i32
        %mul3A_1113 = arith.constant 5 : i32
        %mul3A_1114 = arith.muli %add3A_1112, %mul3A_1113 : i32
        %add3A_1115 = arith.addi %mul3A_2, %mul3A_1114 : i32
        %run_scoped3A_1116 = arith.constant 1 : i32
        "tpu.region"() ({
          %run_scoped3A_1253 = tpu.sem_alloc : memref<!tpu.dma_semaphore, #tpu.memory_space<semaphore_mem>>
          %dma_start3A_1254 = arith.constant 0 : i32
          %dma_start3A_1255 = arith.constant 0 : i32
          %dma_start3A_1256 = tpu.memref_slice %arg6[%run_scoped3A_1116, %dma_start3A_1254, %dma_start3A_1255] : memref<2x5x128xi32, #tpu.memory_space<vmem>> -> memref<1x5x128xi32, #tpu.memory_space<vmem>>
          %dma_start3A_1257 = tpu.memref_squeeze %dma_start3A_1256 : memref<1x5x128xi32, #tpu.memory_space<vmem>> -> memref<5x128xi32, #tpu.memory_space<vmem>>
          %dma_start3A_1258 = arith.constant 0 : i32
          %dma_start3A_1259 = arith.constant 0 : i32
          %dma_start3A_1260 = tpu.memref_slice %arg3[%scan3A_282, %dma_start3A_1258, %dma_start3A_1259] : memref<2x2560x128xi32, #tpu.memory_space<hbm>> -> memref<1x2560x128xi32, #tpu.memory_space<hbm>>
          %dma_start3A_1261 = tpu.memref_squeeze %dma_start3A_1260 : memref<1x2560x128xi32, #tpu.memory_space<hbm>> -> memref<2560x128xi32, #tpu.memory_space<hbm>>
          %dma_start3A_1262 = arith.constant 0 : i32
          %dma_start3A_1263 = tpu.memref_slice %dma_start3A_1261[%add3A_1115, %dma_start3A_1262] : memref<2560x128xi32, #tpu.memory_space<hbm>> -> memref<5x128xi32, #tpu.memory_space<hbm>>
          %dma_start3A_1264 = arith.constant 0 : i32
          %dma_start3A_1265 = arith.constant 0 : i32
          %dma_start3A_1266 = tpu.memref_slice %arg6[%run_scoped3A_1116, %dma_start3A_1264, %dma_start3A_1265] : memref<2x5x128xi32, #tpu.memory_space<vmem>> -> memref<1x5x128xi32, #tpu.memory_space<vmem>>
          %dma_start3A_1267 = tpu.memref_squeeze %dma_start3A_1266 : memref<1x5x128xi32, #tpu.memory_space<vmem>> -> memref<5x128xi32, #tpu.memory_space<vmem>>
          %dma_start3A_1268 = arith.constant 0 : i32
          %dma_start3A_1269 = arith.constant 0 : i32
          %dma_start3A_1270 = tpu.memref_slice %arg3[%scan3A_282, %dma_start3A_1268, %dma_start3A_1269] : memref<2x2560x128xi32, #tpu.memory_space<hbm>> -> memref<1x2560x128xi32, #tpu.memory_space<hbm>>
          %dma_start3A_1271 = tpu.memref_squeeze %dma_start3A_1270 : memref<1x2560x128xi32, #tpu.memory_space<hbm>> -> memref<2560x128xi32, #tpu.memory_space<hbm>>
          %dma_start3A_1272 = arith.constant 0 : i32
          %dma_start3A_1273 = tpu.memref_slice %dma_start3A_1271[%add3A_1115, %dma_start3A_1272] : memref<2560x128xi32, #tpu.memory_space<hbm>> -> memref<5x128xi32, #tpu.memory_space<hbm>>
          tpu.enqueue_dma source(%dma_start3A_1273 : memref<5x128xi32, #tpu.memory_space<hbm>>) target(%dma_start3A_1267 : memref<5x128xi32, #tpu.memory_space<vmem>>) target_semaphore(%run_scoped3A_1253 : memref<!tpu.dma_semaphore, #tpu.memory_space<semaphore_mem>>)
          %dma_wait3A_1274 = arith.constant 0 : i32
          %dma_wait3A_1275 = arith.constant 0 : i32
          %dma_wait3A_1276 = tpu.memref_slice %arg6[%run_scoped3A_1116, %dma_wait3A_1274, %dma_wait3A_1275] : memref<2x5x128xi32, #tpu.memory_space<vmem>> -> memref<1x5x128xi32, #tpu.memory_space<vmem>>
          %dma_wait3A_1277 = tpu.memref_squeeze %dma_wait3A_1276 : memref<1x5x128xi32, #tpu.memory_space<vmem>> -> memref<5x128xi32, #tpu.memory_space<vmem>>
          %dma_wait3A_1278 = arith.constant 0 : i32
          %dma_wait3A_1279 = arith.constant 0 : i32
          %dma_wait3A_1280 = tpu.memref_slice %arg3[%scan3A_282, %dma_wait3A_1278, %dma_wait3A_1279] : memref<2x2560x128xi32, #tpu.memory_space<hbm>> -> memref<1x2560x128xi32, #tpu.memory_space<hbm>>
          %dma_wait3A_1281 = tpu.memref_squeeze %dma_wait3A_1280 : memref<1x2560x128xi32, #tpu.memory_space<hbm>> -> memref<2560x128xi32, #tpu.memory_space<hbm>>
          %dma_wait3A_1282 = arith.constant 0 : i32
          %dma_wait3A_1283 = tpu.memref_slice %dma_wait3A_1281[%add3A_1115, %dma_wait3A_1282] : memref<2560x128xi32, #tpu.memory_space<hbm>> -> memref<5x128xi32, #tpu.memory_space<hbm>>
          %dma_wait3A_1284 = arith.constant 0 : i32
          %dma_wait3A_1285 = arith.constant 0 : i32
          %dma_wait3A_1286 = tpu.memref_slice %arg6[%run_scoped3A_1116, %dma_wait3A_1284, %dma_wait3A_1285] : memref<2x5x128xi32, #tpu.memory_space<vmem>> -> memref<1x5x128xi32, #tpu.memory_space<vmem>>
          %dma_wait3A_1287 = tpu.memref_squeeze %dma_wait3A_1286 : memref<1x5x128xi32, #tpu.memory_space<vmem>> -> memref<5x128xi32, #tpu.memory_space<vmem>>
          %dma_wait3A_1288 = arith.constant 0 : i32
          %dma_wait3A_1289 = arith.constant 0 : i32
          %dma_wait3A_1290 = tpu.memref_slice %arg3[%scan3A_282, %dma_wait3A_1288, %dma_wait3A_1289] : memref<2x2560x128xi32, #tpu.memory_space<hbm>> -> memref<1x2560x128xi32, #tpu.memory_space<hbm>>
          %dma_wait3A_1291 = tpu.memref_squeeze %dma_wait3A_1290 : memref<1x2560x128xi32, #tpu.memory_space<hbm>> -> memref<2560x128xi32, #tpu.memory_space<hbm>>
          %dma_wait3A_1292 = arith.constant 0 : i32
          %dma_wait3A_1293 = tpu.memref_slice %dma_wait3A_1291[%add3A_1115, %dma_wait3A_1292] : memref<2560x128xi32, #tpu.memory_space<hbm>> -> memref<5x128xi32, #tpu.memory_space<hbm>>
          tpu.wait_dma2 semaphore(%run_scoped3A_1253 : memref<!tpu.dma_semaphore, #tpu.memory_space<semaphore_mem>>) src(%dma_wait3A_1293 : memref<5x128xi32, #tpu.memory_space<hbm>>) dst(%dma_wait3A_1287 : memref<5x128xi32, #tpu.memory_space<vmem>>)
          tpu.yield
        }) : () -> ()
        %run_scoped3A_1117 = arith.constant 1 : i32
        "tpu.region"() ({
          %run_scoped3A_1253 = tpu.sem_alloc : memref<!tpu.dma_semaphore, #tpu.memory_space<semaphore_mem>>
          %dma_start3A_1254 = arith.constant 0 : i32
          %dma_start3A_1255 = arith.constant 0 : i32
          %dma_start3A_1256 = tpu.memref_slice %arg7[%run_scoped3A_1117, %dma_start3A_1254, %dma_start3A_1255] : memref<2x5x128xi32, #tpu.memory_space<vmem>> -> memref<1x5x128xi32, #tpu.memory_space<vmem>>
          %dma_start3A_1257 = tpu.memref_squeeze %dma_start3A_1256 : memref<1x5x128xi32, #tpu.memory_space<vmem>> -> memref<5x128xi32, #tpu.memory_space<vmem>>
          %dma_start3A_1258 = arith.constant 0 : i32
          %dma_start3A_1259 = arith.constant 0 : i32
          %dma_start3A_1260 = tpu.memref_slice %arg3[%scan3A_283, %dma_start3A_1258, %dma_start3A_1259] : memref<2x2560x128xi32, #tpu.memory_space<hbm>> -> memref<1x2560x128xi32, #tpu.memory_space<hbm>>
          %dma_start3A_1261 = tpu.memref_squeeze %dma_start3A_1260 : memref<1x2560x128xi32, #tpu.memory_space<hbm>> -> memref<2560x128xi32, #tpu.memory_space<hbm>>
          %dma_start3A_1262 = arith.constant 0 : i32
          %dma_start3A_1263 = tpu.memref_slice %dma_start3A_1261[%add3A_1115, %dma_start3A_1262] : memref<2560x128xi32, #tpu.memory_space<hbm>> -> memref<5x128xi32, #tpu.memory_space<hbm>>
          %dma_start3A_1264 = arith.constant 0 : i32
          %dma_start3A_1265 = arith.constant 0 : i32
          %dma_start3A_1266 = tpu.memref_slice %arg7[%run_scoped3A_1117, %dma_start3A_1264, %dma_start3A_1265] : memref<2x5x128xi32, #tpu.memory_space<vmem>> -> memref<1x5x128xi32, #tpu.memory_space<vmem>>
          %dma_start3A_1267 = tpu.memref_squeeze %dma_start3A_1266 : memref<1x5x128xi32, #tpu.memory_space<vmem>> -> memref<5x128xi32, #tpu.memory_space<vmem>>
          %dma_start3A_1268 = arith.constant 0 : i32
          %dma_start3A_1269 = arith.constant 0 : i32
          %dma_start3A_1270 = tpu.memref_slice %arg3[%scan3A_283, %dma_start3A_1268, %dma_start3A_1269] : memref<2x2560x128xi32, #tpu.memory_space<hbm>> -> memref<1x2560x128xi32, #tpu.memory_space<hbm>>
          %dma_start3A_1271 = tpu.memref_squeeze %dma_start3A_1270 : memref<1x2560x128xi32, #tpu.memory_space<hbm>> -> memref<2560x128xi32, #tpu.memory_space<hbm>>
          %dma_start3A_1272 = arith.constant 0 : i32
          %dma_start3A_1273 = tpu.memref_slice %dma_start3A_1271[%add3A_1115, %dma_start3A_1272] : memref<2560x128xi32, #tpu.memory_space<hbm>> -> memref<5x128xi32, #tpu.memory_space<hbm>>
          tpu.enqueue_dma source(%dma_start3A_1273 : memref<5x128xi32, #tpu.memory_space<hbm>>) target(%dma_start3A_1267 : memref<5x128xi32, #tpu.memory_space<vmem>>) target_semaphore(%run_scoped3A_1253 : memref<!tpu.dma_semaphore, #tpu.memory_space<semaphore_mem>>)
          %dma_wait3A_1274 = arith.constant 0 : i32
          %dma_wait3A_1275 = arith.constant 0 : i32
          %dma_wait3A_1276 = tpu.memref_slice %arg7[%run_scoped3A_1117, %dma_wait3A_1274, %dma_wait3A_1275] : memref<2x5x128xi32, #tpu.memory_space<vmem>> -> memref<1x5x128xi32, #tpu.memory_space<vmem>>
          %dma_wait3A_1277 = tpu.memref_squeeze %dma_wait3A_1276 : memref<1x5x128xi32, #tpu.memory_space<vmem>> -> memref<5x128xi32, #tpu.memory_space<vmem>>
          %dma_wait3A_1278 = arith.constant 0 : i32
          %dma_wait3A_1279 = arith.constant 0 : i32
          %dma_wait3A_1280 = tpu.memref_slice %arg3[%scan3A_283, %dma_wait3A_1278, %dma_wait3A_1279] : memref<2x2560x128xi32, #tpu.memory_space<hbm>> -> memref<1x2560x128xi32, #tpu.memory_space<hbm>>
          %dma_wait3A_1281 = tpu.memref_squeeze %dma_wait3A_1280 : memref<1x2560x128xi32, #tpu.memory_space<hbm>> -> memref<2560x128xi32, #tpu.memory_space<hbm>>
          %dma_wait3A_1282 = arith.constant 0 : i32
          %dma_wait3A_1283 = tpu.memref_slice %dma_wait3A_1281[%add3A_1115, %dma_wait3A_1282] : memref<2560x128xi32, #tpu.memory_space<hbm>> -> memref<5x128xi32, #tpu.memory_space<hbm>>
          %dma_wait3A_1284 = arith.constant 0 : i32
          %dma_wait3A_1285 = arith.constant 0 : i32
          %dma_wait3A_1286 = tpu.memref_slice %arg7[%run_scoped3A_1117, %dma_wait3A_1284, %dma_wait3A_1285] : memref<2x5x128xi32, #tpu.memory_space<vmem>> -> memref<1x5x128xi32, #tpu.memory_space<vmem>>
          %dma_wait3A_1287 = tpu.memref_squeeze %dma_wait3A_1286 : memref<1x5x128xi32, #tpu.memory_space<vmem>> -> memref<5x128xi32, #tpu.memory_space<vmem>>
          %dma_wait3A_1288 = arith.constant 0 : i32
          %dma_wait3A_1289 = arith.constant 0 : i32
          %dma_wait3A_1290 = tpu.memref_slice %arg3[%scan3A_283, %dma_wait3A_1288, %dma_wait3A_1289] : memref<2x2560x128xi32, #tpu.memory_space<hbm>> -> memref<1x2560x128xi32, #tpu.memory_space<hbm>>
          %dma_wait3A_1291 = tpu.memref_squeeze %dma_wait3A_1290 : memref<1x2560x128xi32, #tpu.memory_space<hbm>> -> memref<2560x128xi32, #tpu.memory_space<hbm>>
          %dma_wait3A_1292 = arith.constant 0 : i32
          %dma_wait3A_1293 = tpu.memref_slice %dma_wait3A_1291[%add3A_1115, %dma_wait3A_1292] : memref<2560x128xi32, #tpu.memory_space<hbm>> -> memref<5x128xi32, #tpu.memory_space<hbm>>
          tpu.wait_dma2 semaphore(%run_scoped3A_1253 : memref<!tpu.dma_semaphore, #tpu.memory_space<semaphore_mem>>) src(%dma_wait3A_1293 : memref<5x128xi32, #tpu.memory_space<hbm>>) dst(%dma_wait3A_1287 : memref<5x128xi32, #tpu.memory_space<vmem>>)
          tpu.yield
        }) : () -> ()
        %dma_start3A_1118 = arith.constant 1 : i32
        %dma_start3A_1119 = arith.constant 0 : i32
        %dma_start3A_1120 = arith.constant 1 : i32
        %dma_start3A_1121 = arith.constant 0 : i32
        %dma_start3A_1122 = arith.constant 0 : i32
        %dma_start3A_1123 = arith.constant 0 : i32
        %dma_start3A_1124 = arith.constant 0 : i32
        %dma_start3A_1125 = tpu.memref_slice %arg8[%dma_start3A_1120, %dma_start3A_1122, %dma_start3A_1123, %dma_start3A_1124] : memref<2x5x128x64xf32, #tpu.memory_space<vmem>> -> memref<1x5x128x64xf32, #tpu.memory_space<vmem>>
        %dma_start3A_1126 = tpu.memref_squeeze %dma_start3A_1125 : memref<1x5x128x64xf32, #tpu.memory_space<vmem>> -> memref<5x128x64xf32, #tpu.memory_space<vmem>>
        %dma_start3A_1127 = arith.constant 0 : i32
        %dma_start3A_1128 = arith.constant 0 : i32
        %dma_start3A_1129 = tpu.memref_slice %dma_start3A_1126[%dma_start3A_1121, %dma_start3A_1127, %dma_start3A_1128] : memref<5x128x64xf32, #tpu.memory_space<vmem>> -> memref<1x128x64xf32, #tpu.memory_space<vmem>>
        %dma_start3A_1130 = tpu.memref_squeeze %dma_start3A_1129 : memref<1x128x64xf32, #tpu.memory_space<vmem>> -> memref<128x64xf32, #tpu.memory_space<vmem>>
        %dma_start3A_1131 = arith.constant 0 : i32
        %dma_start3A_1132 = arith.constant 0 : i32
        %dma_start3A_1133 = tpu.memref_slice %arg6[%dma_start3A_1118, %dma_start3A_1131, %dma_start3A_1132] : memref<2x5x128xi32, #tpu.memory_space<vmem>> -> memref<1x5x128xi32, #tpu.memory_space<vmem>>
        %dma_start3A_1134 = tpu.memref_squeeze %dma_start3A_1133 : memref<1x5x128xi32, #tpu.memory_space<vmem>> -> memref<5x128xi32, #tpu.memory_space<vmem>>
        %dma_start3A_1135 = arith.constant 0 : i32
        %dma_start3A_1136 = tpu.memref_slice %dma_start3A_1134[%dma_start3A_1119, %dma_start3A_1135] : memref<5x128xi32, #tpu.memory_space<vmem>> -> memref<1x128xi32, #tpu.memory_space<vmem>>
        %dma_start3A_1137 = tpu.memref_squeeze %dma_start3A_1136 : memref<1x128xi32, #tpu.memory_space<vmem>> -> memref<128xi32, #tpu.memory_space<vmem>>
        %dma_start3A_1138 = arith.constant 0 : i32
        %dma_start3A_1139 = arith.constant 0 : i32
        %dma_start3A_1140 = tpu.memref_slice %arg2[%arg0, %dma_start3A_1138, %dma_start3A_1139] : memref<2x10000x64xf32, #tpu.memory_space<hbm>> -> memref<1x10000x64xf32, #tpu.memory_space<hbm>>
        %dma_start3A_1141 = tpu.memref_squeeze %dma_start3A_1140 : memref<1x10000x64xf32, #tpu.memory_space<hbm>> -> memref<10000x64xf32, #tpu.memory_space<hbm>>
        %dma_start3A_1142 = arith.constant 0 : i32
        %dma_start3A_1143 = arith.constant 0 : i32
        %dma_start3A_1144 = tpu.memref_slice %dma_start3A_1141[%dma_start3A_1142, %dma_start3A_1143] : memref<10000x64xf32, #tpu.memory_space<hbm>> -> memref<10000x64xf32, #tpu.memory_space<hbm>>
        tpu.enqueue_indirect_dma source(%dma_start3A_1144 : memref<10000x64xf32, #tpu.memory_space<hbm>>) target(%dma_start3A_1130 : memref<128x64xf32, #tpu.memory_space<vmem>>) offsets(%dma_start3A_1137 : memref<128xi32, #tpu.memory_space<vmem>>) semaphore(%arg11 : memref<!tpu.dma_semaphore, #tpu.memory_space<semaphore_mem>>)
        %dma_start3A_1145 = arith.constant 1 : i32
        %dma_start3A_1146 = arith.constant 1 : i32
        %dma_start3A_1147 = arith.constant 1 : i32
        %dma_start3A_1148 = arith.constant 1 : i32
        %dma_start3A_1149 = arith.constant 0 : i32
        %dma_start3A_1150 = arith.constant 0 : i32
        %dma_start3A_1151 = arith.constant 0 : i32
        %dma_start3A_1152 = tpu.memref_slice %arg8[%dma_start3A_1147, %dma_start3A_1149, %dma_start3A_1150, %dma_start3A_1151] : memref<2x5x128x64xf32, #tpu.memory_space<vmem>> -> memref<1x5x128x64xf32, #tpu.memory_space<vmem>>
        %dma_start3A_1153 = tpu.memref_squeeze %dma_start3A_1152 : memref<1x5x128x64xf32, #tpu.memory_space<vmem>> -> memref<5x128x64xf32, #tpu.memory_space<vmem>>
        %dma_start3A_1154 = arith.constant 0 : i32
        %dma_start3A_1155 = arith.constant 0 : i32
        %dma_start3A_1156 = tpu.memref_slice %dma_start3A_1153[%dma_start3A_1148, %dma_start3A_1154, %dma_start3A_1155] : memref<5x128x64xf32, #tpu.memory_space<vmem>> -> memref<1x128x64xf32, #tpu.memory_space<vmem>>
        %dma_start3A_1157 = tpu.memref_squeeze %dma_start3A_1156 : memref<1x128x64xf32, #tpu.memory_space<vmem>> -> memref<128x64xf32, #tpu.memory_space<vmem>>
        %dma_start3A_1158 = arith.constant 0 : i32
        %dma_start3A_1159 = arith.constant 0 : i32
        %dma_start3A_1160 = tpu.memref_slice %arg6[%dma_start3A_1145, %dma_start3A_1158, %dma_start3A_1159] : memref<2x5x128xi32, #tpu.memory_space<vmem>> -> memref<1x5x128xi32, #tpu.memory_space<vmem>>
        %dma_start3A_1161 = tpu.memref_squeeze %dma_start3A_1160 : memref<1x5x128xi32, #tpu.memory_space<vmem>> -> memref<5x128xi32, #tpu.memory_space<vmem>>
        %dma_start3A_1162 = arith.constant 0 : i32
        %dma_start3A_1163 = tpu.memref_slice %dma_start3A_1161[%dma_start3A_1146, %dma_start3A_1162] : memref<5x128xi32, #tpu.memory_space<vmem>> -> memref<1x128xi32, #tpu.memory_space<vmem>>
        %dma_start3A_1164 = tpu.memref_squeeze %dma_start3A_1163 : memref<1x128xi32, #tpu.memory_space<vmem>> -> memref<128xi32, #tpu.memory_space<vmem>>
        %dma_start3A_1165 = arith.constant 0 : i32
        %dma_start3A_1166 = arith.constant 0 : i32
        %dma_start3A_1167 = tpu.memref_slice %arg2[%arg0, %dma_start3A_1165, %dma_start3A_1166] : memref<2x10000x64xf32, #tpu.memory_space<hbm>> -> memref<1x10000x64xf32, #tpu.memory_space<hbm>>
        %dma_start3A_1168 = tpu.memref_squeeze %dma_start3A_1167 : memref<1x10000x64xf32, #tpu.memory_space<hbm>> -> memref<10000x64xf32, #tpu.memory_space<hbm>>
        %dma_start3A_1169 = arith.constant 0 : i32
        %dma_start3A_1170 = arith.constant 0 : i32
        %dma_start3A_1171 = tpu.memref_slice %dma_start3A_1168[%dma_start3A_1169, %dma_start3A_1170] : memref<10000x64xf32, #tpu.memory_space<hbm>> -> memref<10000x64xf32, #tpu.memory_space<hbm>>
        tpu.enqueue_indirect_dma source(%dma_start3A_1171 : memref<10000x64xf32, #tpu.memory_space<hbm>>) target(%dma_start3A_1157 : memref<128x64xf32, #tpu.memory_space<vmem>>) offsets(%dma_start3A_1164 : memref<128xi32, #tpu.memory_space<vmem>>) semaphore(%arg11 : memref<!tpu.dma_semaphore, #tpu.memory_space<semaphore_mem>>)
        %dma_start3A_1172 = arith.constant 1 : i32
        %dma_start3A_1173 = arith.constant 2 : i32
        %dma_start3A_1174 = arith.constant 1 : i32
        %dma_start3A_1175 = arith.constant 2 : i32
        %dma_start3A_1176 = arith.constant 0 : i32
        %dma_start3A_1177 = arith.constant 0 : i32
        %dma_start3A_1178 = arith.constant 0 : i32
        %dma_start3A_1179 = tpu.memref_slice %arg8[%dma_start3A_1174, %dma_start3A_1176, %dma_start3A_1177, %dma_start3A_1178] : memref<2x5x128x64xf32, #tpu.memory_space<vmem>> -> memref<1x5x128x64xf32, #tpu.memory_space<vmem>>
        %dma_start3A_1180 = tpu.memref_squeeze %dma_start3A_1179 : memref<1x5x128x64xf32, #tpu.memory_space<vmem>> -> memref<5x128x64xf32, #tpu.memory_space<vmem>>
        %dma_start3A_1181 = arith.constant 0 : i32
        %dma_start3A_1182 = arith.constant 0 : i32
        %dma_start3A_1183 = tpu.memref_slice %dma_start3A_1180[%dma_start3A_1175, %dma_start3A_1181, %dma_start3A_1182] : memref<5x128x64xf32, #tpu.memory_space<vmem>> -> memref<1x128x64xf32, #tpu.memory_space<vmem>>
        %dma_start3A_1184 = tpu.memref_squeeze %dma_start3A_1183 : memref<1x128x64xf32, #tpu.memory_space<vmem>> -> memref<128x64xf32, #tpu.memory_space<vmem>>
        %dma_start3A_1185 = arith.constant 0 : i32
        %dma_start3A_1186 = arith.constant 0 : i32
        %dma_start3A_1187 = tpu.memref_slice %arg6[%dma_start3A_1172, %dma_start3A_1185, %dma_start3A_1186] : memref<2x5x128xi32, #tpu.memory_space<vmem>> -> memref<1x5x128xi32, #tpu.memory_space<vmem>>
        %dma_start3A_1188 = tpu.memref_squeeze %dma_start3A_1187 : memref<1x5x128xi32, #tpu.memory_space<vmem>> -> memref<5x128xi32, #tpu.memory_space<vmem>>
        %dma_start3A_1189 = arith.constant 0 : i32
        %dma_start3A_1190 = tpu.memref_slice %dma_start3A_1188[%dma_start3A_1173, %dma_start3A_1189] : memref<5x128xi32, #tpu.memory_space<vmem>> -> memref<1x128xi32, #tpu.memory_space<vmem>>
        %dma_start3A_1191 = tpu.memref_squeeze %dma_start3A_1190 : memref<1x128xi32, #tpu.memory_space<vmem>> -> memref<128xi32, #tpu.memory_space<vmem>>
        %dma_start3A_1192 = arith.constant 0 : i32
        %dma_start3A_1193 = arith.constant 0 : i32
        %dma_start3A_1194 = tpu.memref_slice %arg2[%arg0, %dma_start3A_1192, %dma_start3A_1193] : memref<2x10000x64xf32, #tpu.memory_space<hbm>> -> memref<1x10000x64xf32, #tpu.memory_space<hbm>>
        %dma_start3A_1195 = tpu.memref_squeeze %dma_start3A_1194 : memref<1x10000x64xf32, #tpu.memory_space<hbm>> -> memref<10000x64xf32, #tpu.memory_space<hbm>>
        %dma_start3A_1196 = arith.constant 0 : i32
        %dma_start3A_1197 = arith.constant 0 : i32
        %dma_start3A_1198 = tpu.memref_slice %dma_start3A_1195[%dma_start3A_1196, %dma_start3A_1197] : memref<10000x64xf32, #tpu.memory_space<hbm>> -> memref<10000x64xf32, #tpu.memory_space<hbm>>
        tpu.enqueue_indirect_dma source(%dma_start3A_1198 : memref<10000x64xf32, #tpu.memory_space<hbm>>) target(%dma_start3A_1184 : memref<128x64xf32, #tpu.memory_space<vmem>>) offsets(%dma_start3A_1191 : memref<128xi32, #tpu.memory_space<vmem>>) semaphore(%arg11 : memref<!tpu.dma_semaphore, #tpu.memory_space<semaphore_mem>>)
        %dma_start3A_1199 = arith.constant 1 : i32
        %dma_start3A_1200 = arith.constant 3 : i32
        %dma_start3A_1201 = arith.constant 1 : i32
        %dma_start3A_1202 = arith.constant 3 : i32
        %dma_start3A_1203 = arith.constant 0 : i32
        %dma_start3A_1204 = arith.constant 0 : i32
        %dma_start3A_1205 = arith.constant 0 : i32
        %dma_start3A_1206 = tpu.memref_slice %arg8[%dma_start3A_1201, %dma_start3A_1203, %dma_start3A_1204, %dma_start3A_1205] : memref<2x5x128x64xf32, #tpu.memory_space<vmem>> -> memref<1x5x128x64xf32, #tpu.memory_space<vmem>>
        %dma_start3A_1207 = tpu.memref_squeeze %dma_start3A_1206 : memref<1x5x128x64xf32, #tpu.memory_space<vmem>> -> memref<5x128x64xf32, #tpu.memory_space<vmem>>
        %dma_start3A_1208 = arith.constant 0 : i32
        %dma_start3A_1209 = arith.constant 0 : i32
        %dma_start3A_1210 = tpu.memref_slice %dma_start3A_1207[%dma_start3A_1202, %dma_start3A_1208, %dma_start3A_1209] : memref<5x128x64xf32, #tpu.memory_space<vmem>> -> memref<1x128x64xf32, #tpu.memory_space<vmem>>
        %dma_start3A_1211 = tpu.memref_squeeze %dma_start3A_1210 : memref<1x128x64xf32, #tpu.memory_space<vmem>> -> memref<128x64xf32, #tpu.memory_space<vmem>>
        %dma_start3A_1212 = arith.constant 0 : i32
        %dma_start3A_1213 = arith.constant 0 : i32
        %dma_start3A_1214 = tpu.memref_slice %arg6[%dma_start3A_1199, %dma_start3A_1212, %dma_start3A_1213] : memref<2x5x128xi32, #tpu.memory_space<vmem>> -> memref<1x5x128xi32, #tpu.memory_space<vmem>>
        %dma_start3A_1215 = tpu.memref_squeeze %dma_start3A_1214 : memref<1x5x128xi32, #tpu.memory_space<vmem>> -> memref<5x128xi32, #tpu.memory_space<vmem>>
        %dma_start3A_1216 = arith.constant 0 : i32
        %dma_start3A_1217 = tpu.memref_slice %dma_start3A_1215[%dma_start3A_1200, %dma_start3A_1216] : memref<5x128xi32, #tpu.memory_space<vmem>> -> memref<1x128xi32, #tpu.memory_space<vmem>>
        %dma_start3A_1218 = tpu.memref_squeeze %dma_start3A_1217 : memref<1x128xi32, #tpu.memory_space<vmem>> -> memref<128xi32, #tpu.memory_space<vmem>>
        %dma_start3A_1219 = arith.constant 0 : i32
        %dma_start3A_1220 = arith.constant 0 : i32
        %dma_start3A_1221 = tpu.memref_slice %arg2[%arg0, %dma_start3A_1219, %dma_start3A_1220] : memref<2x10000x64xf32, #tpu.memory_space<hbm>> -> memref<1x10000x64xf32, #tpu.memory_space<hbm>>
        %dma_start3A_1222 = tpu.memref_squeeze %dma_start3A_1221 : memref<1x10000x64xf32, #tpu.memory_space<hbm>> -> memref<10000x64xf32, #tpu.memory_space<hbm>>
        %dma_start3A_1223 = arith.constant 0 : i32
        %dma_start3A_1224 = arith.constant 0 : i32
        %dma_start3A_1225 = tpu.memref_slice %dma_start3A_1222[%dma_start3A_1223, %dma_start3A_1224] : memref<10000x64xf32, #tpu.memory_space<hbm>> -> memref<10000x64xf32, #tpu.memory_space<hbm>>
        tpu.enqueue_indirect_dma source(%dma_start3A_1225 : memref<10000x64xf32, #tpu.memory_space<hbm>>) target(%dma_start3A_1211 : memref<128x64xf32, #tpu.memory_space<vmem>>) offsets(%dma_start3A_1218 : memref<128xi32, #tpu.memory_space<vmem>>) semaphore(%arg11 : memref<!tpu.dma_semaphore, #tpu.memory_space<semaphore_mem>>)
        %dma_start3A_1226 = arith.constant 1 : i32
        %dma_start3A_1227 = arith.constant 4 : i32
        %dma_start3A_1228 = arith.constant 1 : i32
        %dma_start3A_1229 = arith.constant 4 : i32
        %dma_start3A_1230 = arith.constant 0 : i32
        %dma_start3A_1231 = arith.constant 0 : i32
        %dma_start3A_1232 = arith.constant 0 : i32
        %dma_start3A_1233 = tpu.memref_slice %arg8[%dma_start3A_1228, %dma_start3A_1230, %dma_start3A_1231, %dma_start3A_1232] : memref<2x5x128x64xf32, #tpu.memory_space<vmem>> -> memref<1x5x128x64xf32, #tpu.memory_space<vmem>>
        %dma_start3A_1234 = tpu.memref_squeeze %dma_start3A_1233 : memref<1x5x128x64xf32, #tpu.memory_space<vmem>> -> memref<5x128x64xf32, #tpu.memory_space<vmem>>
        %dma_start3A_1235 = arith.constant 0 : i32
        %dma_start3A_1236 = arith.constant 0 : i32
        %dma_start3A_1237 = tpu.memref_slice %dma_start3A_1234[%dma_start3A_1229, %dma_start3A_1235, %dma_start3A_1236] : memref<5x128x64xf32, #tpu.memory_space<vmem>> -> memref<1x128x64xf32, #tpu.memory_space<vmem>>
        %dma_start3A_1238 = tpu.memref_squeeze %dma_start3A_1237 : memref<1x128x64xf32, #tpu.memory_space<vmem>> -> memref<128x64xf32, #tpu.memory_space<vmem>>
        %dma_start3A_1239 = arith.constant 0 : i32
        %dma_start3A_1240 = arith.constant 0 : i32
        %dma_start3A_1241 = tpu.memref_slice %arg6[%dma_start3A_1226, %dma_start3A_1239, %dma_start3A_1240] : memref<2x5x128xi32, #tpu.memory_space<vmem>> -> memref<1x5x128xi32, #tpu.memory_space<vmem>>
        %dma_start3A_1242 = tpu.memref_squeeze %dma_start3A_1241 : memref<1x5x128xi32, #tpu.memory_space<vmem>> -> memref<5x128xi32, #tpu.memory_space<vmem>>
        %dma_start3A_1243 = arith.constant 0 : i32
        %dma_start3A_1244 = tpu.memref_slice %dma_start3A_1242[%dma_start3A_1227, %dma_start3A_1243] : memref<5x128xi32, #tpu.memory_space<vmem>> -> memref<1x128xi32, #tpu.memory_space<vmem>>
        %dma_start3A_1245 = tpu.memref_squeeze %dma_start3A_1244 : memref<1x128xi32, #tpu.memory_space<vmem>> -> memref<128xi32, #tpu.memory_space<vmem>>
        %dma_start3A_1246 = arith.constant 0 : i32
        %dma_start3A_1247 = arith.constant 0 : i32
        %dma_start3A_1248 = tpu.memref_slice %arg2[%arg0, %dma_start3A_1246, %dma_start3A_1247] : memref<2x10000x64xf32, #tpu.memory_space<hbm>> -> memref<1x10000x64xf32, #tpu.memory_space<hbm>>
        %dma_start3A_1249 = tpu.memref_squeeze %dma_start3A_1248 : memref<1x10000x64xf32, #tpu.memory_space<hbm>> -> memref<10000x64xf32, #tpu.memory_space<hbm>>
        %dma_start3A_1250 = arith.constant 0 : i32
        %dma_start3A_1251 = arith.constant 0 : i32
        %dma_start3A_1252 = tpu.memref_slice %dma_start3A_1249[%dma_start3A_1250, %dma_start3A_1251] : memref<10000x64xf32, #tpu.memory_space<hbm>> -> memref<10000x64xf32, #tpu.memory_space<hbm>>
        tpu.enqueue_indirect_dma source(%dma_start3A_1252 : memref<10000x64xf32, #tpu.memory_space<hbm>>) target(%dma_start3A_1238 : memref<128x64xf32, #tpu.memory_space<vmem>>) offsets(%dma_start3A_1245 : memref<128xi32, #tpu.memory_space<vmem>>) semaphore(%arg11 : memref<!tpu.dma_semaphore, #tpu.memory_space<semaphore_mem>>)
      } else {
      }
    }
    %scan3A_288 = arith.constant 16 : i32
    %barrier3A_289 = arith.constant 0 : index
    tpu.barrier barrier_id(%barrier3A_289)
    %mul3A_290 = arith.constant 64 : i32
    %mul3A_291 = arith.muli %arg0, %mul3A_290 : i32
    "tpu.region"() ({
      %run_scoped3A_292 = tpu.sem_alloc : memref<!tpu.dma_semaphore, #tpu.memory_space<semaphore_mem>>
      %dma_start3A_293 = tpu.memref_slice %arg5[%mul3A_0, %mul3A_291] : memref<10000x128xf32, #tpu.memory_space<hbm>> -> memref<640x64xf32, #tpu.memory_space<hbm>>
      %dma_start3A_294 = arith.constant 0 : i32
      %dma_start3A_295 = tpu.memref_slice %arg9[%mul3A_0, %dma_start3A_294] : memref<10512x64xf32, #tpu.memory_space<vmem_shared>> -> memref<640x64xf32, #tpu.memory_space<vmem_shared>>
      tpu.enqueue_dma source(%dma_start3A_295 : memref<640x64xf32, #tpu.memory_space<vmem_shared>>) target(%dma_start3A_293 : memref<640x64xf32, #tpu.memory_space<hbm>>) target_semaphore(%run_scoped3A_292 : memref<!tpu.dma_semaphore, #tpu.memory_space<semaphore_mem>>)
      %dma_wait3A = tpu.memref_slice %arg5[%mul3A_0, %mul3A_291] : memref<10000x128xf32, #tpu.memory_space<hbm>> -> memref<640x64xf32, #tpu.memory_space<hbm>>
      %dma_wait3A_296 = arith.constant 0 : i32
      %dma_wait3A_297 = tpu.memref_slice %arg9[%mul3A_0, %dma_wait3A_296] : memref<10512x64xf32, #tpu.memory_space<vmem_shared>> -> memref<640x64xf32, #tpu.memory_space<vmem_shared>>
      tpu.wait_dma2 semaphore(%run_scoped3A_292 : memref<!tpu.dma_semaphore, #tpu.memory_space<semaphore_mem>>) src(%dma_wait3A_297 : memref<640x64xf32, #tpu.memory_space<vmem_shared>>) dst(%dma_wait3A : memref<640x64xf32, #tpu.memory_space<hbm>>)
      tpu.yield
    }) : () -> ()
    return
  }
}

#map = affine_map<(d0, d1) -> (0, 0, 0)>
#map1 = affine_map<(d0, d1) -> (0, 0)>
module attributes {stable_mosaic.version = 14 : i64} {
  func.func @agg_kernel(%arg0: i32, %arg1: i32, %arg2: memref<2x10000x64xf32, #tpu.memory_space<hbm>>, %arg3: memref<2x2560x128xi32, #tpu.memory_space<hbm>>, %arg4: memref<10000x64xf32, #tpu.memory_space<hbm>>, %arg5: memref<10000x128xf32, #tpu.memory_space<hbm>>, %arg6: memref<2x5x128xi32, #tpu.memory_space<vmem>>, %arg7: memref<2x5x128xi32, #tpu.memory_space<vmem>>, %arg8: memref<2x5x128x64xf32, #tpu.memory_space<vmem>>, %arg9: memref<10512x64xf32, #tpu.memory_space<vmem_shared>>, %arg10: memref<!tpu.dma_semaphore, #tpu.memory_space<semaphore_mem>>, %arg11: memref<!tpu.dma_semaphore, #tpu.memory_space<semaphore_mem>>, %arg12: memref<!tpu.dma_semaphore, #tpu.memory_space<semaphore_mem>>) attributes {dimension_semantics = [#tpu.dimension_semantics<core_parallel>, #tpu.dimension_semantics<subcore_parallel>], iteration_bounds = array<i64: 2, 16>, scalar_prefetch = 0 : i64, scratch_operands = 7 : i64, tpu.core_type = #tpu.core_type<sc_vector_subcore>, window_params = [{transform_indices = #map}, {transform_indices = #map}, {transform_indices = #map1}, {transform_indices = #map1}]} {
    %mul3A = arith.constant 624 : i32
    %mul3A_0 = arith.muli %arg1, %mul3A : i32
    "tpu.region"() ({
      %run_scoped3A_292 = tpu.sem_alloc : memref<!tpu.dma_semaphore, #tpu.memory_space<semaphore_mem>>
      %dma_start3A_293 = arith.constant 0 : i32
      %dma_start3A_294 = tpu.memref_slice %arg9[%mul3A_0, %dma_start3A_293] : memref<10512x64xf32, #tpu.memory_space<vmem_shared>> -> memref<640x64xf32, #tpu.memory_space<vmem_shared>>
      %dma_start3A_295 = arith.constant 0 : i32
      %dma_start3A_296 = tpu.memref_slice %arg4[%mul3A_0, %dma_start3A_295] : memref<10000x64xf32, #tpu.memory_space<hbm>> -> memref<640x64xf32, #tpu.memory_space<hbm>>
      tpu.enqueue_dma source(%dma_start3A_296 : memref<640x64xf32, #tpu.memory_space<hbm>>) target(%dma_start3A_294 : memref<640x64xf32, #tpu.memory_space<vmem_shared>>) target_semaphore(%run_scoped3A_292 : memref<!tpu.dma_semaphore, #tpu.memory_space<semaphore_mem>>)
      %dma_wait3A = arith.constant 0 : i32
      %dma_wait3A_297 = tpu.memref_slice %arg9[%mul3A_0, %dma_wait3A] : memref<10512x64xf32, #tpu.memory_space<vmem_shared>> -> memref<640x64xf32, #tpu.memory_space<vmem_shared>>
      %dma_wait3A_298 = arith.constant 0 : i32
      %dma_wait3A_299 = tpu.memref_slice %arg4[%mul3A_0, %dma_wait3A_298] : memref<10000x64xf32, #tpu.memory_space<hbm>> -> memref<640x64xf32, #tpu.memory_space<hbm>>
      tpu.wait_dma2 semaphore(%run_scoped3A_292 : memref<!tpu.dma_semaphore, #tpu.memory_space<semaphore_mem>>) src(%dma_wait3A_299 : memref<640x64xf32, #tpu.memory_space<hbm>>) dst(%dma_wait3A_297 : memref<640x64xf32, #tpu.memory_space<vmem_shared>>)
      tpu.yield
    }) : () -> ()
    %barrier3A = arith.constant 0 : index
    tpu.barrier barrier_id(%barrier3A)
    %mul3A_1 = arith.constant 160 : i32
    %mul3A_2 = arith.muli %arg1, %mul3A_1 : i32
    %add3A = arith.constant 0 : i32
    %add3A_3 = arith.addi %mul3A_2, %add3A : i32
    %run_scoped3A = arith.constant 0 : i32
    %run_scoped3A_4 = arith.constant 0 : i32
    "tpu.region"() ({
      %run_scoped3A_292 = tpu.sem_alloc : memref<!tpu.dma_semaphore, #tpu.memory_space<semaphore_mem>>
      %dma_start3A_293 = arith.constant 0 : i32
      %dma_start3A_294 = arith.constant 0 : i32
      %dma_start3A_295 = tpu.memref_slice %arg6[%run_scoped3A_4, %dma_start3A_293, %dma_start3A_294] : memref<2x5x128xi32, #tpu.memory_space<vmem>> -> memref<1x5x128xi32, #tpu.memory_space<vmem>>
      %dma_start3A_296 = tpu.memref_squeeze %dma_start3A_295 : memref<1x5x128xi32, #tpu.memory_space<vmem>> -> memref<5x128xi32, #tpu.memory_space<vmem>>
      %dma_start3A_297 = arith.constant 0 : i32
      %dma_start3A_298 = arith.constant 0 : i32
      %dma_start3A_299 = tpu.memref_slice %arg3[%run_scoped3A, %dma_start3A_297, %dma_start3A_298] : memref<2x2560x128xi32, #tpu.memory_space<hbm>> -> memref<1x2560x128xi32, #tpu.memory_space<hbm>>
      %dma_start3A_300 = tpu.memref_squeeze %dma_start3A_299 : memref<1x2560x128xi32, #tpu.memory_space<hbm>> -> memref<2560x128xi32, #tpu.memory_space<hbm>>
      %dma_start3A_301 = arith.constant 0 : i32
      %dma_start3A_302 = tpu.memref_slice %dma_start3A_300[%add3A_3, %dma_start3A_301] : memref<2560x128xi32, #tpu.memory_space<hbm>> -> memref<5x128xi32, #tpu.memory_space<hbm>>
      %dma_start3A_303 = arith.constant 0 : i32
      %dma_start3A_304 = arith.constant 0 : i32
      %dma_start3A_305 = tpu.memref_slice %arg6[%run_scoped3A_4, %dma_start3A_303, %dma_start3A_304] : memref<2x5x128xi32, #tpu.memory_space<vmem>> -> memref<1x5x128xi32, #tpu.memory_space<vmem>>
      %dma_start3A_306 = tpu.memref_squeeze %dma_start3A_305 : memref<1x5x128xi32, #tpu.memory_space<vmem>> -> memref<5x128xi32, #tpu.memory_space<vmem>>
      %dma_start3A_307 = arith.constant 0 : i32
      %dma_start3A_308 = arith.constant 0 : i32
      %dma_start3A_309 = tpu.memref_slice %arg3[%run_scoped3A, %dma_start3A_307, %dma_start3A_308] : memref<2x2560x128xi32, #tpu.memory_space<hbm>> -> memref<1x2560x128xi32, #tpu.memory_space<hbm>>
      %dma_start3A_310 = tpu.memref_squeeze %dma_start3A_309 : memref<1x2560x128xi32, #tpu.memory_space<hbm>> -> memref<2560x128xi32, #tpu.memory_space<hbm>>
      %dma_start3A_311 = arith.constant 0 : i32
      %dma_start3A_312 = tpu.memref_slice %dma_start3A_310[%add3A_3, %dma_start3A_311] : memref<2560x128xi32, #tpu.memory_space<hbm>> -> memref<5x128xi32, #tpu.memory_space<hbm>>
      tpu.enqueue_dma source(%dma_start3A_312 : memref<5x128xi32, #tpu.memory_space<hbm>>) target(%dma_start3A_306 : memref<5x128xi32, #tpu.memory_space<vmem>>) target_semaphore(%run_scoped3A_292 : memref<!tpu.dma_semaphore, #tpu.memory_space<semaphore_mem>>)
      %dma_wait3A = arith.constant 0 : i32
      %dma_wait3A_313 = arith.constant 0 : i32
      %dma_wait3A_314 = tpu.memref_slice %arg6[%run_scoped3A_4, %dma_wait3A, %dma_wait3A_313] : memref<2x5x128xi32, #tpu.memory_space<vmem>> -> memref<1x5x128xi32, #tpu.memory_space<vmem>>
      %dma_wait3A_315 = tpu.memref_squeeze %dma_wait3A_314 : memref<1x5x128xi32, #tpu.memory_space<vmem>> -> memref<5x128xi32, #tpu.memory_space<vmem>>
      %dma_wait3A_316 = arith.constant 0 : i32
      %dma_wait3A_317 = arith.constant 0 : i32
      %dma_wait3A_318 = tpu.memref_slice %arg3[%run_scoped3A, %dma_wait3A_316, %dma_wait3A_317] : memref<2x2560x128xi32, #tpu.memory_space<hbm>> -> memref<1x2560x128xi32, #tpu.memory_space<hbm>>
      %dma_wait3A_319 = tpu.memref_squeeze %dma_wait3A_318 : memref<1x2560x128xi32, #tpu.memory_space<hbm>> -> memref<2560x128xi32, #tpu.memory_space<hbm>>
      %dma_wait3A_320 = arith.constant 0 : i32
      %dma_wait3A_321 = tpu.memref_slice %dma_wait3A_319[%add3A_3, %dma_wait3A_320] : memref<2560x128xi32, #tpu.memory_space<hbm>> -> memref<5x128xi32, #tpu.memory_space<hbm>>
      %dma_wait3A_322 = arith.constant 0 : i32
      %dma_wait3A_323 = arith.constant 0 : i32
      %dma_wait3A_324 = tpu.memref_slice %arg6[%run_scoped3A_4, %dma_wait3A_322, %dma_wait3A_323] : memref<2x5x128xi32, #tpu.memory_space<vmem>> -> memref<1x5x128xi32, #tpu.memory_space<vmem>>
      %dma_wait3A_325 = tpu.memref_squeeze %dma_wait3A_324 : memref<1x5x128xi32, #tpu.memory_space<vmem>> -> memref<5x128xi32, #tpu.memory_space<vmem>>
      %dma_wait3A_326 = arith.constant 0 : i32
      %dma_wait3A_327 = arith.constant 0 : i32
      %dma_wait3A_328 = tpu.memref_slice %arg3[%run_scoped3A, %dma_wait3A_326, %dma_wait3A_327] : memref<2x2560x128xi32, #tpu.memory_space<hbm>> -> memref<1x2560x128xi32, #tpu.memory_space<hbm>>
      %dma_wait3A_329 = tpu.memref_squeeze %dma_wait3A_328 : memref<1x2560x128xi32, #tpu.memory_space<hbm>> -> memref<2560x128xi32, #tpu.memory_space<hbm>>
      %dma_wait3A_330 = arith.constant 0 : i32
      %dma_wait3A_331 = tpu.memref_slice %dma_wait3A_329[%add3A_3, %dma_wait3A_330] : memref<2560x128xi32, #tpu.memory_space<hbm>> -> memref<5x128xi32, #tpu.memory_space<hbm>>
      tpu.wait_dma2 semaphore(%run_scoped3A_292 : memref<!tpu.dma_semaphore, #tpu.memory_space<semaphore_mem>>) src(%dma_wait3A_331 : memref<5x128xi32, #tpu.memory_space<hbm>>) dst(%dma_wait3A_325 : memref<5x128xi32, #tpu.memory_space<vmem>>)
      tpu.yield
    }) : () -> ()
    %run_scoped3A_5 = arith.constant 1 : i32
    %run_scoped3A_6 = arith.constant 0 : i32
    "tpu.region"() ({
      %run_scoped3A_292 = tpu.sem_alloc : memref<!tpu.dma_semaphore, #tpu.memory_space<semaphore_mem>>
      %dma_start3A_293 = arith.constant 0 : i32
      %dma_start3A_294 = arith.constant 0 : i32
      %dma_start3A_295 = tpu.memref_slice %arg7[%run_scoped3A_6, %dma_start3A_293, %dma_start3A_294] : memref<2x5x128xi32, #tpu.memory_space<vmem>> -> memref<1x5x128xi32, #tpu.memory_space<vmem>>
      %dma_start3A_296 = tpu.memref_squeeze %dma_start3A_295 : memref<1x5x128xi32, #tpu.memory_space<vmem>> -> memref<5x128xi32, #tpu.memory_space<vmem>>
      %dma_start3A_297 = arith.constant 0 : i32
      %dma_start3A_298 = arith.constant 0 : i32
      %dma_start3A_299 = tpu.memref_slice %arg3[%run_scoped3A_5, %dma_start3A_297, %dma_start3A_298] : memref<2x2560x128xi32, #tpu.memory_space<hbm>> -> memref<1x2560x128xi32, #tpu.memory_space<hbm>>
      %dma_start3A_300 = tpu.memref_squeeze %dma_start3A_299 : memref<1x2560x128xi32, #tpu.memory_space<hbm>> -> memref<2560x128xi32, #tpu.memory_space<hbm>>
      %dma_start3A_301 = arith.constant 0 : i32
      %dma_start3A_302 = tpu.memref_slice %dma_start3A_300[%add3A_3, %dma_start3A_301] : memref<2560x128xi32, #tpu.memory_space<hbm>> -> memref<5x128xi32, #tpu.memory_space<hbm>>
      %dma_start3A_303 = arith.constant 0 : i32
      %dma_start3A_304 = arith.constant 0 : i32
      %dma_start3A_305 = tpu.memref_slice %arg7[%run_scoped3A_6, %dma_start3A_303, %dma_start3A_304] : memref<2x5x128xi32, #tpu.memory_space<vmem>> -> memref<1x5x128xi32, #tpu.memory_space<vmem>>
      %dma_start3A_306 = tpu.memref_squeeze %dma_start3A_305 : memref<1x5x128xi32, #tpu.memory_space<vmem>> -> memref<5x128xi32, #tpu.memory_space<vmem>>
      %dma_start3A_307 = arith.constant 0 : i32
      %dma_start3A_308 = arith.constant 0 : i32
      %dma_start3A_309 = tpu.memref_slice %arg3[%run_scoped3A_5, %dma_start3A_307, %dma_start3A_308] : memref<2x2560x128xi32, #tpu.memory_space<hbm>> -> memref<1x2560x128xi32, #tpu.memory_space<hbm>>
      %dma_start3A_310 = tpu.memref_squeeze %dma_start3A_309 : memref<1x2560x128xi32, #tpu.memory_space<hbm>> -> memref<2560x128xi32, #tpu.memory_space<hbm>>
      %dma_start3A_311 = arith.constant 0 : i32
      %dma_start3A_312 = tpu.memref_slice %dma_start3A_310[%add3A_3, %dma_start3A_311] : memref<2560x128xi32, #tpu.memory_space<hbm>> -> memref<5x128xi32, #tpu.memory_space<hbm>>
      tpu.enqueue_dma source(%dma_start3A_312 : memref<5x128xi32, #tpu.memory_space<hbm>>) target(%dma_start3A_306 : memref<5x128xi32, #tpu.memory_space<vmem>>) target_semaphore(%run_scoped3A_292 : memref<!tpu.dma_semaphore, #tpu.memory_space<semaphore_mem>>)
      %dma_wait3A = arith.constant 0 : i32
      %dma_wait3A_313 = arith.constant 0 : i32
      %dma_wait3A_314 = tpu.memref_slice %arg7[%run_scoped3A_6, %dma_wait3A, %dma_wait3A_313] : memref<2x5x128xi32, #tpu.memory_space<vmem>> -> memref<1x5x128xi32, #tpu.memory_space<vmem>>
      %dma_wait3A_315 = tpu.memref_squeeze %dma_wait3A_314 : memref<1x5x128xi32, #tpu.memory_space<vmem>> -> memref<5x128xi32, #tpu.memory_space<vmem>>
      %dma_wait3A_316 = arith.constant 0 : i32
      %dma_wait3A_317 = arith.constant 0 : i32
      %dma_wait3A_318 = tpu.memref_slice %arg3[%run_scoped3A_5, %dma_wait3A_316, %dma_wait3A_317] : memref<2x2560x128xi32, #tpu.memory_space<hbm>> -> memref<1x2560x128xi32, #tpu.memory_space<hbm>>
      %dma_wait3A_319 = tpu.memref_squeeze %dma_wait3A_318 : memref<1x2560x128xi32, #tpu.memory_space<hbm>> -> memref<2560x128xi32, #tpu.memory_space<hbm>>
      %dma_wait3A_320 = arith.constant 0 : i32
      %dma_wait3A_321 = tpu.memref_slice %dma_wait3A_319[%add3A_3, %dma_wait3A_320] : memref<2560x128xi32, #tpu.memory_space<hbm>> -> memref<5x128xi32, #tpu.memory_space<hbm>>
      %dma_wait3A_322 = arith.constant 0 : i32
      %dma_wait3A_323 = arith.constant 0 : i32
      %dma_wait3A_324 = tpu.memref_slice %arg7[%run_scoped3A_6, %dma_wait3A_322, %dma_wait3A_323] : memref<2x5x128xi32, #tpu.memory_space<vmem>> -> memref<1x5x128xi32, #tpu.memory_space<vmem>>
      %dma_wait3A_325 = tpu.memref_squeeze %dma_wait3A_324 : memref<1x5x128xi32, #tpu.memory_space<vmem>> -> memref<5x128xi32, #tpu.memory_space<vmem>>
      %dma_wait3A_326 = arith.constant 0 : i32
      %dma_wait3A_327 = arith.constant 0 : i32
      %dma_wait3A_328 = tpu.memref_slice %arg3[%run_scoped3A_5, %dma_wait3A_326, %dma_wait3A_327] : memref<2x2560x128xi32, #tpu.memory_space<hbm>> -> memref<1x2560x128xi32, #tpu.memory_space<hbm>>
      %dma_wait3A_329 = tpu.memref_squeeze %dma_wait3A_328 : memref<1x2560x128xi32, #tpu.memory_space<hbm>> -> memref<2560x128xi32, #tpu.memory_space<hbm>>
      %dma_wait3A_330 = arith.constant 0 : i32
      %dma_wait3A_331 = tpu.memref_slice %dma_wait3A_329[%add3A_3, %dma_wait3A_330] : memref<2560x128xi32, #tpu.memory_space<hbm>> -> memref<5x128xi32, #tpu.memory_space<hbm>>
      tpu.wait_dma2 semaphore(%run_scoped3A_292 : memref<!tpu.dma_semaphore, #tpu.memory_space<semaphore_mem>>) src(%dma_wait3A_331 : memref<5x128xi32, #tpu.memory_space<hbm>>) dst(%dma_wait3A_325 : memref<5x128xi32, #tpu.memory_space<vmem>>)
      tpu.yield
    }) : () -> ()
    %dma_start3A = arith.constant 0 : i32
    %dma_start3A_7 = arith.constant 0 : i32
    %dma_start3A_8 = arith.constant 0 : i32
    %dma_start3A_9 = arith.constant 0 : i32
    %dma_start3A_10 = arith.constant 0 : i32
    %dma_start3A_11 = arith.constant 0 : i32
    %dma_start3A_12 = arith.constant 0 : i32
    %dma_start3A_13 = tpu.memref_slice %arg8[%dma_start3A_8, %dma_start3A_10, %dma_start3A_11, %dma_start3A_12] : memref<2x5x128x64xf32, #tpu.memory_space<vmem>> -> memref<1x5x128x64xf32, #tpu.memory_space<vmem>>
    %dma_start3A_14 = tpu.memref_squeeze %dma_start3A_13 : memref<1x5x128x64xf32, #tpu.memory_space<vmem>> -> memref<5x128x64xf32, #tpu.memory_space<vmem>>
    %dma_start3A_15 = arith.constant 0 : i32
    %dma_start3A_16 = arith.constant 0 : i32
    %dma_start3A_17 = tpu.memref_slice %dma_start3A_14[%dma_start3A_9, %dma_start3A_15, %dma_start3A_16] : memref<5x128x64xf32, #tpu.memory_space<vmem>> -> memref<1x128x64xf32, #tpu.memory_space<vmem>>
    %dma_start3A_18 = tpu.memref_squeeze %dma_start3A_17 : memref<1x128x64xf32, #tpu.memory_space<vmem>> -> memref<128x64xf32, #tpu.memory_space<vmem>>
    %dma_start3A_19 = arith.constant 0 : i32
    %dma_start3A_20 = arith.constant 0 : i32
    %dma_start3A_21 = tpu.memref_slice %arg6[%dma_start3A, %dma_start3A_19, %dma_start3A_20] : memref<2x5x128xi32, #tpu.memory_space<vmem>> -> memref<1x5x128xi32, #tpu.memory_space<vmem>>
    %dma_start3A_22 = tpu.memref_squeeze %dma_start3A_21 : memref<1x5x128xi32, #tpu.memory_space<vmem>> -> memref<5x128xi32, #tpu.memory_space<vmem>>
    %dma_start3A_23 = arith.constant 0 : i32
    %dma_start3A_24 = tpu.memref_slice %dma_start3A_22[%dma_start3A_7, %dma_start3A_23] : memref<5x128xi32, #tpu.memory_space<vmem>> -> memref<1x128xi32, #tpu.memory_space<vmem>>
    %dma_start3A_25 = tpu.memref_squeeze %dma_start3A_24 : memref<1x128xi32, #tpu.memory_space<vmem>> -> memref<128xi32, #tpu.memory_space<vmem>>
    %dma_start3A_26 = arith.constant 0 : i32
    %dma_start3A_27 = arith.constant 0 : i32
    %dma_start3A_28 = tpu.memref_slice %arg2[%arg0, %dma_start3A_26, %dma_start3A_27] : memref<2x10000x64xf32, #tpu.memory_space<hbm>> -> memref<1x10000x64xf32, #tpu.memory_space<hbm>>
    %dma_start3A_29 = tpu.memref_squeeze %dma_start3A_28 : memref<1x10000x64xf32, #tpu.memory_space<hbm>> -> memref<10000x64xf32, #tpu.memory_space<hbm>>
    %dma_start3A_30 = arith.constant 0 : i32
    %dma_start3A_31 = arith.constant 0 : i32
    %dma_start3A_32 = tpu.memref_slice %dma_start3A_29[%dma_start3A_30, %dma_start3A_31] : memref<10000x64xf32, #tpu.memory_space<hbm>> -> memref<10000x64xf32, #tpu.memory_space<hbm>>
    tpu.enqueue_indirect_dma source(%dma_start3A_32 : memref<10000x64xf32, #tpu.memory_space<hbm>>) target(%dma_start3A_18 : memref<128x64xf32, #tpu.memory_space<vmem>>) offsets(%dma_start3A_25 : memref<128xi32, #tpu.memory_space<vmem>>) semaphore(%arg10 : memref<!tpu.dma_semaphore, #tpu.memory_space<semaphore_mem>>)
    %dma_start3A_33 = arith.constant 0 : i32
    %dma_start3A_34 = arith.constant 1 : i32
    %dma_start3A_35 = arith.constant 0 : i32
    %dma_start3A_36 = arith.constant 1 : i32
    %dma_start3A_37 = arith.constant 0 : i32
    %dma_start3A_38 = arith.constant 0 : i32
    %dma_start3A_39 = arith.constant 0 : i32
    %dma_start3A_40 = tpu.memref_slice %arg8[%dma_start3A_35, %dma_start3A_37, %dma_start3A_38, %dma_start3A_39] : memref<2x5x128x64xf32, #tpu.memory_space<vmem>> -> memref<1x5x128x64xf32, #tpu.memory_space<vmem>>
    %dma_start3A_41 = tpu.memref_squeeze %dma_start3A_40 : memref<1x5x128x64xf32, #tpu.memory_space<vmem>> -> memref<5x128x64xf32, #tpu.memory_space<vmem>>
    %dma_start3A_42 = arith.constant 0 : i32
    %dma_start3A_43 = arith.constant 0 : i32
    %dma_start3A_44 = tpu.memref_slice %dma_start3A_41[%dma_start3A_36, %dma_start3A_42, %dma_start3A_43] : memref<5x128x64xf32, #tpu.memory_space<vmem>> -> memref<1x128x64xf32, #tpu.memory_space<vmem>>
    %dma_start3A_45 = tpu.memref_squeeze %dma_start3A_44 : memref<1x128x64xf32, #tpu.memory_space<vmem>> -> memref<128x64xf32, #tpu.memory_space<vmem>>
    %dma_start3A_46 = arith.constant 0 : i32
    %dma_start3A_47 = arith.constant 0 : i32
    %dma_start3A_48 = tpu.memref_slice %arg6[%dma_start3A_33, %dma_start3A_46, %dma_start3A_47] : memref<2x5x128xi32, #tpu.memory_space<vmem>> -> memref<1x5x128xi32, #tpu.memory_space<vmem>>
    %dma_start3A_49 = tpu.memref_squeeze %dma_start3A_48 : memref<1x5x128xi32, #tpu.memory_space<vmem>> -> memref<5x128xi32, #tpu.memory_space<vmem>>
    %dma_start3A_50 = arith.constant 0 : i32
    %dma_start3A_51 = tpu.memref_slice %dma_start3A_49[%dma_start3A_34, %dma_start3A_50] : memref<5x128xi32, #tpu.memory_space<vmem>> -> memref<1x128xi32, #tpu.memory_space<vmem>>
    %dma_start3A_52 = tpu.memref_squeeze %dma_start3A_51 : memref<1x128xi32, #tpu.memory_space<vmem>> -> memref<128xi32, #tpu.memory_space<vmem>>
    %dma_start3A_53 = arith.constant 0 : i32
    %dma_start3A_54 = arith.constant 0 : i32
    %dma_start3A_55 = tpu.memref_slice %arg2[%arg0, %dma_start3A_53, %dma_start3A_54] : memref<2x10000x64xf32, #tpu.memory_space<hbm>> -> memref<1x10000x64xf32, #tpu.memory_space<hbm>>
    %dma_start3A_56 = tpu.memref_squeeze %dma_start3A_55 : memref<1x10000x64xf32, #tpu.memory_space<hbm>> -> memref<10000x64xf32, #tpu.memory_space<hbm>>
    %dma_start3A_57 = arith.constant 0 : i32
    %dma_start3A_58 = arith.constant 0 : i32
    %dma_start3A_59 = tpu.memref_slice %dma_start3A_56[%dma_start3A_57, %dma_start3A_58] : memref<10000x64xf32, #tpu.memory_space<hbm>> -> memref<10000x64xf32, #tpu.memory_space<hbm>>
    tpu.enqueue_indirect_dma source(%dma_start3A_59 : memref<10000x64xf32, #tpu.memory_space<hbm>>) target(%dma_start3A_45 : memref<128x64xf32, #tpu.memory_space<vmem>>) offsets(%dma_start3A_52 : memref<128xi32, #tpu.memory_space<vmem>>) semaphore(%arg10 : memref<!tpu.dma_semaphore, #tpu.memory_space<semaphore_mem>>)
    %dma_start3A_60 = arith.constant 0 : i32
    %dma_start3A_61 = arith.constant 2 : i32
    %dma_start3A_62 = arith.constant 0 : i32
    %dma_start3A_63 = arith.constant 2 : i32
    %dma_start3A_64 = arith.constant 0 : i32
    %dma_start3A_65 = arith.constant 0 : i32
    %dma_start3A_66 = arith.constant 0 : i32
    %dma_start3A_67 = tpu.memref_slice %arg8[%dma_start3A_62, %dma_start3A_64, %dma_start3A_65, %dma_start3A_66] : memref<2x5x128x64xf32, #tpu.memory_space<vmem>> -> memref<1x5x128x64xf32, #tpu.memory_space<vmem>>
    %dma_start3A_68 = tpu.memref_squeeze %dma_start3A_67 : memref<1x5x128x64xf32, #tpu.memory_space<vmem>> -> memref<5x128x64xf32, #tpu.memory_space<vmem>>
    %dma_start3A_69 = arith.constant 0 : i32
    %dma_start3A_70 = arith.constant 0 : i32
    %dma_start3A_71 = tpu.memref_slice %dma_start3A_68[%dma_start3A_63, %dma_start3A_69, %dma_start3A_70] : memref<5x128x64xf32, #tpu.memory_space<vmem>> -> memref<1x128x64xf32, #tpu.memory_space<vmem>>
    %dma_start3A_72 = tpu.memref_squeeze %dma_start3A_71 : memref<1x128x64xf32, #tpu.memory_space<vmem>> -> memref<128x64xf32, #tpu.memory_space<vmem>>
    %dma_start3A_73 = arith.constant 0 : i32
    %dma_start3A_74 = arith.constant 0 : i32
    %dma_start3A_75 = tpu.memref_slice %arg6[%dma_start3A_60, %dma_start3A_73, %dma_start3A_74] : memref<2x5x128xi32, #tpu.memory_space<vmem>> -> memref<1x5x128xi32, #tpu.memory_space<vmem>>
    %dma_start3A_76 = tpu.memref_squeeze %dma_start3A_75 : memref<1x5x128xi32, #tpu.memory_space<vmem>> -> memref<5x128xi32, #tpu.memory_space<vmem>>
    %dma_start3A_77 = arith.constant 0 : i32
    %dma_start3A_78 = tpu.memref_slice %dma_start3A_76[%dma_start3A_61, %dma_start3A_77] : memref<5x128xi32, #tpu.memory_space<vmem>> -> memref<1x128xi32, #tpu.memory_space<vmem>>
    %dma_start3A_79 = tpu.memref_squeeze %dma_start3A_78 : memref<1x128xi32, #tpu.memory_space<vmem>> -> memref<128xi32, #tpu.memory_space<vmem>>
    %dma_start3A_80 = arith.constant 0 : i32
    %dma_start3A_81 = arith.constant 0 : i32
    %dma_start3A_82 = tpu.memref_slice %arg2[%arg0, %dma_start3A_80, %dma_start3A_81] : memref<2x10000x64xf32, #tpu.memory_space<hbm>> -> memref<1x10000x64xf32, #tpu.memory_space<hbm>>
    %dma_start3A_83 = tpu.memref_squeeze %dma_start3A_82 : memref<1x10000x64xf32, #tpu.memory_space<hbm>> -> memref<10000x64xf32, #tpu.memory_space<hbm>>
    %dma_start3A_84 = arith.constant 0 : i32
    %dma_start3A_85 = arith.constant 0 : i32
    %dma_start3A_86 = tpu.memref_slice %dma_start3A_83[%dma_start3A_84, %dma_start3A_85] : memref<10000x64xf32, #tpu.memory_space<hbm>> -> memref<10000x64xf32, #tpu.memory_space<hbm>>
    tpu.enqueue_indirect_dma source(%dma_start3A_86 : memref<10000x64xf32, #tpu.memory_space<hbm>>) target(%dma_start3A_72 : memref<128x64xf32, #tpu.memory_space<vmem>>) offsets(%dma_start3A_79 : memref<128xi32, #tpu.memory_space<vmem>>) semaphore(%arg10 : memref<!tpu.dma_semaphore, #tpu.memory_space<semaphore_mem>>)
    %dma_start3A_87 = arith.constant 0 : i32
    %dma_start3A_88 = arith.constant 3 : i32
    %dma_start3A_89 = arith.constant 0 : i32
    %dma_start3A_90 = arith.constant 3 : i32
    %dma_start3A_91 = arith.constant 0 : i32
    %dma_start3A_92 = arith.constant 0 : i32
    %dma_start3A_93 = arith.constant 0 : i32
    %dma_start3A_94 = tpu.memref_slice %arg8[%dma_start3A_89, %dma_start3A_91, %dma_start3A_92, %dma_start3A_93] : memref<2x5x128x64xf32, #tpu.memory_space<vmem>> -> memref<1x5x128x64xf32, #tpu.memory_space<vmem>>
    %dma_start3A_95 = tpu.memref_squeeze %dma_start3A_94 : memref<1x5x128x64xf32, #tpu.memory_space<vmem>> -> memref<5x128x64xf32, #tpu.memory_space<vmem>>
    %dma_start3A_96 = arith.constant 0 : i32
    %dma_start3A_97 = arith.constant 0 : i32
    %dma_start3A_98 = tpu.memref_slice %dma_start3A_95[%dma_start3A_90, %dma_start3A_96, %dma_start3A_97] : memref<5x128x64xf32, #tpu.memory_space<vmem>> -> memref<1x128x64xf32, #tpu.memory_space<vmem>>
    %dma_start3A_99 = tpu.memref_squeeze %dma_start3A_98 : memref<1x128x64xf32, #tpu.memory_space<vmem>> -> memref<128x64xf32, #tpu.memory_space<vmem>>
    %dma_start3A_100 = arith.constant 0 : i32
    %dma_start3A_101 = arith.constant 0 : i32
    %dma_start3A_102 = tpu.memref_slice %arg6[%dma_start3A_87, %dma_start3A_100, %dma_start3A_101] : memref<2x5x128xi32, #tpu.memory_space<vmem>> -> memref<1x5x128xi32, #tpu.memory_space<vmem>>
    %dma_start3A_103 = tpu.memref_squeeze %dma_start3A_102 : memref<1x5x128xi32, #tpu.memory_space<vmem>> -> memref<5x128xi32, #tpu.memory_space<vmem>>
    %dma_start3A_104 = arith.constant 0 : i32
    %dma_start3A_105 = tpu.memref_slice %dma_start3A_103[%dma_start3A_88, %dma_start3A_104] : memref<5x128xi32, #tpu.memory_space<vmem>> -> memref<1x128xi32, #tpu.memory_space<vmem>>
    %dma_start3A_106 = tpu.memref_squeeze %dma_start3A_105 : memref<1x128xi32, #tpu.memory_space<vmem>> -> memref<128xi32, #tpu.memory_space<vmem>>
    %dma_start3A_107 = arith.constant 0 : i32
    %dma_start3A_108 = arith.constant 0 : i32
    %dma_start3A_109 = tpu.memref_slice %arg2[%arg0, %dma_start3A_107, %dma_start3A_108] : memref<2x10000x64xf32, #tpu.memory_space<hbm>> -> memref<1x10000x64xf32, #tpu.memory_space<hbm>>
    %dma_start3A_110 = tpu.memref_squeeze %dma_start3A_109 : memref<1x10000x64xf32, #tpu.memory_space<hbm>> -> memref<10000x64xf32, #tpu.memory_space<hbm>>
    %dma_start3A_111 = arith.constant 0 : i32
    %dma_start3A_112 = arith.constant 0 : i32
    %dma_start3A_113 = tpu.memref_slice %dma_start3A_110[%dma_start3A_111, %dma_start3A_112] : memref<10000x64xf32, #tpu.memory_space<hbm>> -> memref<10000x64xf32, #tpu.memory_space<hbm>>
    tpu.enqueue_indirect_dma source(%dma_start3A_113 : memref<10000x64xf32, #tpu.memory_space<hbm>>) target(%dma_start3A_99 : memref<128x64xf32, #tpu.memory_space<vmem>>) offsets(%dma_start3A_106 : memref<128xi32, #tpu.memory_space<vmem>>) semaphore(%arg10 : memref<!tpu.dma_semaphore, #tpu.memory_space<semaphore_mem>>)
    %dma_start3A_114 = arith.constant 0 : i32
    %dma_start3A_115 = arith.constant 4 : i32
    %dma_start3A_116 = arith.constant 0 : i32
    %dma_start3A_117 = arith.constant 4 : i32
    %dma_start3A_118 = arith.constant 0 : i32
    %dma_start3A_119 = arith.constant 0 : i32
    %dma_start3A_120 = arith.constant 0 : i32
    %dma_start3A_121 = tpu.memref_slice %arg8[%dma_start3A_116, %dma_start3A_118, %dma_start3A_119, %dma_start3A_120] : memref<2x5x128x64xf32, #tpu.memory_space<vmem>> -> memref<1x5x128x64xf32, #tpu.memory_space<vmem>>
    %dma_start3A_122 = tpu.memref_squeeze %dma_start3A_121 : memref<1x5x128x64xf32, #tpu.memory_space<vmem>> -> memref<5x128x64xf32, #tpu.memory_space<vmem>>
    %dma_start3A_123 = arith.constant 0 : i32
    %dma_start3A_124 = arith.constant 0 : i32
    %dma_start3A_125 = tpu.memref_slice %dma_start3A_122[%dma_start3A_117, %dma_start3A_123, %dma_start3A_124] : memref<5x128x64xf32, #tpu.memory_space<vmem>> -> memref<1x128x64xf32, #tpu.memory_space<vmem>>
    %dma_start3A_126 = tpu.memref_squeeze %dma_start3A_125 : memref<1x128x64xf32, #tpu.memory_space<vmem>> -> memref<128x64xf32, #tpu.memory_space<vmem>>
    %dma_start3A_127 = arith.constant 0 : i32
    %dma_start3A_128 = arith.constant 0 : i32
    %dma_start3A_129 = tpu.memref_slice %arg6[%dma_start3A_114, %dma_start3A_127, %dma_start3A_128] : memref<2x5x128xi32, #tpu.memory_space<vmem>> -> memref<1x5x128xi32, #tpu.memory_space<vmem>>
    %dma_start3A_130 = tpu.memref_squeeze %dma_start3A_129 : memref<1x5x128xi32, #tpu.memory_space<vmem>> -> memref<5x128xi32, #tpu.memory_space<vmem>>
    %dma_start3A_131 = arith.constant 0 : i32
    %dma_start3A_132 = tpu.memref_slice %dma_start3A_130[%dma_start3A_115, %dma_start3A_131] : memref<5x128xi32, #tpu.memory_space<vmem>> -> memref<1x128xi32, #tpu.memory_space<vmem>>
    %dma_start3A_133 = tpu.memref_squeeze %dma_start3A_132 : memref<1x128xi32, #tpu.memory_space<vmem>> -> memref<128xi32, #tpu.memory_space<vmem>>
    %dma_start3A_134 = arith.constant 0 : i32
    %dma_start3A_135 = arith.constant 0 : i32
    %dma_start3A_136 = tpu.memref_slice %arg2[%arg0, %dma_start3A_134, %dma_start3A_135] : memref<2x10000x64xf32, #tpu.memory_space<hbm>> -> memref<1x10000x64xf32, #tpu.memory_space<hbm>>
    %dma_start3A_137 = tpu.memref_squeeze %dma_start3A_136 : memref<1x10000x64xf32, #tpu.memory_space<hbm>> -> memref<10000x64xf32, #tpu.memory_space<hbm>>
    %dma_start3A_138 = arith.constant 0 : i32
    %dma_start3A_139 = arith.constant 0 : i32
    %dma_start3A_140 = tpu.memref_slice %dma_start3A_137[%dma_start3A_138, %dma_start3A_139] : memref<10000x64xf32, #tpu.memory_space<hbm>> -> memref<10000x64xf32, #tpu.memory_space<hbm>>
    tpu.enqueue_indirect_dma source(%dma_start3A_140 : memref<10000x64xf32, #tpu.memory_space<hbm>>) target(%dma_start3A_126 : memref<128x64xf32, #tpu.memory_space<vmem>>) offsets(%dma_start3A_133 : memref<128xi32, #tpu.memory_space<vmem>>) semaphore(%arg10 : memref<!tpu.dma_semaphore, #tpu.memory_space<semaphore_mem>>)
    %add3A_141 = arith.constant 5 : i32
    %add3A_142 = arith.addi %mul3A_2, %add3A_141 : i32
    %run_scoped3A_143 = arith.constant 0 : i32
    %run_scoped3A_144 = arith.constant 1 : i32
    "tpu.region"() ({
      %run_scoped3A_292 = tpu.sem_alloc : memref<!tpu.dma_semaphore, #tpu.memory_space<semaphore_mem>>
      %dma_start3A_293 = arith.constant 0 : i32
      %dma_start3A_294 = arith.constant 0 : i32
      %dma_start3A_295 = tpu.memref_slice %arg6[%run_scoped3A_144, %dma_start3A_293, %dma_start3A_294] : memref<2x5x128xi32, #tpu.memory_space<vmem>> -> memref<1x5x128xi32, #tpu.memory_space<vmem>>
      %dma_start3A_296 = tpu.memref_squeeze %dma_start3A_295 : memref<1x5x128xi32, #tpu.memory_space<vmem>> -> memref<5x128xi32, #tpu.memory_space<vmem>>
      %dma_start3A_297 = arith.constant 0 : i32
      %dma_start3A_298 = arith.constant 0 : i32
      %dma_start3A_299 = tpu.memref_slice %arg3[%run_scoped3A_143, %dma_start3A_297, %dma_start3A_298] : memref<2x2560x128xi32, #tpu.memory_space<hbm>> -> memref<1x2560x128xi32, #tpu.memory_space<hbm>>
      %dma_start3A_300 = tpu.memref_squeeze %dma_start3A_299 : memref<1x2560x128xi32, #tpu.memory_space<hbm>> -> memref<2560x128xi32, #tpu.memory_space<hbm>>
      %dma_start3A_301 = arith.constant 0 : i32
      %dma_start3A_302 = tpu.memref_slice %dma_start3A_300[%add3A_142, %dma_start3A_301] : memref<2560x128xi32, #tpu.memory_space<hbm>> -> memref<5x128xi32, #tpu.memory_space<hbm>>
      %dma_start3A_303 = arith.constant 0 : i32
      %dma_start3A_304 = arith.constant 0 : i32
      %dma_start3A_305 = tpu.memref_slice %arg6[%run_scoped3A_144, %dma_start3A_303, %dma_start3A_304] : memref<2x5x128xi32, #tpu.memory_space<vmem>> -> memref<1x5x128xi32, #tpu.memory_space<vmem>>
      %dma_start3A_306 = tpu.memref_squeeze %dma_start3A_305 : memref<1x5x128xi32, #tpu.memory_space<vmem>> -> memref<5x128xi32, #tpu.memory_space<vmem>>
      %dma_start3A_307 = arith.constant 0 : i32
      %dma_start3A_308 = arith.constant 0 : i32
      %dma_start3A_309 = tpu.memref_slice %arg3[%run_scoped3A_143, %dma_start3A_307, %dma_start3A_308] : memref<2x2560x128xi32, #tpu.memory_space<hbm>> -> memref<1x2560x128xi32, #tpu.memory_space<hbm>>
      %dma_start3A_310 = tpu.memref_squeeze %dma_start3A_309 : memref<1x2560x128xi32, #tpu.memory_space<hbm>> -> memref<2560x128xi32, #tpu.memory_space<hbm>>
      %dma_start3A_311 = arith.constant 0 : i32
      %dma_start3A_312 = tpu.memref_slice %dma_start3A_310[%add3A_142, %dma_start3A_311] : memref<2560x128xi32, #tpu.memory_space<hbm>> -> memref<5x128xi32, #tpu.memory_space<hbm>>
      tpu.enqueue_dma source(%dma_start3A_312 : memref<5x128xi32, #tpu.memory_space<hbm>>) target(%dma_start3A_306 : memref<5x128xi32, #tpu.memory_space<vmem>>) target_semaphore(%run_scoped3A_292 : memref<!tpu.dma_semaphore, #tpu.memory_space<semaphore_mem>>)
      %dma_wait3A = arith.constant 0 : i32
      %dma_wait3A_313 = arith.constant 0 : i32
      %dma_wait3A_314 = tpu.memref_slice %arg6[%run_scoped3A_144, %dma_wait3A, %dma_wait3A_313] : memref<2x5x128xi32, #tpu.memory_space<vmem>> -> memref<1x5x128xi32, #tpu.memory_space<vmem>>
      %dma_wait3A_315 = tpu.memref_squeeze %dma_wait3A_314 : memref<1x5x128xi32, #tpu.memory_space<vmem>> -> memref<5x128xi32, #tpu.memory_space<vmem>>
      %dma_wait3A_316 = arith.constant 0 : i32
      %dma_wait3A_317 = arith.constant 0 : i32
      %dma_wait3A_318 = tpu.memref_slice %arg3[%run_scoped3A_143, %dma_wait3A_316, %dma_wait3A_317] : memref<2x2560x128xi32, #tpu.memory_space<hbm>> -> memref<1x2560x128xi32, #tpu.memory_space<hbm>>
      %dma_wait3A_319 = tpu.memref_squeeze %dma_wait3A_318 : memref<1x2560x128xi32, #tpu.memory_space<hbm>> -> memref<2560x128xi32, #tpu.memory_space<hbm>>
      %dma_wait3A_320 = arith.constant 0 : i32
      %dma_wait3A_321 = tpu.memref_slice %dma_wait3A_319[%add3A_142, %dma_wait3A_320] : memref<2560x128xi32, #tpu.memory_space<hbm>> -> memref<5x128xi32, #tpu.memory_space<hbm>>
      %dma_wait3A_322 = arith.constant 0 : i32
      %dma_wait3A_323 = arith.constant 0 : i32
      %dma_wait3A_324 = tpu.memref_slice %arg6[%run_scoped3A_144, %dma_wait3A_322, %dma_wait3A_323] : memref<2x5x128xi32, #tpu.memory_space<vmem>> -> memref<1x5x128xi32, #tpu.memory_space<vmem>>
      %dma_wait3A_325 = tpu.memref_squeeze %dma_wait3A_324 : memref<1x5x128xi32, #tpu.memory_space<vmem>> -> memref<5x128xi32, #tpu.memory_space<vmem>>
      %dma_wait3A_326 = arith.constant 0 : i32
      %dma_wait3A_327 = arith.constant 0 : i32
      %dma_wait3A_328 = tpu.memref_slice %arg3[%run_scoped3A_143, %dma_wait3A_326, %dma_wait3A_327] : memref<2x2560x128xi32, #tpu.memory_space<hbm>> -> memref<1x2560x128xi32, #tpu.memory_space<hbm>>
      %dma_wait3A_329 = tpu.memref_squeeze %dma_wait3A_328 : memref<1x2560x128xi32, #tpu.memory_space<hbm>> -> memref<2560x128xi32, #tpu.memory_space<hbm>>
      %dma_wait3A_330 = arith.constant 0 : i32
      %dma_wait3A_331 = tpu.memref_slice %dma_wait3A_329[%add3A_142, %dma_wait3A_330] : memref<2560x128xi32, #tpu.memory_space<hbm>> -> memref<5x128xi32, #tpu.memory_space<hbm>>
      tpu.wait_dma2 semaphore(%run_scoped3A_292 : memref<!tpu.dma_semaphore, #tpu.memory_space<semaphore_mem>>) src(%dma_wait3A_331 : memref<5x128xi32, #tpu.memory_space<hbm>>) dst(%dma_wait3A_325 : memref<5x128xi32, #tpu.memory_space<vmem>>)
      tpu.yield
    }) : () -> ()
    %run_scoped3A_145 = arith.constant 1 : i32
    %run_scoped3A_146 = arith.constant 1 : i32
    "tpu.region"() ({
      %run_scoped3A_292 = tpu.sem_alloc : memref<!tpu.dma_semaphore, #tpu.memory_space<semaphore_mem>>
      %dma_start3A_293 = arith.constant 0 : i32
      %dma_start3A_294 = arith.constant 0 : i32
      %dma_start3A_295 = tpu.memref_slice %arg7[%run_scoped3A_146, %dma_start3A_293, %dma_start3A_294] : memref<2x5x128xi32, #tpu.memory_space<vmem>> -> memref<1x5x128xi32, #tpu.memory_space<vmem>>
      %dma_start3A_296 = tpu.memref_squeeze %dma_start3A_295 : memref<1x5x128xi32, #tpu.memory_space<vmem>> -> memref<5x128xi32, #tpu.memory_space<vmem>>
      %dma_start3A_297 = arith.constant 0 : i32
      %dma_start3A_298 = arith.constant 0 : i32
      %dma_start3A_299 = tpu.memref_slice %arg3[%run_scoped3A_145, %dma_start3A_297, %dma_start3A_298] : memref<2x2560x128xi32, #tpu.memory_space<hbm>> -> memref<1x2560x128xi32, #tpu.memory_space<hbm>>
      %dma_start3A_300 = tpu.memref_squeeze %dma_start3A_299 : memref<1x2560x128xi32, #tpu.memory_space<hbm>> -> memref<2560x128xi32, #tpu.memory_space<hbm>>
      %dma_start3A_301 = arith.constant 0 : i32
      %dma_start3A_302 = tpu.memref_slice %dma_start3A_300[%add3A_142, %dma_start3A_301] : memref<2560x128xi32, #tpu.memory_space<hbm>> -> memref<5x128xi32, #tpu.memory_space<hbm>>
      %dma_start3A_303 = arith.constant 0 : i32
      %dma_start3A_304 = arith.constant 0 : i32
      %dma_start3A_305 = tpu.memref_slice %arg7[%run_scoped3A_146, %dma_start3A_303, %dma_start3A_304] : memref<2x5x128xi32, #tpu.memory_space<vmem>> -> memref<1x5x128xi32, #tpu.memory_space<vmem>>
      %dma_start3A_306 = tpu.memref_squeeze %dma_start3A_305 : memref<1x5x128xi32, #tpu.memory_space<vmem>> -> memref<5x128xi32, #tpu.memory_space<vmem>>
      %dma_start3A_307 = arith.constant 0 : i32
      %dma_start3A_308 = arith.constant 0 : i32
      %dma_start3A_309 = tpu.memref_slice %arg3[%run_scoped3A_145, %dma_start3A_307, %dma_start3A_308] : memref<2x2560x128xi32, #tpu.memory_space<hbm>> -> memref<1x2560x128xi32, #tpu.memory_space<hbm>>
      %dma_start3A_310 = tpu.memref_squeeze %dma_start3A_309 : memref<1x2560x128xi32, #tpu.memory_space<hbm>> -> memref<2560x128xi32, #tpu.memory_space<hbm>>
      %dma_start3A_311 = arith.constant 0 : i32
      %dma_start3A_312 = tpu.memref_slice %dma_start3A_310[%add3A_142, %dma_start3A_311] : memref<2560x128xi32, #tpu.memory_space<hbm>> -> memref<5x128xi32, #tpu.memory_space<hbm>>
      tpu.enqueue_dma source(%dma_start3A_312 : memref<5x128xi32, #tpu.memory_space<hbm>>) target(%dma_start3A_306 : memref<5x128xi32, #tpu.memory_space<vmem>>) target_semaphore(%run_scoped3A_292 : memref<!tpu.dma_semaphore, #tpu.memory_space<semaphore_mem>>)
      %dma_wait3A = arith.constant 0 : i32
      %dma_wait3A_313 = arith.constant 0 : i32
      %dma_wait3A_314 = tpu.memref_slice %arg7[%run_scoped3A_146, %dma_wait3A, %dma_wait3A_313] : memref<2x5x128xi32, #tpu.memory_space<vmem>> -> memref<1x5x128xi32, #tpu.memory_space<vmem>>
      %dma_wait3A_315 = tpu.memref_squeeze %dma_wait3A_314 : memref<1x5x128xi32, #tpu.memory_space<vmem>> -> memref<5x128xi32, #tpu.memory_space<vmem>>
      %dma_wait3A_316 = arith.constant 0 : i32
      %dma_wait3A_317 = arith.constant 0 : i32
      %dma_wait3A_318 = tpu.memref_slice %arg3[%run_scoped3A_145, %dma_wait3A_316, %dma_wait3A_317] : memref<2x2560x128xi32, #tpu.memory_space<hbm>> -> memref<1x2560x128xi32, #tpu.memory_space<hbm>>
      %dma_wait3A_319 = tpu.memref_squeeze %dma_wait3A_318 : memref<1x2560x128xi32, #tpu.memory_space<hbm>> -> memref<2560x128xi32, #tpu.memory_space<hbm>>
      %dma_wait3A_320 = arith.constant 0 : i32
      %dma_wait3A_321 = tpu.memref_slice %dma_wait3A_319[%add3A_142, %dma_wait3A_320] : memref<2560x128xi32, #tpu.memory_space<hbm>> -> memref<5x128xi32, #tpu.memory_space<hbm>>
      %dma_wait3A_322 = arith.constant 0 : i32
      %dma_wait3A_323 = arith.constant 0 : i32
      %dma_wait3A_324 = tpu.memref_slice %arg7[%run_scoped3A_146, %dma_wait3A_322, %dma_wait3A_323] : memref<2x5x128xi32, #tpu.memory_space<vmem>> -> memref<1x5x128xi32, #tpu.memory_space<vmem>>
      %dma_wait3A_325 = tpu.memref_squeeze %dma_wait3A_324 : memref<1x5x128xi32, #tpu.memory_space<vmem>> -> memref<5x128xi32, #tpu.memory_space<vmem>>
      %dma_wait3A_326 = arith.constant 0 : i32
      %dma_wait3A_327 = arith.constant 0 : i32
      %dma_wait3A_328 = tpu.memref_slice %arg3[%run_scoped3A_145, %dma_wait3A_326, %dma_wait3A_327] : memref<2x2560x128xi32, #tpu.memory_space<hbm>> -> memref<1x2560x128xi32, #tpu.memory_space<hbm>>
      %dma_wait3A_329 = tpu.memref_squeeze %dma_wait3A_328 : memref<1x2560x128xi32, #tpu.memory_space<hbm>> -> memref<2560x128xi32, #tpu.memory_space<hbm>>
      %dma_wait3A_330 = arith.constant 0 : i32
      %dma_wait3A_331 = tpu.memref_slice %dma_wait3A_329[%add3A_142, %dma_wait3A_330] : memref<2560x128xi32, #tpu.memory_space<hbm>> -> memref<5x128xi32, #tpu.memory_space<hbm>>
      tpu.wait_dma2 semaphore(%run_scoped3A_292 : memref<!tpu.dma_semaphore, #tpu.memory_space<semaphore_mem>>) src(%dma_wait3A_331 : memref<5x128xi32, #tpu.memory_space<hbm>>) dst(%dma_wait3A_325 : memref<5x128xi32, #tpu.memory_space<vmem>>)
      tpu.yield
    }) : () -> ()
    %dma_start3A_147 = arith.constant 1 : i32
    %dma_start3A_148 = arith.constant 0 : i32
    %dma_start3A_149 = arith.constant 1 : i32
    %dma_start3A_150 = arith.constant 0 : i32
    %dma_start3A_151 = arith.constant 0 : i32
    %dma_start3A_152 = arith.constant 0 : i32
    %dma_start3A_153 = arith.constant 0 : i32
    %dma_start3A_154 = tpu.memref_slice %arg8[%dma_start3A_149, %dma_start3A_151, %dma_start3A_152, %dma_start3A_153] : memref<2x5x128x64xf32, #tpu.memory_space<vmem>> -> memref<1x5x128x64xf32, #tpu.memory_space<vmem>>
    %dma_start3A_155 = tpu.memref_squeeze %dma_start3A_154 : memref<1x5x128x64xf32, #tpu.memory_space<vmem>> -> memref<5x128x64xf32, #tpu.memory_space<vmem>>
    %dma_start3A_156 = arith.constant 0 : i32
    %dma_start3A_157 = arith.constant 0 : i32
    %dma_start3A_158 = tpu.memref_slice %dma_start3A_155[%dma_start3A_150, %dma_start3A_156, %dma_start3A_157] : memref<5x128x64xf32, #tpu.memory_space<vmem>> -> memref<1x128x64xf32, #tpu.memory_space<vmem>>
    %dma_start3A_159 = tpu.memref_squeeze %dma_start3A_158 : memref<1x128x64xf32, #tpu.memory_space<vmem>> -> memref<128x64xf32, #tpu.memory_space<vmem>>
    %dma_start3A_160 = arith.constant 0 : i32
    %dma_start3A_161 = arith.constant 0 : i32
    %dma_start3A_162 = tpu.memref_slice %arg6[%dma_start3A_147, %dma_start3A_160, %dma_start3A_161] : memref<2x5x128xi32, #tpu.memory_space<vmem>> -> memref<1x5x128xi32, #tpu.memory_space<vmem>>
    %dma_start3A_163 = tpu.memref_squeeze %dma_start3A_162 : memref<1x5x128xi32, #tpu.memory_space<vmem>> -> memref<5x128xi32, #tpu.memory_space<vmem>>
    %dma_start3A_164 = arith.constant 0 : i32
    %dma_start3A_165 = tpu.memref_slice %dma_start3A_163[%dma_start3A_148, %dma_start3A_164] : memref<5x128xi32, #tpu.memory_space<vmem>> -> memref<1x128xi32, #tpu.memory_space<vmem>>
    %dma_start3A_166 = tpu.memref_squeeze %dma_start3A_165 : memref<1x128xi32, #tpu.memory_space<vmem>> -> memref<128xi32, #tpu.memory_space<vmem>>
    %dma_start3A_167 = arith.constant 0 : i32
    %dma_start3A_168 = arith.constant 0 : i32
    %dma_start3A_169 = tpu.memref_slice %arg2[%arg0, %dma_start3A_167, %dma_start3A_168] : memref<2x10000x64xf32, #tpu.memory_space<hbm>> -> memref<1x10000x64xf32, #tpu.memory_space<hbm>>
    %dma_start3A_170 = tpu.memref_squeeze %dma_start3A_169 : memref<1x10000x64xf32, #tpu.memory_space<hbm>> -> memref<10000x64xf32, #tpu.memory_space<hbm>>
    %dma_start3A_171 = arith.constant 0 : i32
    %dma_start3A_172 = arith.constant 0 : i32
    %dma_start3A_173 = tpu.memref_slice %dma_start3A_170[%dma_start3A_171, %dma_start3A_172] : memref<10000x64xf32, #tpu.memory_space<hbm>> -> memref<10000x64xf32, #tpu.memory_space<hbm>>
    tpu.enqueue_indirect_dma source(%dma_start3A_173 : memref<10000x64xf32, #tpu.memory_space<hbm>>) target(%dma_start3A_159 : memref<128x64xf32, #tpu.memory_space<vmem>>) offsets(%dma_start3A_166 : memref<128xi32, #tpu.memory_space<vmem>>) semaphore(%arg11 : memref<!tpu.dma_semaphore, #tpu.memory_space<semaphore_mem>>)
    %dma_start3A_174 = arith.constant 1 : i32
    %dma_start3A_175 = arith.constant 1 : i32
    %dma_start3A_176 = arith.constant 1 : i32
    %dma_start3A_177 = arith.constant 1 : i32
    %dma_start3A_178 = arith.constant 0 : i32
    %dma_start3A_179 = arith.constant 0 : i32
    %dma_start3A_180 = arith.constant 0 : i32
    %dma_start3A_181 = tpu.memref_slice %arg8[%dma_start3A_176, %dma_start3A_178, %dma_start3A_179, %dma_start3A_180] : memref<2x5x128x64xf32, #tpu.memory_space<vmem>> -> memref<1x5x128x64xf32, #tpu.memory_space<vmem>>
    %dma_start3A_182 = tpu.memref_squeeze %dma_start3A_181 : memref<1x5x128x64xf32, #tpu.memory_space<vmem>> -> memref<5x128x64xf32, #tpu.memory_space<vmem>>
    %dma_start3A_183 = arith.constant 0 : i32
    %dma_start3A_184 = arith.constant 0 : i32
    %dma_start3A_185 = tpu.memref_slice %dma_start3A_182[%dma_start3A_177, %dma_start3A_183, %dma_start3A_184] : memref<5x128x64xf32, #tpu.memory_space<vmem>> -> memref<1x128x64xf32, #tpu.memory_space<vmem>>
    %dma_start3A_186 = tpu.memref_squeeze %dma_start3A_185 : memref<1x128x64xf32, #tpu.memory_space<vmem>> -> memref<128x64xf32, #tpu.memory_space<vmem>>
    %dma_start3A_187 = arith.constant 0 : i32
    %dma_start3A_188 = arith.constant 0 : i32
    %dma_start3A_189 = tpu.memref_slice %arg6[%dma_start3A_174, %dma_start3A_187, %dma_start3A_188] : memref<2x5x128xi32, #tpu.memory_space<vmem>> -> memref<1x5x128xi32, #tpu.memory_space<vmem>>
    %dma_start3A_190 = tpu.memref_squeeze %dma_start3A_189 : memref<1x5x128xi32, #tpu.memory_space<vmem>> -> memref<5x128xi32, #tpu.memory_space<vmem>>
    %dma_start3A_191 = arith.constant 0 : i32
    %dma_start3A_192 = tpu.memref_slice %dma_start3A_190[%dma_start3A_175, %dma_start3A_191] : memref<5x128xi32, #tpu.memory_space<vmem>> -> memref<1x128xi32, #tpu.memory_space<vmem>>
    %dma_start3A_193 = tpu.memref_squeeze %dma_start3A_192 : memref<1x128xi32, #tpu.memory_space<vmem>> -> memref<128xi32, #tpu.memory_space<vmem>>
    %dma_start3A_194 = arith.constant 0 : i32
    %dma_start3A_195 = arith.constant 0 : i32
    %dma_start3A_196 = tpu.memref_slice %arg2[%arg0, %dma_start3A_194, %dma_start3A_195] : memref<2x10000x64xf32, #tpu.memory_space<hbm>> -> memref<1x10000x64xf32, #tpu.memory_space<hbm>>
    %dma_start3A_197 = tpu.memref_squeeze %dma_start3A_196 : memref<1x10000x64xf32, #tpu.memory_space<hbm>> -> memref<10000x64xf32, #tpu.memory_space<hbm>>
    %dma_start3A_198 = arith.constant 0 : i32
    %dma_start3A_199 = arith.constant 0 : i32
    %dma_start3A_200 = tpu.memref_slice %dma_start3A_197[%dma_start3A_198, %dma_start3A_199] : memref<10000x64xf32, #tpu.memory_space<hbm>> -> memref<10000x64xf32, #tpu.memory_space<hbm>>
    tpu.enqueue_indirect_dma source(%dma_start3A_200 : memref<10000x64xf32, #tpu.memory_space<hbm>>) target(%dma_start3A_186 : memref<128x64xf32, #tpu.memory_space<vmem>>) offsets(%dma_start3A_193 : memref<128xi32, #tpu.memory_space<vmem>>) semaphore(%arg11 : memref<!tpu.dma_semaphore, #tpu.memory_space<semaphore_mem>>)
    %dma_start3A_201 = arith.constant 1 : i32
    %dma_start3A_202 = arith.constant 2 : i32
    %dma_start3A_203 = arith.constant 1 : i32
    %dma_start3A_204 = arith.constant 2 : i32
    %dma_start3A_205 = arith.constant 0 : i32
    %dma_start3A_206 = arith.constant 0 : i32
    %dma_start3A_207 = arith.constant 0 : i32
    %dma_start3A_208 = tpu.memref_slice %arg8[%dma_start3A_203, %dma_start3A_205, %dma_start3A_206, %dma_start3A_207] : memref<2x5x128x64xf32, #tpu.memory_space<vmem>> -> memref<1x5x128x64xf32, #tpu.memory_space<vmem>>
    %dma_start3A_209 = tpu.memref_squeeze %dma_start3A_208 : memref<1x5x128x64xf32, #tpu.memory_space<vmem>> -> memref<5x128x64xf32, #tpu.memory_space<vmem>>
    %dma_start3A_210 = arith.constant 0 : i32
    %dma_start3A_211 = arith.constant 0 : i32
    %dma_start3A_212 = tpu.memref_slice %dma_start3A_209[%dma_start3A_204, %dma_start3A_210, %dma_start3A_211] : memref<5x128x64xf32, #tpu.memory_space<vmem>> -> memref<1x128x64xf32, #tpu.memory_space<vmem>>
    %dma_start3A_213 = tpu.memref_squeeze %dma_start3A_212 : memref<1x128x64xf32, #tpu.memory_space<vmem>> -> memref<128x64xf32, #tpu.memory_space<vmem>>
    %dma_start3A_214 = arith.constant 0 : i32
    %dma_start3A_215 = arith.constant 0 : i32
    %dma_start3A_216 = tpu.memref_slice %arg6[%dma_start3A_201, %dma_start3A_214, %dma_start3A_215] : memref<2x5x128xi32, #tpu.memory_space<vmem>> -> memref<1x5x128xi32, #tpu.memory_space<vmem>>
    %dma_start3A_217 = tpu.memref_squeeze %dma_start3A_216 : memref<1x5x128xi32, #tpu.memory_space<vmem>> -> memref<5x128xi32, #tpu.memory_space<vmem>>
    %dma_start3A_218 = arith.constant 0 : i32
    %dma_start3A_219 = tpu.memref_slice %dma_start3A_217[%dma_start3A_202, %dma_start3A_218] : memref<5x128xi32, #tpu.memory_space<vmem>> -> memref<1x128xi32, #tpu.memory_space<vmem>>
    %dma_start3A_220 = tpu.memref_squeeze %dma_start3A_219 : memref<1x128xi32, #tpu.memory_space<vmem>> -> memref<128xi32, #tpu.memory_space<vmem>>
    %dma_start3A_221 = arith.constant 0 : i32
    %dma_start3A_222 = arith.constant 0 : i32
    %dma_start3A_223 = tpu.memref_slice %arg2[%arg0, %dma_start3A_221, %dma_start3A_222] : memref<2x10000x64xf32, #tpu.memory_space<hbm>> -> memref<1x10000x64xf32, #tpu.memory_space<hbm>>
    %dma_start3A_224 = tpu.memref_squeeze %dma_start3A_223 : memref<1x10000x64xf32, #tpu.memory_space<hbm>> -> memref<10000x64xf32, #tpu.memory_space<hbm>>
    %dma_start3A_225 = arith.constant 0 : i32
    %dma_start3A_226 = arith.constant 0 : i32
    %dma_start3A_227 = tpu.memref_slice %dma_start3A_224[%dma_start3A_225, %dma_start3A_226] : memref<10000x64xf32, #tpu.memory_space<hbm>> -> memref<10000x64xf32, #tpu.memory_space<hbm>>
    tpu.enqueue_indirect_dma source(%dma_start3A_227 : memref<10000x64xf32, #tpu.memory_space<hbm>>) target(%dma_start3A_213 : memref<128x64xf32, #tpu.memory_space<vmem>>) offsets(%dma_start3A_220 : memref<128xi32, #tpu.memory_space<vmem>>) semaphore(%arg11 : memref<!tpu.dma_semaphore, #tpu.memory_space<semaphore_mem>>)
    %dma_start3A_228 = arith.constant 1 : i32
    %dma_start3A_229 = arith.constant 3 : i32
    %dma_start3A_230 = arith.constant 1 : i32
    %dma_start3A_231 = arith.constant 3 : i32
    %dma_start3A_232 = arith.constant 0 : i32
    %dma_start3A_233 = arith.constant 0 : i32
    %dma_start3A_234 = arith.constant 0 : i32
    %dma_start3A_235 = tpu.memref_slice %arg8[%dma_start3A_230, %dma_start3A_232, %dma_start3A_233, %dma_start3A_234] : memref<2x5x128x64xf32, #tpu.memory_space<vmem>> -> memref<1x5x128x64xf32, #tpu.memory_space<vmem>>
    %dma_start3A_236 = tpu.memref_squeeze %dma_start3A_235 : memref<1x5x128x64xf32, #tpu.memory_space<vmem>> -> memref<5x128x64xf32, #tpu.memory_space<vmem>>
    %dma_start3A_237 = arith.constant 0 : i32
    %dma_start3A_238 = arith.constant 0 : i32
    %dma_start3A_239 = tpu.memref_slice %dma_start3A_236[%dma_start3A_231, %dma_start3A_237, %dma_start3A_238] : memref<5x128x64xf32, #tpu.memory_space<vmem>> -> memref<1x128x64xf32, #tpu.memory_space<vmem>>
    %dma_start3A_240 = tpu.memref_squeeze %dma_start3A_239 : memref<1x128x64xf32, #tpu.memory_space<vmem>> -> memref<128x64xf32, #tpu.memory_space<vmem>>
    %dma_start3A_241 = arith.constant 0 : i32
    %dma_start3A_242 = arith.constant 0 : i32
    %dma_start3A_243 = tpu.memref_slice %arg6[%dma_start3A_228, %dma_start3A_241, %dma_start3A_242] : memref<2x5x128xi32, #tpu.memory_space<vmem>> -> memref<1x5x128xi32, #tpu.memory_space<vmem>>
    %dma_start3A_244 = tpu.memref_squeeze %dma_start3A_243 : memref<1x5x128xi32, #tpu.memory_space<vmem>> -> memref<5x128xi32, #tpu.memory_space<vmem>>
    %dma_start3A_245 = arith.constant 0 : i32
    %dma_start3A_246 = tpu.memref_slice %dma_start3A_244[%dma_start3A_229, %dma_start3A_245] : memref<5x128xi32, #tpu.memory_space<vmem>> -> memref<1x128xi32, #tpu.memory_space<vmem>>
    %dma_start3A_247 = tpu.memref_squeeze %dma_start3A_246 : memref<1x128xi32, #tpu.memory_space<vmem>> -> memref<128xi32, #tpu.memory_space<vmem>>
    %dma_start3A_248 = arith.constant 0 : i32
    %dma_start3A_249 = arith.constant 0 : i32
    %dma_start3A_250 = tpu.memref_slice %arg2[%arg0, %dma_start3A_248, %dma_start3A_249] : memref<2x10000x64xf32, #tpu.memory_space<hbm>> -> memref<1x10000x64xf32, #tpu.memory_space<hbm>>
    %dma_start3A_251 = tpu.memref_squeeze %dma_start3A_250 : memref<1x10000x64xf32, #tpu.memory_space<hbm>> -> memref<10000x64xf32, #tpu.memory_space<hbm>>
    %dma_start3A_252 = arith.constant 0 : i32
    %dma_start3A_253 = arith.constant 0 : i32
    %dma_start3A_254 = tpu.memref_slice %dma_start3A_251[%dma_start3A_252, %dma_start3A_253] : memref<10000x64xf32, #tpu.memory_space<hbm>> -> memref<10000x64xf32, #tpu.memory_space<hbm>>
    tpu.enqueue_indirect_dma source(%dma_start3A_254 : memref<10000x64xf32, #tpu.memory_space<hbm>>) target(%dma_start3A_240 : memref<128x64xf32, #tpu.memory_space<vmem>>) offsets(%dma_start3A_247 : memref<128xi32, #tpu.memory_space<vmem>>) semaphore(%arg11 : memref<!tpu.dma_semaphore, #tpu.memory_space<semaphore_mem>>)
    %dma_start3A_255 = arith.constant 1 : i32
    %dma_start3A_256 = arith.constant 4 : i32
    %dma_start3A_257 = arith.constant 1 : i32
    %dma_start3A_258 = arith.constant 4 : i32
    %dma_start3A_259 = arith.constant 0 : i32
    %dma_start3A_260 = arith.constant 0 : i32
    %dma_start3A_261 = arith.constant 0 : i32
    %dma_start3A_262 = tpu.memref_slice %arg8[%dma_start3A_257, %dma_start3A_259, %dma_start3A_260, %dma_start3A_261] : memref<2x5x128x64xf32, #tpu.memory_space<vmem>> -> memref<1x5x128x64xf32, #tpu.memory_space<vmem>>
    %dma_start3A_263 = tpu.memref_squeeze %dma_start3A_262 : memref<1x5x128x64xf32, #tpu.memory_space<vmem>> -> memref<5x128x64xf32, #tpu.memory_space<vmem>>
    %dma_start3A_264 = arith.constant 0 : i32
    %dma_start3A_265 = arith.constant 0 : i32
    %dma_start3A_266 = tpu.memref_slice %dma_start3A_263[%dma_start3A_258, %dma_start3A_264, %dma_start3A_265] : memref<5x128x64xf32, #tpu.memory_space<vmem>> -> memref<1x128x64xf32, #tpu.memory_space<vmem>>
    %dma_start3A_267 = tpu.memref_squeeze %dma_start3A_266 : memref<1x128x64xf32, #tpu.memory_space<vmem>> -> memref<128x64xf32, #tpu.memory_space<vmem>>
    %dma_start3A_268 = arith.constant 0 : i32
    %dma_start3A_269 = arith.constant 0 : i32
    %dma_start3A_270 = tpu.memref_slice %arg6[%dma_start3A_255, %dma_start3A_268, %dma_start3A_269] : memref<2x5x128xi32, #tpu.memory_space<vmem>> -> memref<1x5x128xi32, #tpu.memory_space<vmem>>
    %dma_start3A_271 = tpu.memref_squeeze %dma_start3A_270 : memref<1x5x128xi32, #tpu.memory_space<vmem>> -> memref<5x128xi32, #tpu.memory_space<vmem>>
    %dma_start3A_272 = arith.constant 0 : i32
    %dma_start3A_273 = tpu.memref_slice %dma_start3A_271[%dma_start3A_256, %dma_start3A_272] : memref<5x128xi32, #tpu.memory_space<vmem>> -> memref<1x128xi32, #tpu.memory_space<vmem>>
    %dma_start3A_274 = tpu.memref_squeeze %dma_start3A_273 : memref<1x128xi32, #tpu.memory_space<vmem>> -> memref<128xi32, #tpu.memory_space<vmem>>
    %dma_start3A_275 = arith.constant 0 : i32
    %dma_start3A_276 = arith.constant 0 : i32
    %dma_start3A_277 = tpu.memref_slice %arg2[%arg0, %dma_start3A_275, %dma_start3A_276] : memref<2x10000x64xf32, #tpu.memory_space<hbm>> -> memref<1x10000x64xf32, #tpu.memory_space<hbm>>
    %dma_start3A_278 = tpu.memref_squeeze %dma_start3A_277 : memref<1x10000x64xf32, #tpu.memory_space<hbm>> -> memref<10000x64xf32, #tpu.memory_space<hbm>>
    %dma_start3A_279 = arith.constant 0 : i32
    %dma_start3A_280 = arith.constant 0 : i32
    %dma_start3A_281 = tpu.memref_slice %dma_start3A_278[%dma_start3A_279, %dma_start3A_280] : memref<10000x64xf32, #tpu.memory_space<hbm>> -> memref<10000x64xf32, #tpu.memory_space<hbm>>
    tpu.enqueue_indirect_dma source(%dma_start3A_281 : memref<10000x64xf32, #tpu.memory_space<hbm>>) target(%dma_start3A_267 : memref<128x64xf32, #tpu.memory_space<vmem>>) offsets(%dma_start3A_274 : memref<128xi32, #tpu.memory_space<vmem>>) semaphore(%arg11 : memref<!tpu.dma_semaphore, #tpu.memory_space<semaphore_mem>>)
    %scan3A = arith.constant 0 : i32
    %scan3A_282 = arith.constant 0 : i32
    %scan3A_283 = arith.constant 1 : i32
    %scan3A_284 = arith.constant 0 : i32
    %scan3A_285 = arith.constant 16 : i32
    %scan3A_286 = arith.addi %scan3A_284, %scan3A_285 : i32
    %scan3A_287 = arith.constant 1 : i32
    scf.for %scan3A_292 = %scan3A_284 to %scan3A_286 step %scan3A_287  : i32 {
      %mul3A_293 = arith.constant 2 : i32
      %mul3A_294 = arith.muli %mul3A_293, %scan3A_292 : i32
      %add3A_295 = arith.constant 0 : i32
      %add3A_296 = arith.addi %mul3A_294, %add3A_295 : i32
      %dma_wait3A = arith.constant 0 : i32
      %dma_wait3A_297 = arith.constant 0 : i32
      %dma_wait3A_298 = arith.constant 0 : i32
      %dma_wait3A_299 = arith.constant 0 : i32
      %dma_wait3A_300 = arith.constant 0 : i32
      %dma_wait3A_301 = tpu.memref_slice %arg8[%dma_wait3A, %dma_wait3A_298, %dma_wait3A_299, %dma_wait3A_300] : memref<2x5x128x64xf32, #tpu.memory_space<vmem>> -> memref<1x5x128x64xf32, #tpu.memory_space<vmem>>
      %dma_wait3A_302 = tpu.memref_squeeze %dma_wait3A_301 : memref<1x5x128x64xf32, #tpu.memory_space<vmem>> -> memref<5x128x64xf32, #tpu.memory_space<vmem>>
      %dma_wait3A_303 = arith.constant 0 : i32
      %dma_wait3A_304 = arith.constant 0 : i32
      %dma_wait3A_305 = tpu.memref_slice %dma_wait3A_302[%dma_wait3A_297, %dma_wait3A_303, %dma_wait3A_304] : memref<5x128x64xf32, #tpu.memory_space<vmem>> -> memref<1x128x64xf32, #tpu.memory_space<vmem>>
      %dma_wait3A_306 = tpu.memref_squeeze %dma_wait3A_305 : memref<1x128x64xf32, #tpu.memory_space<vmem>> -> memref<128x64xf32, #tpu.memory_space<vmem>>
      %dma_wait3A_307 = arith.constant 0 : i32
      %dma_wait3A_308 = arith.constant 0 : i32
      %dma_wait3A_309 = tpu.memref_slice %arg2[%arg0, %dma_wait3A_307, %dma_wait3A_308] : memref<2x10000x64xf32, #tpu.memory_space<hbm>> -> memref<1x10000x64xf32, #tpu.memory_space<hbm>>
      %dma_wait3A_310 = tpu.memref_squeeze %dma_wait3A_309 : memref<1x10000x64xf32, #tpu.memory_space<hbm>> -> memref<10000x64xf32, #tpu.memory_space<hbm>>
      %dma_wait3A_311 = arith.constant 0 : i32
      %dma_wait3A_312 = arith.constant 0 : i32
      %dma_wait3A_313 = tpu.memref_slice %dma_wait3A_310[%dma_wait3A_311, %dma_wait3A_312] : memref<10000x64xf32, #tpu.memory_space<hbm>> -> memref<128x64xf32, #tpu.memory_space<hbm>>
      %dma_wait3A_314 = arith.constant 0 : i32
      %dma_wait3A_315 = arith.constant 0 : i32
      %dma_wait3A_316 = arith.constant 0 : i32
      %dma_wait3A_317 = tpu.memref_slice %arg8[%dma_wait3A, %dma_wait3A_314, %dma_wait3A_315, %dma_wait3A_316] : memref<2x5x128x64xf32, #tpu.memory_space<vmem>> -> memref<1x5x128x64xf32, #tpu.memory_space<vmem>>
      %dma_wait3A_318 = tpu.memref_squeeze %dma_wait3A_317 : memref<1x5x128x64xf32, #tpu.memory_space<vmem>> -> memref<5x128x64xf32, #tpu.memory_space<vmem>>
      %dma_wait3A_319 = arith.constant 0 : i32
      %dma_wait3A_320 = arith.constant 0 : i32
      %dma_wait3A_321 = tpu.memref_slice %dma_wait3A_318[%dma_wait3A_297, %dma_wait3A_319, %dma_wait3A_320] : memref<5x128x64xf32, #tpu.memory_space<vmem>> -> memref<1x128x64xf32, #tpu.memory_space<vmem>>
      %dma_wait3A_322 = tpu.memref_squeeze %dma_wait3A_321 : memref<1x128x64xf32, #tpu.memory_space<vmem>> -> memref<128x64xf32, #tpu.memory_space<vmem>>
      %dma_wait3A_323 = arith.constant 0 : i32
      %dma_wait3A_324 = arith.constant 0 : i32
      %dma_wait3A_325 = tpu.memref_slice %arg2[%arg0, %dma_wait3A_323, %dma_wait3A_324] : memref<2x10000x64xf32, #tpu.memory_space<hbm>> -> memref<1x10000x64xf32, #tpu.memory_space<hbm>>
      %dma_wait3A_326 = tpu.memref_squeeze %dma_wait3A_325 : memref<1x10000x64xf32, #tpu.memory_space<hbm>> -> memref<10000x64xf32, #tpu.memory_space<hbm>>
      %dma_wait3A_327 = arith.constant 0 : i32
      %dma_wait3A_328 = arith.constant 0 : i32
      %dma_wait3A_329 = tpu.memref_slice %dma_wait3A_326[%dma_wait3A_327, %dma_wait3A_328] : memref<10000x64xf32, #tpu.memory_space<hbm>> -> memref<128x64xf32, #tpu.memory_space<hbm>>
      tpu.wait_dma2 semaphore(%arg10 : memref<!tpu.dma_semaphore, #tpu.memory_space<semaphore_mem>>) src(%dma_wait3A_329 : memref<128x64xf32, #tpu.memory_space<hbm>>) dst(%dma_wait3A_322 : memref<128x64xf32, #tpu.memory_space<vmem>>)
      %dma_wait3A_330 = arith.constant 0 : i32
      %dma_wait3A_331 = arith.constant 1 : i32
      %dma_wait3A_332 = arith.constant 0 : i32
      %dma_wait3A_333 = arith.constant 0 : i32
      %dma_wait3A_334 = arith.constant 0 : i32
      %dma_wait3A_335 = tpu.memref_slice %arg8[%dma_wait3A_330, %dma_wait3A_332, %dma_wait3A_333, %dma_wait3A_334] : memref<2x5x128x64xf32, #tpu.memory_space<vmem>> -> memref<1x5x128x64xf32, #tpu.memory_space<vmem>>
      %dma_wait3A_336 = tpu.memref_squeeze %dma_wait3A_335 : memref<1x5x128x64xf32, #tpu.memory_space<vmem>> -> memref<5x128x64xf32, #tpu.memory_space<vmem>>
      %dma_wait3A_337 = arith.constant 0 : i32
      %dma_wait3A_338 = arith.constant 0 : i32
      %dma_wait3A_339 = tpu.memref_slice %dma_wait3A_336[%dma_wait3A_331, %dma_wait3A_337, %dma_wait3A_338] : memref<5x128x64xf32, #tpu.memory_space<vmem>> -> memref<1x128x64xf32, #tpu.memory_space<vmem>>
      %dma_wait3A_340 = tpu.memref_squeeze %dma_wait3A_339 : memref<1x128x64xf32, #tpu.memory_space<vmem>> -> memref<128x64xf32, #tpu.memory_space<vmem>>
      %dma_wait3A_341 = arith.constant 0 : i32
      %dma_wait3A_342 = arith.constant 0 : i32
      %dma_wait3A_343 = tpu.memref_slice %arg2[%arg0, %dma_wait3A_341, %dma_wait3A_342] : memref<2x10000x64xf32, #tpu.memory_space<hbm>> -> memref<1x10000x64xf32, #tpu.memory_space<hbm>>
      %dma_wait3A_344 = tpu.memref_squeeze %dma_wait3A_343 : memref<1x10000x64xf32, #tpu.memory_space<hbm>> -> memref<10000x64xf32, #tpu.memory_space<hbm>>
      %dma_wait3A_345 = arith.constant 0 : i32
      %dma_wait3A_346 = arith.constant 0 : i32
      %dma_wait3A_347 = tpu.memref_slice %dma_wait3A_344[%dma_wait3A_345, %dma_wait3A_346] : memref<10000x64xf32, #tpu.memory_space<hbm>> -> memref<128x64xf32, #tpu.memory_space<hbm>>
      %dma_wait3A_348 = arith.constant 0 : i32
      %dma_wait3A_349 = arith.constant 0 : i32
      %dma_wait3A_350 = arith.constant 0 : i32
      %dma_wait3A_351 = tpu.memref_slice %arg8[%dma_wait3A_330, %dma_wait3A_348, %dma_wait3A_349, %dma_wait3A_350] : memref<2x5x128x64xf32, #tpu.memory_space<vmem>> -> memref<1x5x128x64xf32, #tpu.memory_space<vmem>>
      %dma_wait3A_352 = tpu.memref_squeeze %dma_wait3A_351 : memref<1x5x128x64xf32, #tpu.memory_space<vmem>> -> memref<5x128x64xf32, #tpu.memory_space<vmem>>
      %dma_wait3A_353 = arith.constant 0 : i32
      %dma_wait3A_354 = arith.constant 0 : i32
      %dma_wait3A_355 = tpu.memref_slice %dma_wait3A_352[%dma_wait3A_331, %dma_wait3A_353, %dma_wait3A_354] : memref<5x128x64xf32, #tpu.memory_space<vmem>> -> memref<1x128x64xf32, #tpu.memory_space<vmem>>
      %dma_wait3A_356 = tpu.memref_squeeze %dma_wait3A_355 : memref<1x128x64xf32, #tpu.memory_space<vmem>> -> memref<128x64xf32, #tpu.memory_space<vmem>>
      %dma_wait3A_357 = arith.constant 0 : i32
      %dma_wait3A_358 = arith.constant 0 : i32
      %dma_wait3A_359 = tpu.memref_slice %arg2[%arg0, %dma_wait3A_357, %dma_wait3A_358] : memref<2x10000x64xf32, #tpu.memory_space<hbm>> -> memref<1x10000x64xf32, #tpu.memory_space<hbm>>
      %dma_wait3A_360 = tpu.memref_squeeze %dma_wait3A_359 : memref<1x10000x64xf32, #tpu.memory_space<hbm>> -> memref<10000x64xf32, #tpu.memory_space<hbm>>
      %dma_wait3A_361 = arith.constant 0 : i32
      %dma_wait3A_362 = arith.constant 0 : i32
      %dma_wait3A_363 = tpu.memref_slice %dma_wait3A_360[%dma_wait3A_361, %dma_wait3A_362] : memref<10000x64xf32, #tpu.memory_space<hbm>> -> memref<128x64xf32, #tpu.memory_space<hbm>>
      tpu.wait_dma2 semaphore(%arg10 : memref<!tpu.dma_semaphore, #tpu.memory_space<semaphore_mem>>) src(%dma_wait3A_363 : memref<128x64xf32, #tpu.memory_space<hbm>>) dst(%dma_wait3A_356 : memref<128x64xf32, #tpu.memory_space<vmem>>)
      %dma_wait3A_364 = arith.constant 0 : i32
      %dma_wait3A_365 = arith.constant 2 : i32
      %dma_wait3A_366 = arith.constant 0 : i32
      %dma_wait3A_367 = arith.constant 0 : i32
      %dma_wait3A_368 = arith.constant 0 : i32
      %dma_wait3A_369 = tpu.memref_slice %arg8[%dma_wait3A_364, %dma_wait3A_366, %dma_wait3A_367, %dma_wait3A_368] : memref<2x5x128x64xf32, #tpu.memory_space<vmem>> -> memref<1x5x128x64xf32, #tpu.memory_space<vmem>>
      %dma_wait3A_370 = tpu.memref_squeeze %dma_wait3A_369 : memref<1x5x128x64xf32, #tpu.memory_space<vmem>> -> memref<5x128x64xf32, #tpu.memory_space<vmem>>
      %dma_wait3A_371 = arith.constant 0 : i32
      %dma_wait3A_372 = arith.constant 0 : i32
      %dma_wait3A_373 = tpu.memref_slice %dma_wait3A_370[%dma_wait3A_365, %dma_wait3A_371, %dma_wait3A_372] : memref<5x128x64xf32, #tpu.memory_space<vmem>> -> memref<1x128x64xf32, #tpu.memory_space<vmem>>
      %dma_wait3A_374 = tpu.memref_squeeze %dma_wait3A_373 : memref<1x128x64xf32, #tpu.memory_space<vmem>> -> memref<128x64xf32, #tpu.memory_space<vmem>>
      %dma_wait3A_375 = arith.constant 0 : i32
      %dma_wait3A_376 = arith.constant 0 : i32
      %dma_wait3A_377 = tpu.memref_slice %arg2[%arg0, %dma_wait3A_375, %dma_wait3A_376] : memref<2x10000x64xf32, #tpu.memory_space<hbm>> -> memref<1x10000x64xf32, #tpu.memory_space<hbm>>
      %dma_wait3A_378 = tpu.memref_squeeze %dma_wait3A_377 : memref<1x10000x64xf32, #tpu.memory_space<hbm>> -> memref<10000x64xf32, #tpu.memory_space<hbm>>
      %dma_wait3A_379 = arith.constant 0 : i32
      %dma_wait3A_380 = arith.constant 0 : i32
      %dma_wait3A_381 = tpu.memref_slice %dma_wait3A_378[%dma_wait3A_379, %dma_wait3A_380] : memref<10000x64xf32, #tpu.memory_space<hbm>> -> memref<128x64xf32, #tpu.memory_space<hbm>>
      %dma_wait3A_382 = arith.constant 0 : i32
      %dma_wait3A_383 = arith.constant 0 : i32
      %dma_wait3A_384 = arith.constant 0 : i32
      %dma_wait3A_385 = tpu.memref_slice %arg8[%dma_wait3A_364, %dma_wait3A_382, %dma_wait3A_383, %dma_wait3A_384] : memref<2x5x128x64xf32, #tpu.memory_space<vmem>> -> memref<1x5x128x64xf32, #tpu.memory_space<vmem>>
      %dma_wait3A_386 = tpu.memref_squeeze %dma_wait3A_385 : memref<1x5x128x64xf32, #tpu.memory_space<vmem>> -> memref<5x128x64xf32, #tpu.memory_space<vmem>>
      %dma_wait3A_387 = arith.constant 0 : i32
      %dma_wait3A_388 = arith.constant 0 : i32
      %dma_wait3A_389 = tpu.memref_slice %dma_wait3A_386[%dma_wait3A_365, %dma_wait3A_387, %dma_wait3A_388] : memref<5x128x64xf32, #tpu.memory_space<vmem>> -> memref<1x128x64xf32, #tpu.memory_space<vmem>>
      %dma_wait3A_390 = tpu.memref_squeeze %dma_wait3A_389 : memref<1x128x64xf32, #tpu.memory_space<vmem>> -> memref<128x64xf32, #tpu.memory_space<vmem>>
      %dma_wait3A_391 = arith.constant 0 : i32
      %dma_wait3A_392 = arith.constant 0 : i32
      %dma_wait3A_393 = tpu.memref_slice %arg2[%arg0, %dma_wait3A_391, %dma_wait3A_392] : memref<2x10000x64xf32, #tpu.memory_space<hbm>> -> memref<1x10000x64xf32, #tpu.memory_space<hbm>>
      %dma_wait3A_394 = tpu.memref_squeeze %dma_wait3A_393 : memref<1x10000x64xf32, #tpu.memory_space<hbm>> -> memref<10000x64xf32, #tpu.memory_space<hbm>>
      %dma_wait3A_395 = arith.constant 0 : i32
      %dma_wait3A_396 = arith.constant 0 : i32
      %dma_wait3A_397 = tpu.memref_slice %dma_wait3A_394[%dma_wait3A_395, %dma_wait3A_396] : memref<10000x64xf32, #tpu.memory_space<hbm>> -> memref<128x64xf32, #tpu.memory_space<hbm>>
      tpu.wait_dma2 semaphore(%arg10 : memref<!tpu.dma_semaphore, #tpu.memory_space<semaphore_mem>>) src(%dma_wait3A_397 : memref<128x64xf32, #tpu.memory_space<hbm>>) dst(%dma_wait3A_390 : memref<128x64xf32, #tpu.memory_space<vmem>>)
      %dma_wait3A_398 = arith.constant 0 : i32
      %dma_wait3A_399 = arith.constant 3 : i32
      %dma_wait3A_400 = arith.constant 0 : i32
      %dma_wait3A_401 = arith.constant 0 : i32
      %dma_wait3A_402 = arith.constant 0 : i32
      %dma_wait3A_403 = tpu.memref_slice %arg8[%dma_wait3A_398, %dma_wait3A_400, %dma_wait3A_401, %dma_wait3A_402] : memref<2x5x128x64xf32, #tpu.memory_space<vmem>> -> memref<1x5x128x64xf32, #tpu.memory_space<vmem>>
      %dma_wait3A_404 = tpu.memref_squeeze %dma_wait3A_403 : memref<1x5x128x64xf32, #tpu.memory_space<vmem>> -> memref<5x128x64xf32, #tpu.memory_space<vmem>>
      %dma_wait3A_405 = arith.constant 0 : i32
      %dma_wait3A_406 = arith.constant 0 : i32
      %dma_wait3A_407 = tpu.memref_slice %dma_wait3A_404[%dma_wait3A_399, %dma_wait3A_405, %dma_wait3A_406] : memref<5x128x64xf32, #tpu.memory_space<vmem>> -> memref<1x128x64xf32, #tpu.memory_space<vmem>>
      %dma_wait3A_408 = tpu.memref_squeeze %dma_wait3A_407 : memref<1x128x64xf32, #tpu.memory_space<vmem>> -> memref<128x64xf32, #tpu.memory_space<vmem>>
      %dma_wait3A_409 = arith.constant 0 : i32
      %dma_wait3A_410 = arith.constant 0 : i32
      %dma_wait3A_411 = tpu.memref_slice %arg2[%arg0, %dma_wait3A_409, %dma_wait3A_410] : memref<2x10000x64xf32, #tpu.memory_space<hbm>> -> memref<1x10000x64xf32, #tpu.memory_space<hbm>>
      %dma_wait3A_412 = tpu.memref_squeeze %dma_wait3A_411 : memref<1x10000x64xf32, #tpu.memory_space<hbm>> -> memref<10000x64xf32, #tpu.memory_space<hbm>>
      %dma_wait3A_413 = arith.constant 0 : i32
      %dma_wait3A_414 = arith.constant 0 : i32
      %dma_wait3A_415 = tpu.memref_slice %dma_wait3A_412[%dma_wait3A_413, %dma_wait3A_414] : memref<10000x64xf32, #tpu.memory_space<hbm>> -> memref<128x64xf32, #tpu.memory_space<hbm>>
      %dma_wait3A_416 = arith.constant 0 : i32
      %dma_wait3A_417 = arith.constant 0 : i32
      %dma_wait3A_418 = arith.constant 0 : i32
      %dma_wait3A_419 = tpu.memref_slice %arg8[%dma_wait3A_398, %dma_wait3A_416, %dma_wait3A_417, %dma_wait3A_418] : memref<2x5x128x64xf32, #tpu.memory_space<vmem>> -> memref<1x5x128x64xf32, #tpu.memory_space<vmem>>
      %dma_wait3A_420 = tpu.memref_squeeze %dma_wait3A_419 : memref<1x5x128x64xf32, #tpu.memory_space<vmem>> -> memref<5x128x64xf32, #tpu.memory_space<vmem>>
      %dma_wait3A_421 = arith.constant 0 : i32
      %dma_wait3A_422 = arith.constant 0 : i32
      %dma_wait3A_423 = tpu.memref_slice %dma_wait3A_420[%dma_wait3A_399, %dma_wait3A_421, %dma_wait3A_422] : memref<5x128x64xf32, #tpu.memory_space<vmem>> -> memref<1x128x64xf32, #tpu.memory_space<vmem>>
      %dma_wait3A_424 = tpu.memref_squeeze %dma_wait3A_423 : memref<1x128x64xf32, #tpu.memory_space<vmem>> -> memref<128x64xf32, #tpu.memory_space<vmem>>
      %dma_wait3A_425 = arith.constant 0 : i32
      %dma_wait3A_426 = arith.constant 0 : i32
      %dma_wait3A_427 = tpu.memref_slice %arg2[%arg0, %dma_wait3A_425, %dma_wait3A_426] : memref<2x10000x64xf32, #tpu.memory_space<hbm>> -> memref<1x10000x64xf32, #tpu.memory_space<hbm>>
      %dma_wait3A_428 = tpu.memref_squeeze %dma_wait3A_427 : memref<1x10000x64xf32, #tpu.memory_space<hbm>> -> memref<10000x64xf32, #tpu.memory_space<hbm>>
      %dma_wait3A_429 = arith.constant 0 : i32
      %dma_wait3A_430 = arith.constant 0 : i32
      %dma_wait3A_431 = tpu.memref_slice %dma_wait3A_428[%dma_wait3A_429, %dma_wait3A_430] : memref<10000x64xf32, #tpu.memory_space<hbm>> -> memref<128x64xf32, #tpu.memory_space<hbm>>
      tpu.wait_dma2 semaphore(%arg10 : memref<!tpu.dma_semaphore, #tpu.memory_space<semaphore_mem>>) src(%dma_wait3A_431 : memref<128x64xf32, #tpu.memory_space<hbm>>) dst(%dma_wait3A_424 : memref<128x64xf32, #tpu.memory_space<vmem>>)
      %dma_wait3A_432 = arith.constant 0 : i32
      %dma_wait3A_433 = arith.constant 4 : i32
      %dma_wait3A_434 = arith.constant 0 : i32
      %dma_wait3A_435 = arith.constant 0 : i32
      %dma_wait3A_436 = arith.constant 0 : i32
      %dma_wait3A_437 = tpu.memref_slice %arg8[%dma_wait3A_432, %dma_wait3A_434, %dma_wait3A_435, %dma_wait3A_436] : memref<2x5x128x64xf32, #tpu.memory_space<vmem>> -> memref<1x5x128x64xf32, #tpu.memory_space<vmem>>
      %dma_wait3A_438 = tpu.memref_squeeze %dma_wait3A_437 : memref<1x5x128x64xf32, #tpu.memory_space<vmem>> -> memref<5x128x64xf32, #tpu.memory_space<vmem>>
      %dma_wait3A_439 = arith.constant 0 : i32
      %dma_wait3A_440 = arith.constant 0 : i32
      %dma_wait3A_441 = tpu.memref_slice %dma_wait3A_438[%dma_wait3A_433, %dma_wait3A_439, %dma_wait3A_440] : memref<5x128x64xf32, #tpu.memory_space<vmem>> -> memref<1x128x64xf32, #tpu.memory_space<vmem>>
      %dma_wait3A_442 = tpu.memref_squeeze %dma_wait3A_441 : memref<1x128x64xf32, #tpu.memory_space<vmem>> -> memref<128x64xf32, #tpu.memory_space<vmem>>
      %dma_wait3A_443 = arith.constant 0 : i32
      %dma_wait3A_444 = arith.constant 0 : i32
      %dma_wait3A_445 = tpu.memref_slice %arg2[%arg0, %dma_wait3A_443, %dma_wait3A_444] : memref<2x10000x64xf32, #tpu.memory_space<hbm>> -> memref<1x10000x64xf32, #tpu.memory_space<hbm>>
      %dma_wait3A_446 = tpu.memref_squeeze %dma_wait3A_445 : memref<1x10000x64xf32, #tpu.memory_space<hbm>> -> memref<10000x64xf32, #tpu.memory_space<hbm>>
      %dma_wait3A_447 = arith.constant 0 : i32
      %dma_wait3A_448 = arith.constant 0 : i32
      %dma_wait3A_449 = tpu.memref_slice %dma_wait3A_446[%dma_wait3A_447, %dma_wait3A_448] : memref<10000x64xf32, #tpu.memory_space<hbm>> -> memref<128x64xf32, #tpu.memory_space<hbm>>
      %dma_wait3A_450 = arith.constant 0 : i32
      %dma_wait3A_451 = arith.constant 0 : i32
      %dma_wait3A_452 = arith.constant 0 : i32
      %dma_wait3A_453 = tpu.memref_slice %arg8[%dma_wait3A_432, %dma_wait3A_450, %dma_wait3A_451, %dma_wait3A_452] : memref<2x5x128x64xf32, #tpu.memory_space<vmem>> -> memref<1x5x128x64xf32, #tpu.memory_space<vmem>>
      %dma_wait3A_454 = tpu.memref_squeeze %dma_wait3A_453 : memref<1x5x128x64xf32, #tpu.memory_space<vmem>> -> memref<5x128x64xf32, #tpu.memory_space<vmem>>
      %dma_wait3A_455 = arith.constant 0 : i32
      %dma_wait3A_456 = arith.constant 0 : i32
      %dma_wait3A_457 = tpu.memref_slice %dma_wait3A_454[%dma_wait3A_433, %dma_wait3A_455, %dma_wait3A_456] : memref<5x128x64xf32, #tpu.memory_space<vmem>> -> memref<1x128x64xf32, #tpu.memory_space<vmem>>
      %dma_wait3A_458 = tpu.memref_squeeze %dma_wait3A_457 : memref<1x128x64xf32, #tpu.memory_space<vmem>> -> memref<128x64xf32, #tpu.memory_space<vmem>>
      %dma_wait3A_459 = arith.constant 0 : i32
      %dma_wait3A_460 = arith.constant 0 : i32
      %dma_wait3A_461 = tpu.memref_slice %arg2[%arg0, %dma_wait3A_459, %dma_wait3A_460] : memref<2x10000x64xf32, #tpu.memory_space<hbm>> -> memref<1x10000x64xf32, #tpu.memory_space<hbm>>
      %dma_wait3A_462 = tpu.memref_squeeze %dma_wait3A_461 : memref<1x10000x64xf32, #tpu.memory_space<hbm>> -> memref<10000x64xf32, #tpu.memory_space<hbm>>
      %dma_wait3A_463 = arith.constant 0 : i32
      %dma_wait3A_464 = arith.constant 0 : i32
      %dma_wait3A_465 = tpu.memref_slice %dma_wait3A_462[%dma_wait3A_463, %dma_wait3A_464] : memref<10000x64xf32, #tpu.memory_space<hbm>> -> memref<128x64xf32, #tpu.memory_space<hbm>>
      tpu.wait_dma2 semaphore(%arg10 : memref<!tpu.dma_semaphore, #tpu.memory_space<semaphore_mem>>) src(%dma_wait3A_465 : memref<128x64xf32, #tpu.memory_space<hbm>>) dst(%dma_wait3A_458 : memref<128x64xf32, #tpu.memory_space<vmem>>)
      %dma_start3A_466 = arith.constant 0 : i32
      %dma_start3A_467 = arith.constant 0 : i32
      %dma_start3A_468 = arith.constant 0 : i32
      %dma_start3A_469 = arith.constant 0 : i32
      %dma_start3A_470 = arith.constant 0 : i32
      %dma_start3A_471 = arith.constant 0 : i32
      %dma_start3A_472 = arith.constant 0 : i32
      %dma_start3A_473 = tpu.memref_slice %arg8[%dma_start3A_466, %dma_start3A_470, %dma_start3A_471, %dma_start3A_472] : memref<2x5x128x64xf32, #tpu.memory_space<vmem>> -> memref<1x5x128x64xf32, #tpu.memory_space<vmem>>
      %dma_start3A_474 = tpu.memref_squeeze %dma_start3A_473 : memref<1x5x128x64xf32, #tpu.memory_space<vmem>> -> memref<5x128x64xf32, #tpu.memory_space<vmem>>
      %dma_start3A_475 = arith.constant 0 : i32
      %dma_start3A_476 = arith.constant 0 : i32
      %dma_start3A_477 = tpu.memref_slice %dma_start3A_474[%dma_start3A_467, %dma_start3A_475, %dma_start3A_476] : memref<5x128x64xf32, #tpu.memory_space<vmem>> -> memref<1x128x64xf32, #tpu.memory_space<vmem>>
      %dma_start3A_478 = tpu.memref_squeeze %dma_start3A_477 : memref<1x128x64xf32, #tpu.memory_space<vmem>> -> memref<128x64xf32, #tpu.memory_space<vmem>>
      %dma_start3A_479 = arith.constant 0 : i32
      %dma_start3A_480 = arith.constant 0 : i32
      %dma_start3A_481 = tpu.memref_slice %arg7[%dma_start3A_468, %dma_start3A_479, %dma_start3A_480] : memref<2x5x128xi32, #tpu.memory_space<vmem>> -> memref<1x5x128xi32, #tpu.memory_space<vmem>>
      %dma_start3A_482 = tpu.memref_squeeze %dma_start3A_481 : memref<1x5x128xi32, #tpu.memory_space<vmem>> -> memref<5x128xi32, #tpu.memory_space<vmem>>
      %dma_start3A_483 = arith.constant 0 : i32
      %dma_start3A_484 = tpu.memref_slice %dma_start3A_482[%dma_start3A_469, %dma_start3A_483] : memref<5x128xi32, #tpu.memory_space<vmem>> -> memref<1x128xi32, #tpu.memory_space<vmem>>
      %dma_start3A_485 = tpu.memref_squeeze %dma_start3A_484 : memref<1x128xi32, #tpu.memory_space<vmem>> -> memref<128xi32, #tpu.memory_space<vmem>>
      %dma_start3A_486 = arith.constant 0 : i32
      %dma_start3A_487 = arith.constant 0 : i32
      %dma_start3A_488 = tpu.memref_slice %arg9[%dma_start3A_486, %dma_start3A_487] : memref<10512x64xf32, #tpu.memory_space<vmem_shared>> -> memref<10512x64xf32, #tpu.memory_space<vmem_shared>>
      tpu.enqueue_indirect_dma source(%dma_start3A_478 : memref<128x64xf32, #tpu.memory_space<vmem>>) target(%dma_start3A_488 : memref<10512x64xf32, #tpu.memory_space<vmem_shared>>) offsets(%dma_start3A_485 : memref<128xi32, #tpu.memory_space<vmem>>) semaphore(%arg12 : memref<!tpu.dma_semaphore, #tpu.memory_space<semaphore_mem>>) {add = true}
      %dma_start3A_489 = arith.constant 0 : i32
      %dma_start3A_490 = arith.constant 1 : i32
      %dma_start3A_491 = arith.constant 0 : i32
      %dma_start3A_492 = arith.constant 1 : i32
      %dma_start3A_493 = arith.constant 0 : i32
      %dma_start3A_494 = arith.constant 0 : i32
      %dma_start3A_495 = arith.constant 0 : i32
      %dma_start3A_496 = tpu.memref_slice %arg8[%dma_start3A_489, %dma_start3A_493, %dma_start3A_494, %dma_start3A_495] : memref<2x5x128x64xf32, #tpu.memory_space<vmem>> -> memref<1x5x128x64xf32, #tpu.memory_space<vmem>>
      %dma_start3A_497 = tpu.memref_squeeze %dma_start3A_496 : memref<1x5x128x64xf32, #tpu.memory_space<vmem>> -> memref<5x128x64xf32, #tpu.memory_space<vmem>>
      %dma_start3A_498 = arith.constant 0 : i32
      %dma_start3A_499 = arith.constant 0 : i32
      %dma_start3A_500 = tpu.memref_slice %dma_start3A_497[%dma_start3A_490, %dma_start3A_498, %dma_start3A_499] : memref<5x128x64xf32, #tpu.memory_space<vmem>> -> memref<1x128x64xf32, #tpu.memory_space<vmem>>
      %dma_start3A_501 = tpu.memref_squeeze %dma_start3A_500 : memref<1x128x64xf32, #tpu.memory_space<vmem>> -> memref<128x64xf32, #tpu.memory_space<vmem>>
      %dma_start3A_502 = arith.constant 0 : i32
      %dma_start3A_503 = arith.constant 0 : i32
      %dma_start3A_504 = tpu.memref_slice %arg7[%dma_start3A_491, %dma_start3A_502, %dma_start3A_503] : memref<2x5x128xi32, #tpu.memory_space<vmem>> -> memref<1x5x128xi32, #tpu.memory_space<vmem>>
      %dma_start3A_505 = tpu.memref_squeeze %dma_start3A_504 : memref<1x5x128xi32, #tpu.memory_space<vmem>> -> memref<5x128xi32, #tpu.memory_space<vmem>>
      %dma_start3A_506 = arith.constant 0 : i32
      %dma_start3A_507 = tpu.memref_slice %dma_start3A_505[%dma_start3A_492, %dma_start3A_506] : memref<5x128xi32, #tpu.memory_space<vmem>> -> memref<1x128xi32, #tpu.memory_space<vmem>>
      %dma_start3A_508 = tpu.memref_squeeze %dma_start3A_507 : memref<1x128xi32, #tpu.memory_space<vmem>> -> memref<128xi32, #tpu.memory_space<vmem>>
      %dma_start3A_509 = arith.constant 0 : i32
      %dma_start3A_510 = arith.constant 0 : i32
      %dma_start3A_511 = tpu.memref_slice %arg9[%dma_start3A_509, %dma_start3A_510] : memref<10512x64xf32, #tpu.memory_space<vmem_shared>> -> memref<10512x64xf32, #tpu.memory_space<vmem_shared>>
      tpu.enqueue_indirect_dma source(%dma_start3A_501 : memref<128x64xf32, #tpu.memory_space<vmem>>) target(%dma_start3A_511 : memref<10512x64xf32, #tpu.memory_space<vmem_shared>>) offsets(%dma_start3A_508 : memref<128xi32, #tpu.memory_space<vmem>>) semaphore(%arg12 : memref<!tpu.dma_semaphore, #tpu.memory_space<semaphore_mem>>) {add = true}
      %dma_start3A_512 = arith.constant 0 : i32
      %dma_start3A_513 = arith.constant 2 : i32
      %dma_start3A_514 = arith.constant 0 : i32
      %dma_start3A_515 = arith.constant 2 : i32
      %dma_start3A_516 = arith.constant 0 : i32
      %dma_start3A_517 = arith.constant 0 : i32
      %dma_start3A_518 = arith.constant 0 : i32
      %dma_start3A_519 = tpu.memref_slice %arg8[%dma_start3A_512, %dma_start3A_516, %dma_start3A_517, %dma_start3A_518] : memref<2x5x128x64xf32, #tpu.memory_space<vmem>> -> memref<1x5x128x64xf32, #tpu.memory_space<vmem>>
      %dma_start3A_520 = tpu.memref_squeeze %dma_start3A_519 : memref<1x5x128x64xf32, #tpu.memory_space<vmem>> -> memref<5x128x64xf32, #tpu.memory_space<vmem>>
      %dma_start3A_521 = arith.constant 0 : i32
      %dma_start3A_522 = arith.constant 0 : i32
      %dma_start3A_523 = tpu.memref_slice %dma_start3A_520[%dma_start3A_513, %dma_start3A_521, %dma_start3A_522] : memref<5x128x64xf32, #tpu.memory_space<vmem>> -> memref<1x128x64xf32, #tpu.memory_space<vmem>>
      %dma_start3A_524 = tpu.memref_squeeze %dma_start3A_523 : memref<1x128x64xf32, #tpu.memory_space<vmem>> -> memref<128x64xf32, #tpu.memory_space<vmem>>
      %dma_start3A_525 = arith.constant 0 : i32
      %dma_start3A_526 = arith.constant 0 : i32
      %dma_start3A_527 = tpu.memref_slice %arg7[%dma_start3A_514, %dma_start3A_525, %dma_start3A_526] : memref<2x5x128xi32, #tpu.memory_space<vmem>> -> memref<1x5x128xi32, #tpu.memory_space<vmem>>
      %dma_start3A_528 = tpu.memref_squeeze %dma_start3A_527 : memref<1x5x128xi32, #tpu.memory_space<vmem>> -> memref<5x128xi32, #tpu.memory_space<vmem>>
      %dma_start3A_529 = arith.constant 0 : i32
      %dma_start3A_530 = tpu.memref_slice %dma_start3A_528[%dma_start3A_515, %dma_start3A_529] : memref<5x128xi32, #tpu.memory_space<vmem>> -> memref<1x128xi32, #tpu.memory_space<vmem>>
      %dma_start3A_531 = tpu.memref_squeeze %dma_start3A_530 : memref<1x128xi32, #tpu.memory_space<vmem>> -> memref<128xi32, #tpu.memory_space<vmem>>
      %dma_start3A_532 = arith.constant 0 : i32
      %dma_start3A_533 = arith.constant 0 : i32
      %dma_start3A_534 = tpu.memref_slice %arg9[%dma_start3A_532, %dma_start3A_533] : memref<10512x64xf32, #tpu.memory_space<vmem_shared>> -> memref<10512x64xf32, #tpu.memory_space<vmem_shared>>
      tpu.enqueue_indirect_dma source(%dma_start3A_524 : memref<128x64xf32, #tpu.memory_space<vmem>>) target(%dma_start3A_534 : memref<10512x64xf32, #tpu.memory_space<vmem_shared>>) offsets(%dma_start3A_531 : memref<128xi32, #tpu.memory_space<vmem>>) semaphore(%arg12 : memref<!tpu.dma_semaphore, #tpu.memory_space<semaphore_mem>>) {add = true}
      %dma_start3A_535 = arith.constant 0 : i32
      %dma_start3A_536 = arith.constant 3 : i32
      %dma_start3A_537 = arith.constant 0 : i32
      %dma_start3A_538 = arith.constant 3 : i32
      %dma_start3A_539 = arith.constant 0 : i32
      %dma_start3A_540 = arith.constant 0 : i32
      %dma_start3A_541 = arith.constant 0 : i32
      %dma_start3A_542 = tpu.memref_slice %arg8[%dma_start3A_535, %dma_start3A_539, %dma_start3A_540, %dma_start3A_541] : memref<2x5x128x64xf32, #tpu.memory_space<vmem>> -> memref<1x5x128x64xf32, #tpu.memory_space<vmem>>
      %dma_start3A_543 = tpu.memref_squeeze %dma_start3A_542 : memref<1x5x128x64xf32, #tpu.memory_space<vmem>> -> memref<5x128x64xf32, #tpu.memory_space<vmem>>
      %dma_start3A_544 = arith.constant 0 : i32
      %dma_start3A_545 = arith.constant 0 : i32
      %dma_start3A_546 = tpu.memref_slice %dma_start3A_543[%dma_start3A_536, %dma_start3A_544, %dma_start3A_545] : memref<5x128x64xf32, #tpu.memory_space<vmem>> -> memref<1x128x64xf32, #tpu.memory_space<vmem>>
      %dma_start3A_547 = tpu.memref_squeeze %dma_start3A_546 : memref<1x128x64xf32, #tpu.memory_space<vmem>> -> memref<128x64xf32, #tpu.memory_space<vmem>>
      %dma_start3A_548 = arith.constant 0 : i32
      %dma_start3A_549 = arith.constant 0 : i32
      %dma_start3A_550 = tpu.memref_slice %arg7[%dma_start3A_537, %dma_start3A_548, %dma_start3A_549] : memref<2x5x128xi32, #tpu.memory_space<vmem>> -> memref<1x5x128xi32, #tpu.memory_space<vmem>>
      %dma_start3A_551 = tpu.memref_squeeze %dma_start3A_550 : memref<1x5x128xi32, #tpu.memory_space<vmem>> -> memref<5x128xi32, #tpu.memory_space<vmem>>
      %dma_start3A_552 = arith.constant 0 : i32
      %dma_start3A_553 = tpu.memref_slice %dma_start3A_551[%dma_start3A_538, %dma_start3A_552] : memref<5x128xi32, #tpu.memory_space<vmem>> -> memref<1x128xi32, #tpu.memory_space<vmem>>
      %dma_start3A_554 = tpu.memref_squeeze %dma_start3A_553 : memref<1x128xi32, #tpu.memory_space<vmem>> -> memref<128xi32, #tpu.memory_space<vmem>>
      %dma_start3A_555 = arith.constant 0 : i32
      %dma_start3A_556 = arith.constant 0 : i32
      %dma_start3A_557 = tpu.memref_slice %arg9[%dma_start3A_555, %dma_start3A_556] : memref<10512x64xf32, #tpu.memory_space<vmem_shared>> -> memref<10512x64xf32, #tpu.memory_space<vmem_shared>>
      tpu.enqueue_indirect_dma source(%dma_start3A_547 : memref<128x64xf32, #tpu.memory_space<vmem>>) target(%dma_start3A_557 : memref<10512x64xf32, #tpu.memory_space<vmem_shared>>) offsets(%dma_start3A_554 : memref<128xi32, #tpu.memory_space<vmem>>) semaphore(%arg12 : memref<!tpu.dma_semaphore, #tpu.memory_space<semaphore_mem>>) {add = true}
      %dma_start3A_558 = arith.constant 0 : i32
      %dma_start3A_559 = arith.constant 4 : i32
      %dma_start3A_560 = arith.constant 0 : i32
      %dma_start3A_561 = arith.constant 4 : i32
      %dma_start3A_562 = arith.constant 0 : i32
      %dma_start3A_563 = arith.constant 0 : i32
      %dma_start3A_564 = arith.constant 0 : i32
      %dma_start3A_565 = tpu.memref_slice %arg8[%dma_start3A_558, %dma_start3A_562, %dma_start3A_563, %dma_start3A_564] : memref<2x5x128x64xf32, #tpu.memory_space<vmem>> -> memref<1x5x128x64xf32, #tpu.memory_space<vmem>>
      %dma_start3A_566 = tpu.memref_squeeze %dma_start3A_565 : memref<1x5x128x64xf32, #tpu.memory_space<vmem>> -> memref<5x128x64xf32, #tpu.memory_space<vmem>>
      %dma_start3A_567 = arith.constant 0 : i32
      %dma_start3A_568 = arith.constant 0 : i32
      %dma_start3A_569 = tpu.memref_slice %dma_start3A_566[%dma_start3A_559, %dma_start3A_567, %dma_start3A_568] : memref<5x128x64xf32, #tpu.memory_space<vmem>> -> memref<1x128x64xf32, #tpu.memory_space<vmem>>
      %dma_start3A_570 = tpu.memref_squeeze %dma_start3A_569 : memref<1x128x64xf32, #tpu.memory_space<vmem>> -> memref<128x64xf32, #tpu.memory_space<vmem>>
      %dma_start3A_571 = arith.constant 0 : i32
      %dma_start3A_572 = arith.constant 0 : i32
      %dma_start3A_573 = tpu.memref_slice %arg7[%dma_start3A_560, %dma_start3A_571, %dma_start3A_572] : memref<2x5x128xi32, #tpu.memory_space<vmem>> -> memref<1x5x128xi32, #tpu.memory_space<vmem>>
      %dma_start3A_574 = tpu.memref_squeeze %dma_start3A_573 : memref<1x5x128xi32, #tpu.memory_space<vmem>> -> memref<5x128xi32, #tpu.memory_space<vmem>>
      %dma_start3A_575 = arith.constant 0 : i32
      %dma_start3A_576 = tpu.memref_slice %dma_start3A_574[%dma_start3A_561, %dma_start3A_575] : memref<5x128xi32, #tpu.memory_space<vmem>> -> memref<1x128xi32, #tpu.memory_space<vmem>>
      %dma_start3A_577 = tpu.memref_squeeze %dma_start3A_576 : memref<1x128xi32, #tpu.memory_space<vmem>> -> memref<128xi32, #tpu.memory_space<vmem>>
      %dma_start3A_578 = arith.constant 0 : i32
      %dma_start3A_579 = arith.constant 0 : i32
      %dma_start3A_580 = tpu.memref_slice %arg9[%dma_start3A_578, %dma_start3A_579] : memref<10512x64xf32, #tpu.memory_space<vmem_shared>> -> memref<10512x64xf32, #tpu.memory_space<vmem_shared>>
      tpu.enqueue_indirect_dma source(%dma_start3A_570 : memref<128x64xf32, #tpu.memory_space<vmem>>) target(%dma_start3A_580 : memref<10512x64xf32, #tpu.memory_space<vmem_shared>>) offsets(%dma_start3A_577 : memref<128xi32, #tpu.memory_space<vmem>>) semaphore(%arg12 : memref<!tpu.dma_semaphore, #tpu.memory_space<semaphore_mem>>) {add = true}
      %dma_wait3A_581 = arith.constant 0 : i32
      %dma_wait3A_582 = arith.constant 0 : i32
      %dma_wait3A_583 = arith.constant 0 : i32
      %dma_wait3A_584 = arith.constant 0 : i32
      %dma_wait3A_585 = arith.constant 0 : i32
      %dma_wait3A_586 = arith.constant 0 : i32
      %dma_wait3A_587 = arith.constant 0 : i32
      %dma_wait3A_588 = tpu.memref_slice %arg8[%dma_wait3A_581, %dma_wait3A_585, %dma_wait3A_586, %dma_wait3A_587] : memref<2x5x128x64xf32, #tpu.memory_space<vmem>> -> memref<1x5x128x64xf32, #tpu.memory_space<vmem>>
      %dma_wait3A_589 = tpu.memref_squeeze %dma_wait3A_588 : memref<1x5x128x64xf32, #tpu.memory_space<vmem>> -> memref<5x128x64xf32, #tpu.memory_space<vmem>>
      %dma_wait3A_590 = arith.constant 0 : i32
      %dma_wait3A_591 = arith.constant 0 : i32
      %dma_wait3A_592 = tpu.memref_slice %dma_wait3A_589[%dma_wait3A_582, %dma_wait3A_590, %dma_wait3A_591] : memref<5x128x64xf32, #tpu.memory_space<vmem>> -> memref<1x128x64xf32, #tpu.memory_space<vmem>>
      %dma_wait3A_593 = tpu.memref_squeeze %dma_wait3A_592 : memref<1x128x64xf32, #tpu.memory_space<vmem>> -> memref<128x64xf32, #tpu.memory_space<vmem>>
      %dma_wait3A_594 = arith.constant 0 : i32
      %dma_wait3A_595 = arith.constant 0 : i32
      %dma_wait3A_596 = tpu.memref_slice %arg7[%dma_wait3A_583, %dma_wait3A_594, %dma_wait3A_595] : memref<2x5x128xi32, #tpu.memory_space<vmem>> -> memref<1x5x128xi32, #tpu.memory_space<vmem>>
      %dma_wait3A_597 = tpu.memref_squeeze %dma_wait3A_596 : memref<1x5x128xi32, #tpu.memory_space<vmem>> -> memref<5x128xi32, #tpu.memory_space<vmem>>
      %dma_wait3A_598 = arith.constant 0 : i32
      %dma_wait3A_599 = tpu.memref_slice %dma_wait3A_597[%dma_wait3A_584, %dma_wait3A_598] : memref<5x128xi32, #tpu.memory_space<vmem>> -> memref<1x128xi32, #tpu.memory_space<vmem>>
      %dma_wait3A_600 = tpu.memref_squeeze %dma_wait3A_599 : memref<1x128xi32, #tpu.memory_space<vmem>> -> memref<128xi32, #tpu.memory_space<vmem>>
      %dma_wait3A_601 = arith.constant 0 : i32
      %dma_wait3A_602 = arith.constant 0 : i32
      %dma_wait3A_603 = tpu.memref_slice %arg9[%dma_wait3A_601, %dma_wait3A_602] : memref<10512x64xf32, #tpu.memory_space<vmem_shared>> -> memref<10512x64xf32, #tpu.memory_space<vmem_shared>>
      tpu.wait_indirect_dma semaphore(%arg12 : memref<!tpu.dma_semaphore, #tpu.memory_space<semaphore_mem>>) src(%dma_wait3A_593 : memref<128x64xf32, #tpu.memory_space<vmem>>) dst(%dma_wait3A_603 : memref<10512x64xf32, #tpu.memory_space<vmem_shared>>)
      %dma_wait3A_604 = arith.constant 0 : i32
      %dma_wait3A_605 = arith.constant 1 : i32
      %dma_wait3A_606 = arith.constant 0 : i32
      %dma_wait3A_607 = arith.constant 1 : i32
      %dma_wait3A_608 = arith.constant 0 : i32
      %dma_wait3A_609 = arith.constant 0 : i32
      %dma_wait3A_610 = arith.constant 0 : i32
      %dma_wait3A_611 = tpu.memref_slice %arg8[%dma_wait3A_604, %dma_wait3A_608, %dma_wait3A_609, %dma_wait3A_610] : memref<2x5x128x64xf32, #tpu.memory_space<vmem>> -> memref<1x5x128x64xf32, #tpu.memory_space<vmem>>
      %dma_wait3A_612 = tpu.memref_squeeze %dma_wait3A_611 : memref<1x5x128x64xf32, #tpu.memory_space<vmem>> -> memref<5x128x64xf32, #tpu.memory_space<vmem>>
      %dma_wait3A_613 = arith.constant 0 : i32
      %dma_wait3A_614 = arith.constant 0 : i32
      %dma_wait3A_615 = tpu.memref_slice %dma_wait3A_612[%dma_wait3A_605, %dma_wait3A_613, %dma_wait3A_614] : memref<5x128x64xf32, #tpu.memory_space<vmem>> -> memref<1x128x64xf32, #tpu.memory_space<vmem>>
      %dma_wait3A_616 = tpu.memref_squeeze %dma_wait3A_615 : memref<1x128x64xf32, #tpu.memory_space<vmem>> -> memref<128x64xf32, #tpu.memory_space<vmem>>
      %dma_wait3A_617 = arith.constant 0 : i32
      %dma_wait3A_618 = arith.constant 0 : i32
      %dma_wait3A_619 = tpu.memref_slice %arg7[%dma_wait3A_606, %dma_wait3A_617, %dma_wait3A_618] : memref<2x5x128xi32, #tpu.memory_space<vmem>> -> memref<1x5x128xi32, #tpu.memory_space<vmem>>
      %dma_wait3A_620 = tpu.memref_squeeze %dma_wait3A_619 : memref<1x5x128xi32, #tpu.memory_space<vmem>> -> memref<5x128xi32, #tpu.memory_space<vmem>>
      %dma_wait3A_621 = arith.constant 0 : i32
      %dma_wait3A_622 = tpu.memref_slice %dma_wait3A_620[%dma_wait3A_607, %dma_wait3A_621] : memref<5x128xi32, #tpu.memory_space<vmem>> -> memref<1x128xi32, #tpu.memory_space<vmem>>
      %dma_wait3A_623 = tpu.memref_squeeze %dma_wait3A_622 : memref<1x128xi32, #tpu.memory_space<vmem>> -> memref<128xi32, #tpu.memory_space<vmem>>
      %dma_wait3A_624 = arith.constant 0 : i32
      %dma_wait3A_625 = arith.constant 0 : i32
      %dma_wait3A_626 = tpu.memref_slice %arg9[%dma_wait3A_624, %dma_wait3A_625] : memref<10512x64xf32, #tpu.memory_space<vmem_shared>> -> memref<10512x64xf32, #tpu.memory_space<vmem_shared>>
      tpu.wait_indirect_dma semaphore(%arg12 : memref<!tpu.dma_semaphore, #tpu.memory_space<semaphore_mem>>) src(%dma_wait3A_616 : memref<128x64xf32, #tpu.memory_space<vmem>>) dst(%dma_wait3A_626 : memref<10512x64xf32, #tpu.memory_space<vmem_shared>>)
      %dma_wait3A_627 = arith.constant 0 : i32
      %dma_wait3A_628 = arith.constant 2 : i32
      %dma_wait3A_629 = arith.constant 0 : i32
      %dma_wait3A_630 = arith.constant 2 : i32
      %dma_wait3A_631 = arith.constant 0 : i32
      %dma_wait3A_632 = arith.constant 0 : i32
      %dma_wait3A_633 = arith.constant 0 : i32
      %dma_wait3A_634 = tpu.memref_slice %arg8[%dma_wait3A_627, %dma_wait3A_631, %dma_wait3A_632, %dma_wait3A_633] : memref<2x5x128x64xf32, #tpu.memory_space<vmem>> -> memref<1x5x128x64xf32, #tpu.memory_space<vmem>>
      %dma_wait3A_635 = tpu.memref_squeeze %dma_wait3A_634 : memref<1x5x128x64xf32, #tpu.memory_space<vmem>> -> memref<5x128x64xf32, #tpu.memory_space<vmem>>
      %dma_wait3A_636 = arith.constant 0 : i32
      %dma_wait3A_637 = arith.constant 0 : i32
      %dma_wait3A_638 = tpu.memref_slice %dma_wait3A_635[%dma_wait3A_628, %dma_wait3A_636, %dma_wait3A_637] : memref<5x128x64xf32, #tpu.memory_space<vmem>> -> memref<1x128x64xf32, #tpu.memory_space<vmem>>
      %dma_wait3A_639 = tpu.memref_squeeze %dma_wait3A_638 : memref<1x128x64xf32, #tpu.memory_space<vmem>> -> memref<128x64xf32, #tpu.memory_space<vmem>>
      %dma_wait3A_640 = arith.constant 0 : i32
      %dma_wait3A_641 = arith.constant 0 : i32
      %dma_wait3A_642 = tpu.memref_slice %arg7[%dma_wait3A_629, %dma_wait3A_640, %dma_wait3A_641] : memref<2x5x128xi32, #tpu.memory_space<vmem>> -> memref<1x5x128xi32, #tpu.memory_space<vmem>>
      %dma_wait3A_643 = tpu.memref_squeeze %dma_wait3A_642 : memref<1x5x128xi32, #tpu.memory_space<vmem>> -> memref<5x128xi32, #tpu.memory_space<vmem>>
      %dma_wait3A_644 = arith.constant 0 : i32
      %dma_wait3A_645 = tpu.memref_slice %dma_wait3A_643[%dma_wait3A_630, %dma_wait3A_644] : memref<5x128xi32, #tpu.memory_space<vmem>> -> memref<1x128xi32, #tpu.memory_space<vmem>>
      %dma_wait3A_646 = tpu.memref_squeeze %dma_wait3A_645 : memref<1x128xi32, #tpu.memory_space<vmem>> -> memref<128xi32, #tpu.memory_space<vmem>>
      %dma_wait3A_647 = arith.constant 0 : i32
      %dma_wait3A_648 = arith.constant 0 : i32
      %dma_wait3A_649 = tpu.memref_slice %arg9[%dma_wait3A_647, %dma_wait3A_648] : memref<10512x64xf32, #tpu.memory_space<vmem_shared>> -> memref<10512x64xf32, #tpu.memory_space<vmem_shared>>
      tpu.wait_indirect_dma semaphore(%arg12 : memref<!tpu.dma_semaphore, #tpu.memory_space<semaphore_mem>>) src(%dma_wait3A_639 : memref<128x64xf32, #tpu.memory_space<vmem>>) dst(%dma_wait3A_649 : memref<10512x64xf32, #tpu.memory_space<vmem_shared>>)
      %dma_wait3A_650 = arith.constant 0 : i32
      %dma_wait3A_651 = arith.constant 3 : i32
      %dma_wait3A_652 = arith.constant 0 : i32
      %dma_wait3A_653 = arith.constant 3 : i32
      %dma_wait3A_654 = arith.constant 0 : i32
      %dma_wait3A_655 = arith.constant 0 : i32
      %dma_wait3A_656 = arith.constant 0 : i32
      %dma_wait3A_657 = tpu.memref_slice %arg8[%dma_wait3A_650, %dma_wait3A_654, %dma_wait3A_655, %dma_wait3A_656] : memref<2x5x128x64xf32, #tpu.memory_space<vmem>> -> memref<1x5x128x64xf32, #tpu.memory_space<vmem>>
      %dma_wait3A_658 = tpu.memref_squeeze %dma_wait3A_657 : memref<1x5x128x64xf32, #tpu.memory_space<vmem>> -> memref<5x128x64xf32, #tpu.memory_space<vmem>>
      %dma_wait3A_659 = arith.constant 0 : i32
      %dma_wait3A_660 = arith.constant 0 : i32
      %dma_wait3A_661 = tpu.memref_slice %dma_wait3A_658[%dma_wait3A_651, %dma_wait3A_659, %dma_wait3A_660] : memref<5x128x64xf32, #tpu.memory_space<vmem>> -> memref<1x128x64xf32, #tpu.memory_space<vmem>>
      %dma_wait3A_662 = tpu.memref_squeeze %dma_wait3A_661 : memref<1x128x64xf32, #tpu.memory_space<vmem>> -> memref<128x64xf32, #tpu.memory_space<vmem>>
      %dma_wait3A_663 = arith.constant 0 : i32
      %dma_wait3A_664 = arith.constant 0 : i32
      %dma_wait3A_665 = tpu.memref_slice %arg7[%dma_wait3A_652, %dma_wait3A_663, %dma_wait3A_664] : memref<2x5x128xi32, #tpu.memory_space<vmem>> -> memref<1x5x128xi32, #tpu.memory_space<vmem>>
      %dma_wait3A_666 = tpu.memref_squeeze %dma_wait3A_665 : memref<1x5x128xi32, #tpu.memory_space<vmem>> -> memref<5x128xi32, #tpu.memory_space<vmem>>
      %dma_wait3A_667 = arith.constant 0 : i32
      %dma_wait3A_668 = tpu.memref_slice %dma_wait3A_666[%dma_wait3A_653, %dma_wait3A_667] : memref<5x128xi32, #tpu.memory_space<vmem>> -> memref<1x128xi32, #tpu.memory_space<vmem>>
      %dma_wait3A_669 = tpu.memref_squeeze %dma_wait3A_668 : memref<1x128xi32, #tpu.memory_space<vmem>> -> memref<128xi32, #tpu.memory_space<vmem>>
      %dma_wait3A_670 = arith.constant 0 : i32
      %dma_wait3A_671 = arith.constant 0 : i32
      %dma_wait3A_672 = tpu.memref_slice %arg9[%dma_wait3A_670, %dma_wait3A_671] : memref<10512x64xf32, #tpu.memory_space<vmem_shared>> -> memref<10512x64xf32, #tpu.memory_space<vmem_shared>>
      tpu.wait_indirect_dma semaphore(%arg12 : memref<!tpu.dma_semaphore, #tpu.memory_space<semaphore_mem>>) src(%dma_wait3A_662 : memref<128x64xf32, #tpu.memory_space<vmem>>) dst(%dma_wait3A_672 : memref<10512x64xf32, #tpu.memory_space<vmem_shared>>)
      %dma_wait3A_673 = arith.constant 0 : i32
      %dma_wait3A_674 = arith.constant 4 : i32
      %dma_wait3A_675 = arith.constant 0 : i32
      %dma_wait3A_676 = arith.constant 4 : i32
      %dma_wait3A_677 = arith.constant 0 : i32
      %dma_wait3A_678 = arith.constant 0 : i32
      %dma_wait3A_679 = arith.constant 0 : i32
      %dma_wait3A_680 = tpu.memref_slice %arg8[%dma_wait3A_673, %dma_wait3A_677, %dma_wait3A_678, %dma_wait3A_679] : memref<2x5x128x64xf32, #tpu.memory_space<vmem>> -> memref<1x5x128x64xf32, #tpu.memory_space<vmem>>
      %dma_wait3A_681 = tpu.memref_squeeze %dma_wait3A_680 : memref<1x5x128x64xf32, #tpu.memory_space<vmem>> -> memref<5x128x64xf32, #tpu.memory_space<vmem>>
      %dma_wait3A_682 = arith.constant 0 : i32
      %dma_wait3A_683 = arith.constant 0 : i32
      %dma_wait3A_684 = tpu.memref_slice %dma_wait3A_681[%dma_wait3A_674, %dma_wait3A_682, %dma_wait3A_683] : memref<5x128x64xf32, #tpu.memory_space<vmem>> -> memref<1x128x64xf32, #tpu.memory_space<vmem>>
      %dma_wait3A_685 = tpu.memref_squeeze %dma_wait3A_684 : memref<1x128x64xf32, #tpu.memory_space<vmem>> -> memref<128x64xf32, #tpu.memory_space<vmem>>
      %dma_wait3A_686 = arith.constant 0 : i32
      %dma_wait3A_687 = arith.constant 0 : i32
      %dma_wait3A_688 = tpu.memref_slice %arg7[%dma_wait3A_675, %dma_wait3A_686, %dma_wait3A_687] : memref<2x5x128xi32, #tpu.memory_space<vmem>> -> memref<1x5x128xi32, #tpu.memory_space<vmem>>
      %dma_wait3A_689 = tpu.memref_squeeze %dma_wait3A_688 : memref<1x5x128xi32, #tpu.memory_space<vmem>> -> memref<5x128xi32, #tpu.memory_space<vmem>>
      %dma_wait3A_690 = arith.constant 0 : i32
      %dma_wait3A_691 = tpu.memref_slice %dma_wait3A_689[%dma_wait3A_676, %dma_wait3A_690] : memref<5x128xi32, #tpu.memory_space<vmem>> -> memref<1x128xi32, #tpu.memory_space<vmem>>
      %dma_wait3A_692 = tpu.memref_squeeze %dma_wait3A_691 : memref<1x128xi32, #tpu.memory_space<vmem>> -> memref<128xi32, #tpu.memory_space<vmem>>
      %dma_wait3A_693 = arith.constant 0 : i32
      %dma_wait3A_694 = arith.constant 0 : i32
      %dma_wait3A_695 = tpu.memref_slice %arg9[%dma_wait3A_693, %dma_wait3A_694] : memref<10512x64xf32, #tpu.memory_space<vmem_shared>> -> memref<10512x64xf32, #tpu.memory_space<vmem_shared>>
      tpu.wait_indirect_dma semaphore(%arg12 : memref<!tpu.dma_semaphore, #tpu.memory_space<semaphore_mem>>) src(%dma_wait3A_685 : memref<128x64xf32, #tpu.memory_space<vmem>>) dst(%dma_wait3A_695 : memref<10512x64xf32, #tpu.memory_space<vmem_shared>>)
      %add3A_696 = arith.constant 2 : i32
      %add3A_697 = arith.addi %add3A_296, %add3A_696 : i32
      %lt3A = arith.constant 32 : i32
      %lt3A_698 = arith.cmpi slt, %add3A_697, %lt3A : i32
      %convert_element_type3A = arith.extui %lt3A_698 : i1 to i32
      %cond3A = arith.constant 0 : i32
      %cond3A_699 = arith.cmpi ne, %convert_element_type3A, %cond3A : i32
      scf.if %cond3A_699 {
        %add3A_1111 = arith.constant 2 : i32
        %add3A_1112 = arith.addi %add3A_296, %add3A_1111 : i32
        %mul3A_1113 = arith.constant 5 : i32
        %mul3A_1114 = arith.muli %add3A_1112, %mul3A_1113 : i32
        %add3A_1115 = arith.addi %mul3A_2, %mul3A_1114 : i32
        %run_scoped3A_1116 = arith.constant 0 : i32
        "tpu.region"() ({
          %run_scoped3A_1253 = tpu.sem_alloc : memref<!tpu.dma_semaphore, #tpu.memory_space<semaphore_mem>>
          %dma_start3A_1254 = arith.constant 0 : i32
          %dma_start3A_1255 = arith.constant 0 : i32
          %dma_start3A_1256 = tpu.memref_slice %arg6[%run_scoped3A_1116, %dma_start3A_1254, %dma_start3A_1255] : memref<2x5x128xi32, #tpu.memory_space<vmem>> -> memref<1x5x128xi32, #tpu.memory_space<vmem>>
          %dma_start3A_1257 = tpu.memref_squeeze %dma_start3A_1256 : memref<1x5x128xi32, #tpu.memory_space<vmem>> -> memref<5x128xi32, #tpu.memory_space<vmem>>
          %dma_start3A_1258 = arith.constant 0 : i32
          %dma_start3A_1259 = arith.constant 0 : i32
          %dma_start3A_1260 = tpu.memref_slice %arg3[%scan3A_282, %dma_start3A_1258, %dma_start3A_1259] : memref<2x2560x128xi32, #tpu.memory_space<hbm>> -> memref<1x2560x128xi32, #tpu.memory_space<hbm>>
          %dma_start3A_1261 = tpu.memref_squeeze %dma_start3A_1260 : memref<1x2560x128xi32, #tpu.memory_space<hbm>> -> memref<2560x128xi32, #tpu.memory_space<hbm>>
          %dma_start3A_1262 = arith.constant 0 : i32
          %dma_start3A_1263 = tpu.memref_slice %dma_start3A_1261[%add3A_1115, %dma_start3A_1262] : memref<2560x128xi32, #tpu.memory_space<hbm>> -> memref<5x128xi32, #tpu.memory_space<hbm>>
          %dma_start3A_1264 = arith.constant 0 : i32
          %dma_start3A_1265 = arith.constant 0 : i32
          %dma_start3A_1266 = tpu.memref_slice %arg6[%run_scoped3A_1116, %dma_start3A_1264, %dma_start3A_1265] : memref<2x5x128xi32, #tpu.memory_space<vmem>> -> memref<1x5x128xi32, #tpu.memory_space<vmem>>
          %dma_start3A_1267 = tpu.memref_squeeze %dma_start3A_1266 : memref<1x5x128xi32, #tpu.memory_space<vmem>> -> memref<5x128xi32, #tpu.memory_space<vmem>>
          %dma_start3A_1268 = arith.constant 0 : i32
          %dma_start3A_1269 = arith.constant 0 : i32
          %dma_start3A_1270 = tpu.memref_slice %arg3[%scan3A_282, %dma_start3A_1268, %dma_start3A_1269] : memref<2x2560x128xi32, #tpu.memory_space<hbm>> -> memref<1x2560x128xi32, #tpu.memory_space<hbm>>
          %dma_start3A_1271 = tpu.memref_squeeze %dma_start3A_1270 : memref<1x2560x128xi32, #tpu.memory_space<hbm>> -> memref<2560x128xi32, #tpu.memory_space<hbm>>
          %dma_start3A_1272 = arith.constant 0 : i32
          %dma_start3A_1273 = tpu.memref_slice %dma_start3A_1271[%add3A_1115, %dma_start3A_1272] : memref<2560x128xi32, #tpu.memory_space<hbm>> -> memref<5x128xi32, #tpu.memory_space<hbm>>
          tpu.enqueue_dma source(%dma_start3A_1273 : memref<5x128xi32, #tpu.memory_space<hbm>>) target(%dma_start3A_1267 : memref<5x128xi32, #tpu.memory_space<vmem>>) target_semaphore(%run_scoped3A_1253 : memref<!tpu.dma_semaphore, #tpu.memory_space<semaphore_mem>>)
          %dma_wait3A_1274 = arith.constant 0 : i32
          %dma_wait3A_1275 = arith.constant 0 : i32
          %dma_wait3A_1276 = tpu.memref_slice %arg6[%run_scoped3A_1116, %dma_wait3A_1274, %dma_wait3A_1275] : memref<2x5x128xi32, #tpu.memory_space<vmem>> -> memref<1x5x128xi32, #tpu.memory_space<vmem>>
          %dma_wait3A_1277 = tpu.memref_squeeze %dma_wait3A_1276 : memref<1x5x128xi32, #tpu.memory_space<vmem>> -> memref<5x128xi32, #tpu.memory_space<vmem>>
          %dma_wait3A_1278 = arith.constant 0 : i32
          %dma_wait3A_1279 = arith.constant 0 : i32
          %dma_wait3A_1280 = tpu.memref_slice %arg3[%scan3A_282, %dma_wait3A_1278, %dma_wait3A_1279] : memref<2x2560x128xi32, #tpu.memory_space<hbm>> -> memref<1x2560x128xi32, #tpu.memory_space<hbm>>
          %dma_wait3A_1281 = tpu.memref_squeeze %dma_wait3A_1280 : memref<1x2560x128xi32, #tpu.memory_space<hbm>> -> memref<2560x128xi32, #tpu.memory_space<hbm>>
          %dma_wait3A_1282 = arith.constant 0 : i32
          %dma_wait3A_1283 = tpu.memref_slice %dma_wait3A_1281[%add3A_1115, %dma_wait3A_1282] : memref<2560x128xi32, #tpu.memory_space<hbm>> -> memref<5x128xi32, #tpu.memory_space<hbm>>
          %dma_wait3A_1284 = arith.constant 0 : i32
          %dma_wait3A_1285 = arith.constant 0 : i32
          %dma_wait3A_1286 = tpu.memref_slice %arg6[%run_scoped3A_1116, %dma_wait3A_1284, %dma_wait3A_1285] : memref<2x5x128xi32, #tpu.memory_space<vmem>> -> memref<1x5x128xi32, #tpu.memory_space<vmem>>
          %dma_wait3A_1287 = tpu.memref_squeeze %dma_wait3A_1286 : memref<1x5x128xi32, #tpu.memory_space<vmem>> -> memref<5x128xi32, #tpu.memory_space<vmem>>
          %dma_wait3A_1288 = arith.constant 0 : i32
          %dma_wait3A_1289 = arith.constant 0 : i32
          %dma_wait3A_1290 = tpu.memref_slice %arg3[%scan3A_282, %dma_wait3A_1288, %dma_wait3A_1289] : memref<2x2560x128xi32, #tpu.memory_space<hbm>> -> memref<1x2560x128xi32, #tpu.memory_space<hbm>>
          %dma_wait3A_1291 = tpu.memref_squeeze %dma_wait3A_1290 : memref<1x2560x128xi32, #tpu.memory_space<hbm>> -> memref<2560x128xi32, #tpu.memory_space<hbm>>
          %dma_wait3A_1292 = arith.constant 0 : i32
          %dma_wait3A_1293 = tpu.memref_slice %dma_wait3A_1291[%add3A_1115, %dma_wait3A_1292] : memref<2560x128xi32, #tpu.memory_space<hbm>> -> memref<5x128xi32, #tpu.memory_space<hbm>>
          tpu.wait_dma2 semaphore(%run_scoped3A_1253 : memref<!tpu.dma_semaphore, #tpu.memory_space<semaphore_mem>>) src(%dma_wait3A_1293 : memref<5x128xi32, #tpu.memory_space<hbm>>) dst(%dma_wait3A_1287 : memref<5x128xi32, #tpu.memory_space<vmem>>)
          tpu.yield
        }) : () -> ()
        %run_scoped3A_1117 = arith.constant 0 : i32
        "tpu.region"() ({
          %run_scoped3A_1253 = tpu.sem_alloc : memref<!tpu.dma_semaphore, #tpu.memory_space<semaphore_mem>>
          %dma_start3A_1254 = arith.constant 0 : i32
          %dma_start3A_1255 = arith.constant 0 : i32
          %dma_start3A_1256 = tpu.memref_slice %arg7[%run_scoped3A_1117, %dma_start3A_1254, %dma_start3A_1255] : memref<2x5x128xi32, #tpu.memory_space<vmem>> -> memref<1x5x128xi32, #tpu.memory_space<vmem>>
          %dma_start3A_1257 = tpu.memref_squeeze %dma_start3A_1256 : memref<1x5x128xi32, #tpu.memory_space<vmem>> -> memref<5x128xi32, #tpu.memory_space<vmem>>
          %dma_start3A_1258 = arith.constant 0 : i32
          %dma_start3A_1259 = arith.constant 0 : i32
          %dma_start3A_1260 = tpu.memref_slice %arg3[%scan3A_283, %dma_start3A_1258, %dma_start3A_1259] : memref<2x2560x128xi32, #tpu.memory_space<hbm>> -> memref<1x2560x128xi32, #tpu.memory_space<hbm>>
          %dma_start3A_1261 = tpu.memref_squeeze %dma_start3A_1260 : memref<1x2560x128xi32, #tpu.memory_space<hbm>> -> memref<2560x128xi32, #tpu.memory_space<hbm>>
          %dma_start3A_1262 = arith.constant 0 : i32
          %dma_start3A_1263 = tpu.memref_slice %dma_start3A_1261[%add3A_1115, %dma_start3A_1262] : memref<2560x128xi32, #tpu.memory_space<hbm>> -> memref<5x128xi32, #tpu.memory_space<hbm>>
          %dma_start3A_1264 = arith.constant 0 : i32
          %dma_start3A_1265 = arith.constant 0 : i32
          %dma_start3A_1266 = tpu.memref_slice %arg7[%run_scoped3A_1117, %dma_start3A_1264, %dma_start3A_1265] : memref<2x5x128xi32, #tpu.memory_space<vmem>> -> memref<1x5x128xi32, #tpu.memory_space<vmem>>
          %dma_start3A_1267 = tpu.memref_squeeze %dma_start3A_1266 : memref<1x5x128xi32, #tpu.memory_space<vmem>> -> memref<5x128xi32, #tpu.memory_space<vmem>>
          %dma_start3A_1268 = arith.constant 0 : i32
          %dma_start3A_1269 = arith.constant 0 : i32
          %dma_start3A_1270 = tpu.memref_slice %arg3[%scan3A_283, %dma_start3A_1268, %dma_start3A_1269] : memref<2x2560x128xi32, #tpu.memory_space<hbm>> -> memref<1x2560x128xi32, #tpu.memory_space<hbm>>
          %dma_start3A_1271 = tpu.memref_squeeze %dma_start3A_1270 : memref<1x2560x128xi32, #tpu.memory_space<hbm>> -> memref<2560x128xi32, #tpu.memory_space<hbm>>
          %dma_start3A_1272 = arith.constant 0 : i32
          %dma_start3A_1273 = tpu.memref_slice %dma_start3A_1271[%add3A_1115, %dma_start3A_1272] : memref<2560x128xi32, #tpu.memory_space<hbm>> -> memref<5x128xi32, #tpu.memory_space<hbm>>
          tpu.enqueue_dma source(%dma_start3A_1273 : memref<5x128xi32, #tpu.memory_space<hbm>>) target(%dma_start3A_1267 : memref<5x128xi32, #tpu.memory_space<vmem>>) target_semaphore(%run_scoped3A_1253 : memref<!tpu.dma_semaphore, #tpu.memory_space<semaphore_mem>>)
          %dma_wait3A_1274 = arith.constant 0 : i32
          %dma_wait3A_1275 = arith.constant 0 : i32
          %dma_wait3A_1276 = tpu.memref_slice %arg7[%run_scoped3A_1117, %dma_wait3A_1274, %dma_wait3A_1275] : memref<2x5x128xi32, #tpu.memory_space<vmem>> -> memref<1x5x128xi32, #tpu.memory_space<vmem>>
          %dma_wait3A_1277 = tpu.memref_squeeze %dma_wait3A_1276 : memref<1x5x128xi32, #tpu.memory_space<vmem>> -> memref<5x128xi32, #tpu.memory_space<vmem>>
          %dma_wait3A_1278 = arith.constant 0 : i32
          %dma_wait3A_1279 = arith.constant 0 : i32
          %dma_wait3A_1280 = tpu.memref_slice %arg3[%scan3A_283, %dma_wait3A_1278, %dma_wait3A_1279] : memref<2x2560x128xi32, #tpu.memory_space<hbm>> -> memref<1x2560x128xi32, #tpu.memory_space<hbm>>
          %dma_wait3A_1281 = tpu.memref_squeeze %dma_wait3A_1280 : memref<1x2560x128xi32, #tpu.memory_space<hbm>> -> memref<2560x128xi32, #tpu.memory_space<hbm>>
          %dma_wait3A_1282 = arith.constant 0 : i32
          %dma_wait3A_1283 = tpu.memref_slice %dma_wait3A_1281[%add3A_1115, %dma_wait3A_1282] : memref<2560x128xi32, #tpu.memory_space<hbm>> -> memref<5x128xi32, #tpu.memory_space<hbm>>
          %dma_wait3A_1284 = arith.constant 0 : i32
          %dma_wait3A_1285 = arith.constant 0 : i32
          %dma_wait3A_1286 = tpu.memref_slice %arg7[%run_scoped3A_1117, %dma_wait3A_1284, %dma_wait3A_1285] : memref<2x5x128xi32, #tpu.memory_space<vmem>> -> memref<1x5x128xi32, #tpu.memory_space<vmem>>
          %dma_wait3A_1287 = tpu.memref_squeeze %dma_wait3A_1286 : memref<1x5x128xi32, #tpu.memory_space<vmem>> -> memref<5x128xi32, #tpu.memory_space<vmem>>
          %dma_wait3A_1288 = arith.constant 0 : i32
          %dma_wait3A_1289 = arith.constant 0 : i32
          %dma_wait3A_1290 = tpu.memref_slice %arg3[%scan3A_283, %dma_wait3A_1288, %dma_wait3A_1289] : memref<2x2560x128xi32, #tpu.memory_space<hbm>> -> memref<1x2560x128xi32, #tpu.memory_space<hbm>>
          %dma_wait3A_1291 = tpu.memref_squeeze %dma_wait3A_1290 : memref<1x2560x128xi32, #tpu.memory_space<hbm>> -> memref<2560x128xi32, #tpu.memory_space<hbm>>
          %dma_wait3A_1292 = arith.constant 0 : i32
          %dma_wait3A_1293 = tpu.memref_slice %dma_wait3A_1291[%add3A_1115, %dma_wait3A_1292] : memref<2560x128xi32, #tpu.memory_space<hbm>> -> memref<5x128xi32, #tpu.memory_space<hbm>>
          tpu.wait_dma2 semaphore(%run_scoped3A_1253 : memref<!tpu.dma_semaphore, #tpu.memory_space<semaphore_mem>>) src(%dma_wait3A_1293 : memref<5x128xi32, #tpu.memory_space<hbm>>) dst(%dma_wait3A_1287 : memref<5x128xi32, #tpu.memory_space<vmem>>)
          tpu.yield
        }) : () -> ()
        %dma_start3A_1118 = arith.constant 0 : i32
        %dma_start3A_1119 = arith.constant 0 : i32
        %dma_start3A_1120 = arith.constant 0 : i32
        %dma_start3A_1121 = arith.constant 0 : i32
        %dma_start3A_1122 = arith.constant 0 : i32
        %dma_start3A_1123 = arith.constant 0 : i32
        %dma_start3A_1124 = arith.constant 0 : i32
        %dma_start3A_1125 = tpu.memref_slice %arg8[%dma_start3A_1120, %dma_start3A_1122, %dma_start3A_1123, %dma_start3A_1124] : memref<2x5x128x64xf32, #tpu.memory_space<vmem>> -> memref<1x5x128x64xf32, #tpu.memory_space<vmem>>
        %dma_start3A_1126 = tpu.memref_squeeze %dma_start3A_1125 : memref<1x5x128x64xf32, #tpu.memory_space<vmem>> -> memref<5x128x64xf32, #tpu.memory_space<vmem>>
        %dma_start3A_1127 = arith.constant 0 : i32
        %dma_start3A_1128 = arith.constant 0 : i32
        %dma_start3A_1129 = tpu.memref_slice %dma_start3A_1126[%dma_start3A_1121, %dma_start3A_1127, %dma_start3A_1128] : memref<5x128x64xf32, #tpu.memory_space<vmem>> -> memref<1x128x64xf32, #tpu.memory_space<vmem>>
        %dma_start3A_1130 = tpu.memref_squeeze %dma_start3A_1129 : memref<1x128x64xf32, #tpu.memory_space<vmem>> -> memref<128x64xf32, #tpu.memory_space<vmem>>
        %dma_start3A_1131 = arith.constant 0 : i32
        %dma_start3A_1132 = arith.constant 0 : i32
        %dma_start3A_1133 = tpu.memref_slice %arg6[%dma_start3A_1118, %dma_start3A_1131, %dma_start3A_1132] : memref<2x5x128xi32, #tpu.memory_space<vmem>> -> memref<1x5x128xi32, #tpu.memory_space<vmem>>
        %dma_start3A_1134 = tpu.memref_squeeze %dma_start3A_1133 : memref<1x5x128xi32, #tpu.memory_space<vmem>> -> memref<5x128xi32, #tpu.memory_space<vmem>>
        %dma_start3A_1135 = arith.constant 0 : i32
        %dma_start3A_1136 = tpu.memref_slice %dma_start3A_1134[%dma_start3A_1119, %dma_start3A_1135] : memref<5x128xi32, #tpu.memory_space<vmem>> -> memref<1x128xi32, #tpu.memory_space<vmem>>
        %dma_start3A_1137 = tpu.memref_squeeze %dma_start3A_1136 : memref<1x128xi32, #tpu.memory_space<vmem>> -> memref<128xi32, #tpu.memory_space<vmem>>
        %dma_start3A_1138 = arith.constant 0 : i32
        %dma_start3A_1139 = arith.constant 0 : i32
        %dma_start3A_1140 = tpu.memref_slice %arg2[%arg0, %dma_start3A_1138, %dma_start3A_1139] : memref<2x10000x64xf32, #tpu.memory_space<hbm>> -> memref<1x10000x64xf32, #tpu.memory_space<hbm>>
        %dma_start3A_1141 = tpu.memref_squeeze %dma_start3A_1140 : memref<1x10000x64xf32, #tpu.memory_space<hbm>> -> memref<10000x64xf32, #tpu.memory_space<hbm>>
        %dma_start3A_1142 = arith.constant 0 : i32
        %dma_start3A_1143 = arith.constant 0 : i32
        %dma_start3A_1144 = tpu.memref_slice %dma_start3A_1141[%dma_start3A_1142, %dma_start3A_1143] : memref<10000x64xf32, #tpu.memory_space<hbm>> -> memref<10000x64xf32, #tpu.memory_space<hbm>>
        tpu.enqueue_indirect_dma source(%dma_start3A_1144 : memref<10000x64xf32, #tpu.memory_space<hbm>>) target(%dma_start3A_1130 : memref<128x64xf32, #tpu.memory_space<vmem>>) offsets(%dma_start3A_1137 : memref<128xi32, #tpu.memory_space<vmem>>) semaphore(%arg10 : memref<!tpu.dma_semaphore, #tpu.memory_space<semaphore_mem>>)
        %dma_start3A_1145 = arith.constant 0 : i32
        %dma_start3A_1146 = arith.constant 1 : i32
        %dma_start3A_1147 = arith.constant 0 : i32
        %dma_start3A_1148 = arith.constant 1 : i32
        %dma_start3A_1149 = arith.constant 0 : i32
        %dma_start3A_1150 = arith.constant 0 : i32
        %dma_start3A_1151 = arith.constant 0 : i32
        %dma_start3A_1152 = tpu.memref_slice %arg8[%dma_start3A_1147, %dma_start3A_1149, %dma_start3A_1150, %dma_start3A_1151] : memref<2x5x128x64xf32, #tpu.memory_space<vmem>> -> memref<1x5x128x64xf32, #tpu.memory_space<vmem>>
        %dma_start3A_1153 = tpu.memref_squeeze %dma_start3A_1152 : memref<1x5x128x64xf32, #tpu.memory_space<vmem>> -> memref<5x128x64xf32, #tpu.memory_space<vmem>>
        %dma_start3A_1154 = arith.constant 0 : i32
        %dma_start3A_1155 = arith.constant 0 : i32
        %dma_start3A_1156 = tpu.memref_slice %dma_start3A_1153[%dma_start3A_1148, %dma_start3A_1154, %dma_start3A_1155] : memref<5x128x64xf32, #tpu.memory_space<vmem>> -> memref<1x128x64xf32, #tpu.memory_space<vmem>>
        %dma_start3A_1157 = tpu.memref_squeeze %dma_start3A_1156 : memref<1x128x64xf32, #tpu.memory_space<vmem>> -> memref<128x64xf32, #tpu.memory_space<vmem>>
        %dma_start3A_1158 = arith.constant 0 : i32
        %dma_start3A_1159 = arith.constant 0 : i32
        %dma_start3A_1160 = tpu.memref_slice %arg6[%dma_start3A_1145, %dma_start3A_1158, %dma_start3A_1159] : memref<2x5x128xi32, #tpu.memory_space<vmem>> -> memref<1x5x128xi32, #tpu.memory_space<vmem>>
        %dma_start3A_1161 = tpu.memref_squeeze %dma_start3A_1160 : memref<1x5x128xi32, #tpu.memory_space<vmem>> -> memref<5x128xi32, #tpu.memory_space<vmem>>
        %dma_start3A_1162 = arith.constant 0 : i32
        %dma_start3A_1163 = tpu.memref_slice %dma_start3A_1161[%dma_start3A_1146, %dma_start3A_1162] : memref<5x128xi32, #tpu.memory_space<vmem>> -> memref<1x128xi32, #tpu.memory_space<vmem>>
        %dma_start3A_1164 = tpu.memref_squeeze %dma_start3A_1163 : memref<1x128xi32, #tpu.memory_space<vmem>> -> memref<128xi32, #tpu.memory_space<vmem>>
        %dma_start3A_1165 = arith.constant 0 : i32
        %dma_start3A_1166 = arith.constant 0 : i32
        %dma_start3A_1167 = tpu.memref_slice %arg2[%arg0, %dma_start3A_1165, %dma_start3A_1166] : memref<2x10000x64xf32, #tpu.memory_space<hbm>> -> memref<1x10000x64xf32, #tpu.memory_space<hbm>>
        %dma_start3A_1168 = tpu.memref_squeeze %dma_start3A_1167 : memref<1x10000x64xf32, #tpu.memory_space<hbm>> -> memref<10000x64xf32, #tpu.memory_space<hbm>>
        %dma_start3A_1169 = arith.constant 0 : i32
        %dma_start3A_1170 = arith.constant 0 : i32
        %dma_start3A_1171 = tpu.memref_slice %dma_start3A_1168[%dma_start3A_1169, %dma_start3A_1170] : memref<10000x64xf32, #tpu.memory_space<hbm>> -> memref<10000x64xf32, #tpu.memory_space<hbm>>
        tpu.enqueue_indirect_dma source(%dma_start3A_1171 : memref<10000x64xf32, #tpu.memory_space<hbm>>) target(%dma_start3A_1157 : memref<128x64xf32, #tpu.memory_space<vmem>>) offsets(%dma_start3A_1164 : memref<128xi32, #tpu.memory_space<vmem>>) semaphore(%arg10 : memref<!tpu.dma_semaphore, #tpu.memory_space<semaphore_mem>>)
        %dma_start3A_1172 = arith.constant 0 : i32
        %dma_start3A_1173 = arith.constant 2 : i32
        %dma_start3A_1174 = arith.constant 0 : i32
        %dma_start3A_1175 = arith.constant 2 : i32
        %dma_start3A_1176 = arith.constant 0 : i32
        %dma_start3A_1177 = arith.constant 0 : i32
        %dma_start3A_1178 = arith.constant 0 : i32
        %dma_start3A_1179 = tpu.memref_slice %arg8[%dma_start3A_1174, %dma_start3A_1176, %dma_start3A_1177, %dma_start3A_1178] : memref<2x5x128x64xf32, #tpu.memory_space<vmem>> -> memref<1x5x128x64xf32, #tpu.memory_space<vmem>>
        %dma_start3A_1180 = tpu.memref_squeeze %dma_start3A_1179 : memref<1x5x128x64xf32, #tpu.memory_space<vmem>> -> memref<5x128x64xf32, #tpu.memory_space<vmem>>
        %dma_start3A_1181 = arith.constant 0 : i32
        %dma_start3A_1182 = arith.constant 0 : i32
        %dma_start3A_1183 = tpu.memref_slice %dma_start3A_1180[%dma_start3A_1175, %dma_start3A_1181, %dma_start3A_1182] : memref<5x128x64xf32, #tpu.memory_space<vmem>> -> memref<1x128x64xf32, #tpu.memory_space<vmem>>
        %dma_start3A_1184 = tpu.memref_squeeze %dma_start3A_1183 : memref<1x128x64xf32, #tpu.memory_space<vmem>> -> memref<128x64xf32, #tpu.memory_space<vmem>>
        %dma_start3A_1185 = arith.constant 0 : i32
        %dma_start3A_1186 = arith.constant 0 : i32
        %dma_start3A_1187 = tpu.memref_slice %arg6[%dma_start3A_1172, %dma_start3A_1185, %dma_start3A_1186] : memref<2x5x128xi32, #tpu.memory_space<vmem>> -> memref<1x5x128xi32, #tpu.memory_space<vmem>>
        %dma_start3A_1188 = tpu.memref_squeeze %dma_start3A_1187 : memref<1x5x128xi32, #tpu.memory_space<vmem>> -> memref<5x128xi32, #tpu.memory_space<vmem>>
        %dma_start3A_1189 = arith.constant 0 : i32
        %dma_start3A_1190 = tpu.memref_slice %dma_start3A_1188[%dma_start3A_1173, %dma_start3A_1189] : memref<5x128xi32, #tpu.memory_space<vmem>> -> memref<1x128xi32, #tpu.memory_space<vmem>>
        %dma_start3A_1191 = tpu.memref_squeeze %dma_start3A_1190 : memref<1x128xi32, #tpu.memory_space<vmem>> -> memref<128xi32, #tpu.memory_space<vmem>>
        %dma_start3A_1192 = arith.constant 0 : i32
        %dma_start3A_1193 = arith.constant 0 : i32
        %dma_start3A_1194 = tpu.memref_slice %arg2[%arg0, %dma_start3A_1192, %dma_start3A_1193] : memref<2x10000x64xf32, #tpu.memory_space<hbm>> -> memref<1x10000x64xf32, #tpu.memory_space<hbm>>
        %dma_start3A_1195 = tpu.memref_squeeze %dma_start3A_1194 : memref<1x10000x64xf32, #tpu.memory_space<hbm>> -> memref<10000x64xf32, #tpu.memory_space<hbm>>
        %dma_start3A_1196 = arith.constant 0 : i32
        %dma_start3A_1197 = arith.constant 0 : i32
        %dma_start3A_1198 = tpu.memref_slice %dma_start3A_1195[%dma_start3A_1196, %dma_start3A_1197] : memref<10000x64xf32, #tpu.memory_space<hbm>> -> memref<10000x64xf32, #tpu.memory_space<hbm>>
        tpu.enqueue_indirect_dma source(%dma_start3A_1198 : memref<10000x64xf32, #tpu.memory_space<hbm>>) target(%dma_start3A_1184 : memref<128x64xf32, #tpu.memory_space<vmem>>) offsets(%dma_start3A_1191 : memref<128xi32, #tpu.memory_space<vmem>>) semaphore(%arg10 : memref<!tpu.dma_semaphore, #tpu.memory_space<semaphore_mem>>)
        %dma_start3A_1199 = arith.constant 0 : i32
        %dma_start3A_1200 = arith.constant 3 : i32
        %dma_start3A_1201 = arith.constant 0 : i32
        %dma_start3A_1202 = arith.constant 3 : i32
        %dma_start3A_1203 = arith.constant 0 : i32
        %dma_start3A_1204 = arith.constant 0 : i32
        %dma_start3A_1205 = arith.constant 0 : i32
        %dma_start3A_1206 = tpu.memref_slice %arg8[%dma_start3A_1201, %dma_start3A_1203, %dma_start3A_1204, %dma_start3A_1205] : memref<2x5x128x64xf32, #tpu.memory_space<vmem>> -> memref<1x5x128x64xf32, #tpu.memory_space<vmem>>
        %dma_start3A_1207 = tpu.memref_squeeze %dma_start3A_1206 : memref<1x5x128x64xf32, #tpu.memory_space<vmem>> -> memref<5x128x64xf32, #tpu.memory_space<vmem>>
        %dma_start3A_1208 = arith.constant 0 : i32
        %dma_start3A_1209 = arith.constant 0 : i32
        %dma_start3A_1210 = tpu.memref_slice %dma_start3A_1207[%dma_start3A_1202, %dma_start3A_1208, %dma_start3A_1209] : memref<5x128x64xf32, #tpu.memory_space<vmem>> -> memref<1x128x64xf32, #tpu.memory_space<vmem>>
        %dma_start3A_1211 = tpu.memref_squeeze %dma_start3A_1210 : memref<1x128x64xf32, #tpu.memory_space<vmem>> -> memref<128x64xf32, #tpu.memory_space<vmem>>
        %dma_start3A_1212 = arith.constant 0 : i32
        %dma_start3A_1213 = arith.constant 0 : i32
        %dma_start3A_1214 = tpu.memref_slice %arg6[%dma_start3A_1199, %dma_start3A_1212, %dma_start3A_1213] : memref<2x5x128xi32, #tpu.memory_space<vmem>> -> memref<1x5x128xi32, #tpu.memory_space<vmem>>
        %dma_start3A_1215 = tpu.memref_squeeze %dma_start3A_1214 : memref<1x5x128xi32, #tpu.memory_space<vmem>> -> memref<5x128xi32, #tpu.memory_space<vmem>>
        %dma_start3A_1216 = arith.constant 0 : i32
        %dma_start3A_1217 = tpu.memref_slice %dma_start3A_1215[%dma_start3A_1200, %dma_start3A_1216] : memref<5x128xi32, #tpu.memory_space<vmem>> -> memref<1x128xi32, #tpu.memory_space<vmem>>
        %dma_start3A_1218 = tpu.memref_squeeze %dma_start3A_1217 : memref<1x128xi32, #tpu.memory_space<vmem>> -> memref<128xi32, #tpu.memory_space<vmem>>
        %dma_start3A_1219 = arith.constant 0 : i32
        %dma_start3A_1220 = arith.constant 0 : i32
        %dma_start3A_1221 = tpu.memref_slice %arg2[%arg0, %dma_start3A_1219, %dma_start3A_1220] : memref<2x10000x64xf32, #tpu.memory_space<hbm>> -> memref<1x10000x64xf32, #tpu.memory_space<hbm>>
        %dma_start3A_1222 = tpu.memref_squeeze %dma_start3A_1221 : memref<1x10000x64xf32, #tpu.memory_space<hbm>> -> memref<10000x64xf32, #tpu.memory_space<hbm>>
        %dma_start3A_1223 = arith.constant 0 : i32
        %dma_start3A_1224 = arith.constant 0 : i32
        %dma_start3A_1225 = tpu.memref_slice %dma_start3A_1222[%dma_start3A_1223, %dma_start3A_1224] : memref<10000x64xf32, #tpu.memory_space<hbm>> -> memref<10000x64xf32, #tpu.memory_space<hbm>>
        tpu.enqueue_indirect_dma source(%dma_start3A_1225 : memref<10000x64xf32, #tpu.memory_space<hbm>>) target(%dma_start3A_1211 : memref<128x64xf32, #tpu.memory_space<vmem>>) offsets(%dma_start3A_1218 : memref<128xi32, #tpu.memory_space<vmem>>) semaphore(%arg10 : memref<!tpu.dma_semaphore, #tpu.memory_space<semaphore_mem>>)
        %dma_start3A_1226 = arith.constant 0 : i32
        %dma_start3A_1227 = arith.constant 4 : i32
        %dma_start3A_1228 = arith.constant 0 : i32
        %dma_start3A_1229 = arith.constant 4 : i32
        %dma_start3A_1230 = arith.constant 0 : i32
        %dma_start3A_1231 = arith.constant 0 : i32
        %dma_start3A_1232 = arith.constant 0 : i32
        %dma_start3A_1233 = tpu.memref_slice %arg8[%dma_start3A_1228, %dma_start3A_1230, %dma_start3A_1231, %dma_start3A_1232] : memref<2x5x128x64xf32, #tpu.memory_space<vmem>> -> memref<1x5x128x64xf32, #tpu.memory_space<vmem>>
        %dma_start3A_1234 = tpu.memref_squeeze %dma_start3A_1233 : memref<1x5x128x64xf32, #tpu.memory_space<vmem>> -> memref<5x128x64xf32, #tpu.memory_space<vmem>>
        %dma_start3A_1235 = arith.constant 0 : i32
        %dma_start3A_1236 = arith.constant 0 : i32
        %dma_start3A_1237 = tpu.memref_slice %dma_start3A_1234[%dma_start3A_1229, %dma_start3A_1235, %dma_start3A_1236] : memref<5x128x64xf32, #tpu.memory_space<vmem>> -> memref<1x128x64xf32, #tpu.memory_space<vmem>>
        %dma_start3A_1238 = tpu.memref_squeeze %dma_start3A_1237 : memref<1x128x64xf32, #tpu.memory_space<vmem>> -> memref<128x64xf32, #tpu.memory_space<vmem>>
        %dma_start3A_1239 = arith.constant 0 : i32
        %dma_start3A_1240 = arith.constant 0 : i32
        %dma_start3A_1241 = tpu.memref_slice %arg6[%dma_start3A_1226, %dma_start3A_1239, %dma_start3A_1240] : memref<2x5x128xi32, #tpu.memory_space<vmem>> -> memref<1x5x128xi32, #tpu.memory_space<vmem>>
        %dma_start3A_1242 = tpu.memref_squeeze %dma_start3A_1241 : memref<1x5x128xi32, #tpu.memory_space<vmem>> -> memref<5x128xi32, #tpu.memory_space<vmem>>
        %dma_start3A_1243 = arith.constant 0 : i32
        %dma_start3A_1244 = tpu.memref_slice %dma_start3A_1242[%dma_start3A_1227, %dma_start3A_1243] : memref<5x128xi32, #tpu.memory_space<vmem>> -> memref<1x128xi32, #tpu.memory_space<vmem>>
        %dma_start3A_1245 = tpu.memref_squeeze %dma_start3A_1244 : memref<1x128xi32, #tpu.memory_space<vmem>> -> memref<128xi32, #tpu.memory_space<vmem>>
        %dma_start3A_1246 = arith.constant 0 : i32
        %dma_start3A_1247 = arith.constant 0 : i32
        %dma_start3A_1248 = tpu.memref_slice %arg2[%arg0, %dma_start3A_1246, %dma_start3A_1247] : memref<2x10000x64xf32, #tpu.memory_space<hbm>> -> memref<1x10000x64xf32, #tpu.memory_space<hbm>>
        %dma_start3A_1249 = tpu.memref_squeeze %dma_start3A_1248 : memref<1x10000x64xf32, #tpu.memory_space<hbm>> -> memref<10000x64xf32, #tpu.memory_space<hbm>>
        %dma_start3A_1250 = arith.constant 0 : i32
        %dma_start3A_1251 = arith.constant 0 : i32
        %dma_start3A_1252 = tpu.memref_slice %dma_start3A_1249[%dma_start3A_1250, %dma_start3A_1251] : memref<10000x64xf32, #tpu.memory_space<hbm>> -> memref<10000x64xf32, #tpu.memory_space<hbm>>
        tpu.enqueue_indirect_dma source(%dma_start3A_1252 : memref<10000x64xf32, #tpu.memory_space<hbm>>) target(%dma_start3A_1238 : memref<128x64xf32, #tpu.memory_space<vmem>>) offsets(%dma_start3A_1245 : memref<128xi32, #tpu.memory_space<vmem>>) semaphore(%arg10 : memref<!tpu.dma_semaphore, #tpu.memory_space<semaphore_mem>>)
      } else {
      }
      %mul3A_700 = arith.constant 2 : i32
      %mul3A_701 = arith.muli %mul3A_700, %scan3A_292 : i32
      %add3A_702 = arith.constant 1 : i32
      %add3A_703 = arith.addi %mul3A_701, %add3A_702 : i32
      %dma_wait3A_704 = arith.constant 1 : i32
      %dma_wait3A_705 = arith.constant 0 : i32
      %dma_wait3A_706 = arith.constant 0 : i32
      %dma_wait3A_707 = arith.constant 0 : i32
      %dma_wait3A_708 = arith.constant 0 : i32
      %dma_wait3A_709 = tpu.memref_slice %arg8[%dma_wait3A_704, %dma_wait3A_706, %dma_wait3A_707, %dma_wait3A_708] : memref<2x5x128x64xf32, #tpu.memory_space<vmem>> -> memref<1x5x128x64xf32, #tpu.memory_space<vmem>>
      %dma_wait3A_710 = tpu.memref_squeeze %dma_wait3A_709 : memref<1x5x128x64xf32, #tpu.memory_space<vmem>> -> memref<5x128x64xf32, #tpu.memory_space<vmem>>
      %dma_wait3A_711 = arith.constant 0 : i32
      %dma_wait3A_712 = arith.constant 0 : i32
      %dma_wait3A_713 = tpu.memref_slice %dma_wait3A_710[%dma_wait3A_705, %dma_wait3A_711, %dma_wait3A_712] : memref<5x128x64xf32, #tpu.memory_space<vmem>> -> memref<1x128x64xf32, #tpu.memory_space<vmem>>
      %dma_wait3A_714 = tpu.memref_squeeze %dma_wait3A_713 : memref<1x128x64xf32, #tpu.memory_space<vmem>> -> memref<128x64xf32, #tpu.memory_space<vmem>>
      %dma_wait3A_715 = arith.constant 0 : i32
      %dma_wait3A_716 = arith.constant 0 : i32
      %dma_wait3A_717 = tpu.memref_slice %arg2[%arg0, %dma_wait3A_715, %dma_wait3A_716] : memref<2x10000x64xf32, #tpu.memory_space<hbm>> -> memref<1x10000x64xf32, #tpu.memory_space<hbm>>
      %dma_wait3A_718 = tpu.memref_squeeze %dma_wait3A_717 : memref<1x10000x64xf32, #tpu.memory_space<hbm>> -> memref<10000x64xf32, #tpu.memory_space<hbm>>
      %dma_wait3A_719 = arith.constant 0 : i32
      %dma_wait3A_720 = arith.constant 0 : i32
      %dma_wait3A_721 = tpu.memref_slice %dma_wait3A_718[%dma_wait3A_719, %dma_wait3A_720] : memref<10000x64xf32, #tpu.memory_space<hbm>> -> memref<128x64xf32, #tpu.memory_space<hbm>>
      %dma_wait3A_722 = arith.constant 0 : i32
      %dma_wait3A_723 = arith.constant 0 : i32
      %dma_wait3A_724 = arith.constant 0 : i32
      %dma_wait3A_725 = tpu.memref_slice %arg8[%dma_wait3A_704, %dma_wait3A_722, %dma_wait3A_723, %dma_wait3A_724] : memref<2x5x128x64xf32, #tpu.memory_space<vmem>> -> memref<1x5x128x64xf32, #tpu.memory_space<vmem>>
      %dma_wait3A_726 = tpu.memref_squeeze %dma_wait3A_725 : memref<1x5x128x64xf32, #tpu.memory_space<vmem>> -> memref<5x128x64xf32, #tpu.memory_space<vmem>>
      %dma_wait3A_727 = arith.constant 0 : i32
      %dma_wait3A_728 = arith.constant 0 : i32
      %dma_wait3A_729 = tpu.memref_slice %dma_wait3A_726[%dma_wait3A_705, %dma_wait3A_727, %dma_wait3A_728] : memref<5x128x64xf32, #tpu.memory_space<vmem>> -> memref<1x128x64xf32, #tpu.memory_space<vmem>>
      %dma_wait3A_730 = tpu.memref_squeeze %dma_wait3A_729 : memref<1x128x64xf32, #tpu.memory_space<vmem>> -> memref<128x64xf32, #tpu.memory_space<vmem>>
      %dma_wait3A_731 = arith.constant 0 : i32
      %dma_wait3A_732 = arith.constant 0 : i32
      %dma_wait3A_733 = tpu.memref_slice %arg2[%arg0, %dma_wait3A_731, %dma_wait3A_732] : memref<2x10000x64xf32, #tpu.memory_space<hbm>> -> memref<1x10000x64xf32, #tpu.memory_space<hbm>>
      %dma_wait3A_734 = tpu.memref_squeeze %dma_wait3A_733 : memref<1x10000x64xf32, #tpu.memory_space<hbm>> -> memref<10000x64xf32, #tpu.memory_space<hbm>>
      %dma_wait3A_735 = arith.constant 0 : i32
      %dma_wait3A_736 = arith.constant 0 : i32
      %dma_wait3A_737 = tpu.memref_slice %dma_wait3A_734[%dma_wait3A_735, %dma_wait3A_736] : memref<10000x64xf32, #tpu.memory_space<hbm>> -> memref<128x64xf32, #tpu.memory_space<hbm>>
      tpu.wait_dma2 semaphore(%arg11 : memref<!tpu.dma_semaphore, #tpu.memory_space<semaphore_mem>>) src(%dma_wait3A_737 : memref<128x64xf32, #tpu.memory_space<hbm>>) dst(%dma_wait3A_730 : memref<128x64xf32, #tpu.memory_space<vmem>>)
      %dma_wait3A_738 = arith.constant 1 : i32
      %dma_wait3A_739 = arith.constant 1 : i32
      %dma_wait3A_740 = arith.constant 0 : i32
      %dma_wait3A_741 = arith.constant 0 : i32
      %dma_wait3A_742 = arith.constant 0 : i32
      %dma_wait3A_743 = tpu.memref_slice %arg8[%dma_wait3A_738, %dma_wait3A_740, %dma_wait3A_741, %dma_wait3A_742] : memref<2x5x128x64xf32, #tpu.memory_space<vmem>> -> memref<1x5x128x64xf32, #tpu.memory_space<vmem>>
      %dma_wait3A_744 = tpu.memref_squeeze %dma_wait3A_743 : memref<1x5x128x64xf32, #tpu.memory_space<vmem>> -> memref<5x128x64xf32, #tpu.memory_space<vmem>>
      %dma_wait3A_745 = arith.constant 0 : i32
      %dma_wait3A_746 = arith.constant 0 : i32
      %dma_wait3A_747 = tpu.memref_slice %dma_wait3A_744[%dma_wait3A_739, %dma_wait3A_745, %dma_wait3A_746] : memref<5x128x64xf32, #tpu.memory_space<vmem>> -> memref<1x128x64xf32, #tpu.memory_space<vmem>>
      %dma_wait3A_748 = tpu.memref_squeeze %dma_wait3A_747 : memref<1x128x64xf32, #tpu.memory_space<vmem>> -> memref<128x64xf32, #tpu.memory_space<vmem>>
      %dma_wait3A_749 = arith.constant 0 : i32
      %dma_wait3A_750 = arith.constant 0 : i32
      %dma_wait3A_751 = tpu.memref_slice %arg2[%arg0, %dma_wait3A_749, %dma_wait3A_750] : memref<2x10000x64xf32, #tpu.memory_space<hbm>> -> memref<1x10000x64xf32, #tpu.memory_space<hbm>>
      %dma_wait3A_752 = tpu.memref_squeeze %dma_wait3A_751 : memref<1x10000x64xf32, #tpu.memory_space<hbm>> -> memref<10000x64xf32, #tpu.memory_space<hbm>>
      %dma_wait3A_753 = arith.constant 0 : i32
      %dma_wait3A_754 = arith.constant 0 : i32
      %dma_wait3A_755 = tpu.memref_slice %dma_wait3A_752[%dma_wait3A_753, %dma_wait3A_754] : memref<10000x64xf32, #tpu.memory_space<hbm>> -> memref<128x64xf32, #tpu.memory_space<hbm>>
      %dma_wait3A_756 = arith.constant 0 : i32
      %dma_wait3A_757 = arith.constant 0 : i32
      %dma_wait3A_758 = arith.constant 0 : i32
      %dma_wait3A_759 = tpu.memref_slice %arg8[%dma_wait3A_738, %dma_wait3A_756, %dma_wait3A_757, %dma_wait3A_758] : memref<2x5x128x64xf32, #tpu.memory_space<vmem>> -> memref<1x5x128x64xf32, #tpu.memory_space<vmem>>
      %dma_wait3A_760 = tpu.memref_squeeze %dma_wait3A_759 : memref<1x5x128x64xf32, #tpu.memory_space<vmem>> -> memref<5x128x64xf32, #tpu.memory_space<vmem>>
      %dma_wait3A_761 = arith.constant 0 : i32
      %dma_wait3A_762 = arith.constant 0 : i32
      %dma_wait3A_763 = tpu.memref_slice %dma_wait3A_760[%dma_wait3A_739, %dma_wait3A_761, %dma_wait3A_762] : memref<5x128x64xf32, #tpu.memory_space<vmem>> -> memref<1x128x64xf32, #tpu.memory_space<vmem>>
      %dma_wait3A_764 = tpu.memref_squeeze %dma_wait3A_763 : memref<1x128x64xf32, #tpu.memory_space<vmem>> -> memref<128x64xf32, #tpu.memory_space<vmem>>
      %dma_wait3A_765 = arith.constant 0 : i32
      %dma_wait3A_766 = arith.constant 0 : i32
      %dma_wait3A_767 = tpu.memref_slice %arg2[%arg0, %dma_wait3A_765, %dma_wait3A_766] : memref<2x10000x64xf32, #tpu.memory_space<hbm>> -> memref<1x10000x64xf32, #tpu.memory_space<hbm>>
      %dma_wait3A_768 = tpu.memref_squeeze %dma_wait3A_767 : memref<1x10000x64xf32, #tpu.memory_space<hbm>> -> memref<10000x64xf32, #tpu.memory_space<hbm>>
      %dma_wait3A_769 = arith.constant 0 : i32
      %dma_wait3A_770 = arith.constant 0 : i32
      %dma_wait3A_771 = tpu.memref_slice %dma_wait3A_768[%dma_wait3A_769, %dma_wait3A_770] : memref<10000x64xf32, #tpu.memory_space<hbm>> -> memref<128x64xf32, #tpu.memory_space<hbm>>
      tpu.wait_dma2 semaphore(%arg11 : memref<!tpu.dma_semaphore, #tpu.memory_space<semaphore_mem>>) src(%dma_wait3A_771 : memref<128x64xf32, #tpu.memory_space<hbm>>) dst(%dma_wait3A_764 : memref<128x64xf32, #tpu.memory_space<vmem>>)
      %dma_wait3A_772 = arith.constant 1 : i32
      %dma_wait3A_773 = arith.constant 2 : i32
      %dma_wait3A_774 = arith.constant 0 : i32
      %dma_wait3A_775 = arith.constant 0 : i32
      %dma_wait3A_776 = arith.constant 0 : i32
      %dma_wait3A_777 = tpu.memref_slice %arg8[%dma_wait3A_772, %dma_wait3A_774, %dma_wait3A_775, %dma_wait3A_776] : memref<2x5x128x64xf32, #tpu.memory_space<vmem>> -> memref<1x5x128x64xf32, #tpu.memory_space<vmem>>
      %dma_wait3A_778 = tpu.memref_squeeze %dma_wait3A_777 : memref<1x5x128x64xf32, #tpu.memory_space<vmem>> -> memref<5x128x64xf32, #tpu.memory_space<vmem>>
      %dma_wait3A_779 = arith.constant 0 : i32
      %dma_wait3A_780 = arith.constant 0 : i32
      %dma_wait3A_781 = tpu.memref_slice %dma_wait3A_778[%dma_wait3A_773, %dma_wait3A_779, %dma_wait3A_780] : memref<5x128x64xf32, #tpu.memory_space<vmem>> -> memref<1x128x64xf32, #tpu.memory_space<vmem>>
      %dma_wait3A_782 = tpu.memref_squeeze %dma_wait3A_781 : memref<1x128x64xf32, #tpu.memory_space<vmem>> -> memref<128x64xf32, #tpu.memory_space<vmem>>
      %dma_wait3A_783 = arith.constant 0 : i32
      %dma_wait3A_784 = arith.constant 0 : i32
      %dma_wait3A_785 = tpu.memref_slice %arg2[%arg0, %dma_wait3A_783, %dma_wait3A_784] : memref<2x10000x64xf32, #tpu.memory_space<hbm>> -> memref<1x10000x64xf32, #tpu.memory_space<hbm>>
      %dma_wait3A_786 = tpu.memref_squeeze %dma_wait3A_785 : memref<1x10000x64xf32, #tpu.memory_space<hbm>> -> memref<10000x64xf32, #tpu.memory_space<hbm>>
      %dma_wait3A_787 = arith.constant 0 : i32
      %dma_wait3A_788 = arith.constant 0 : i32
      %dma_wait3A_789 = tpu.memref_slice %dma_wait3A_786[%dma_wait3A_787, %dma_wait3A_788] : memref<10000x64xf32, #tpu.memory_space<hbm>> -> memref<128x64xf32, #tpu.memory_space<hbm>>
      %dma_wait3A_790 = arith.constant 0 : i32
      %dma_wait3A_791 = arith.constant 0 : i32
      %dma_wait3A_792 = arith.constant 0 : i32
      %dma_wait3A_793 = tpu.memref_slice %arg8[%dma_wait3A_772, %dma_wait3A_790, %dma_wait3A_791, %dma_wait3A_792] : memref<2x5x128x64xf32, #tpu.memory_space<vmem>> -> memref<1x5x128x64xf32, #tpu.memory_space<vmem>>
      %dma_wait3A_794 = tpu.memref_squeeze %dma_wait3A_793 : memref<1x5x128x64xf32, #tpu.memory_space<vmem>> -> memref<5x128x64xf32, #tpu.memory_space<vmem>>
      %dma_wait3A_795 = arith.constant 0 : i32
      %dma_wait3A_796 = arith.constant 0 : i32
      %dma_wait3A_797 = tpu.memref_slice %dma_wait3A_794[%dma_wait3A_773, %dma_wait3A_795, %dma_wait3A_796] : memref<5x128x64xf32, #tpu.memory_space<vmem>> -> memref<1x128x64xf32, #tpu.memory_space<vmem>>
      %dma_wait3A_798 = tpu.memref_squeeze %dma_wait3A_797 : memref<1x128x64xf32, #tpu.memory_space<vmem>> -> memref<128x64xf32, #tpu.memory_space<vmem>>
      %dma_wait3A_799 = arith.constant 0 : i32
      %dma_wait3A_800 = arith.constant 0 : i32
      %dma_wait3A_801 = tpu.memref_slice %arg2[%arg0, %dma_wait3A_799, %dma_wait3A_800] : memref<2x10000x64xf32, #tpu.memory_space<hbm>> -> memref<1x10000x64xf32, #tpu.memory_space<hbm>>
      %dma_wait3A_802 = tpu.memref_squeeze %dma_wait3A_801 : memref<1x10000x64xf32, #tpu.memory_space<hbm>> -> memref<10000x64xf32, #tpu.memory_space<hbm>>
      %dma_wait3A_803 = arith.constant 0 : i32
      %dma_wait3A_804 = arith.constant 0 : i32
      %dma_wait3A_805 = tpu.memref_slice %dma_wait3A_802[%dma_wait3A_803, %dma_wait3A_804] : memref<10000x64xf32, #tpu.memory_space<hbm>> -> memref<128x64xf32, #tpu.memory_space<hbm>>
      tpu.wait_dma2 semaphore(%arg11 : memref<!tpu.dma_semaphore, #tpu.memory_space<semaphore_mem>>) src(%dma_wait3A_805 : memref<128x64xf32, #tpu.memory_space<hbm>>) dst(%dma_wait3A_798 : memref<128x64xf32, #tpu.memory_space<vmem>>)
      %dma_wait3A_806 = arith.constant 1 : i32
      %dma_wait3A_807 = arith.constant 3 : i32
      %dma_wait3A_808 = arith.constant 0 : i32
      %dma_wait3A_809 = arith.constant 0 : i32
      %dma_wait3A_810 = arith.constant 0 : i32
      %dma_wait3A_811 = tpu.memref_slice %arg8[%dma_wait3A_806, %dma_wait3A_808, %dma_wait3A_809, %dma_wait3A_810] : memref<2x5x128x64xf32, #tpu.memory_space<vmem>> -> memref<1x5x128x64xf32, #tpu.memory_space<vmem>>
      %dma_wait3A_812 = tpu.memref_squeeze %dma_wait3A_811 : memref<1x5x128x64xf32, #tpu.memory_space<vmem>> -> memref<5x128x64xf32, #tpu.memory_space<vmem>>
      %dma_wait3A_813 = arith.constant 0 : i32
      %dma_wait3A_814 = arith.constant 0 : i32
      %dma_wait3A_815 = tpu.memref_slice %dma_wait3A_812[%dma_wait3A_807, %dma_wait3A_813, %dma_wait3A_814] : memref<5x128x64xf32, #tpu.memory_space<vmem>> -> memref<1x128x64xf32, #tpu.memory_space<vmem>>
      %dma_wait3A_816 = tpu.memref_squeeze %dma_wait3A_815 : memref<1x128x64xf32, #tpu.memory_space<vmem>> -> memref<128x64xf32, #tpu.memory_space<vmem>>
      %dma_wait3A_817 = arith.constant 0 : i32
      %dma_wait3A_818 = arith.constant 0 : i32
      %dma_wait3A_819 = tpu.memref_slice %arg2[%arg0, %dma_wait3A_817, %dma_wait3A_818] : memref<2x10000x64xf32, #tpu.memory_space<hbm>> -> memref<1x10000x64xf32, #tpu.memory_space<hbm>>
      %dma_wait3A_820 = tpu.memref_squeeze %dma_wait3A_819 : memref<1x10000x64xf32, #tpu.memory_space<hbm>> -> memref<10000x64xf32, #tpu.memory_space<hbm>>
      %dma_wait3A_821 = arith.constant 0 : i32
      %dma_wait3A_822 = arith.constant 0 : i32
      %dma_wait3A_823 = tpu.memref_slice %dma_wait3A_820[%dma_wait3A_821, %dma_wait3A_822] : memref<10000x64xf32, #tpu.memory_space<hbm>> -> memref<128x64xf32, #tpu.memory_space<hbm>>
      %dma_wait3A_824 = arith.constant 0 : i32
      %dma_wait3A_825 = arith.constant 0 : i32
      %dma_wait3A_826 = arith.constant 0 : i32
      %dma_wait3A_827 = tpu.memref_slice %arg8[%dma_wait3A_806, %dma_wait3A_824, %dma_wait3A_825, %dma_wait3A_826] : memref<2x5x128x64xf32, #tpu.memory_space<vmem>> -> memref<1x5x128x64xf32, #tpu.memory_space<vmem>>
      %dma_wait3A_828 = tpu.memref_squeeze %dma_wait3A_827 : memref<1x5x128x64xf32, #tpu.memory_space<vmem>> -> memref<5x128x64xf32, #tpu.memory_space<vmem>>
      %dma_wait3A_829 = arith.constant 0 : i32
      %dma_wait3A_830 = arith.constant 0 : i32
      %dma_wait3A_831 = tpu.memref_slice %dma_wait3A_828[%dma_wait3A_807, %dma_wait3A_829, %dma_wait3A_830] : memref<5x128x64xf32, #tpu.memory_space<vmem>> -> memref<1x128x64xf32, #tpu.memory_space<vmem>>
      %dma_wait3A_832 = tpu.memref_squeeze %dma_wait3A_831 : memref<1x128x64xf32, #tpu.memory_space<vmem>> -> memref<128x64xf32, #tpu.memory_space<vmem>>
      %dma_wait3A_833 = arith.constant 0 : i32
      %dma_wait3A_834 = arith.constant 0 : i32
      %dma_wait3A_835 = tpu.memref_slice %arg2[%arg0, %dma_wait3A_833, %dma_wait3A_834] : memref<2x10000x64xf32, #tpu.memory_space<hbm>> -> memref<1x10000x64xf32, #tpu.memory_space<hbm>>
      %dma_wait3A_836 = tpu.memref_squeeze %dma_wait3A_835 : memref<1x10000x64xf32, #tpu.memory_space<hbm>> -> memref<10000x64xf32, #tpu.memory_space<hbm>>
      %dma_wait3A_837 = arith.constant 0 : i32
      %dma_wait3A_838 = arith.constant 0 : i32
      %dma_wait3A_839 = tpu.memref_slice %dma_wait3A_836[%dma_wait3A_837, %dma_wait3A_838] : memref<10000x64xf32, #tpu.memory_space<hbm>> -> memref<128x64xf32, #tpu.memory_space<hbm>>
      tpu.wait_dma2 semaphore(%arg11 : memref<!tpu.dma_semaphore, #tpu.memory_space<semaphore_mem>>) src(%dma_wait3A_839 : memref<128x64xf32, #tpu.memory_space<hbm>>) dst(%dma_wait3A_832 : memref<128x64xf32, #tpu.memory_space<vmem>>)
      %dma_wait3A_840 = arith.constant 1 : i32
      %dma_wait3A_841 = arith.constant 4 : i32
      %dma_wait3A_842 = arith.constant 0 : i32
      %dma_wait3A_843 = arith.constant 0 : i32
      %dma_wait3A_844 = arith.constant 0 : i32
      %dma_wait3A_845 = tpu.memref_slice %arg8[%dma_wait3A_840, %dma_wait3A_842, %dma_wait3A_843, %dma_wait3A_844] : memref<2x5x128x64xf32, #tpu.memory_space<vmem>> -> memref<1x5x128x64xf32, #tpu.memory_space<vmem>>
      %dma_wait3A_846 = tpu.memref_squeeze %dma_wait3A_845 : memref<1x5x128x64xf32, #tpu.memory_space<vmem>> -> memref<5x128x64xf32, #tpu.memory_space<vmem>>
      %dma_wait3A_847 = arith.constant 0 : i32
      %dma_wait3A_848 = arith.constant 0 : i32
      %dma_wait3A_849 = tpu.memref_slice %dma_wait3A_846[%dma_wait3A_841, %dma_wait3A_847, %dma_wait3A_848] : memref<5x128x64xf32, #tpu.memory_space<vmem>> -> memref<1x128x64xf32, #tpu.memory_space<vmem>>
      %dma_wait3A_850 = tpu.memref_squeeze %dma_wait3A_849 : memref<1x128x64xf32, #tpu.memory_space<vmem>> -> memref<128x64xf32, #tpu.memory_space<vmem>>
      %dma_wait3A_851 = arith.constant 0 : i32
      %dma_wait3A_852 = arith.constant 0 : i32
      %dma_wait3A_853 = tpu.memref_slice %arg2[%arg0, %dma_wait3A_851, %dma_wait3A_852] : memref<2x10000x64xf32, #tpu.memory_space<hbm>> -> memref<1x10000x64xf32, #tpu.memory_space<hbm>>
      %dma_wait3A_854 = tpu.memref_squeeze %dma_wait3A_853 : memref<1x10000x64xf32, #tpu.memory_space<hbm>> -> memref<10000x64xf32, #tpu.memory_space<hbm>>
      %dma_wait3A_855 = arith.constant 0 : i32
      %dma_wait3A_856 = arith.constant 0 : i32
      %dma_wait3A_857 = tpu.memref_slice %dma_wait3A_854[%dma_wait3A_855, %dma_wait3A_856] : memref<10000x64xf32, #tpu.memory_space<hbm>> -> memref<128x64xf32, #tpu.memory_space<hbm>>
      %dma_wait3A_858 = arith.constant 0 : i32
      %dma_wait3A_859 = arith.constant 0 : i32
      %dma_wait3A_860 = arith.constant 0 : i32
      %dma_wait3A_861 = tpu.memref_slice %arg8[%dma_wait3A_840, %dma_wait3A_858, %dma_wait3A_859, %dma_wait3A_860] : memref<2x5x128x64xf32, #tpu.memory_space<vmem>> -> memref<1x5x128x64xf32, #tpu.memory_space<vmem>>
      %dma_wait3A_862 = tpu.memref_squeeze %dma_wait3A_861 : memref<1x5x128x64xf32, #tpu.memory_space<vmem>> -> memref<5x128x64xf32, #tpu.memory_space<vmem>>
      %dma_wait3A_863 = arith.constant 0 : i32
      %dma_wait3A_864 = arith.constant 0 : i32
      %dma_wait3A_865 = tpu.memref_slice %dma_wait3A_862[%dma_wait3A_841, %dma_wait3A_863, %dma_wait3A_864] : memref<5x128x64xf32, #tpu.memory_space<vmem>> -> memref<1x128x64xf32, #tpu.memory_space<vmem>>
      %dma_wait3A_866 = tpu.memref_squeeze %dma_wait3A_865 : memref<1x128x64xf32, #tpu.memory_space<vmem>> -> memref<128x64xf32, #tpu.memory_space<vmem>>
      %dma_wait3A_867 = arith.constant 0 : i32
      %dma_wait3A_868 = arith.constant 0 : i32
      %dma_wait3A_869 = tpu.memref_slice %arg2[%arg0, %dma_wait3A_867, %dma_wait3A_868] : memref<2x10000x64xf32, #tpu.memory_space<hbm>> -> memref<1x10000x64xf32, #tpu.memory_space<hbm>>
      %dma_wait3A_870 = tpu.memref_squeeze %dma_wait3A_869 : memref<1x10000x64xf32, #tpu.memory_space<hbm>> -> memref<10000x64xf32, #tpu.memory_space<hbm>>
      %dma_wait3A_871 = arith.constant 0 : i32
      %dma_wait3A_872 = arith.constant 0 : i32
      %dma_wait3A_873 = tpu.memref_slice %dma_wait3A_870[%dma_wait3A_871, %dma_wait3A_872] : memref<10000x64xf32, #tpu.memory_space<hbm>> -> memref<128x64xf32, #tpu.memory_space<hbm>>
      tpu.wait_dma2 semaphore(%arg11 : memref<!tpu.dma_semaphore, #tpu.memory_space<semaphore_mem>>) src(%dma_wait3A_873 : memref<128x64xf32, #tpu.memory_space<hbm>>) dst(%dma_wait3A_866 : memref<128x64xf32, #tpu.memory_space<vmem>>)
      %dma_start3A_874 = arith.constant 1 : i32
      %dma_start3A_875 = arith.constant 0 : i32
      %dma_start3A_876 = arith.constant 1 : i32
      %dma_start3A_877 = arith.constant 0 : i32
      %dma_start3A_878 = arith.constant 0 : i32
      %dma_start3A_879 = arith.constant 0 : i32
      %dma_start3A_880 = arith.constant 0 : i32
      %dma_start3A_881 = tpu.memref_slice %arg8[%dma_start3A_874, %dma_start3A_878, %dma_start3A_879, %dma_start3A_880] : memref<2x5x128x64xf32, #tpu.memory_space<vmem>> -> memref<1x5x128x64xf32, #tpu.memory_space<vmem>>
      %dma_start3A_882 = tpu.memref_squeeze %dma_start3A_881 : memref<1x5x128x64xf32, #tpu.memory_space<vmem>> -> memref<5x128x64xf32, #tpu.memory_space<vmem>>
      %dma_start3A_883 = arith.constant 0 : i32
      %dma_start3A_884 = arith.constant 0 : i32
      %dma_start3A_885 = tpu.memref_slice %dma_start3A_882[%dma_start3A_875, %dma_start3A_883, %dma_start3A_884] : memref<5x128x64xf32, #tpu.memory_space<vmem>> -> memref<1x128x64xf32, #tpu.memory_space<vmem>>
      %dma_start3A_886 = tpu.memref_squeeze %dma_start3A_885 : memref<1x128x64xf32, #tpu.memory_space<vmem>> -> memref<128x64xf32, #tpu.memory_space<vmem>>
      %dma_start3A_887 = arith.constant 0 : i32
      %dma_start3A_888 = arith.constant 0 : i32
      %dma_start3A_889 = tpu.memref_slice %arg7[%dma_start3A_876, %dma_start3A_887, %dma_start3A_888] : memref<2x5x128xi32, #tpu.memory_space<vmem>> -> memref<1x5x128xi32, #tpu.memory_space<vmem>>
      %dma_start3A_890 = tpu.memref_squeeze %dma_start3A_889 : memref<1x5x128xi32, #tpu.memory_space<vmem>> -> memref<5x128xi32, #tpu.memory_space<vmem>>
      %dma_start3A_891 = arith.constant 0 : i32
      %dma_start3A_892 = tpu.memref_slice %dma_start3A_890[%dma_start3A_877, %dma_start3A_891] : memref<5x128xi32, #tpu.memory_space<vmem>> -> memref<1x128xi32, #tpu.memory_space<vmem>>
      %dma_start3A_893 = tpu.memref_squeeze %dma_start3A_892 : memref<1x128xi32, #tpu.memory_space<vmem>> -> memref<128xi32, #tpu.memory_space<vmem>>
      %dma_start3A_894 = arith.constant 0 : i32
      %dma_start3A_895 = arith.constant 0 : i32
      %dma_start3A_896 = tpu.memref_slice %arg9[%dma_start3A_894, %dma_start3A_895] : memref<10512x64xf32, #tpu.memory_space<vmem_shared>> -> memref<10512x64xf32, #tpu.memory_space<vmem_shared>>
      tpu.enqueue_indirect_dma source(%dma_start3A_886 : memref<128x64xf32, #tpu.memory_space<vmem>>) target(%dma_start3A_896 : memref<10512x64xf32, #tpu.memory_space<vmem_shared>>) offsets(%dma_start3A_893 : memref<128xi32, #tpu.memory_space<vmem>>) semaphore(%arg12 : memref<!tpu.dma_semaphore, #tpu.memory_space<semaphore_mem>>) {add = true}
      %dma_start3A_897 = arith.constant 1 : i32
      %dma_start3A_898 = arith.constant 1 : i32
      %dma_start3A_899 = arith.constant 1 : i32
      %dma_start3A_900 = arith.constant 1 : i32
      %dma_start3A_901 = arith.constant 0 : i32
      %dma_start3A_902 = arith.constant 0 : i32
      %dma_start3A_903 = arith.constant 0 : i32
      %dma_start3A_904 = tpu.memref_slice %arg8[%dma_start3A_897, %dma_start3A_901, %dma_start3A_902, %dma_start3A_903] : memref<2x5x128x64xf32, #tpu.memory_space<vmem>> -> memref<1x5x128x64xf32, #tpu.memory_space<vmem>>
      %dma_start3A_905 = tpu.memref_squeeze %dma_start3A_904 : memref<1x5x128x64xf32, #tpu.memory_space<vmem>> -> memref<5x128x64xf32, #tpu.memory_space<vmem>>
      %dma_start3A_906 = arith.constant 0 : i32
      %dma_start3A_907 = arith.constant 0 : i32
      %dma_start3A_908 = tpu.memref_slice %dma_start3A_905[%dma_start3A_898, %dma_start3A_906, %dma_start3A_907] : memref<5x128x64xf32, #tpu.memory_space<vmem>> -> memref<1x128x64xf32, #tpu.memory_space<vmem>>
      %dma_start3A_909 = tpu.memref_squeeze %dma_start3A_908 : memref<1x128x64xf32, #tpu.memory_space<vmem>> -> memref<128x64xf32, #tpu.memory_space<vmem>>
      %dma_start3A_910 = arith.constant 0 : i32
      %dma_start3A_911 = arith.constant 0 : i32
      %dma_start3A_912 = tpu.memref_slice %arg7[%dma_start3A_899, %dma_start3A_910, %dma_start3A_911] : memref<2x5x128xi32, #tpu.memory_space<vmem>> -> memref<1x5x128xi32, #tpu.memory_space<vmem>>
      %dma_start3A_913 = tpu.memref_squeeze %dma_start3A_912 : memref<1x5x128xi32, #tpu.memory_space<vmem>> -> memref<5x128xi32, #tpu.memory_space<vmem>>
      %dma_start3A_914 = arith.constant 0 : i32
      %dma_start3A_915 = tpu.memref_slice %dma_start3A_913[%dma_start3A_900, %dma_start3A_914] : memref<5x128xi32, #tpu.memory_space<vmem>> -> memref<1x128xi32, #tpu.memory_space<vmem>>
      %dma_start3A_916 = tpu.memref_squeeze %dma_start3A_915 : memref<1x128xi32, #tpu.memory_space<vmem>> -> memref<128xi32, #tpu.memory_space<vmem>>
      %dma_start3A_917 = arith.constant 0 : i32
      %dma_start3A_918 = arith.constant 0 : i32
      %dma_start3A_919 = tpu.memref_slice %arg9[%dma_start3A_917, %dma_start3A_918] : memref<10512x64xf32, #tpu.memory_space<vmem_shared>> -> memref<10512x64xf32, #tpu.memory_space<vmem_shared>>
      tpu.enqueue_indirect_dma source(%dma_start3A_909 : memref<128x64xf32, #tpu.memory_space<vmem>>) target(%dma_start3A_919 : memref<10512x64xf32, #tpu.memory_space<vmem_shared>>) offsets(%dma_start3A_916 : memref<128xi32, #tpu.memory_space<vmem>>) semaphore(%arg12 : memref<!tpu.dma_semaphore, #tpu.memory_space<semaphore_mem>>) {add = true}
      %dma_start3A_920 = arith.constant 1 : i32
      %dma_start3A_921 = arith.constant 2 : i32
      %dma_start3A_922 = arith.constant 1 : i32
      %dma_start3A_923 = arith.constant 2 : i32
      %dma_start3A_924 = arith.constant 0 : i32
      %dma_start3A_925 = arith.constant 0 : i32
      %dma_start3A_926 = arith.constant 0 : i32
      %dma_start3A_927 = tpu.memref_slice %arg8[%dma_start3A_920, %dma_start3A_924, %dma_start3A_925, %dma_start3A_926] : memref<2x5x128x64xf32, #tpu.memory_space<vmem>> -> memref<1x5x128x64xf32, #tpu.memory_space<vmem>>
      %dma_start3A_928 = tpu.memref_squeeze %dma_start3A_927 : memref<1x5x128x64xf32, #tpu.memory_space<vmem>> -> memref<5x128x64xf32, #tpu.memory_space<vmem>>
      %dma_start3A_929 = arith.constant 0 : i32
      %dma_start3A_930 = arith.constant 0 : i32
      %dma_start3A_931 = tpu.memref_slice %dma_start3A_928[%dma_start3A_921, %dma_start3A_929, %dma_start3A_930] : memref<5x128x64xf32, #tpu.memory_space<vmem>> -> memref<1x128x64xf32, #tpu.memory_space<vmem>>
      %dma_start3A_932 = tpu.memref_squeeze %dma_start3A_931 : memref<1x128x64xf32, #tpu.memory_space<vmem>> -> memref<128x64xf32, #tpu.memory_space<vmem>>
      %dma_start3A_933 = arith.constant 0 : i32
      %dma_start3A_934 = arith.constant 0 : i32
      %dma_start3A_935 = tpu.memref_slice %arg7[%dma_start3A_922, %dma_start3A_933, %dma_start3A_934] : memref<2x5x128xi32, #tpu.memory_space<vmem>> -> memref<1x5x128xi32, #tpu.memory_space<vmem>>
      %dma_start3A_936 = tpu.memref_squeeze %dma_start3A_935 : memref<1x5x128xi32, #tpu.memory_space<vmem>> -> memref<5x128xi32, #tpu.memory_space<vmem>>
      %dma_start3A_937 = arith.constant 0 : i32
      %dma_start3A_938 = tpu.memref_slice %dma_start3A_936[%dma_start3A_923, %dma_start3A_937] : memref<5x128xi32, #tpu.memory_space<vmem>> -> memref<1x128xi32, #tpu.memory_space<vmem>>
      %dma_start3A_939 = tpu.memref_squeeze %dma_start3A_938 : memref<1x128xi32, #tpu.memory_space<vmem>> -> memref<128xi32, #tpu.memory_space<vmem>>
      %dma_start3A_940 = arith.constant 0 : i32
      %dma_start3A_941 = arith.constant 0 : i32
      %dma_start3A_942 = tpu.memref_slice %arg9[%dma_start3A_940, %dma_start3A_941] : memref<10512x64xf32, #tpu.memory_space<vmem_shared>> -> memref<10512x64xf32, #tpu.memory_space<vmem_shared>>
      tpu.enqueue_indirect_dma source(%dma_start3A_932 : memref<128x64xf32, #tpu.memory_space<vmem>>) target(%dma_start3A_942 : memref<10512x64xf32, #tpu.memory_space<vmem_shared>>) offsets(%dma_start3A_939 : memref<128xi32, #tpu.memory_space<vmem>>) semaphore(%arg12 : memref<!tpu.dma_semaphore, #tpu.memory_space<semaphore_mem>>) {add = true}
      %dma_start3A_943 = arith.constant 1 : i32
      %dma_start3A_944 = arith.constant 3 : i32
      %dma_start3A_945 = arith.constant 1 : i32
      %dma_start3A_946 = arith.constant 3 : i32
      %dma_start3A_947 = arith.constant 0 : i32
      %dma_start3A_948 = arith.constant 0 : i32
      %dma_start3A_949 = arith.constant 0 : i32
      %dma_start3A_950 = tpu.memref_slice %arg8[%dma_start3A_943, %dma_start3A_947, %dma_start3A_948, %dma_start3A_949] : memref<2x5x128x64xf32, #tpu.memory_space<vmem>> -> memref<1x5x128x64xf32, #tpu.memory_space<vmem>>
      %dma_start3A_951 = tpu.memref_squeeze %dma_start3A_950 : memref<1x5x128x64xf32, #tpu.memory_space<vmem>> -> memref<5x128x64xf32, #tpu.memory_space<vmem>>
      %dma_start3A_952 = arith.constant 0 : i32
      %dma_start3A_953 = arith.constant 0 : i32
      %dma_start3A_954 = tpu.memref_slice %dma_start3A_951[%dma_start3A_944, %dma_start3A_952, %dma_start3A_953] : memref<5x128x64xf32, #tpu.memory_space<vmem>> -> memref<1x128x64xf32, #tpu.memory_space<vmem>>
      %dma_start3A_955 = tpu.memref_squeeze %dma_start3A_954 : memref<1x128x64xf32, #tpu.memory_space<vmem>> -> memref<128x64xf32, #tpu.memory_space<vmem>>
      %dma_start3A_956 = arith.constant 0 : i32
      %dma_start3A_957 = arith.constant 0 : i32
      %dma_start3A_958 = tpu.memref_slice %arg7[%dma_start3A_945, %dma_start3A_956, %dma_start3A_957] : memref<2x5x128xi32, #tpu.memory_space<vmem>> -> memref<1x5x128xi32, #tpu.memory_space<vmem>>
      %dma_start3A_959 = tpu.memref_squeeze %dma_start3A_958 : memref<1x5x128xi32, #tpu.memory_space<vmem>> -> memref<5x128xi32, #tpu.memory_space<vmem>>
      %dma_start3A_960 = arith.constant 0 : i32
      %dma_start3A_961 = tpu.memref_slice %dma_start3A_959[%dma_start3A_946, %dma_start3A_960] : memref<5x128xi32, #tpu.memory_space<vmem>> -> memref<1x128xi32, #tpu.memory_space<vmem>>
      %dma_start3A_962 = tpu.memref_squeeze %dma_start3A_961 : memref<1x128xi32, #tpu.memory_space<vmem>> -> memref<128xi32, #tpu.memory_space<vmem>>
      %dma_start3A_963 = arith.constant 0 : i32
      %dma_start3A_964 = arith.constant 0 : i32
      %dma_start3A_965 = tpu.memref_slice %arg9[%dma_start3A_963, %dma_start3A_964] : memref<10512x64xf32, #tpu.memory_space<vmem_shared>> -> memref<10512x64xf32, #tpu.memory_space<vmem_shared>>
      tpu.enqueue_indirect_dma source(%dma_start3A_955 : memref<128x64xf32, #tpu.memory_space<vmem>>) target(%dma_start3A_965 : memref<10512x64xf32, #tpu.memory_space<vmem_shared>>) offsets(%dma_start3A_962 : memref<128xi32, #tpu.memory_space<vmem>>) semaphore(%arg12 : memref<!tpu.dma_semaphore, #tpu.memory_space<semaphore_mem>>) {add = true}
      %dma_start3A_966 = arith.constant 1 : i32
      %dma_start3A_967 = arith.constant 4 : i32
      %dma_start3A_968 = arith.constant 1 : i32
      %dma_start3A_969 = arith.constant 4 : i32
      %dma_start3A_970 = arith.constant 0 : i32
      %dma_start3A_971 = arith.constant 0 : i32
      %dma_start3A_972 = arith.constant 0 : i32
      %dma_start3A_973 = tpu.memref_slice %arg8[%dma_start3A_966, %dma_start3A_970, %dma_start3A_971, %dma_start3A_972] : memref<2x5x128x64xf32, #tpu.memory_space<vmem>> -> memref<1x5x128x64xf32, #tpu.memory_space<vmem>>
      %dma_start3A_974 = tpu.memref_squeeze %dma_start3A_973 : memref<1x5x128x64xf32, #tpu.memory_space<vmem>> -> memref<5x128x64xf32, #tpu.memory_space<vmem>>
      %dma_start3A_975 = arith.constant 0 : i32
      %dma_start3A_976 = arith.constant 0 : i32
      %dma_start3A_977 = tpu.memref_slice %dma_start3A_974[%dma_start3A_967, %dma_start3A_975, %dma_start3A_976] : memref<5x128x64xf32, #tpu.memory_space<vmem>> -> memref<1x128x64xf32, #tpu.memory_space<vmem>>
      %dma_start3A_978 = tpu.memref_squeeze %dma_start3A_977 : memref<1x128x64xf32, #tpu.memory_space<vmem>> -> memref<128x64xf32, #tpu.memory_space<vmem>>
      %dma_start3A_979 = arith.constant 0 : i32
      %dma_start3A_980 = arith.constant 0 : i32
      %dma_start3A_981 = tpu.memref_slice %arg7[%dma_start3A_968, %dma_start3A_979, %dma_start3A_980] : memref<2x5x128xi32, #tpu.memory_space<vmem>> -> memref<1x5x128xi32, #tpu.memory_space<vmem>>
      %dma_start3A_982 = tpu.memref_squeeze %dma_start3A_981 : memref<1x5x128xi32, #tpu.memory_space<vmem>> -> memref<5x128xi32, #tpu.memory_space<vmem>>
      %dma_start3A_983 = arith.constant 0 : i32
      %dma_start3A_984 = tpu.memref_slice %dma_start3A_982[%dma_start3A_969, %dma_start3A_983] : memref<5x128xi32, #tpu.memory_space<vmem>> -> memref<1x128xi32, #tpu.memory_space<vmem>>
      %dma_start3A_985 = tpu.memref_squeeze %dma_start3A_984 : memref<1x128xi32, #tpu.memory_space<vmem>> -> memref<128xi32, #tpu.memory_space<vmem>>
      %dma_start3A_986 = arith.constant 0 : i32
      %dma_start3A_987 = arith.constant 0 : i32
      %dma_start3A_988 = tpu.memref_slice %arg9[%dma_start3A_986, %dma_start3A_987] : memref<10512x64xf32, #tpu.memory_space<vmem_shared>> -> memref<10512x64xf32, #tpu.memory_space<vmem_shared>>
      tpu.enqueue_indirect_dma source(%dma_start3A_978 : memref<128x64xf32, #tpu.memory_space<vmem>>) target(%dma_start3A_988 : memref<10512x64xf32, #tpu.memory_space<vmem_shared>>) offsets(%dma_start3A_985 : memref<128xi32, #tpu.memory_space<vmem>>) semaphore(%arg12 : memref<!tpu.dma_semaphore, #tpu.memory_space<semaphore_mem>>) {add = true}
      %dma_wait3A_989 = arith.constant 1 : i32
      %dma_wait3A_990 = arith.constant 0 : i32
      %dma_wait3A_991 = arith.constant 1 : i32
      %dma_wait3A_992 = arith.constant 0 : i32
      %dma_wait3A_993 = arith.constant 0 : i32
      %dma_wait3A_994 = arith.constant 0 : i32
      %dma_wait3A_995 = arith.constant 0 : i32
      %dma_wait3A_996 = tpu.memref_slice %arg8[%dma_wait3A_989, %dma_wait3A_993, %dma_wait3A_994, %dma_wait3A_995] : memref<2x5x128x64xf32, #tpu.memory_space<vmem>> -> memref<1x5x128x64xf32, #tpu.memory_space<vmem>>
      %dma_wait3A_997 = tpu.memref_squeeze %dma_wait3A_996 : memref<1x5x128x64xf32, #tpu.memory_space<vmem>> -> memref<5x128x64xf32, #tpu.memory_space<vmem>>
      %dma_wait3A_998 = arith.constant 0 : i32
      %dma_wait3A_999 = arith.constant 0 : i32
      %dma_wait3A_1000 = tpu.memref_slice %dma_wait3A_997[%dma_wait3A_990, %dma_wait3A_998, %dma_wait3A_999] : memref<5x128x64xf32, #tpu.memory_space<vmem>> -> memref<1x128x64xf32, #tpu.memory_space<vmem>>
      %dma_wait3A_1001 = tpu.memref_squeeze %dma_wait3A_1000 : memref<1x128x64xf32, #tpu.memory_space<vmem>> -> memref<128x64xf32, #tpu.memory_space<vmem>>
      %dma_wait3A_1002 = arith.constant 0 : i32
      %dma_wait3A_1003 = arith.constant 0 : i32
      %dma_wait3A_1004 = tpu.memref_slice %arg7[%dma_wait3A_991, %dma_wait3A_1002, %dma_wait3A_1003] : memref<2x5x128xi32, #tpu.memory_space<vmem>> -> memref<1x5x128xi32, #tpu.memory_space<vmem>>
      %dma_wait3A_1005 = tpu.memref_squeeze %dma_wait3A_1004 : memref<1x5x128xi32, #tpu.memory_space<vmem>> -> memref<5x128xi32, #tpu.memory_space<vmem>>
      %dma_wait3A_1006 = arith.constant 0 : i32
      %dma_wait3A_1007 = tpu.memref_slice %dma_wait3A_1005[%dma_wait3A_992, %dma_wait3A_1006] : memref<5x128xi32, #tpu.memory_space<vmem>> -> memref<1x128xi32, #tpu.memory_space<vmem>>
      %dma_wait3A_1008 = tpu.memref_squeeze %dma_wait3A_1007 : memref<1x128xi32, #tpu.memory_space<vmem>> -> memref<128xi32, #tpu.memory_space<vmem>>
      %dma_wait3A_1009 = arith.constant 0 : i32
      %dma_wait3A_1010 = arith.constant 0 : i32
      %dma_wait3A_1011 = tpu.memref_slice %arg9[%dma_wait3A_1009, %dma_wait3A_1010] : memref<10512x64xf32, #tpu.memory_space<vmem_shared>> -> memref<10512x64xf32, #tpu.memory_space<vmem_shared>>
      tpu.wait_indirect_dma semaphore(%arg12 : memref<!tpu.dma_semaphore, #tpu.memory_space<semaphore_mem>>) src(%dma_wait3A_1001 : memref<128x64xf32, #tpu.memory_space<vmem>>) dst(%dma_wait3A_1011 : memref<10512x64xf32, #tpu.memory_space<vmem_shared>>)
      %dma_wait3A_1012 = arith.constant 1 : i32
      %dma_wait3A_1013 = arith.constant 1 : i32
      %dma_wait3A_1014 = arith.constant 1 : i32
      %dma_wait3A_1015 = arith.constant 1 : i32
      %dma_wait3A_1016 = arith.constant 0 : i32
      %dma_wait3A_1017 = arith.constant 0 : i32
      %dma_wait3A_1018 = arith.constant 0 : i32
      %dma_wait3A_1019 = tpu.memref_slice %arg8[%dma_wait3A_1012, %dma_wait3A_1016, %dma_wait3A_1017, %dma_wait3A_1018] : memref<2x5x128x64xf32, #tpu.memory_space<vmem>> -> memref<1x5x128x64xf32, #tpu.memory_space<vmem>>
      %dma_wait3A_1020 = tpu.memref_squeeze %dma_wait3A_1019 : memref<1x5x128x64xf32, #tpu.memory_space<vmem>> -> memref<5x128x64xf32, #tpu.memory_space<vmem>>
      %dma_wait3A_1021 = arith.constant 0 : i32
      %dma_wait3A_1022 = arith.constant 0 : i32
      %dma_wait3A_1023 = tpu.memref_slice %dma_wait3A_1020[%dma_wait3A_1013, %dma_wait3A_1021, %dma_wait3A_1022] : memref<5x128x64xf32, #tpu.memory_space<vmem>> -> memref<1x128x64xf32, #tpu.memory_space<vmem>>
      %dma_wait3A_1024 = tpu.memref_squeeze %dma_wait3A_1023 : memref<1x128x64xf32, #tpu.memory_space<vmem>> -> memref<128x64xf32, #tpu.memory_space<vmem>>
      %dma_wait3A_1025 = arith.constant 0 : i32
      %dma_wait3A_1026 = arith.constant 0 : i32
      %dma_wait3A_1027 = tpu.memref_slice %arg7[%dma_wait3A_1014, %dma_wait3A_1025, %dma_wait3A_1026] : memref<2x5x128xi32, #tpu.memory_space<vmem>> -> memref<1x5x128xi32, #tpu.memory_space<vmem>>
      %dma_wait3A_1028 = tpu.memref_squeeze %dma_wait3A_1027 : memref<1x5x128xi32, #tpu.memory_space<vmem>> -> memref<5x128xi32, #tpu.memory_space<vmem>>
      %dma_wait3A_1029 = arith.constant 0 : i32
      %dma_wait3A_1030 = tpu.memref_slice %dma_wait3A_1028[%dma_wait3A_1015, %dma_wait3A_1029] : memref<5x128xi32, #tpu.memory_space<vmem>> -> memref<1x128xi32, #tpu.memory_space<vmem>>
      %dma_wait3A_1031 = tpu.memref_squeeze %dma_wait3A_1030 : memref<1x128xi32, #tpu.memory_space<vmem>> -> memref<128xi32, #tpu.memory_space<vmem>>
      %dma_wait3A_1032 = arith.constant 0 : i32
      %dma_wait3A_1033 = arith.constant 0 : i32
      %dma_wait3A_1034 = tpu.memref_slice %arg9[%dma_wait3A_1032, %dma_wait3A_1033] : memref<10512x64xf32, #tpu.memory_space<vmem_shared>> -> memref<10512x64xf32, #tpu.memory_space<vmem_shared>>
      tpu.wait_indirect_dma semaphore(%arg12 : memref<!tpu.dma_semaphore, #tpu.memory_space<semaphore_mem>>) src(%dma_wait3A_1024 : memref<128x64xf32, #tpu.memory_space<vmem>>) dst(%dma_wait3A_1034 : memref<10512x64xf32, #tpu.memory_space<vmem_shared>>)
      %dma_wait3A_1035 = arith.constant 1 : i32
      %dma_wait3A_1036 = arith.constant 2 : i32
      %dma_wait3A_1037 = arith.constant 1 : i32
      %dma_wait3A_1038 = arith.constant 2 : i32
      %dma_wait3A_1039 = arith.constant 0 : i32
      %dma_wait3A_1040 = arith.constant 0 : i32
      %dma_wait3A_1041 = arith.constant 0 : i32
      %dma_wait3A_1042 = tpu.memref_slice %arg8[%dma_wait3A_1035, %dma_wait3A_1039, %dma_wait3A_1040, %dma_wait3A_1041] : memref<2x5x128x64xf32, #tpu.memory_space<vmem>> -> memref<1x5x128x64xf32, #tpu.memory_space<vmem>>
      %dma_wait3A_1043 = tpu.memref_squeeze %dma_wait3A_1042 : memref<1x5x128x64xf32, #tpu.memory_space<vmem>> -> memref<5x128x64xf32, #tpu.memory_space<vmem>>
      %dma_wait3A_1044 = arith.constant 0 : i32
      %dma_wait3A_1045 = arith.constant 0 : i32
      %dma_wait3A_1046 = tpu.memref_slice %dma_wait3A_1043[%dma_wait3A_1036, %dma_wait3A_1044, %dma_wait3A_1045] : memref<5x128x64xf32, #tpu.memory_space<vmem>> -> memref<1x128x64xf32, #tpu.memory_space<vmem>>
      %dma_wait3A_1047 = tpu.memref_squeeze %dma_wait3A_1046 : memref<1x128x64xf32, #tpu.memory_space<vmem>> -> memref<128x64xf32, #tpu.memory_space<vmem>>
      %dma_wait3A_1048 = arith.constant 0 : i32
      %dma_wait3A_1049 = arith.constant 0 : i32
      %dma_wait3A_1050 = tpu.memref_slice %arg7[%dma_wait3A_1037, %dma_wait3A_1048, %dma_wait3A_1049] : memref<2x5x128xi32, #tpu.memory_space<vmem>> -> memref<1x5x128xi32, #tpu.memory_space<vmem>>
      %dma_wait3A_1051 = tpu.memref_squeeze %dma_wait3A_1050 : memref<1x5x128xi32, #tpu.memory_space<vmem>> -> memref<5x128xi32, #tpu.memory_space<vmem>>
      %dma_wait3A_1052 = arith.constant 0 : i32
      %dma_wait3A_1053 = tpu.memref_slice %dma_wait3A_1051[%dma_wait3A_1038, %dma_wait3A_1052] : memref<5x128xi32, #tpu.memory_space<vmem>> -> memref<1x128xi32, #tpu.memory_space<vmem>>
      %dma_wait3A_1054 = tpu.memref_squeeze %dma_wait3A_1053 : memref<1x128xi32, #tpu.memory_space<vmem>> -> memref<128xi32, #tpu.memory_space<vmem>>
      %dma_wait3A_1055 = arith.constant 0 : i32
      %dma_wait3A_1056 = arith.constant 0 : i32
      %dma_wait3A_1057 = tpu.memref_slice %arg9[%dma_wait3A_1055, %dma_wait3A_1056] : memref<10512x64xf32, #tpu.memory_space<vmem_shared>> -> memref<10512x64xf32, #tpu.memory_space<vmem_shared>>
      tpu.wait_indirect_dma semaphore(%arg12 : memref<!tpu.dma_semaphore, #tpu.memory_space<semaphore_mem>>) src(%dma_wait3A_1047 : memref<128x64xf32, #tpu.memory_space<vmem>>) dst(%dma_wait3A_1057 : memref<10512x64xf32, #tpu.memory_space<vmem_shared>>)
      %dma_wait3A_1058 = arith.constant 1 : i32
      %dma_wait3A_1059 = arith.constant 3 : i32
      %dma_wait3A_1060 = arith.constant 1 : i32
      %dma_wait3A_1061 = arith.constant 3 : i32
      %dma_wait3A_1062 = arith.constant 0 : i32
      %dma_wait3A_1063 = arith.constant 0 : i32
      %dma_wait3A_1064 = arith.constant 0 : i32
      %dma_wait3A_1065 = tpu.memref_slice %arg8[%dma_wait3A_1058, %dma_wait3A_1062, %dma_wait3A_1063, %dma_wait3A_1064] : memref<2x5x128x64xf32, #tpu.memory_space<vmem>> -> memref<1x5x128x64xf32, #tpu.memory_space<vmem>>
      %dma_wait3A_1066 = tpu.memref_squeeze %dma_wait3A_1065 : memref<1x5x128x64xf32, #tpu.memory_space<vmem>> -> memref<5x128x64xf32, #tpu.memory_space<vmem>>
      %dma_wait3A_1067 = arith.constant 0 : i32
      %dma_wait3A_1068 = arith.constant 0 : i32
      %dma_wait3A_1069 = tpu.memref_slice %dma_wait3A_1066[%dma_wait3A_1059, %dma_wait3A_1067, %dma_wait3A_1068] : memref<5x128x64xf32, #tpu.memory_space<vmem>> -> memref<1x128x64xf32, #tpu.memory_space<vmem>>
      %dma_wait3A_1070 = tpu.memref_squeeze %dma_wait3A_1069 : memref<1x128x64xf32, #tpu.memory_space<vmem>> -> memref<128x64xf32, #tpu.memory_space<vmem>>
      %dma_wait3A_1071 = arith.constant 0 : i32
      %dma_wait3A_1072 = arith.constant 0 : i32
      %dma_wait3A_1073 = tpu.memref_slice %arg7[%dma_wait3A_1060, %dma_wait3A_1071, %dma_wait3A_1072] : memref<2x5x128xi32, #tpu.memory_space<vmem>> -> memref<1x5x128xi32, #tpu.memory_space<vmem>>
      %dma_wait3A_1074 = tpu.memref_squeeze %dma_wait3A_1073 : memref<1x5x128xi32, #tpu.memory_space<vmem>> -> memref<5x128xi32, #tpu.memory_space<vmem>>
      %dma_wait3A_1075 = arith.constant 0 : i32
      %dma_wait3A_1076 = tpu.memref_slice %dma_wait3A_1074[%dma_wait3A_1061, %dma_wait3A_1075] : memref<5x128xi32, #tpu.memory_space<vmem>> -> memref<1x128xi32, #tpu.memory_space<vmem>>
      %dma_wait3A_1077 = tpu.memref_squeeze %dma_wait3A_1076 : memref<1x128xi32, #tpu.memory_space<vmem>> -> memref<128xi32, #tpu.memory_space<vmem>>
      %dma_wait3A_1078 = arith.constant 0 : i32
      %dma_wait3A_1079 = arith.constant 0 : i32
      %dma_wait3A_1080 = tpu.memref_slice %arg9[%dma_wait3A_1078, %dma_wait3A_1079] : memref<10512x64xf32, #tpu.memory_space<vmem_shared>> -> memref<10512x64xf32, #tpu.memory_space<vmem_shared>>
      tpu.wait_indirect_dma semaphore(%arg12 : memref<!tpu.dma_semaphore, #tpu.memory_space<semaphore_mem>>) src(%dma_wait3A_1070 : memref<128x64xf32, #tpu.memory_space<vmem>>) dst(%dma_wait3A_1080 : memref<10512x64xf32, #tpu.memory_space<vmem_shared>>)
      %dma_wait3A_1081 = arith.constant 1 : i32
      %dma_wait3A_1082 = arith.constant 4 : i32
      %dma_wait3A_1083 = arith.constant 1 : i32
      %dma_wait3A_1084 = arith.constant 4 : i32
      %dma_wait3A_1085 = arith.constant 0 : i32
      %dma_wait3A_1086 = arith.constant 0 : i32
      %dma_wait3A_1087 = arith.constant 0 : i32
      %dma_wait3A_1088 = tpu.memref_slice %arg8[%dma_wait3A_1081, %dma_wait3A_1085, %dma_wait3A_1086, %dma_wait3A_1087] : memref<2x5x128x64xf32, #tpu.memory_space<vmem>> -> memref<1x5x128x64xf32, #tpu.memory_space<vmem>>
      %dma_wait3A_1089 = tpu.memref_squeeze %dma_wait3A_1088 : memref<1x5x128x64xf32, #tpu.memory_space<vmem>> -> memref<5x128x64xf32, #tpu.memory_space<vmem>>
      %dma_wait3A_1090 = arith.constant 0 : i32
      %dma_wait3A_1091 = arith.constant 0 : i32
      %dma_wait3A_1092 = tpu.memref_slice %dma_wait3A_1089[%dma_wait3A_1082, %dma_wait3A_1090, %dma_wait3A_1091] : memref<5x128x64xf32, #tpu.memory_space<vmem>> -> memref<1x128x64xf32, #tpu.memory_space<vmem>>
      %dma_wait3A_1093 = tpu.memref_squeeze %dma_wait3A_1092 : memref<1x128x64xf32, #tpu.memory_space<vmem>> -> memref<128x64xf32, #tpu.memory_space<vmem>>
      %dma_wait3A_1094 = arith.constant 0 : i32
      %dma_wait3A_1095 = arith.constant 0 : i32
      %dma_wait3A_1096 = tpu.memref_slice %arg7[%dma_wait3A_1083, %dma_wait3A_1094, %dma_wait3A_1095] : memref<2x5x128xi32, #tpu.memory_space<vmem>> -> memref<1x5x128xi32, #tpu.memory_space<vmem>>
      %dma_wait3A_1097 = tpu.memref_squeeze %dma_wait3A_1096 : memref<1x5x128xi32, #tpu.memory_space<vmem>> -> memref<5x128xi32, #tpu.memory_space<vmem>>
      %dma_wait3A_1098 = arith.constant 0 : i32
      %dma_wait3A_1099 = tpu.memref_slice %dma_wait3A_1097[%dma_wait3A_1084, %dma_wait3A_1098] : memref<5x128xi32, #tpu.memory_space<vmem>> -> memref<1x128xi32, #tpu.memory_space<vmem>>
      %dma_wait3A_1100 = tpu.memref_squeeze %dma_wait3A_1099 : memref<1x128xi32, #tpu.memory_space<vmem>> -> memref<128xi32, #tpu.memory_space<vmem>>
      %dma_wait3A_1101 = arith.constant 0 : i32
      %dma_wait3A_1102 = arith.constant 0 : i32
      %dma_wait3A_1103 = tpu.memref_slice %arg9[%dma_wait3A_1101, %dma_wait3A_1102] : memref<10512x64xf32, #tpu.memory_space<vmem_shared>> -> memref<10512x64xf32, #tpu.memory_space<vmem_shared>>
      tpu.wait_indirect_dma semaphore(%arg12 : memref<!tpu.dma_semaphore, #tpu.memory_space<semaphore_mem>>) src(%dma_wait3A_1093 : memref<128x64xf32, #tpu.memory_space<vmem>>) dst(%dma_wait3A_1103 : memref<10512x64xf32, #tpu.memory_space<vmem_shared>>)
      %add3A_1104 = arith.constant 2 : i32
      %add3A_1105 = arith.addi %add3A_703, %add3A_1104 : i32
      %lt3A_1106 = arith.constant 32 : i32
      %lt3A_1107 = arith.cmpi slt, %add3A_1105, %lt3A_1106 : i32
      %convert_element_type3A_1108 = arith.extui %lt3A_1107 : i1 to i32
      %cond3A_1109 = arith.constant 0 : i32
      %cond3A_1110 = arith.cmpi ne, %convert_element_type3A_1108, %cond3A_1109 : i32
      scf.if %cond3A_1110 {
        %add3A_1111 = arith.constant 2 : i32
        %add3A_1112 = arith.addi %add3A_703, %add3A_1111 : i32
        %mul3A_1113 = arith.constant 5 : i32
        %mul3A_1114 = arith.muli %add3A_1112, %mul3A_1113 : i32
        %add3A_1115 = arith.addi %mul3A_2, %mul3A_1114 : i32
        %run_scoped3A_1116 = arith.constant 1 : i32
        "tpu.region"() ({
          %run_scoped3A_1253 = tpu.sem_alloc : memref<!tpu.dma_semaphore, #tpu.memory_space<semaphore_mem>>
          %dma_start3A_1254 = arith.constant 0 : i32
          %dma_start3A_1255 = arith.constant 0 : i32
          %dma_start3A_1256 = tpu.memref_slice %arg6[%run_scoped3A_1116, %dma_start3A_1254, %dma_start3A_1255] : memref<2x5x128xi32, #tpu.memory_space<vmem>> -> memref<1x5x128xi32, #tpu.memory_space<vmem>>
          %dma_start3A_1257 = tpu.memref_squeeze %dma_start3A_1256 : memref<1x5x128xi32, #tpu.memory_space<vmem>> -> memref<5x128xi32, #tpu.memory_space<vmem>>
          %dma_start3A_1258 = arith.constant 0 : i32
          %dma_start3A_1259 = arith.constant 0 : i32
          %dma_start3A_1260 = tpu.memref_slice %arg3[%scan3A_282, %dma_start3A_1258, %dma_start3A_1259] : memref<2x2560x128xi32, #tpu.memory_space<hbm>> -> memref<1x2560x128xi32, #tpu.memory_space<hbm>>
          %dma_start3A_1261 = tpu.memref_squeeze %dma_start3A_1260 : memref<1x2560x128xi32, #tpu.memory_space<hbm>> -> memref<2560x128xi32, #tpu.memory_space<hbm>>
          %dma_start3A_1262 = arith.constant 0 : i32
          %dma_start3A_1263 = tpu.memref_slice %dma_start3A_1261[%add3A_1115, %dma_start3A_1262] : memref<2560x128xi32, #tpu.memory_space<hbm>> -> memref<5x128xi32, #tpu.memory_space<hbm>>
          %dma_start3A_1264 = arith.constant 0 : i32
          %dma_start3A_1265 = arith.constant 0 : i32
          %dma_start3A_1266 = tpu.memref_slice %arg6[%run_scoped3A_1116, %dma_start3A_1264, %dma_start3A_1265] : memref<2x5x128xi32, #tpu.memory_space<vmem>> -> memref<1x5x128xi32, #tpu.memory_space<vmem>>
          %dma_start3A_1267 = tpu.memref_squeeze %dma_start3A_1266 : memref<1x5x128xi32, #tpu.memory_space<vmem>> -> memref<5x128xi32, #tpu.memory_space<vmem>>
          %dma_start3A_1268 = arith.constant 0 : i32
          %dma_start3A_1269 = arith.constant 0 : i32
          %dma_start3A_1270 = tpu.memref_slice %arg3[%scan3A_282, %dma_start3A_1268, %dma_start3A_1269] : memref<2x2560x128xi32, #tpu.memory_space<hbm>> -> memref<1x2560x128xi32, #tpu.memory_space<hbm>>
          %dma_start3A_1271 = tpu.memref_squeeze %dma_start3A_1270 : memref<1x2560x128xi32, #tpu.memory_space<hbm>> -> memref<2560x128xi32, #tpu.memory_space<hbm>>
          %dma_start3A_1272 = arith.constant 0 : i32
          %dma_start3A_1273 = tpu.memref_slice %dma_start3A_1271[%add3A_1115, %dma_start3A_1272] : memref<2560x128xi32, #tpu.memory_space<hbm>> -> memref<5x128xi32, #tpu.memory_space<hbm>>
          tpu.enqueue_dma source(%dma_start3A_1273 : memref<5x128xi32, #tpu.memory_space<hbm>>) target(%dma_start3A_1267 : memref<5x128xi32, #tpu.memory_space<vmem>>) target_semaphore(%run_scoped3A_1253 : memref<!tpu.dma_semaphore, #tpu.memory_space<semaphore_mem>>)
          %dma_wait3A_1274 = arith.constant 0 : i32
          %dma_wait3A_1275 = arith.constant 0 : i32
          %dma_wait3A_1276 = tpu.memref_slice %arg6[%run_scoped3A_1116, %dma_wait3A_1274, %dma_wait3A_1275] : memref<2x5x128xi32, #tpu.memory_space<vmem>> -> memref<1x5x128xi32, #tpu.memory_space<vmem>>
          %dma_wait3A_1277 = tpu.memref_squeeze %dma_wait3A_1276 : memref<1x5x128xi32, #tpu.memory_space<vmem>> -> memref<5x128xi32, #tpu.memory_space<vmem>>
          %dma_wait3A_1278 = arith.constant 0 : i32
          %dma_wait3A_1279 = arith.constant 0 : i32
          %dma_wait3A_1280 = tpu.memref_slice %arg3[%scan3A_282, %dma_wait3A_1278, %dma_wait3A_1279] : memref<2x2560x128xi32, #tpu.memory_space<hbm>> -> memref<1x2560x128xi32, #tpu.memory_space<hbm>>
          %dma_wait3A_1281 = tpu.memref_squeeze %dma_wait3A_1280 : memref<1x2560x128xi32, #tpu.memory_space<hbm>> -> memref<2560x128xi32, #tpu.memory_space<hbm>>
          %dma_wait3A_1282 = arith.constant 0 : i32
          %dma_wait3A_1283 = tpu.memref_slice %dma_wait3A_1281[%add3A_1115, %dma_wait3A_1282] : memref<2560x128xi32, #tpu.memory_space<hbm>> -> memref<5x128xi32, #tpu.memory_space<hbm>>
          %dma_wait3A_1284 = arith.constant 0 : i32
          %dma_wait3A_1285 = arith.constant 0 : i32
          %dma_wait3A_1286 = tpu.memref_slice %arg6[%run_scoped3A_1116, %dma_wait3A_1284, %dma_wait3A_1285] : memref<2x5x128xi32, #tpu.memory_space<vmem>> -> memref<1x5x128xi32, #tpu.memory_space<vmem>>
          %dma_wait3A_1287 = tpu.memref_squeeze %dma_wait3A_1286 : memref<1x5x128xi32, #tpu.memory_space<vmem>> -> memref<5x128xi32, #tpu.memory_space<vmem>>
          %dma_wait3A_1288 = arith.constant 0 : i32
          %dma_wait3A_1289 = arith.constant 0 : i32
          %dma_wait3A_1290 = tpu.memref_slice %arg3[%scan3A_282, %dma_wait3A_1288, %dma_wait3A_1289] : memref<2x2560x128xi32, #tpu.memory_space<hbm>> -> memref<1x2560x128xi32, #tpu.memory_space<hbm>>
          %dma_wait3A_1291 = tpu.memref_squeeze %dma_wait3A_1290 : memref<1x2560x128xi32, #tpu.memory_space<hbm>> -> memref<2560x128xi32, #tpu.memory_space<hbm>>
          %dma_wait3A_1292 = arith.constant 0 : i32
          %dma_wait3A_1293 = tpu.memref_slice %dma_wait3A_1291[%add3A_1115, %dma_wait3A_1292] : memref<2560x128xi32, #tpu.memory_space<hbm>> -> memref<5x128xi32, #tpu.memory_space<hbm>>
          tpu.wait_dma2 semaphore(%run_scoped3A_1253 : memref<!tpu.dma_semaphore, #tpu.memory_space<semaphore_mem>>) src(%dma_wait3A_1293 : memref<5x128xi32, #tpu.memory_space<hbm>>) dst(%dma_wait3A_1287 : memref<5x128xi32, #tpu.memory_space<vmem>>)
          tpu.yield
        }) : () -> ()
        %run_scoped3A_1117 = arith.constant 1 : i32
        "tpu.region"() ({
          %run_scoped3A_1253 = tpu.sem_alloc : memref<!tpu.dma_semaphore, #tpu.memory_space<semaphore_mem>>
          %dma_start3A_1254 = arith.constant 0 : i32
          %dma_start3A_1255 = arith.constant 0 : i32
          %dma_start3A_1256 = tpu.memref_slice %arg7[%run_scoped3A_1117, %dma_start3A_1254, %dma_start3A_1255] : memref<2x5x128xi32, #tpu.memory_space<vmem>> -> memref<1x5x128xi32, #tpu.memory_space<vmem>>
          %dma_start3A_1257 = tpu.memref_squeeze %dma_start3A_1256 : memref<1x5x128xi32, #tpu.memory_space<vmem>> -> memref<5x128xi32, #tpu.memory_space<vmem>>
          %dma_start3A_1258 = arith.constant 0 : i32
          %dma_start3A_1259 = arith.constant 0 : i32
          %dma_start3A_1260 = tpu.memref_slice %arg3[%scan3A_283, %dma_start3A_1258, %dma_start3A_1259] : memref<2x2560x128xi32, #tpu.memory_space<hbm>> -> memref<1x2560x128xi32, #tpu.memory_space<hbm>>
          %dma_start3A_1261 = tpu.memref_squeeze %dma_start3A_1260 : memref<1x2560x128xi32, #tpu.memory_space<hbm>> -> memref<2560x128xi32, #tpu.memory_space<hbm>>
          %dma_start3A_1262 = arith.constant 0 : i32
          %dma_start3A_1263 = tpu.memref_slice %dma_start3A_1261[%add3A_1115, %dma_start3A_1262] : memref<2560x128xi32, #tpu.memory_space<hbm>> -> memref<5x128xi32, #tpu.memory_space<hbm>>
          %dma_start3A_1264 = arith.constant 0 : i32
          %dma_start3A_1265 = arith.constant 0 : i32
          %dma_start3A_1266 = tpu.memref_slice %arg7[%run_scoped3A_1117, %dma_start3A_1264, %dma_start3A_1265] : memref<2x5x128xi32, #tpu.memory_space<vmem>> -> memref<1x5x128xi32, #tpu.memory_space<vmem>>
          %dma_start3A_1267 = tpu.memref_squeeze %dma_start3A_1266 : memref<1x5x128xi32, #tpu.memory_space<vmem>> -> memref<5x128xi32, #tpu.memory_space<vmem>>
          %dma_start3A_1268 = arith.constant 0 : i32
          %dma_start3A_1269 = arith.constant 0 : i32
          %dma_start3A_1270 = tpu.memref_slice %arg3[%scan3A_283, %dma_start3A_1268, %dma_start3A_1269] : memref<2x2560x128xi32, #tpu.memory_space<hbm>> -> memref<1x2560x128xi32, #tpu.memory_space<hbm>>
          %dma_start3A_1271 = tpu.memref_squeeze %dma_start3A_1270 : memref<1x2560x128xi32, #tpu.memory_space<hbm>> -> memref<2560x128xi32, #tpu.memory_space<hbm>>
          %dma_start3A_1272 = arith.constant 0 : i32
          %dma_start3A_1273 = tpu.memref_slice %dma_start3A_1271[%add3A_1115, %dma_start3A_1272] : memref<2560x128xi32, #tpu.memory_space<hbm>> -> memref<5x128xi32, #tpu.memory_space<hbm>>
          tpu.enqueue_dma source(%dma_start3A_1273 : memref<5x128xi32, #tpu.memory_space<hbm>>) target(%dma_start3A_1267 : memref<5x128xi32, #tpu.memory_space<vmem>>) target_semaphore(%run_scoped3A_1253 : memref<!tpu.dma_semaphore, #tpu.memory_space<semaphore_mem>>)
          %dma_wait3A_1274 = arith.constant 0 : i32
          %dma_wait3A_1275 = arith.constant 0 : i32
          %dma_wait3A_1276 = tpu.memref_slice %arg7[%run_scoped3A_1117, %dma_wait3A_1274, %dma_wait3A_1275] : memref<2x5x128xi32, #tpu.memory_space<vmem>> -> memref<1x5x128xi32, #tpu.memory_space<vmem>>
          %dma_wait3A_1277 = tpu.memref_squeeze %dma_wait3A_1276 : memref<1x5x128xi32, #tpu.memory_space<vmem>> -> memref<5x128xi32, #tpu.memory_space<vmem>>
          %dma_wait3A_1278 = arith.constant 0 : i32
          %dma_wait3A_1279 = arith.constant 0 : i32
          %dma_wait3A_1280 = tpu.memref_slice %arg3[%scan3A_283, %dma_wait3A_1278, %dma_wait3A_1279] : memref<2x2560x128xi32, #tpu.memory_space<hbm>> -> memref<1x2560x128xi32, #tpu.memory_space<hbm>>
          %dma_wait3A_1281 = tpu.memref_squeeze %dma_wait3A_1280 : memref<1x2560x128xi32, #tpu.memory_space<hbm>> -> memref<2560x128xi32, #tpu.memory_space<hbm>>
          %dma_wait3A_1282 = arith.constant 0 : i32
          %dma_wait3A_1283 = tpu.memref_slice %dma_wait3A_1281[%add3A_1115, %dma_wait3A_1282] : memref<2560x128xi32, #tpu.memory_space<hbm>> -> memref<5x128xi32, #tpu.memory_space<hbm>>
          %dma_wait3A_1284 = arith.constant 0 : i32
          %dma_wait3A_1285 = arith.constant 0 : i32
          %dma_wait3A_1286 = tpu.memref_slice %arg7[%run_scoped3A_1117, %dma_wait3A_1284, %dma_wait3A_1285] : memref<2x5x128xi32, #tpu.memory_space<vmem>> -> memref<1x5x128xi32, #tpu.memory_space<vmem>>
          %dma_wait3A_1287 = tpu.memref_squeeze %dma_wait3A_1286 : memref<1x5x128xi32, #tpu.memory_space<vmem>> -> memref<5x128xi32, #tpu.memory_space<vmem>>
          %dma_wait3A_1288 = arith.constant 0 : i32
          %dma_wait3A_1289 = arith.constant 0 : i32
          %dma_wait3A_1290 = tpu.memref_slice %arg3[%scan3A_283, %dma_wait3A_1288, %dma_wait3A_1289] : memref<2x2560x128xi32, #tpu.memory_space<hbm>> -> memref<1x2560x128xi32, #tpu.memory_space<hbm>>
          %dma_wait3A_1291 = tpu.memref_squeeze %dma_wait3A_1290 : memref<1x2560x128xi32, #tpu.memory_space<hbm>> -> memref<2560x128xi32, #tpu.memory_space<hbm>>
          %dma_wait3A_1292 = arith.constant 0 : i32
          %dma_wait3A_1293 = tpu.memref_slice %dma_wait3A_1291[%add3A_1115, %dma_wait3A_1292] : memref<2560x128xi32, #tpu.memory_space<hbm>> -> memref<5x128xi32, #tpu.memory_space<hbm>>
          tpu.wait_dma2 semaphore(%run_scoped3A_1253 : memref<!tpu.dma_semaphore, #tpu.memory_space<semaphore_mem>>) src(%dma_wait3A_1293 : memref<5x128xi32, #tpu.memory_space<hbm>>) dst(%dma_wait3A_1287 : memref<5x128xi32, #tpu.memory_space<vmem>>)
          tpu.yield
        }) : () -> ()
        %dma_start3A_1118 = arith.constant 1 : i32
        %dma_start3A_1119 = arith.constant 0 : i32
        %dma_start3A_1120 = arith.constant 1 : i32
        %dma_start3A_1121 = arith.constant 0 : i32
        %dma_start3A_1122 = arith.constant 0 : i32
        %dma_start3A_1123 = arith.constant 0 : i32
        %dma_start3A_1124 = arith.constant 0 : i32
        %dma_start3A_1125 = tpu.memref_slice %arg8[%dma_start3A_1120, %dma_start3A_1122, %dma_start3A_1123, %dma_start3A_1124] : memref<2x5x128x64xf32, #tpu.memory_space<vmem>> -> memref<1x5x128x64xf32, #tpu.memory_space<vmem>>
        %dma_start3A_1126 = tpu.memref_squeeze %dma_start3A_1125 : memref<1x5x128x64xf32, #tpu.memory_space<vmem>> -> memref<5x128x64xf32, #tpu.memory_space<vmem>>
        %dma_start3A_1127 = arith.constant 0 : i32
        %dma_start3A_1128 = arith.constant 0 : i32
        %dma_start3A_1129 = tpu.memref_slice %dma_start3A_1126[%dma_start3A_1121, %dma_start3A_1127, %dma_start3A_1128] : memref<5x128x64xf32, #tpu.memory_space<vmem>> -> memref<1x128x64xf32, #tpu.memory_space<vmem>>
        %dma_start3A_1130 = tpu.memref_squeeze %dma_start3A_1129 : memref<1x128x64xf32, #tpu.memory_space<vmem>> -> memref<128x64xf32, #tpu.memory_space<vmem>>
        %dma_start3A_1131 = arith.constant 0 : i32
        %dma_start3A_1132 = arith.constant 0 : i32
        %dma_start3A_1133 = tpu.memref_slice %arg6[%dma_start3A_1118, %dma_start3A_1131, %dma_start3A_1132] : memref<2x5x128xi32, #tpu.memory_space<vmem>> -> memref<1x5x128xi32, #tpu.memory_space<vmem>>
        %dma_start3A_1134 = tpu.memref_squeeze %dma_start3A_1133 : memref<1x5x128xi32, #tpu.memory_space<vmem>> -> memref<5x128xi32, #tpu.memory_space<vmem>>
        %dma_start3A_1135 = arith.constant 0 : i32
        %dma_start3A_1136 = tpu.memref_slice %dma_start3A_1134[%dma_start3A_1119, %dma_start3A_1135] : memref<5x128xi32, #tpu.memory_space<vmem>> -> memref<1x128xi32, #tpu.memory_space<vmem>>
        %dma_start3A_1137 = tpu.memref_squeeze %dma_start3A_1136 : memref<1x128xi32, #tpu.memory_space<vmem>> -> memref<128xi32, #tpu.memory_space<vmem>>
        %dma_start3A_1138 = arith.constant 0 : i32
        %dma_start3A_1139 = arith.constant 0 : i32
        %dma_start3A_1140 = tpu.memref_slice %arg2[%arg0, %dma_start3A_1138, %dma_start3A_1139] : memref<2x10000x64xf32, #tpu.memory_space<hbm>> -> memref<1x10000x64xf32, #tpu.memory_space<hbm>>
        %dma_start3A_1141 = tpu.memref_squeeze %dma_start3A_1140 : memref<1x10000x64xf32, #tpu.memory_space<hbm>> -> memref<10000x64xf32, #tpu.memory_space<hbm>>
        %dma_start3A_1142 = arith.constant 0 : i32
        %dma_start3A_1143 = arith.constant 0 : i32
        %dma_start3A_1144 = tpu.memref_slice %dma_start3A_1141[%dma_start3A_1142, %dma_start3A_1143] : memref<10000x64xf32, #tpu.memory_space<hbm>> -> memref<10000x64xf32, #tpu.memory_space<hbm>>
        tpu.enqueue_indirect_dma source(%dma_start3A_1144 : memref<10000x64xf32, #tpu.memory_space<hbm>>) target(%dma_start3A_1130 : memref<128x64xf32, #tpu.memory_space<vmem>>) offsets(%dma_start3A_1137 : memref<128xi32, #tpu.memory_space<vmem>>) semaphore(%arg11 : memref<!tpu.dma_semaphore, #tpu.memory_space<semaphore_mem>>)
        %dma_start3A_1145 = arith.constant 1 : i32
        %dma_start3A_1146 = arith.constant 1 : i32
        %dma_start3A_1147 = arith.constant 1 : i32
        %dma_start3A_1148 = arith.constant 1 : i32
        %dma_start3A_1149 = arith.constant 0 : i32
        %dma_start3A_1150 = arith.constant 0 : i32
        %dma_start3A_1151 = arith.constant 0 : i32
        %dma_start3A_1152 = tpu.memref_slice %arg8[%dma_start3A_1147, %dma_start3A_1149, %dma_start3A_1150, %dma_start3A_1151] : memref<2x5x128x64xf32, #tpu.memory_space<vmem>> -> memref<1x5x128x64xf32, #tpu.memory_space<vmem>>
        %dma_start3A_1153 = tpu.memref_squeeze %dma_start3A_1152 : memref<1x5x128x64xf32, #tpu.memory_space<vmem>> -> memref<5x128x64xf32, #tpu.memory_space<vmem>>
        %dma_start3A_1154 = arith.constant 0 : i32
        %dma_start3A_1155 = arith.constant 0 : i32
        %dma_start3A_1156 = tpu.memref_slice %dma_start3A_1153[%dma_start3A_1148, %dma_start3A_1154, %dma_start3A_1155] : memref<5x128x64xf32, #tpu.memory_space<vmem>> -> memref<1x128x64xf32, #tpu.memory_space<vmem>>
        %dma_start3A_1157 = tpu.memref_squeeze %dma_start3A_1156 : memref<1x128x64xf32, #tpu.memory_space<vmem>> -> memref<128x64xf32, #tpu.memory_space<vmem>>
        %dma_start3A_1158 = arith.constant 0 : i32
        %dma_start3A_1159 = arith.constant 0 : i32
        %dma_start3A_1160 = tpu.memref_slice %arg6[%dma_start3A_1145, %dma_start3A_1158, %dma_start3A_1159] : memref<2x5x128xi32, #tpu.memory_space<vmem>> -> memref<1x5x128xi32, #tpu.memory_space<vmem>>
        %dma_start3A_1161 = tpu.memref_squeeze %dma_start3A_1160 : memref<1x5x128xi32, #tpu.memory_space<vmem>> -> memref<5x128xi32, #tpu.memory_space<vmem>>
        %dma_start3A_1162 = arith.constant 0 : i32
        %dma_start3A_1163 = tpu.memref_slice %dma_start3A_1161[%dma_start3A_1146, %dma_start3A_1162] : memref<5x128xi32, #tpu.memory_space<vmem>> -> memref<1x128xi32, #tpu.memory_space<vmem>>
        %dma_start3A_1164 = tpu.memref_squeeze %dma_start3A_1163 : memref<1x128xi32, #tpu.memory_space<vmem>> -> memref<128xi32, #tpu.memory_space<vmem>>
        %dma_start3A_1165 = arith.constant 0 : i32
        %dma_start3A_1166 = arith.constant 0 : i32
        %dma_start3A_1167 = tpu.memref_slice %arg2[%arg0, %dma_start3A_1165, %dma_start3A_1166] : memref<2x10000x64xf32, #tpu.memory_space<hbm>> -> memref<1x10000x64xf32, #tpu.memory_space<hbm>>
        %dma_start3A_1168 = tpu.memref_squeeze %dma_start3A_1167 : memref<1x10000x64xf32, #tpu.memory_space<hbm>> -> memref<10000x64xf32, #tpu.memory_space<hbm>>
        %dma_start3A_1169 = arith.constant 0 : i32
        %dma_start3A_1170 = arith.constant 0 : i32
        %dma_start3A_1171 = tpu.memref_slice %dma_start3A_1168[%dma_start3A_1169, %dma_start3A_1170] : memref<10000x64xf32, #tpu.memory_space<hbm>> -> memref<10000x64xf32, #tpu.memory_space<hbm>>
        tpu.enqueue_indirect_dma source(%dma_start3A_1171 : memref<10000x64xf32, #tpu.memory_space<hbm>>) target(%dma_start3A_1157 : memref<128x64xf32, #tpu.memory_space<vmem>>) offsets(%dma_start3A_1164 : memref<128xi32, #tpu.memory_space<vmem>>) semaphore(%arg11 : memref<!tpu.dma_semaphore, #tpu.memory_space<semaphore_mem>>)
        %dma_start3A_1172 = arith.constant 1 : i32
        %dma_start3A_1173 = arith.constant 2 : i32
        %dma_start3A_1174 = arith.constant 1 : i32
        %dma_start3A_1175 = arith.constant 2 : i32
        %dma_start3A_1176 = arith.constant 0 : i32
        %dma_start3A_1177 = arith.constant 0 : i32
        %dma_start3A_1178 = arith.constant 0 : i32
        %dma_start3A_1179 = tpu.memref_slice %arg8[%dma_start3A_1174, %dma_start3A_1176, %dma_start3A_1177, %dma_start3A_1178] : memref<2x5x128x64xf32, #tpu.memory_space<vmem>> -> memref<1x5x128x64xf32, #tpu.memory_space<vmem>>
        %dma_start3A_1180 = tpu.memref_squeeze %dma_start3A_1179 : memref<1x5x128x64xf32, #tpu.memory_space<vmem>> -> memref<5x128x64xf32, #tpu.memory_space<vmem>>
        %dma_start3A_1181 = arith.constant 0 : i32
        %dma_start3A_1182 = arith.constant 0 : i32
        %dma_start3A_1183 = tpu.memref_slice %dma_start3A_1180[%dma_start3A_1175, %dma_start3A_1181, %dma_start3A_1182] : memref<5x128x64xf32, #tpu.memory_space<vmem>> -> memref<1x128x64xf32, #tpu.memory_space<vmem>>
        %dma_start3A_1184 = tpu.memref_squeeze %dma_start3A_1183 : memref<1x128x64xf32, #tpu.memory_space<vmem>> -> memref<128x64xf32, #tpu.memory_space<vmem>>
        %dma_start3A_1185 = arith.constant 0 : i32
        %dma_start3A_1186 = arith.constant 0 : i32
        %dma_start3A_1187 = tpu.memref_slice %arg6[%dma_start3A_1172, %dma_start3A_1185, %dma_start3A_1186] : memref<2x5x128xi32, #tpu.memory_space<vmem>> -> memref<1x5x128xi32, #tpu.memory_space<vmem>>
        %dma_start3A_1188 = tpu.memref_squeeze %dma_start3A_1187 : memref<1x5x128xi32, #tpu.memory_space<vmem>> -> memref<5x128xi32, #tpu.memory_space<vmem>>
        %dma_start3A_1189 = arith.constant 0 : i32
        %dma_start3A_1190 = tpu.memref_slice %dma_start3A_1188[%dma_start3A_1173, %dma_start3A_1189] : memref<5x128xi32, #tpu.memory_space<vmem>> -> memref<1x128xi32, #tpu.memory_space<vmem>>
        %dma_start3A_1191 = tpu.memref_squeeze %dma_start3A_1190 : memref<1x128xi32, #tpu.memory_space<vmem>> -> memref<128xi32, #tpu.memory_space<vmem>>
        %dma_start3A_1192 = arith.constant 0 : i32
        %dma_start3A_1193 = arith.constant 0 : i32
        %dma_start3A_1194 = tpu.memref_slice %arg2[%arg0, %dma_start3A_1192, %dma_start3A_1193] : memref<2x10000x64xf32, #tpu.memory_space<hbm>> -> memref<1x10000x64xf32, #tpu.memory_space<hbm>>
        %dma_start3A_1195 = tpu.memref_squeeze %dma_start3A_1194 : memref<1x10000x64xf32, #tpu.memory_space<hbm>> -> memref<10000x64xf32, #tpu.memory_space<hbm>>
        %dma_start3A_1196 = arith.constant 0 : i32
        %dma_start3A_1197 = arith.constant 0 : i32
        %dma_start3A_1198 = tpu.memref_slice %dma_start3A_1195[%dma_start3A_1196, %dma_start3A_1197] : memref<10000x64xf32, #tpu.memory_space<hbm>> -> memref<10000x64xf32, #tpu.memory_space<hbm>>
        tpu.enqueue_indirect_dma source(%dma_start3A_1198 : memref<10000x64xf32, #tpu.memory_space<hbm>>) target(%dma_start3A_1184 : memref<128x64xf32, #tpu.memory_space<vmem>>) offsets(%dma_start3A_1191 : memref<128xi32, #tpu.memory_space<vmem>>) semaphore(%arg11 : memref<!tpu.dma_semaphore, #tpu.memory_space<semaphore_mem>>)
        %dma_start3A_1199 = arith.constant 1 : i32
        %dma_start3A_1200 = arith.constant 3 : i32
        %dma_start3A_1201 = arith.constant 1 : i32
        %dma_start3A_1202 = arith.constant 3 : i32
        %dma_start3A_1203 = arith.constant 0 : i32
        %dma_start3A_1204 = arith.constant 0 : i32
        %dma_start3A_1205 = arith.constant 0 : i32
        %dma_start3A_1206 = tpu.memref_slice %arg8[%dma_start3A_1201, %dma_start3A_1203, %dma_start3A_1204, %dma_start3A_1205] : memref<2x5x128x64xf32, #tpu.memory_space<vmem>> -> memref<1x5x128x64xf32, #tpu.memory_space<vmem>>
        %dma_start3A_1207 = tpu.memref_squeeze %dma_start3A_1206 : memref<1x5x128x64xf32, #tpu.memory_space<vmem>> -> memref<5x128x64xf32, #tpu.memory_space<vmem>>
        %dma_start3A_1208 = arith.constant 0 : i32
        %dma_start3A_1209 = arith.constant 0 : i32
        %dma_start3A_1210 = tpu.memref_slice %dma_start3A_1207[%dma_start3A_1202, %dma_start3A_1208, %dma_start3A_1209] : memref<5x128x64xf32, #tpu.memory_space<vmem>> -> memref<1x128x64xf32, #tpu.memory_space<vmem>>
        %dma_start3A_1211 = tpu.memref_squeeze %dma_start3A_1210 : memref<1x128x64xf32, #tpu.memory_space<vmem>> -> memref<128x64xf32, #tpu.memory_space<vmem>>
        %dma_start3A_1212 = arith.constant 0 : i32
        %dma_start3A_1213 = arith.constant 0 : i32
        %dma_start3A_1214 = tpu.memref_slice %arg6[%dma_start3A_1199, %dma_start3A_1212, %dma_start3A_1213] : memref<2x5x128xi32, #tpu.memory_space<vmem>> -> memref<1x5x128xi32, #tpu.memory_space<vmem>>
        %dma_start3A_1215 = tpu.memref_squeeze %dma_start3A_1214 : memref<1x5x128xi32, #tpu.memory_space<vmem>> -> memref<5x128xi32, #tpu.memory_space<vmem>>
        %dma_start3A_1216 = arith.constant 0 : i32
        %dma_start3A_1217 = tpu.memref_slice %dma_start3A_1215[%dma_start3A_1200, %dma_start3A_1216] : memref<5x128xi32, #tpu.memory_space<vmem>> -> memref<1x128xi32, #tpu.memory_space<vmem>>
        %dma_start3A_1218 = tpu.memref_squeeze %dma_start3A_1217 : memref<1x128xi32, #tpu.memory_space<vmem>> -> memref<128xi32, #tpu.memory_space<vmem>>
        %dma_start3A_1219 = arith.constant 0 : i32
        %dma_start3A_1220 = arith.constant 0 : i32
        %dma_start3A_1221 = tpu.memref_slice %arg2[%arg0, %dma_start3A_1219, %dma_start3A_1220] : memref<2x10000x64xf32, #tpu.memory_space<hbm>> -> memref<1x10000x64xf32, #tpu.memory_space<hbm>>
        %dma_start3A_1222 = tpu.memref_squeeze %dma_start3A_1221 : memref<1x10000x64xf32, #tpu.memory_space<hbm>> -> memref<10000x64xf32, #tpu.memory_space<hbm>>
        %dma_start3A_1223 = arith.constant 0 : i32
        %dma_start3A_1224 = arith.constant 0 : i32
        %dma_start3A_1225 = tpu.memref_slice %dma_start3A_1222[%dma_start3A_1223, %dma_start3A_1224] : memref<10000x64xf32, #tpu.memory_space<hbm>> -> memref<10000x64xf32, #tpu.memory_space<hbm>>
        tpu.enqueue_indirect_dma source(%dma_start3A_1225 : memref<10000x64xf32, #tpu.memory_space<hbm>>) target(%dma_start3A_1211 : memref<128x64xf32, #tpu.memory_space<vmem>>) offsets(%dma_start3A_1218 : memref<128xi32, #tpu.memory_space<vmem>>) semaphore(%arg11 : memref<!tpu.dma_semaphore, #tpu.memory_space<semaphore_mem>>)
        %dma_start3A_1226 = arith.constant 1 : i32
        %dma_start3A_1227 = arith.constant 4 : i32
        %dma_start3A_1228 = arith.constant 1 : i32
        %dma_start3A_1229 = arith.constant 4 : i32
        %dma_start3A_1230 = arith.constant 0 : i32
        %dma_start3A_1231 = arith.constant 0 : i32
        %dma_start3A_1232 = arith.constant 0 : i32
        %dma_start3A_1233 = tpu.memref_slice %arg8[%dma_start3A_1228, %dma_start3A_1230, %dma_start3A_1231, %dma_start3A_1232] : memref<2x5x128x64xf32, #tpu.memory_space<vmem>> -> memref<1x5x128x64xf32, #tpu.memory_space<vmem>>
        %dma_start3A_1234 = tpu.memref_squeeze %dma_start3A_1233 : memref<1x5x128x64xf32, #tpu.memory_space<vmem>> -> memref<5x128x64xf32, #tpu.memory_space<vmem>>
        %dma_start3A_1235 = arith.constant 0 : i32
        %dma_start3A_1236 = arith.constant 0 : i32
        %dma_start3A_1237 = tpu.memref_slice %dma_start3A_1234[%dma_start3A_1229, %dma_start3A_1235, %dma_start3A_1236] : memref<5x128x64xf32, #tpu.memory_space<vmem>> -> memref<1x128x64xf32, #tpu.memory_space<vmem>>
        %dma_start3A_1238 = tpu.memref_squeeze %dma_start3A_1237 : memref<1x128x64xf32, #tpu.memory_space<vmem>> -> memref<128x64xf32, #tpu.memory_space<vmem>>
        %dma_start3A_1239 = arith.constant 0 : i32
        %dma_start3A_1240 = arith.constant 0 : i32
        %dma_start3A_1241 = tpu.memref_slice %arg6[%dma_start3A_1226, %dma_start3A_1239, %dma_start3A_1240] : memref<2x5x128xi32, #tpu.memory_space<vmem>> -> memref<1x5x128xi32, #tpu.memory_space<vmem>>
        %dma_start3A_1242 = tpu.memref_squeeze %dma_start3A_1241 : memref<1x5x128xi32, #tpu.memory_space<vmem>> -> memref<5x128xi32, #tpu.memory_space<vmem>>
        %dma_start3A_1243 = arith.constant 0 : i32
        %dma_start3A_1244 = tpu.memref_slice %dma_start3A_1242[%dma_start3A_1227, %dma_start3A_1243] : memref<5x128xi32, #tpu.memory_space<vmem>> -> memref<1x128xi32, #tpu.memory_space<vmem>>
        %dma_start3A_1245 = tpu.memref_squeeze %dma_start3A_1244 : memref<1x128xi32, #tpu.memory_space<vmem>> -> memref<128xi32, #tpu.memory_space<vmem>>
        %dma_start3A_1246 = arith.constant 0 : i32
        %dma_start3A_1247 = arith.constant 0 : i32
        %dma_start3A_1248 = tpu.memref_slice %arg2[%arg0, %dma_start3A_1246, %dma_start3A_1247] : memref<2x10000x64xf32, #tpu.memory_space<hbm>> -> memref<1x10000x64xf32, #tpu.memory_space<hbm>>
        %dma_start3A_1249 = tpu.memref_squeeze %dma_start3A_1248 : memref<1x10000x64xf32, #tpu.memory_space<hbm>> -> memref<10000x64xf32, #tpu.memory_space<hbm>>
        %dma_start3A_1250 = arith.constant 0 : i32
        %dma_start3A_1251 = arith.constant 0 : i32
        %dma_start3A_1252 = tpu.memref_slice %dma_start3A_1249[%dma_start3A_1250, %dma_start3A_1251] : memref<10000x64xf32, #tpu.memory_space<hbm>> -> memref<10000x64xf32, #tpu.memory_space<hbm>>
        tpu.enqueue_indirect_dma source(%dma_start3A_1252 : memref<10000x64xf32, #tpu.memory_space<hbm>>) target(%dma_start3A_1238 : memref<128x64xf32, #tpu.memory_space<vmem>>) offsets(%dma_start3A_1245 : memref<128xi32, #tpu.memory_space<vmem>>) semaphore(%arg11 : memref<!tpu.dma_semaphore, #tpu.memory_space<semaphore_mem>>)
      } else {
      }
    }
    %scan3A_288 = arith.constant 16 : i32
    %barrier3A_289 = arith.constant 0 : index
    tpu.barrier barrier_id(%barrier3A_289)
    %mul3A_290 = arith.constant 64 : i32
    %mul3A_291 = arith.muli %arg0, %mul3A_290 : i32
    "tpu.region"() ({
      %run_scoped3A_292 = tpu.sem_alloc : memref<!tpu.dma_semaphore, #tpu.memory_space<semaphore_mem>>
      %dma_start3A_293 = tpu.memref_slice %arg5[%mul3A_0, %mul3A_291] : memref<10000x128xf32, #tpu.memory_space<hbm>> -> memref<640x64xf32, #tpu.memory_space<hbm>>
      %dma_start3A_294 = arith.constant 0 : i32
      %dma_start3A_295 = tpu.memref_slice %arg9[%mul3A_0, %dma_start3A_294] : memref<10512x64xf32, #tpu.memory_space<vmem_shared>> -> memref<640x64xf32, #tpu.memory_space<vmem_shared>>
      tpu.enqueue_dma source(%dma_start3A_295 : memref<640x64xf32, #tpu.memory_space<vmem_shared>>) target(%dma_start3A_293 : memref<640x64xf32, #tpu.memory_space<hbm>>) target_semaphore(%run_scoped3A_292 : memref<!tpu.dma_semaphore, #tpu.memory_space<semaphore_mem>>)
      %dma_wait3A = tpu.memref_slice %arg5[%mul3A_0, %mul3A_291] : memref<10000x128xf32, #tpu.memory_space<hbm>> -> memref<640x64xf32, #tpu.memory_space<hbm>>
      %dma_wait3A_296 = arith.constant 0 : i32
      %dma_wait3A_297 = tpu.memref_slice %arg9[%mul3A_0, %dma_wait3A_296] : memref<10512x64xf32, #tpu.memory_space<vmem_shared>> -> memref<640x64xf32, #tpu.memory_space<vmem_shared>>
      tpu.wait_dma2 semaphore(%run_scoped3A_292 : memref<!tpu.dma_semaphore, #tpu.memory_space<semaphore_mem>>) src(%dma_wait3A_297 : memref<640x64xf32, #tpu.memory_space<vmem_shared>>) dst(%dma_wait3A : memref<640x64xf32, #tpu.memory_space<hbm>>)
      tpu.yield
    }) : () -> ()
    return
  }
}

module attributes {stable_mosaic.version = 14 : i64} {
  func.func @body(%arg0: memref<2x10000x64xf32, #tpu.memory_space<vmem>>, %arg1: memref<10000x128xf32, #tpu.memory_space<vmem>>, %arg2: memref<10000x1xi32, #tpu.memory_space<vmem>>, %arg3: memref<1x10000xi32, #tpu.memory_space<vmem>>, %arg4: memref<128x128xf32, #tpu.memory_space<vmem>>, %arg5: memref<1x128xf32, #tpu.memory_space<vmem>>, %arg6: memref<128x128xf32, #tpu.memory_space<vmem>>, %arg7: memref<1x128xf32, #tpu.memory_space<vmem>>, %arg8: memref<128x128xf32, #tpu.memory_space<vmem>>, %arg9: memref<1x128xf32, #tpu.memory_space<vmem>>, %arg10: memref<1x128xf32, #tpu.memory_space<vmem>>, %arg11: memref<1x128xf32, #tpu.memory_space<vmem>>, %arg12: memref<2x10000x64xf32, #tpu.memory_space<vmem>>) attributes {dimension_semantics = [], scalar_prefetch = 0 : i64, scratch_operands = 0 : i64, tpu.core_type = #tpu.core_type<tc>} {
    %get3A = arith.constant 0 : index
    %get3A_0 = arith.constant 0 : index
    %get3A_1 = arith.constant 0 : index
    %get3A_2 = vector.load %arg0[%get3A, %get3A_0, %get3A_1] : memref<2x10000x64xf32, #tpu.memory_space<vmem>>, vector<1x10000x64xf32>
    %get3A_3 = vector.shape_cast %get3A_2 : vector<1x10000x64xf32> to vector<10000x64xf32>
    %get3A_4 = arith.constant 1 : index
    %get3A_5 = arith.constant 0 : index
    %get3A_6 = arith.constant 0 : index
    %get3A_7 = vector.load %arg0[%get3A_4, %get3A_5, %get3A_6] : memref<2x10000x64xf32, #tpu.memory_space<vmem>>, vector<1x10000x64xf32>
    %get3A_8 = vector.shape_cast %get3A_7 : vector<1x10000x64xf32> to vector<10000x64xf32>
    %concatenate3A = tpu.concatenate %get3A_3, %get3A_8 in 1 : vector<10000x64xf32>, vector<10000x64xf32> -> vector<10000x128xf32>
    %get3A_9 = arith.constant 0 : index
    %get3A_10 = arith.constant 0 : index
    %get3A_11 = vector.load %arg1[%get3A_9, %get3A_10] : memref<10000x128xf32, #tpu.memory_space<vmem>>, vector<10000x128xf32>
    %get3A_12 = arith.constant 0 : index
    %get3A_13 = arith.constant 0 : index
    %get3A_14 = vector.load %arg2[%get3A_12, %get3A_13] : memref<10000x1xi32, #tpu.memory_space<vmem>>, vector<10000x1xi32>
    %iota3A = tpu.iota {dimensions = array<i32: 1>} : vector<10000x64xi32>
    %eq3A = vector.broadcast %get3A_14 : vector<10000x1xi32> to vector<10000x64xi32>
    %eq3A_15 = arith.cmpi eq, %eq3A, %iota3A : vector<10000x64xi32>
    %convert_element_type3A = arith.extui %eq3A_15 : vector<10000x64xi1> to vector<10000x64xi32>
    %convert_element_type3A_16 = arith.sitofp %convert_element_type3A : vector<10000x64xi32> to vector<10000x64xf32>
    %get3A_17 = arith.constant 0 : index
    %get3A_18 = arith.constant 0 : index
    %get3A_19 = vector.load %arg3[%get3A_17, %get3A_18] : memref<1x10000xi32, #tpu.memory_space<vmem>>, vector<1x10000xi32>
    %iota3A_20 = tpu.iota {dimensions = array<i32: 0>} : vector<64x10000xi32>
    %eq3A_21 = vector.broadcast %get3A_19 : vector<1x10000xi32> to vector<64x10000xi32>
    %eq3A_22 = arith.cmpi eq, %eq3A_21, %iota3A_20 : vector<64x10000xi32>
    %convert_element_type3A_23 = arith.extui %eq3A_22 : vector<64x10000xi1> to vector<64x10000xi32>
    %convert_element_type3A_24 = arith.sitofp %convert_element_type3A_23 : vector<64x10000xi32> to vector<64x10000xf32>
    %dot_general3A = arith.constant dense<0.000000e+00> : vector<64x128xf32>
    %dot_general3A_25 = tpu.matmul %convert_element_type3A_24, %concatenate3A, %dot_general3A {dimension_numbers = #tpu.dot_dimension_numbers<[1], [0], [0], [1], [0, 0, 1, 1], [], []>, transpose_lhs_hint = false} : vector<64x10000xf32>, vector<10000x128xf32>, vector<64x128xf32> -> vector<64x128xf32>
    %get3A_26 = arith.constant 0 : index
    %get3A_27 = arith.constant 0 : index
    %get3A_28 = vector.load %arg8[%get3A_26, %get3A_27] : memref<128x128xf32, #tpu.memory_space<vmem>>, vector<128x128xf32>
    %dot_general3A_29 = arith.constant dense<0.000000e+00> : vector<64x128xf32>
    %dot_general3A_30 = tpu.matmul %dot_general3A_25, %get3A_28, %dot_general3A_29 {dimension_numbers = #tpu.dot_dimension_numbers<[1], [0], [0], [1], [0, 0, 1, 1], [], []>, transpose_lhs_hint = false} : vector<64x128xf32>, vector<128x128xf32>, vector<64x128xf32> -> vector<64x128xf32>
    %get3A_31 = arith.constant 0 : index
    %get3A_32 = arith.constant 0 : index
    %get3A_33 = vector.load %arg4[%get3A_31, %get3A_32] : memref<128x128xf32, #tpu.memory_space<vmem>>, vector<128x128xf32>
    %dot_general3A_34 = arith.constant dense<0.000000e+00> : vector<10000x128xf32>
    %dot_general3A_35 = tpu.matmul %concatenate3A, %get3A_33, %dot_general3A_34 {dimension_numbers = #tpu.dot_dimension_numbers<[1], [0], [0], [1], [0, 0, 1, 1], [], []>, transpose_lhs_hint = false} : vector<10000x128xf32>, vector<128x128xf32>, vector<10000x128xf32> -> vector<10000x128xf32>
    %get3A_36 = arith.constant 0 : index
    %get3A_37 = arith.constant 0 : index
    %get3A_38 = vector.load %arg6[%get3A_36, %get3A_37] : memref<128x128xf32, #tpu.memory_space<vmem>>, vector<128x128xf32>
    %dot_general3A_39 = arith.constant dense<0.000000e+00> : vector<10000x128xf32>
    %dot_general3A_40 = tpu.matmul %get3A_11, %get3A_38, %dot_general3A_39 {dimension_numbers = #tpu.dot_dimension_numbers<[1], [0], [0], [1], [0, 0, 1, 1], [], []>, transpose_lhs_hint = false} : vector<10000x128xf32>, vector<128x128xf32>, vector<10000x128xf32> -> vector<10000x128xf32>
    %add3A = arith.addf %dot_general3A_35, %dot_general3A_40 : vector<10000x128xf32>
    %dot_general3A_41 = arith.constant dense<0.000000e+00> : vector<10000x128xf32>
    %dot_general3A_42 = tpu.matmul %convert_element_type3A_16, %dot_general3A_30, %dot_general3A_41 {dimension_numbers = #tpu.dot_dimension_numbers<[1], [0], [0], [1], [0, 0, 1, 1], [], []>, transpose_lhs_hint = false} : vector<10000x64xf32>, vector<64x128xf32>, vector<10000x128xf32> -> vector<10000x128xf32>
    %add3A_43 = arith.addf %add3A, %dot_general3A_42 : vector<10000x128xf32>
    %get3A_44 = arith.constant 0 : index
    %get3A_45 = arith.constant 0 : index
    %get3A_46 = vector.load %arg5[%get3A_44, %get3A_45] : memref<1x128xf32, #tpu.memory_space<vmem>>, vector<1x128xf32>
    %add3A_47 = vector.broadcast %get3A_46 : vector<1x128xf32> to vector<10000x128xf32>
    %add3A_48 = arith.addf %add3A_43, %add3A_47 : vector<10000x128xf32>
    %get3A_49 = arith.constant 0 : index
    %get3A_50 = arith.constant 0 : index
    %get3A_51 = vector.load %arg7[%get3A_49, %get3A_50] : memref<1x128xf32, #tpu.memory_space<vmem>>, vector<1x128xf32>
    %add3A_52 = vector.broadcast %get3A_51 : vector<1x128xf32> to vector<10000x128xf32>
    %add3A_53 = arith.addf %add3A_48, %add3A_52 : vector<10000x128xf32>
    %get3A_54 = arith.constant 0 : index
    %get3A_55 = arith.constant 0 : index
    %get3A_56 = vector.load %arg9[%get3A_54, %get3A_55] : memref<1x128xf32, #tpu.memory_space<vmem>>, vector<1x128xf32>
    %add3A_57 = vector.broadcast %get3A_56 : vector<1x128xf32> to vector<10000x128xf32>
    %add3A_58 = arith.addf %add3A_53, %add3A_57 : vector<10000x128xf32>
    %max3A = arith.constant 0.000000e+00 : f32
    %max3A_59 = vector.broadcast %max3A : f32 to vector<10000x128xf32>
    %max3A_60 = arith.maximumf %add3A_58, %max3A_59 : vector<10000x128xf32>
    %reduce_sum3A = arith.constant dense<0.000000e+00> : vector<128xf32>
    %reduce_sum3A_61 = vector.multi_reduction <add>, %max3A_60, %reduce_sum3A [0] : vector<10000x128xf32> to vector<128xf32>
    %broadcast_in_dim3A = vector.shape_cast %reduce_sum3A_61 : vector<128xf32> to vector<1x128xf32>
    %div3A = arith.constant 1.000000e+04 : f32
    %div3A_62 = vector.broadcast %div3A : f32 to vector<1x128xf32>
    %div3A_63 = arith.divf %broadcast_in_dim3A, %div3A_62 : vector<1x128xf32>
    %sub3A = vector.broadcast %div3A_63 : vector<1x128xf32> to vector<10000x128xf32>
    %sub3A_64 = arith.subf %max3A_60, %sub3A : vector<10000x128xf32>
    %sub3A_65 = vector.broadcast %div3A_63 : vector<1x128xf32> to vector<10000x128xf32>
    %sub3A_66 = arith.subf %max3A_60, %sub3A_65 : vector<10000x128xf32>
    %mul3A = arith.mulf %sub3A_64, %sub3A_66 : vector<10000x128xf32>
    %reduce_sum3A_67 = arith.constant dense<0.000000e+00> : vector<128xf32>
    %reduce_sum3A_68 = vector.multi_reduction <add>, %mul3A, %reduce_sum3A_67 [0] : vector<10000x128xf32> to vector<128xf32>
    %broadcast_in_dim3A_69 = vector.shape_cast %reduce_sum3A_68 : vector<128xf32> to vector<1x128xf32>
    %div3A_70 = arith.constant 1.000000e+04 : f32
    %div3A_71 = vector.broadcast %div3A_70 : f32 to vector<1x128xf32>
    %div3A_72 = arith.divf %broadcast_in_dim3A_69, %div3A_71 : vector<1x128xf32>
    %get3A_73 = arith.constant 0 : index
    %get3A_74 = arith.constant 0 : index
    %get3A_75 = vector.load %arg10[%get3A_73, %get3A_74] : memref<1x128xf32, #tpu.memory_space<vmem>>, vector<1x128xf32>
    %sub3A_76 = vector.broadcast %div3A_63 : vector<1x128xf32> to vector<10000x128xf32>
    %sub3A_77 = arith.subf %max3A_60, %sub3A_76 : vector<10000x128xf32>
    %mul3A_78 = vector.broadcast %get3A_75 : vector<1x128xf32> to vector<10000x128xf32>
    %mul3A_79 = arith.mulf %mul3A_78, %sub3A_77 : vector<10000x128xf32>
    %add3A_80 = arith.constant 9.99999974E-6 : f32
    %add3A_81 = vector.broadcast %add3A_80 : f32 to vector<1x128xf32>
    %add3A_82 = arith.addf %div3A_72, %add3A_81 : vector<1x128xf32>
    %rsqrt3A = math.rsqrt %add3A_82 : vector<1x128xf32>
    %mul3A_83 = vector.broadcast %rsqrt3A : vector<1x128xf32> to vector<10000x128xf32>
    %mul3A_84 = arith.mulf %mul3A_79, %mul3A_83 : vector<10000x128xf32>
    %get3A_85 = arith.constant 0 : index
    %get3A_86 = arith.constant 0 : index
    %get3A_87 = vector.load %arg11[%get3A_85, %get3A_86] : memref<1x128xf32, #tpu.memory_space<vmem>>, vector<1x128xf32>
    %add3A_88 = vector.broadcast %get3A_87 : vector<1x128xf32> to vector<10000x128xf32>
    %add3A_89 = arith.addf %mul3A_84, %add3A_88 : vector<10000x128xf32>
    %slice3A = vector.extract_strided_slice %add3A_89 {offsets = [0, 0], sizes = [10000, 64], strides = [1, 1]} : vector<10000x128xf32> to vector<10000x64xf32>
    %swap3A = arith.constant 0 : index
    %swap3A_90 = arith.constant 0 : index
    %swap3A_91 = arith.constant 0 : index
    %swap3A_92 = vector.load %arg12[%swap3A, %swap3A_90, %swap3A_91] : memref<2x10000x64xf32, #tpu.memory_space<vmem>>, vector<1x10000x64xf32>
    %swap3A_93 = vector.shape_cast %swap3A_92 : vector<1x10000x64xf32> to vector<10000x64xf32>
    %swap3A_94 = vector.shape_cast %slice3A : vector<10000x64xf32> to vector<1x10000x64xf32>
    tpu.vector_store %arg12[%swap3A, %swap3A_90, %swap3A_91], %swap3A_94 {strides = array<i32>} : memref<2x10000x64xf32, #tpu.memory_space<vmem>>, vector<1x10000x64xf32>,
    %slice3A_95 = vector.extract_strided_slice %add3A_89 {offsets = [0, 64], sizes = [10000, 64], strides = [1, 1]} : vector<10000x128xf32> to vector<10000x64xf32>
    %swap3A_96 = arith.constant 1 : index
    %swap3A_97 = arith.constant 0 : index
    %swap3A_98 = arith.constant 0 : index
    %swap3A_99 = vector.load %arg12[%swap3A_96, %swap3A_97, %swap3A_98] : memref<2x10000x64xf32, #tpu.memory_space<vmem>>, vector<1x10000x64xf32>
    %swap3A_100 = vector.shape_cast %swap3A_99 : vector<1x10000x64xf32> to vector<10000x64xf32>
    %swap3A_101 = vector.shape_cast %slice3A_95 : vector<10000x64xf32> to vector<1x10000x64xf32>
    tpu.vector_store %arg12[%swap3A_96, %swap3A_97, %swap3A_98], %swap3A_101 {strides = array<i32>} : memref<2x10000x64xf32, #tpu.memory_space<vmem>>, vector<1x10000x64xf32>,
    return
  }
}

module attributes {stable_mosaic.version = 14 : i64} {
  func.func @body(%arg0: memref<2x10000x64xf32, #tpu.memory_space<vmem>>, %arg1: memref<10000x128xf32, #tpu.memory_space<vmem>>, %arg2: memref<10000x1xi32, #tpu.memory_space<vmem>>, %arg3: memref<1x10000xi32, #tpu.memory_space<vmem>>, %arg4: memref<128x128xf32, #tpu.memory_space<vmem>>, %arg5: memref<1x128xf32, #tpu.memory_space<vmem>>, %arg6: memref<128x128xf32, #tpu.memory_space<vmem>>, %arg7: memref<1x128xf32, #tpu.memory_space<vmem>>, %arg8: memref<128x128xf32, #tpu.memory_space<vmem>>, %arg9: memref<1x128xf32, #tpu.memory_space<vmem>>, %arg10: memref<1x128xf32, #tpu.memory_space<vmem>>, %arg11: memref<1x128xf32, #tpu.memory_space<vmem>>, %arg12: memref<128x128xf32, #tpu.memory_space<vmem>>, %arg13: memref<1x128xf32, #tpu.memory_space<vmem>>, %arg14: memref<10000x128xf32, #tpu.memory_space<vmem>>) attributes {dimension_semantics = [], scalar_prefetch = 0 : i64, scratch_operands = 0 : i64, tpu.core_type = #tpu.core_type<tc>} {
    %get3A = arith.constant 0 : index
    %get3A_0 = arith.constant 0 : index
    %get3A_1 = arith.constant 0 : index
    %get3A_2 = vector.load %arg0[%get3A, %get3A_0, %get3A_1] : memref<2x10000x64xf32, #tpu.memory_space<vmem>>, vector<1x10000x64xf32>
    %get3A_3 = vector.shape_cast %get3A_2 : vector<1x10000x64xf32> to vector<10000x64xf32>
    %get3A_4 = arith.constant 1 : index
    %get3A_5 = arith.constant 0 : index
    %get3A_6 = arith.constant 0 : index
    %get3A_7 = vector.load %arg0[%get3A_4, %get3A_5, %get3A_6] : memref<2x10000x64xf32, #tpu.memory_space<vmem>>, vector<1x10000x64xf32>
    %get3A_8 = vector.shape_cast %get3A_7 : vector<1x10000x64xf32> to vector<10000x64xf32>
    %concatenate3A = tpu.concatenate %get3A_3, %get3A_8 in 1 : vector<10000x64xf32>, vector<10000x64xf32> -> vector<10000x128xf32>
    %get3A_9 = arith.constant 0 : index
    %get3A_10 = arith.constant 0 : index
    %get3A_11 = vector.load %arg1[%get3A_9, %get3A_10] : memref<10000x128xf32, #tpu.memory_space<vmem>>, vector<10000x128xf32>
    %get3A_12 = arith.constant 0 : index
    %get3A_13 = arith.constant 0 : index
    %get3A_14 = vector.load %arg2[%get3A_12, %get3A_13] : memref<10000x1xi32, #tpu.memory_space<vmem>>, vector<10000x1xi32>
    %iota3A = tpu.iota {dimensions = array<i32: 1>} : vector<10000x64xi32>
    %eq3A = vector.broadcast %get3A_14 : vector<10000x1xi32> to vector<10000x64xi32>
    %eq3A_15 = arith.cmpi eq, %eq3A, %iota3A : vector<10000x64xi32>
    %convert_element_type3A = arith.extui %eq3A_15 : vector<10000x64xi1> to vector<10000x64xi32>
    %convert_element_type3A_16 = arith.sitofp %convert_element_type3A : vector<10000x64xi32> to vector<10000x64xf32>
    %get3A_17 = arith.constant 0 : index
    %get3A_18 = arith.constant 0 : index
    %get3A_19 = vector.load %arg3[%get3A_17, %get3A_18] : memref<1x10000xi32, #tpu.memory_space<vmem>>, vector<1x10000xi32>
    %iota3A_20 = tpu.iota {dimensions = array<i32: 0>} : vector<64x10000xi32>
    %eq3A_21 = vector.broadcast %get3A_19 : vector<1x10000xi32> to vector<64x10000xi32>
    %eq3A_22 = arith.cmpi eq, %eq3A_21, %iota3A_20 : vector<64x10000xi32>
    %convert_element_type3A_23 = arith.extui %eq3A_22 : vector<64x10000xi1> to vector<64x10000xi32>
    %convert_element_type3A_24 = arith.sitofp %convert_element_type3A_23 : vector<64x10000xi32> to vector<64x10000xf32>
    %dot_general3A = arith.constant dense<0.000000e+00> : vector<64x128xf32>
    %dot_general3A_25 = tpu.matmul %convert_element_type3A_24, %concatenate3A, %dot_general3A {dimension_numbers = #tpu.dot_dimension_numbers<[1], [0], [0], [1], [0, 0, 1, 1], [], []>, transpose_lhs_hint = false} : vector<64x10000xf32>, vector<10000x128xf32>, vector<64x128xf32> -> vector<64x128xf32>
    %get3A_26 = arith.constant 0 : index
    %get3A_27 = arith.constant 0 : index
    %get3A_28 = vector.load %arg8[%get3A_26, %get3A_27] : memref<128x128xf32, #tpu.memory_space<vmem>>, vector<128x128xf32>
    %dot_general3A_29 = arith.constant dense<0.000000e+00> : vector<64x128xf32>
    %dot_general3A_30 = tpu.matmul %dot_general3A_25, %get3A_28, %dot_general3A_29 {dimension_numbers = #tpu.dot_dimension_numbers<[1], [0], [0], [1], [0, 0, 1, 1], [], []>, transpose_lhs_hint = false} : vector<64x128xf32>, vector<128x128xf32>, vector<64x128xf32> -> vector<64x128xf32>
    %get3A_31 = arith.constant 0 : index
    %get3A_32 = arith.constant 0 : index
    %get3A_33 = vector.load %arg4[%get3A_31, %get3A_32] : memref<128x128xf32, #tpu.memory_space<vmem>>, vector<128x128xf32>
    %dot_general3A_34 = arith.constant dense<0.000000e+00> : vector<10000x128xf32>
    %dot_general3A_35 = tpu.matmul %concatenate3A, %get3A_33, %dot_general3A_34 {dimension_numbers = #tpu.dot_dimension_numbers<[1], [0], [0], [1], [0, 0, 1, 1], [], []>, transpose_lhs_hint = false} : vector<10000x128xf32>, vector<128x128xf32>, vector<10000x128xf32> -> vector<10000x128xf32>
    %get3A_36 = arith.constant 0 : index
    %get3A_37 = arith.constant 0 : index
    %get3A_38 = vector.load %arg6[%get3A_36, %get3A_37] : memref<128x128xf32, #tpu.memory_space<vmem>>, vector<128x128xf32>
    %dot_general3A_39 = arith.constant dense<0.000000e+00> : vector<10000x128xf32>
    %dot_general3A_40 = tpu.matmul %get3A_11, %get3A_38, %dot_general3A_39 {dimension_numbers = #tpu.dot_dimension_numbers<[1], [0], [0], [1], [0, 0, 1, 1], [], []>, transpose_lhs_hint = false} : vector<10000x128xf32>, vector<128x128xf32>, vector<10000x128xf32> -> vector<10000x128xf32>
    %add3A = arith.addf %dot_general3A_35, %dot_general3A_40 : vector<10000x128xf32>
    %dot_general3A_41 = arith.constant dense<0.000000e+00> : vector<10000x128xf32>
    %dot_general3A_42 = tpu.matmul %convert_element_type3A_16, %dot_general3A_30, %dot_general3A_41 {dimension_numbers = #tpu.dot_dimension_numbers<[1], [0], [0], [1], [0, 0, 1, 1], [], []>, transpose_lhs_hint = false} : vector<10000x64xf32>, vector<64x128xf32>, vector<10000x128xf32> -> vector<10000x128xf32>
    %add3A_43 = arith.addf %add3A, %dot_general3A_42 : vector<10000x128xf32>
    %get3A_44 = arith.constant 0 : index
    %get3A_45 = arith.constant 0 : index
    %get3A_46 = vector.load %arg5[%get3A_44, %get3A_45] : memref<1x128xf32, #tpu.memory_space<vmem>>, vector<1x128xf32>
    %add3A_47 = vector.broadcast %get3A_46 : vector<1x128xf32> to vector<10000x128xf32>
    %add3A_48 = arith.addf %add3A_43, %add3A_47 : vector<10000x128xf32>
    %get3A_49 = arith.constant 0 : index
    %get3A_50 = arith.constant 0 : index
    %get3A_51 = vector.load %arg7[%get3A_49, %get3A_50] : memref<1x128xf32, #tpu.memory_space<vmem>>, vector<1x128xf32>
    %add3A_52 = vector.broadcast %get3A_51 : vector<1x128xf32> to vector<10000x128xf32>
    %add3A_53 = arith.addf %add3A_48, %add3A_52 : vector<10000x128xf32>
    %get3A_54 = arith.constant 0 : index
    %get3A_55 = arith.constant 0 : index
    %get3A_56 = vector.load %arg9[%get3A_54, %get3A_55] : memref<1x128xf32, #tpu.memory_space<vmem>>, vector<1x128xf32>
    %add3A_57 = vector.broadcast %get3A_56 : vector<1x128xf32> to vector<10000x128xf32>
    %add3A_58 = arith.addf %add3A_53, %add3A_57 : vector<10000x128xf32>
    %max3A = arith.constant 0.000000e+00 : f32
    %max3A_59 = vector.broadcast %max3A : f32 to vector<10000x128xf32>
    %max3A_60 = arith.maximumf %add3A_58, %max3A_59 : vector<10000x128xf32>
    %reduce_sum3A = arith.constant dense<0.000000e+00> : vector<128xf32>
    %reduce_sum3A_61 = vector.multi_reduction <add>, %max3A_60, %reduce_sum3A [0] : vector<10000x128xf32> to vector<128xf32>
    %broadcast_in_dim3A = vector.shape_cast %reduce_sum3A_61 : vector<128xf32> to vector<1x128xf32>
    %div3A = arith.constant 1.000000e+04 : f32
    %div3A_62 = vector.broadcast %div3A : f32 to vector<1x128xf32>
    %div3A_63 = arith.divf %broadcast_in_dim3A, %div3A_62 : vector<1x128xf32>
    %sub3A = vector.broadcast %div3A_63 : vector<1x128xf32> to vector<10000x128xf32>
    %sub3A_64 = arith.subf %max3A_60, %sub3A : vector<10000x128xf32>
    %sub3A_65 = vector.broadcast %div3A_63 : vector<1x128xf32> to vector<10000x128xf32>
    %sub3A_66 = arith.subf %max3A_60, %sub3A_65 : vector<10000x128xf32>
    %mul3A = arith.mulf %sub3A_64, %sub3A_66 : vector<10000x128xf32>
    %reduce_sum3A_67 = arith.constant dense<0.000000e+00> : vector<128xf32>
    %reduce_sum3A_68 = vector.multi_reduction <add>, %mul3A, %reduce_sum3A_67 [0] : vector<10000x128xf32> to vector<128xf32>
    %broadcast_in_dim3A_69 = vector.shape_cast %reduce_sum3A_68 : vector<128xf32> to vector<1x128xf32>
    %div3A_70 = arith.constant 1.000000e+04 : f32
    %div3A_71 = vector.broadcast %div3A_70 : f32 to vector<1x128xf32>
    %div3A_72 = arith.divf %broadcast_in_dim3A_69, %div3A_71 : vector<1x128xf32>
    %get3A_73 = arith.constant 0 : index
    %get3A_74 = arith.constant 0 : index
    %get3A_75 = vector.load %arg10[%get3A_73, %get3A_74] : memref<1x128xf32, #tpu.memory_space<vmem>>, vector<1x128xf32>
    %sub3A_76 = vector.broadcast %div3A_63 : vector<1x128xf32> to vector<10000x128xf32>
    %sub3A_77 = arith.subf %max3A_60, %sub3A_76 : vector<10000x128xf32>
    %mul3A_78 = vector.broadcast %get3A_75 : vector<1x128xf32> to vector<10000x128xf32>
    %mul3A_79 = arith.mulf %mul3A_78, %sub3A_77 : vector<10000x128xf32>
    %add3A_80 = arith.constant 9.99999974E-6 : f32
    %add3A_81 = vector.broadcast %add3A_80 : f32 to vector<1x128xf32>
    %add3A_82 = arith.addf %div3A_72, %add3A_81 : vector<1x128xf32>
    %rsqrt3A = math.rsqrt %add3A_82 : vector<1x128xf32>
    %mul3A_83 = vector.broadcast %rsqrt3A : vector<1x128xf32> to vector<10000x128xf32>
    %mul3A_84 = arith.mulf %mul3A_79, %mul3A_83 : vector<10000x128xf32>
    %get3A_85 = arith.constant 0 : index
    %get3A_86 = arith.constant 0 : index
    %get3A_87 = vector.load %arg11[%get3A_85, %get3A_86] : memref<1x128xf32, #tpu.memory_space<vmem>>, vector<1x128xf32>
    %add3A_88 = vector.broadcast %get3A_87 : vector<1x128xf32> to vector<10000x128xf32>
    %add3A_89 = arith.addf %mul3A_84, %add3A_88 : vector<10000x128xf32>
    %get3A_90 = arith.constant 0 : index
    %get3A_91 = arith.constant 0 : index
    %get3A_92 = vector.load %arg12[%get3A_90, %get3A_91] : memref<128x128xf32, #tpu.memory_space<vmem>>, vector<128x128xf32>
    %dot_general3A_93 = arith.constant dense<0.000000e+00> : vector<10000x128xf32>
    %dot_general3A_94 = tpu.matmul %add3A_89, %get3A_92, %dot_general3A_93 {dimension_numbers = #tpu.dot_dimension_numbers<[1], [0], [0], [1], [0, 0, 1, 1], [], []>, transpose_lhs_hint = false} : vector<10000x128xf32>, vector<128x128xf32>, vector<10000x128xf32> -> vector<10000x128xf32>
    %get3A_95 = arith.constant 0 : index
    %get3A_96 = arith.constant 0 : index
    %get3A_97 = vector.load %arg13[%get3A_95, %get3A_96] : memref<1x128xf32, #tpu.memory_space<vmem>>, vector<1x128xf32>
    %add3A_98 = vector.broadcast %get3A_97 : vector<1x128xf32> to vector<10000x128xf32>
    %add3A_99 = arith.addf %dot_general3A_94, %add3A_98 : vector<10000x128xf32>
    %swap3A = arith.constant 0 : index
    %swap3A_100 = arith.constant 0 : index
    %swap3A_101 = vector.load %arg14[%swap3A, %swap3A_100] : memref<10000x128xf32, #tpu.memory_space<vmem>>, vector<10000x128xf32>
    tpu.vector_store %arg14[%swap3A, %swap3A_100], %add3A_99 {strides = array<i32>} : memref<10000x128xf32, #tpu.memory_space<vmem>>, vector<10000x128xf32>,
    return
  }
}

</mosaic_0001>

<sc_bundles>
// kernel: kernel.6.cloned.1.call-start
scs
__scs_entry_jumppad:
0x0: {  	(pc) =	sbr.rel $0x88, $3  }
0x1: {  	(tag) =	ssettag $0x0;
	lr =	simm.s32 $0x1  }
0x2: {  	[smem:$0x3F8C] =	sst lr;
	_ =	strace $0xD0000000  }
0x3: {  	_ = 	snop  }
0x4: {  	_ = 	snop  }
0x5: {  	_ = 	snop  }
0x6: {  	_ = 	snop  }
0x7: {  	_ = 	snop  }
__scs_overlays_trampoline_lowered:
0x8: {  	[smem:$0x3F9B] =	sst s0  }
0x9: {  	[smem:$0x3F9C] =	sst s1  }
0xa: {  	[smem:$0x3F9D] =	sst s2  }
0xb: {  	[smem:$0x3F9E] =	sst s3  }
0xc: {  	[smem:$0x3F9F] =	sst s4  }
0xd: {  	[smem:$0x3FA0] =	sst s5  }
0xe: {  	[smem:$0x3FA1] =	sst s6  }
0xf: {  	[smem:$0x3FA2] =	sst s7  }
0x10: {  	[smem:$0x3FA3] =	sst s8  }
0x11: {  	[smem:$0x3FA4] =	sst s9;
	s0 =	simm.s32 @!p0 $0x0  }
0x12: {  	s1 =	sld [smem:$0x3F8A];
	s0 =	simm.s32 @p0 $0x1  }
0x13: {  	[smem:$0x3FA5] =	sst s0;
	s0 =	simm.s32 @!p1 $0x0  }
0x14: {  	s2 =	sld [smem:$0x3F89];
	s0 =	simm.s32 @p1 $0x1  }
0x15: {  	[smem:$0x3FA6] =	sst s0;
	s0 =	simm.s32 @!p2 $0x0  }
0x16: {  	s3 =	sld [smem:$0x3FDB];
	s0 =	simm.s32 @p2 $0x1  }
0x17: {  	s4 =	simm.s32 $0x1BF5;
	[smem:$0x3FA8] =	sst s0  }
0x18: {  	s0 =	sld [smem:$0x3F8B];
	_ =	swait.ge [sflag:s4], $0x0  }
0x19: {  	s7 =	sld [smem:$0x3F8C]  }
0x1a: {  	s8 =	sadd.s32 $0xFFFFE003, lr  }
0x1b: {  	s9 =	sadd.s32 $0xFFFFFEF7, lr;
	s5 =	simm.s32 $0xFFFFFFFF;
	p2 =	slt.u32 s8, $0xFFFFF086  }
0x1c: {  	p1 =	slt.u32 s9, $0xF7A;
	s5 =	simm.s32 @!p2 $0x0  }
0x1d: {  	s5 =	simm.s32 @p1 $0x1;
	p0 =	seq.s32 s7, s2  }
0x1e: {  	s7 =	smul.u32 @!p0 $0xF7A, s2;
	p2 =	seq.s32 @!p0 s5, $0x0  }
0x1f: {  	s9 =	smul.u32 $0xF7A, s1;
	s8 =	simm.s32 @!p0 $0x1BF5;
	p2 =	por !p2, p0  }
0x20: {  	[sflag:s8] =	ssyncset.s32 @!p0 $0xFFFFF086;
	s6 =	sadd.s32 @!p0 s3, s7;
	s7 =	simm.s32 @!p0 $0x108  }
0x21: {  	s3 =	sadd.s32 s3, s9;
	s6 =	sadd.s32 @!p0 $0x88, s6;
	s7 =	simm.s32 @p2 $0x1082  }
0x22: {  	[simem:s7], [sflag:s8] =	dma.local @!p0 [hbm:s6], $0xF7A  }
0x23: {  	s9 =	sor.u32 $0xD0000000, s2;
	s6 =	simm.s32 $0x108;
	_ =	swait.ge @!p0 [sflag:s8], $0x0  }
0x24: {  	s3 =	sadd.s32 $0x88, s3;
	s6 =	simm.s32 @!p1 $0x1082;
	[sflag:s4] =	ssyncset.s32 $0xFFFFF086  }
0x25: {  	[simem:s6], [sflag:s4] =	dma.local [hbm:s3], $0xF7A  }
0x26: {  	[smem:$0x3F8C] =	sst s1;
	(tag) =	ssettag s2;
	_ =	strace s9  }
0x27: {  	s1 =	sld [smem:$0x3F9C]  }
0x28: {  	s2 =	sld [smem:$0x3F9D]  }
0x29: {  	s4 =	sld [smem:$0x3F9F]  }
0x2a: {  	p0 =	seq.s32 s5, $0x0;
	s5 =	sld [smem:$0x3FA0]  }
0x2b: {  	s6 =	sld [smem:$0x3FA1]  }
0x2c: {  	s7 =	sld [smem:$0x3FA2]  }
0x2d: {  	s3 =	simm.s32 $0x108;
	s8 =	sld [smem:$0x3FA3]  }
0x2e: {  	s3 =	simm.s32 @!p0 $0x1082;
	s9 =	sld [smem:$0x3FA4]  }
0x2f: {  	lr =	sadd.s32 s0, s3;
	s0 =	sld [smem:$0x3F9B]  }
0x30: {  	s3 =	sld [smem:$0x3F9E]  }
0x31: {  	[smem:$0x3FA7] =	sst s10  }
0x32: {  	s10 =	sld [smem:$0x3FA5];
	_ =	sdelay $0x3  }
0x33: {  	p0 =	seq.s32 s10, $0x1;
	s10 =	sld [smem:$0x3FA7];
	_ =	sdelay $0x3  }
0x34: {  	[smem:$0x3FA7] =	sst s10  }
0x35: {  	s10 =	sld [smem:$0x3FA6];
	_ =	sdelay $0x3  }
0x36: {  	p1 =	seq.s32 s10, $0x1;
	s10 =	sld [smem:$0x3FA7];
	_ =	sdelay $0x3  }
0x37: {  	[smem:$0x3FA7] =	sst s10  }
0x38: {  	s10 =	sld [smem:$0x3FA8]  }
0x39: {  	_ = 	snop;
	(pc) =	sbr.ind lr, $3  }
0x3a: {  	_ = 	snop  }
0x3b: {  	_ = 	snop  }
0x3c: {  	p2 =	seq.s32 s10, $0x1;
	s10 =	sld [smem:$0x3FA7]  }
0x3d: {  	_ =	shalt  }
0x3e: {  	_ =	shalt  }
0x3f: {  	_ =	shalt  }
0x40: {  	_ =	shalt  }
0x41: {  	_ =	shalt  }
0x42: {  	_ =	shalt  }
0x43: {  	_ =	shalt  }
0x44: {  	_ =	shalt  }
0x45: {  	_ =	shalt  }
0x46: {  	_ =	shalt  }
0x47: {  	_ =	shalt  }
0x48: {  	_ =	shalt  }
0x49: {  	_ =	shalt  }
0x4a: {  	_ =	shalt  }
0x4b: {  	_ =	shalt  }
0x4c: {  	_ =	shalt  }
0x4d: {  	_ =	shalt  }
0x4e: {  	_ =	shalt  }
0x4f: {  	_ =	shalt  }
0x50: {  	_ =	shalt  }
0x51: {  	_ =	shalt  }
0x52: {  	_ =	shalt  }
0x53: {  	_ =	shalt  }
0x54: {  	_ =	shalt  }
0x55: {  	_ =	shalt  }
0x56: {  	_ =	shalt  }
0x57: {  	_ =	shalt  }
0x58: {  	_ =	shalt  }
0x59: {  	_ =	shalt  }
0x5a: {  	_ =	shalt  }
0x5b: {  	_ =	shalt  }
0x5c: {  	_ =	shalt  }
0x5d: {  	_ =	shalt  }
0x5e: {  	_ =	shalt  }
0x5f: {  	_ =	shalt  }
0x60: {  	_ =	shalt  }
0x61: {  	_ =	shalt  }
0x62: {  	_ =	shalt  }
0x63: {  	_ =	shalt  }
0x64: {  	_ =	shalt  }
0x65: {  	_ =	shalt  }
0x66: {  	_ =	shalt  }
0x67: {  	_ =	shalt  }
0x68: {  	_ =	shalt  }
0x69: {  	_ =	shalt  }
0x6a: {  	_ =	shalt  }
0x6b: {  	_ =	shalt  }
0x6c: {  	_ =	shalt  }
0x6d: {  	_ =	shalt  }
0x6e: {  	_ =	shalt  }
0x6f: {  	_ =	shalt  }
0x70: {  	_ =	shalt  }
0x71: {  	_ =	shalt  }
0x72: {  	_ =	shalt  }
0x73: {  	_ =	shalt  }
0x74: {  	_ =	shalt  }
0x75: {  	_ =	shalt  }
0x76: {  	_ =	shalt  }
0x77: {  	_ =	shalt  }
0x78: {  	_ =	shalt  }
0x79: {  	_ =	shalt  }
0x7a: {  	_ =	shalt  }
0x7b: {  	_ =	shalt  }
0x7c: {  	_ =	shalt  }
0x7d: {  	_ =	shalt  }
0x7e: {  	_ =	shalt  }
0x7f: {  	_ =	shalt  }
0x80: {  	_ =	shalt  }
0x81: {  	_ =	shalt  }
0x82: {  	_ =	shalt  }
0x83: {  	_ =	shalt  }
0x84: {  	_ =	shalt  }
0x85: {  	_ =	shalt  }
0x86: {  	_ =	shalt  }
0x87: {  	_ =	shalt  }
.Lfunc_end0:
.L_simem_size_0:
called_computation_lowered:
.L_overlay_start_0:
0x88: {  	s2 =	sld [smem:$0x3FD9]  }
0x89: {  	s3 =	sld [smem:$0x3FFE];
	_ =	sdelay $0x1  }
0x8a: {  	s1 =	srdreg.scid  }
0x8b: {  	s0 =	sand.u32 $0x1, s1  }
0x8c: {  	s17 =	sshll.u32 s0, $0xA;
	s2 =	sadd.s32 s3, s2  }
0x8d: {  	s2 =	sadd.s32 s2, s17  }
0x8e: {  	[smem:$0x3FB3] =	sst s2  }
0x8f: {  	_ = 	snop  }
0x90: {  	s2 =	sld [smem:$0x3FD0];
	(tm) =	ssettm $0x1  }
0x91: {  	s18 =	sld [smem:$0x3FFB];
	_ =	sdelay $0x3  }
0x92: {  	_ =	strace s18  }
0x93: {  	s3 =	sld [smem:$0x3FFC];
	_ =	sdelay $0x3  }
0x94: {  	_ =	strace s3  }
0x95: {  	s3 =	sld [smem:$0x3FFD];
	_ =	sdelay $0x3  }
0x96: {  	_ =	strace s3  }
0x97: {  	_ =	strace $0x8FFFFFFF  }
0x98: {  	s19 =	sld [smem:$0x3FDB];
	_ =	sdelay $0x1  }
0x99: {  	s4 =	simm.s32 $_scs_section_size  }
0x9a: {  	s5 =	simm.s32 $_size__tile_overlayer_lowered;
	s6 =	simm.s32 $_tile_overlayer_lowered  }
0x9b: {  	s22 =	simm.s32 $0x1BFF;
	s21 =	sshll.u32 s6, $0x1;
	s3 =	sadd.s32 s4, s19  }
0x9c: {  	s7 =	simm.s32 $0x0;
	s20 =	sshll.u32 s5, $0x1;
	s5 =	sadd.s32 s21, s3  }
0x9d: {  	[timem:s7], [sflag:s22] =	dma.local [hbm:s5], s20  }
0x9e: {  	_ =	swait.ge [sflag:s22], s20  }
0x9f: {  	s4 =	ssub.s32 $0x0, s20;
	[sflag:s22] =	ssyncset.done $0x0  }
0xa0: {  	[sflag:s22] =	ssyncadd.s32 s4;
	_ =	sdelay $0x1  }
0xa1: {  	s23 =	simm.s32 $0x1B8B  }
0xa2: {  	_ =	swait.ge [sflag:s23], $0x1  }
0xa3: {  	[sflag:s23] =	ssyncset.done $0x0  }
0xa4: {  	s25 =	simm.s32 $0x1B8E;
	s24 =	sld [smem:$0x3FFE];
	[sflag:s23] =	ssyncadd.s32 $0xFFFFFFFF  }
0xa5: {  	s26 =	simm.s32 $execute0_lowered;
	[smem:$0x3FD2] =	sst s25  }
0xa6: {  	s5 =	sshll.u32 s26, $0x1;
	_ =	strace $0x80000046;
	[dreg:$0x1] =	wrdreg $0xFFFFFFFF  }
0xa7: {  	s28 =	simm.s32 $_size_execute0_lowered;
	s3 =	sadd.s32 s3, s5;
	[dreg:$0x0] =	wrdreg $0x0  }
0xa8: {  	s5 =	sshll.u32 s28, $0x1;
	[dreg:$0x2] =	wrdreg s3  }
0xa9: {  	[dreg:$0x3] =	wrdreg s5  }
0xaa: {  	[dreg:$0x4] =	wrdreg $0xC0  }
0xab: {  	_ =	task [dreg:s7], $0x5FFFF  }
0xac: {  	[dreg:$0x1] =	wrdreg $0xFFFFFFFF  }
0xad: {  	[dreg:$0x0] =	wrdreg $0x60  }
0xae: {  	[dreg:$0x2] =	wrdreg s2  }
0xaf: {  	[dreg:$0x3] =	wrdreg s24  }
0xb0: {  	[dreg:$0x4] =	wrdreg $0x14A000  }
0xb1: {  	[dreg:$0x5] =	wrdreg $0x9  }
0xb2: {  	_ =	task.clear_ibuf [dreg:s7], $0x6FFFF;
	_ =	strace $0x90000046  }
0xb3: {  	s29 =	simm.s32 $0x9;
	_ =	strace $0x80000048  }
0xb4: {  	_ =	swait.ge [sflag:s29], $0x1  }
0xb5: {  	[sflag:s29] =	ssyncadd.s32 $0xFFFFFFFF  }
0xb6: {  	_ =	strace $0x90000048  }
0xb7: {  	_ =	sfence  }
0xb8: {  	s30 =	sld [smem:$0x0];
	_ =	sdelay $0x2  }
0xb9: {  	s31 =	sshll.u32 s1, $0xD;
	s1 =	sshrl.u32 s1, $0x2  }
0xba: {  	s3 =	sand.u32 $0x4000, s31;
	s1 =	sadd.s32 s1, s30  }
0xbb: {  	s0 =	sor.u32 s3, s0;
	s1 =	sshll.u32 s1, $0x11  }
0xbc: {  	s0 =	sor.u32 s1, s0  }
0xbd: {  	s0 =	sadd.s32 $0x8F2B, s0  }
0xbe: {  	[sflag:s0] =	ssyncadd.remote.s32 $0x1  }
0xbf: {  	_ =	sfence.sel $0xFFFF  }
0xc0: {  	[dreg:$0x0] =	wrdreg $0xFFFFFFFF;
	(pc) =	sbr.abs _section_cstart, $3  }
0xc1: {  	[dreg:$0x1] =	wrdreg $0xFFFFFFFF  }
0xc2: {  	_ =	task.clear_ibuf [dreg:s7], $0x2FFFF;
	_ =	strace $0x9FFFFFFF  }
0xc3: {  	(tm) =	ssettm $0x7FFFFFFF  }
tec
execute0_lowered:
.L_overlay_start_1:
0x0: {  	(tag) =	ssettag $0x1  }
0x1: {  	s0 =	rddreg [dreg:$0x0]  }
0x2: {  	s1 =	rddreg [dreg:$0x1]  }
0x3: {  	s2 =	rddreg [dreg:$0x2]  }
0x4: {  	s3 =	simm.s32 $0x0;
	s12 =	stileid.u32;
	s4 =	srdreg.scid  }
0x5: {  	s15 =	simm.s32 $0x4;
	s18 =	simm.s32 $0x80;
	s28 =	simm.s32 $0x280  }
0x6: {  	s29 =	simm.s32 $0x780;
	s30 =	simm.s32 $0xAA00;
	s13 =	simm.s32 $0x580  }
0x7: {  	s16 =	simm.s32 $0x680;
	s14 =	simm.s32 $0x800;
	s17 =	simm.s32 $0x880  }
0x8: {  	s19 =	simm.s32 $0x900;
	s20 =	simm.s32 $0x980;
	s5 =	smul.u32 $0x13800, s12  }
0x9: {  	[smem:$0x7FF] =	sst s3;
	s4 =	sand.u32 $0x1, s4;
	s6 =	smul.u32 $0x9C00, s12  }
0xa: {  	s8 =	sadd.s32 $0x3C00, s1;
	s22 =	sshll.u32 s12, $0x6;
	s12 =	smul.u32 $0xA00, s12  }
0xb: {  	_ =	strace $0x80000047;
	s7 =	sshll.u32 s4, $0x6;
	s21 =	ssub.s32 $0x2, s4  }
0xc: {  	s22 =	sor.u32 $0x1C04, s22;
	s4 =	smul.u32 $0x13880, s4;
	s5 =	sor.u32 s7, s5  }
0xd: {  	s9 =	sshrl.u32 s6, $0x3;
	s10 =	sshrl.u32 s21, $0x1;
	s6 =	sadd.s32 s6, s2  }
0xe: {  	s7 =	sadd.s32 s8, s12;
	s23 =	sor.u32 $0x50, s12;
	[dreg:$0x4] =	wrdreg s12  }
0xf: {  	[dreg:$0x6] =	wrdreg s22;
	s5 =	sshrl.u32 s5, $0x3;
	s9 =	sadd.s32 s9, s1  }
0x10: {  	s11 =	ssub.s32 s21, s10;
	s10 =	sadd.s32 s0, s4;
	[dreg:$0x8] =	wrdreg s23  }
0x11: {  	s24 =	sadd.s32 s8, s23;
	s23 =	sshrl.u32 s6, $0x3;
	s0 =	simm.s32 $0xCA00  }
0x12: {  	s21 =	simm.s32 $0xEA00;
	s4 =	simm.s32 $0x700;
	s6 =	simm.s32 $0x3  }
0x13: {  	s8 =	simm.s32 $0x2;
	s5 =	sadd.s32 s5, s1;
	[dreg:$0x9] =	wrdreg s24  }
0x14: {  	s9 =	sadd.s32 $0x65E00, s9;
	s1 =	sadd.s32 $0xDC00, s1;
	[dreg:$0xc] =	wrdreg s23  }
.Ltmp0:
0x15: {  	s26 =	smax.u32 s11, $0x1;
	[dreg:$0x5] =	wrdreg s9;
	(pc) =	sbr.rel .LBB2_1-.Ltmp0, $4  }
0x16: {  	s11 =	simm.s32 $0x12A00;
	s24 =	simm.s32 $0x0;
	[dreg:$0xb] =	wrdreg s26  }
0x17: {  	s25 =	sadd.s32 $0x79800, s5;
	[dreg:$0x7] =	wrdreg s1;
	s31 =	sadd.s32 s12, s1  }
0x18: {  	s5 =	simm.s32 $0x480;
	s12 =	simm.s32 $0x1;
	[dreg:$0xa] =	wrdreg s25  }
0x19: {  	s9 =	simm.s32 $0x600;
	[dreg:$0xd] =	wrdreg s31;
	s25 =	simm.s32 $0x10A00  }
.LBB2_4:
0x1a: {  	[bflag:$0x0] =	sbarrier.arrive $0xFFFF  }
0x1b: {  	s22 =	rddreg [dreg:$0x6]  }
0x1c: {  	s1 =	rddreg [dreg:$0xa]  }
0x1d: {  	s24 =	simm.s32 $0x10;
	s26 =	simm.s32 $0x8;
	s23 =	rddreg [dreg:$0xc]  }
0x1e: {  	[hbm:s1@s24], [sflag:s22] =	dma.strided [spmem:s23@s26], $0x1400, s12, $0x8   }
0x1f: {  	_ =	swait.ge [sflag:s15], $0x1400  }
0x20: {  	s26 =	rddreg [dreg:$0xe]  }
0x21: {  	s31 =	rddreg [dreg:$0xb];
	s24 =	sadd.s32 $0x1, s26  }
0x22: {  	p0 =	sne.s32 s24, s31  }
.Ltmp1:
0x23: {  	_ = 	snop;
	(pc) =	sbr.rel @!p0 .LBB2_5-.Ltmp1, $3  }
0x24: {  	_ =	sdelay $0x1  }
0x25: {  	[sflag:s15] =	ssyncset.done $0x0  }
0x26: {  	[sflag:s15] =	ssyncadd.s32 $0xFFFFEC00  }
.LBB2_1:
0x27: {  	[dreg:$0xe] =	wrdreg s24  }
0x28: {  	s1 =	rddreg [dreg:$0x5]  }
0x29: {  	[spmem:s23], [sflag:s22] =	dma.local [hbm:s1], $0x1400  }
0x2a: {  	_ =	swait.ge [sflag:s15], $0x1400  }
0x2b: {  	[sflag:s15] =	ssyncset.done $0x0  }
0x2c: {  	[sflag:s15] =	ssyncadd.s32 $0xFFFFEC00  }
0x2d: {  	[bflag:$0x0] =	sbarrier.arrive $0xFFFF  }
0x2e: {  	[tilespmem:s3], [sflag:$0x4] =	stream.linear.gather [hbm4b:s7+s3], $0x280, $0x38;
	[tilespmem:$0x1EE40] =	vst v63  }
0x2f: {  	_ =	swait.ge [sflag:s15], $0x280  }
0x30: {  	[sflag:s15] =	ssyncset.done $0x0  }
0x31: {  	s23 =	simm.s32 $0x500;
	s22 =	rddreg [dreg:$0xd];
	[sflag:s15] =	ssyncadd.s32 $0xFFFFFD80  }
0x32: {  	[tilespmem:s23], [sflag:$0x4] =	stream.linear.gather [hbm4b:s22+s3], $0x280, $0x38;
	[tilespmem:$0x1EE40] =	vst v63  }
0x33: {  	_ =	swait.ge [sflag:s15], $0x280  }
0x34: {  	[sflag:s15] =	ssyncset.done $0x0  }
0x35: {  	s24 =	simm.s32 $0xA00;
	[sflag:s15] =	ssyncadd.s32 $0xFFFFFD80  }
0x36: {  	[tilespmem:s24], [sflag:$0x1] =	stream.indirect.gather [hbm4b:s10+s18], $0x40, s3, s18, $0xb8;
	[tilespmem:$0x1EE40] =	vst v63  }
0x37: {  	s26 =	simm.s32 $0x2A00  }
0x38: {  	[tilespmem:s26], [sflag:$0x1] =	stream.indirect.gather [hbm4b:s10+s18], $0x40, s18, s18, $0xb8;
	[tilespmem:$0x1EE40] =	vst v63  }
0x39: {  	s22 =	simm.s32 $0x100;
	s23 =	simm.s32 $0x4A00  }
0x3a: {  	[tilespmem:s23], [sflag:$0x1] =	stream.indirect.gather [hbm4b:s10+s18], $0x40, s22, s18, $0xb8;
	[tilespmem:$0x1EE40] =	vst v63  }
0x3b: {  	s24 =	simm.s32 $0x180;
	s26 =	simm.s32 $0x6A00  }
0x3c: {  	[tilespmem:s26], [sflag:$0x1] =	stream.indirect.gather [hbm4b:s10+s18], $0x40, s24, s18, $0xb8;
	[tilespmem:$0x1EE40] =	vst v63  }
0x3d: {  	s23 =	simm.s32 $0x200;
	s24 =	simm.s32 $0x8A00  }
0x3e: {  	[tilespmem:s24], [sflag:$0x1] =	stream.indirect.gather [hbm4b:s10+s18], $0x40, s23, s18, $0xb8;
	[tilespmem:$0x1EE40] =	vst v63  }
0x3f: {  	s26 =	rddreg [dreg:$0x9]  }
0x40: {  	[tilespmem:s28], [sflag:$0x4] =	stream.linear.gather [hbm4b:s26+s3], $0x280, $0x38;
	[tilespmem:$0x1EE40] =	vst v63  }
0x41: {  	_ =	swait.ge [sflag:s15], $0x280  }
0x42: {  	s23 =	rddreg [dreg:$0x7]  }
0x43: {  	[sflag:s15] =	ssyncset.done $0x0;
	s22 =	rddreg [dreg:$0x8]  }
0x44: {  	[sflag:s15] =	ssyncadd.s32 $0xFFFFFD80;
	s24 =	sadd.s32 s22, s23  }
0x45: {  	[tilespmem:s29], [sflag:$0x4] =	stream.linear.gather [hbm4b:s24+s3], $0x280, $0x38;
	[tilespmem:$0x1EE40] =	vst v63  }
0x46: {  	_ =	swait.ge [sflag:s15], $0x280  }
0x47: {  	[sflag:s15] =	ssyncset.done $0x0  }
0x48: {  	[sflag:s15] =	ssyncadd.s32 $0xFFFFFD80  }
0x49: {  	[tilespmem:s30], [sflag:$0x2] =	stream.indirect.gather [hbm4b:s10+s18], $0x40, s28, s18, $0xb8;
	[tilespmem:$0x1EE40] =	vst v63  }
0x4a: {  	s26 =	simm.s32 $0x300  }
0x4b: {  	[tilespmem:s0], [sflag:$0x2] =	stream.indirect.gather [hbm4b:s10+s18], $0x40, s26, s18, $0xb8;
	[tilespmem:$0x1EE40] =	vst v63  }
0x4c: {  	s22 =	simm.s32 $0x380  }
0x4d: {  	[tilespmem:s21], [sflag:$0x2] =	stream.indirect.gather [hbm4b:s10+s18], $0x40, s22, s18, $0xb8;
	[tilespmem:$0x1EE40] =	vst v63  }
0x4e: {  	s24 =	simm.s32 $0x400;
	s26 =	rddreg [dreg:$0x4]  }
0x4f: {  	[tilespmem:s25], [sflag:$0x2] =	stream.indirect.gather [hbm4b:s10+s18], $0x40, s24, s18, $0xb8;
	[tilespmem:$0x1EE40] =	vst v63  }
0x50: {  	s31 =	simm.s32 $0xFFFFF6A0;
	s22 =	sadd.s32 s23, s26  }
0x51: {  	[tilespmem:s11], [sflag:$0x2] =	stream.indirect.gather [hbm4b:s10+s18], $0x40, s5, s18, $0xb8;
	[tilespmem:$0x1EE40] =	vst v63  }
.LBB2_2:
0x52: {  	_ =	swait.ge [sflag:s12], $0x2000  }
0x53: {  	[sflag:s12] =	ssyncset.done $0x0  }
0x54: {  	[sflag:s12] =	ssyncadd.s32 $0xFFFFE000  }
0x55: {  	_ =	swait.ge [sflag:s12], $0x2000  }
0x56: {  	[sflag:s12] =	ssyncset.done $0x0  }
0x57: {  	[sflag:s12] =	ssyncadd.s32 $0xFFFFE000  }
0x58: {  	_ =	swait.ge [sflag:s12], $0x2000  }
0x59: {  	[sflag:s12] =	ssyncset.done $0x0  }
0x5a: {  	[sflag:s12] =	ssyncadd.s32 $0xFFFFE000  }
0x5b: {  	_ =	swait.ge [sflag:s12], $0x2000  }
0x5c: {  	[sflag:s12] =	ssyncset.done $0x0  }
0x5d: {  	[sflag:s12] =	ssyncadd.s32 $0xFFFFE000  }
0x5e: {  	_ =	swait.ge [sflag:s12], $0x2000  }
0x5f: {  	[sflag:s12] =	ssyncset.done $0x0  }
0x60: {  	s1 =	simm.s32 $0x500;
	s23 =	simm.s32 $0xA00;
	[sflag:s12] =	ssyncadd.s32 $0xFFFFE000  }
0x61: {  	[spmem:s2] =	stream.indirect.scatter.add.f32 [tilespmem:s23], [sflag:$0x3], $0x40, s1, s18, $0xb8;
	[tilespmem:$0x1EE40] =	vst v63  }
0x62: {  	s26 =	simm.s32 $0x2A00  }
0x63: {  	[spmem:s2] =	stream.indirect.scatter.add.f32 [tilespmem:s26], [sflag:$0x3], $0x40, s13, s18, $0xb8;
	[tilespmem:$0x1EE40] =	vst v63  }
0x64: {  	s23 =	simm.s32 $0x4A00  }
0x65: {  	[spmem:s2] =	stream.indirect.scatter.add.f32 [tilespmem:s23], [sflag:$0x3], $0x40, s9, s18, $0xb8;
	[tilespmem:$0x1EE40] =	vst v63  }
0x66: {  	s24 =	simm.s32 $0x6A00  }
0x67: {  	[spmem:s2] =	stream.indirect.scatter.add.f32 [tilespmem:s24], [sflag:$0x3], $0x40, s16, s18, $0xb8;
	[tilespmem:$0x1EE40] =	vst v63  }
0x68: {  	s26 =	simm.s32 $0x8A00  }
0x69: {  	[spmem:s2] =	stream.indirect.scatter.add.f32 [tilespmem:s26], [sflag:$0x3], $0x40, s4, s18, $0xb8;
	[tilespmem:$0x1EE40] =	vst v63  }
0x6a: {  	_ =	swait.ge [sflag:s6], $0x2000  }
0x6b: {  	[sflag:s6] =	ssyncset.done $0x0  }
0x6c: {  	[sflag:s6] =	ssyncadd.s32 $0xFFFFE000  }
0x6d: {  	_ =	swait.ge [sflag:s6], $0x2000  }
0x6e: {  	[sflag:s6] =	ssyncset.done $0x0  }
0x6f: {  	[sflag:s6] =	ssyncadd.s32 $0xFFFFE000  }
0x70: {  	_ =	swait.ge [sflag:s6], $0x2000  }
0x71: {  	[sflag:s6] =	ssyncset.done $0x0  }
0x72: {  	[sflag:s6] =	ssyncadd.s32 $0xFFFFE000  }
0x73: {  	_ =	swait.ge [sflag:s6], $0x2000  }
0x74: {  	[sflag:s6] =	ssyncset.done $0x0  }
0x75: {  	[sflag:s6] =	ssyncadd.s32 $0xFFFFE000  }
0x76: {  	p0 =	seq.s32 s31, $0x0;
	_ =	swait.ge [sflag:s6], $0x2000  }
0x77: {  	s24 =	sadd.s32 @!p0 s31, s7;
	[sflag:s6] =	ssyncset.done $0x0  }
0x78: {  	s1 =	simm.s32 @!p0 $0x0;
	s24 =	sadd.s32 @!p0 $0xA00, s24;
	[sflag:s6] =	ssyncadd.s32 $0xFFFFE000  }
0x79: {  	[tilespmem:s1], [sflag:$0x4] =	stream.linear.gather @!p0 [hbm4b:s24+s1], $0x280, $0x38;
	[tilespmem:$0x1EE40] =	vst v63  }
0x7a: {  	s24 =	simm.s32 @!p0 $0x4  }
0x7b: {  	_ =	swait.ge @!p0 [sflag:s24], $0x280  }
0x7c: {  	s26 =	sadd.s32 @!p0 s31, s22;
	[sflag:s24] =	ssyncset.done @!p0 $0x0  }
0x7d: {  	s23 =	simm.s32 @!p0 $0x500;
	s26 =	sadd.s32 @!p0 $0xA00, s26;
	[sflag:s24] =	ssyncadd.s32 @!p0 $0xFFFFFD80  }
0x7e: {  	[tilespmem:s23], [sflag:$0x4] =	stream.linear.gather @!p0 [hbm4b:s26+s1], $0x280, $0x38;
	[tilespmem:$0x1EE40] =	vst v63  }
0x7f: {  	_ =	swait.ge @!p0 [sflag:s24], $0x280  }
0x80: {  	[sflag:s24] =	ssyncset.done @!p0 $0x0  }
0x81: {  	s23 =	simm.s32 @!p0 $0x80;
	[sflag:s24] =	ssyncadd.s32 @!p0 $0xFFFFFD80;
	s24 =	simm.s32 @!p0 $0xA00  }
0x82: {  	[tilespmem:s24], [sflag:$0x1] =	stream.indirect.gather @!p0 [hbm4b:s10+s23], $0x40, s1, s23, $0xb8;
	[tilespmem:$0x1EE40] =	vst v63  }
0x83: {  	s1 =	simm.s32 @!p0 $0x2A00  }
0x84: {  	[tilespmem:s1], [sflag:$0x1] =	stream.indirect.gather @!p0 [hbm4b:s10+s23], $0x40, s23, s23, $0xb8;
	[tilespmem:$0x1EE40] =	vst v63  }
0x85: {  	s24 =	simm.s32 @!p0 $0x4A00;
	s1 =	simm.s32 @!p0 $0x100  }
0x86: {  	[tilespmem:s24], [sflag:$0x1] =	stream.indirect.gather @!p0 [hbm4b:s10+s23], $0x40, s1, s23, $0xb8;
	[tilespmem:$0x1EE40] =	vst v63  }
0x87: {  	s1 =	simm.s32 @!p0 $0x180;
	s24 =	simm.s32 @!p0 $0x6A00  }
0x88: {  	[tilespmem:s24], [sflag:$0x1] =	stream.indirect.gather @!p0 [hbm4b:s10+s23], $0x40, s1, s23, $0xb8;
	[tilespmem:$0x1EE40] =	vst v63  }
0x89: {  	s1 =	simm.s32 @!p0 $0x200;
	s24 =	simm.s32 @!p0 $0x8A00  }
0x8a: {  	[tilespmem:s24], [sflag:$0x1] =	stream.indirect.gather @!p0 [hbm4b:s10+s23], $0x40, s1, s23, $0xb8;
	[tilespmem:$0x1EE40] =	vst v63  }
0x8b: {  	_ =	swait.ge [sflag:s8], $0x2000  }
0x8c: {  	[sflag:s8] =	ssyncset.done $0x0  }
0x8d: {  	[sflag:s8] =	ssyncadd.s32 $0xFFFFE000  }
0x8e: {  	_ =	swait.ge [sflag:s8], $0x2000  }
0x8f: {  	[sflag:s8] =	ssyncset.done $0x0  }
0x90: {  	[sflag:s8] =	ssyncadd.s32 $0xFFFFE000  }
0x91: {  	_ =	swait.ge [sflag:s8], $0x2000  }
0x92: {  	[sflag:s8] =	ssyncset.done $0x0  }
0x93: {  	[sflag:s8] =	ssyncadd.s32 $0xFFFFE000  }
0x94: {  	_ =	swait.ge [sflag:s8], $0x2000  }
0x95: {  	[sflag:s8] =	ssyncset.done $0x0  }
0x96: {  	[sflag:s8] =	ssyncadd.s32 $0xFFFFE000  }
0x97: {  	_ =	swait.ge [sflag:s8], $0x2000  }
0x98: {  	[sflag:s8] =	ssyncset.done $0x0  }
0x99: {  	[sflag:s8] =	ssyncadd.s32 $0xFFFFE000  }
0x9a: {  	[spmem:s2] =	stream.indirect.scatter.add.f32 [tilespmem:s30], [sflag:$0x3], $0x40, s29, s18, $0xb8;
	[tilespmem:$0x1EE40] =	vst v63  }
0x9b: {  	_ = 	snop  }
0x9c: {  	[spmem:s2] =	stream.indirect.scatter.add.f32 [tilespmem:s0], [sflag:$0x3], $0x40, s14, s18, $0xb8;
	[tilespmem:$0x1EE40] =	vst v63  }
0x9d: {  	_ = 	snop  }
0x9e: {  	[spmem:s2] =	stream.indirect.scatter.add.f32 [tilespmem:s21], [sflag:$0x3], $0x40, s17, s18, $0xb8;
	[tilespmem:$0x1EE40] =	vst v63  }
0x9f: {  	_ = 	snop  }
0xa0: {  	[spmem:s2] =	stream.indirect.scatter.add.f32 [tilespmem:s25], [sflag:$0x3], $0x40, s19, s18, $0xb8;
	[tilespmem:$0x1EE40] =	vst v63  }
0xa1: {  	_ = 	snop  }
0xa2: {  	[spmem:s2] =	stream.indirect.scatter.add.f32 [tilespmem:s11], [sflag:$0x3], $0x40, s20, s18, $0xb8;
	[tilespmem:$0x1EE40] =	vst v63  }
0xa3: {  	_ =	swait.ge [sflag:s6], $0x2000  }
0xa4: {  	[sflag:s6] =	ssyncset.done $0x0  }
0xa5: {  	[sflag:s6] =	ssyncadd.s32 $0xFFFFE000  }
0xa6: {  	_ =	swait.ge [sflag:s6], $0x2000  }
0xa7: {  	[sflag:s6] =	ssyncset.done $0x0  }
0xa8: {  	[sflag:s6] =	ssyncadd.s32 $0xFFFFE000  }
0xa9: {  	_ =	swait.ge [sflag:s6], $0x2000  }
0xaa: {  	[sflag:s6] =	ssyncset.done $0x0  }
0xab: {  	[sflag:s6] =	ssyncadd.s32 $0xFFFFE000  }
0xac: {  	_ =	swait.ge [sflag:s6], $0x2000  }
.Ltmp2:
0xad: {  	[sflag:s6] =	ssyncset.done $0x0;
	(pc) =	sbr.rel @p0 .LBB2_4-.Ltmp2, $4  }
0xae: {  	[sflag:s6] =	ssyncadd.s32 $0xFFFFE000  }
0xaf: {  	_ =	swait.ge [sflag:s6], $0x2000  }
0xb0: {  	[sflag:s6] =	ssyncset.done $0x0  }
0xb1: {  	[sflag:s6] =	ssyncadd.s32 $0xFFFFE000  }
0xb2: {  	s1 =	sadd.s32 s31, s7  }
0xb3: {  	s1 =	sadd.s32 $0xA50, s1  }
0xb4: {  	[tilespmem:s28], [sflag:$0x4] =	stream.linear.gather [hbm4b:s1+s3], $0x280, $0x38;
	[tilespmem:$0x1EE40] =	vst v63  }
0xb5: {  	_ =	swait.ge [sflag:s15], $0x280  }
0xb6: {  	s26 =	sadd.s32 s31, s22;
	[sflag:s15] =	ssyncset.done $0x0  }
0xb7: {  	s1 =	sadd.s32 $0xA50, s26;
	[sflag:s15] =	ssyncadd.s32 $0xFFFFFD80  }
0xb8: {  	[tilespmem:s29], [sflag:$0x4] =	stream.linear.gather [hbm4b:s1+s3], $0x280, $0x38;
	[tilespmem:$0x1EE40] =	vst v63  }
0xb9: {  	_ =	swait.ge [sflag:s15], $0x280  }
0xba: {  	[sflag:s15] =	ssyncset.done $0x0  }
0xbb: {  	[sflag:s15] =	ssyncadd.s32 $0xFFFFFD80  }
0xbc: {  	[tilespmem:s30], [sflag:$0x2] =	stream.indirect.gather [hbm4b:s10+s18], $0x40, s28, s18, $0xb8;
	[tilespmem:$0x1EE40] =	vst v63  }
0xbd: {  	s23 =	simm.s32 $0x300  }
0xbe: {  	[tilespmem:s0], [sflag:$0x2] =	stream.indirect.gather [hbm4b:s10+s18], $0x40, s23, s18, $0xb8;
	[tilespmem:$0x1EE40] =	vst v63  }
0xbf: {  	s24 =	simm.s32 $0x380  }
0xc0: {  	[tilespmem:s21], [sflag:$0x2] =	stream.indirect.gather [hbm4b:s10+s18], $0x40, s24, s18, $0xb8;
	[tilespmem:$0x1EE40] =	vst v63  }
.Ltmp3:
0xc1: {  	_ = 	snop;
	(pc) =	sbr.rel .LBB2_2-.Ltmp3, $4  }
0xc2: {  	s26 =	simm.s32 $0x400  }
0xc3: {  	[tilespmem:s25], [sflag:$0x2] =	stream.indirect.gather [hbm4b:s10+s18], $0x40, s26, s18, $0xb8;
	[tilespmem:$0x1EE40] =	vst v63  }
0xc4: {  	s31 =	sadd.s32 $0xA0, s31  }
0xc5: {  	[tilespmem:s11], [sflag:$0x2] =	stream.indirect.gather [hbm4b:s10+s18], $0x40, s5, s18, $0xb8;
	[tilespmem:$0x1EE40] =	vst v63  }
.LBB2_5:
0xc6: {  	_ =	sfence.sel $0x180000  }
0xc7: {  	[bflag:$0x0] =	sbarrier.arrive $0xFFFF  }
0xc8: {  	_ =	strace $0x90000047  }
0xc9: {  	s0 =	stileid.u32;
	[bflag:$0x2] =	sbarrier.arrive $0xFFFF  }
0xca: {  	p0 =	sne.s32 s0, $0x0;
	s0 =	rddreg [dreg:$0x3]  }
0xcb: {  	s0 =	sadd.s32 @!p0 $0x100000, s0  }
0xcc: {  	[sflag:s0] =	ssyncadd.tile.s32 @!p0 $0x1;
	_ =	shalt  }
.Lfunc_end2:
_tile_overlayer_lowered:
.L_overlay_start_2:
0xcd: {  	(tag) =	ssettag $0x2  }
0xce: {  	s0 =	rddreg [dreg:$0x0];
	s2 =	stileid.u32  }
0xcf: {  	s1 =	rddreg [dreg:$0x1];
	p0 =	sne.s32 s2, $0x0  }
0xd0: {  	s3 =	rddreg [dreg:$0x2];
	[bflag:$0x3] =	sbarrier.arrive $0xFFFF;
	s2 =	simm.s32 @!p0 $0x1C04  }
0xd1: {  	[timem:s3], [sflag:s2] =	dma.local @!p0 [hbm:s0], s1  }
0xd2: {  	s0 =	simm.s32 @!p0 $0x4  }
0xd3: {  	_ =	swait.ge @!p0 [sflag:s0], s1  }
0xd4: {  	s1 =	ssub.s32 @!p0 $0x0, s1;
	[sflag:s0] =	ssyncset.done @!p0 $0x0  }
0xd5: {  	[sflag:s0] =	ssyncadd.s32 @!p0 s1  }
0xd6: {  	[bflag:$0x3] =	sbarrier.arrive $0xFFFF  }
0xd7: {  	_ =	shalt  }

// kernel: kernel.9.cloned.1.call-start
scs
__scs_entry_jumppad:
0x0: {  	(pc) =	sbr.rel $0x88, $3  }
0x1: {  	(tag) =	ssettag $0x0;
	lr =	simm.s32 $0x1  }
0x2: {  	[smem:$0x3F8C] =	sst lr;
	_ =	strace $0xD0000000  }
0x3: {  	_ = 	snop  }
0x4: {  	_ = 	snop  }
0x5: {  	_ = 	snop  }
0x6: {  	_ = 	snop  }
0x7: {  	_ = 	snop  }
__scs_overlays_trampoline_lowered:
0x8: {  	[smem:$0x3F9B] =	sst s0  }
0x9: {  	[smem:$0x3F9C] =	sst s1  }
0xa: {  	[smem:$0x3F9D] =	sst s2  }
0xb: {  	[smem:$0x3F9E] =	sst s3  }
0xc: {  	[smem:$0x3F9F] =	sst s4  }
0xd: {  	[smem:$0x3FA0] =	sst s5  }
0xe: {  	[smem:$0x3FA1] =	sst s6  }
0xf: {  	[smem:$0x3FA2] =	sst s7  }
0x10: {  	[smem:$0x3FA3] =	sst s8  }
0x11: {  	[smem:$0x3FA4] =	sst s9;
	s0 =	simm.s32 @!p0 $0x0  }
0x12: {  	s1 =	sld [smem:$0x3F8A];
	s0 =	simm.s32 @p0 $0x1  }
0x13: {  	[smem:$0x3FA5] =	sst s0;
	s0 =	simm.s32 @!p1 $0x0  }
0x14: {  	s2 =	sld [smem:$0x3F89];
	s0 =	simm.s32 @p1 $0x1  }
0x15: {  	[smem:$0x3FA6] =	sst s0;
	s0 =	simm.s32 @!p2 $0x0  }
0x16: {  	s3 =	sld [smem:$0x3FDB];
	s0 =	simm.s32 @p2 $0x1  }
0x17: {  	s4 =	simm.s32 $0x1BF5;
	[smem:$0x3FA8] =	sst s0  }
0x18: {  	s0 =	sld [smem:$0x3F8B];
	_ =	swait.ge [sflag:s4], $0x0  }
0x19: {  	s7 =	sld [smem:$0x3F8C]  }
0x1a: {  	s8 =	sadd.s32 $0xFFFFE003, lr  }
0x1b: {  	s9 =	sadd.s32 $0xFFFFFEF7, lr;
	s5 =	simm.s32 $0xFFFFFFFF;
	p2 =	slt.u32 s8, $0xFFFFF086  }
0x1c: {  	p1 =	slt.u32 s9, $0xF7A;
	s5 =	simm.s32 @!p2 $0x0  }
0x1d: {  	s5 =	simm.s32 @p1 $0x1;
	p0 =	seq.s32 s7, s2  }
0x1e: {  	s7 =	smul.u32 @!p0 $0xF7A, s2;
	p2 =	seq.s32 @!p0 s5, $0x0  }
0x1f: {  	s9 =	smul.u32 $0xF7A, s1;
	s8 =	simm.s32 @!p0 $0x1BF5;
	p2 =	por !p2, p0  }
0x20: {  	[sflag:s8] =	ssyncset.s32 @!p0 $0xFFFFF086;
	s6 =	sadd.s32 @!p0 s3, s7;
	s7 =	simm.s32 @!p0 $0x108  }
0x21: {  	s3 =	sadd.s32 s3, s9;
	s6 =	sadd.s32 @!p0 $0x88, s6;
	s7 =	simm.s32 @p2 $0x1082  }
0x22: {  	[simem:s7], [sflag:s8] =	dma.local @!p0 [hbm:s6], $0xF7A  }
0x23: {  	s9 =	sor.u32 $0xD0000000, s2;
	s6 =	simm.s32 $0x108;
	_ =	swait.ge @!p0 [sflag:s8], $0x0  }
0x24: {  	s3 =	sadd.s32 $0x88, s3;
	s6 =	simm.s32 @!p1 $0x1082;
	[sflag:s4] =	ssyncset.s32 $0xFFFFF086  }
0x25: {  	[simem:s6], [sflag:s4] =	dma.local [hbm:s3], $0xF7A  }
0x26: {  	[smem:$0x3F8C] =	sst s1;
	(tag) =	ssettag s2;
	_ =	strace s9  }
0x27: {  	s1 =	sld [smem:$0x3F9C]  }
0x28: {  	s2 =	sld [smem:$0x3F9D]  }
0x29: {  	s4 =	sld [smem:$0x3F9F]  }
0x2a: {  	p0 =	seq.s32 s5, $0x0;
	s5 =	sld [smem:$0x3FA0]  }
0x2b: {  	s6 =	sld [smem:$0x3FA1]  }
0x2c: {  	s7 =	sld [smem:$0x3FA2]  }
0x2d: {  	s3 =	simm.s32 $0x108;
	s8 =	sld [smem:$0x3FA3]  }
0x2e: {  	s3 =	simm.s32 @!p0 $0x1082;
	s9 =	sld [smem:$0x3FA4]  }
0x2f: {  	lr =	sadd.s32 s0, s3;
	s0 =	sld [smem:$0x3F9B]  }
0x30: {  	s3 =	sld [smem:$0x3F9E]  }
0x31: {  	[smem:$0x3FA7] =	sst s10  }
0x32: {  	s10 =	sld [smem:$0x3FA5];
	_ =	sdelay $0x3  }
0x33: {  	p0 =	seq.s32 s10, $0x1;
	s10 =	sld [smem:$0x3FA7];
	_ =	sdelay $0x3  }
0x34: {  	[smem:$0x3FA7] =	sst s10  }
0x35: {  	s10 =	sld [smem:$0x3FA6];
	_ =	sdelay $0x3  }
0x36: {  	p1 =	seq.s32 s10, $0x1;
	s10 =	sld [smem:$0x3FA7];
	_ =	sdelay $0x3  }
0x37: {  	[smem:$0x3FA7] =	sst s10  }
0x38: {  	s10 =	sld [smem:$0x3FA8]  }
0x39: {  	_ = 	snop;
	(pc) =	sbr.ind lr, $3  }
0x3a: {  	_ = 	snop  }
0x3b: {  	_ = 	snop  }
0x3c: {  	p2 =	seq.s32 s10, $0x1;
	s10 =	sld [smem:$0x3FA7]  }
0x3d: {  	_ =	shalt  }
0x3e: {  	_ =	shalt  }
0x3f: {  	_ =	shalt  }
0x40: {  	_ =	shalt  }
0x41: {  	_ =	shalt  }
0x42: {  	_ =	shalt  }
0x43: {  	_ =	shalt  }
0x44: {  	_ =	shalt  }
0x45: {  	_ =	shalt  }
0x46: {  	_ =	shalt  }
0x47: {  	_ =	shalt  }
0x48: {  	_ =	shalt  }
0x49: {  	_ =	shalt  }
0x4a: {  	_ =	shalt  }
0x4b: {  	_ =	shalt  }
0x4c: {  	_ =	shalt  }
0x4d: {  	_ =	shalt  }
0x4e: {  	_ =	shalt  }
0x4f: {  	_ =	shalt  }
0x50: {  	_ =	shalt  }
0x51: {  	_ =	shalt  }
0x52: {  	_ =	shalt  }
0x53: {  	_ =	shalt  }
0x54: {  	_ =	shalt  }
0x55: {  	_ =	shalt  }
0x56: {  	_ =	shalt  }
0x57: {  	_ =	shalt  }
0x58: {  	_ =	shalt  }
0x59: {  	_ =	shalt  }
0x5a: {  	_ =	shalt  }
0x5b: {  	_ =	shalt  }
0x5c: {  	_ =	shalt  }
0x5d: {  	_ =	shalt  }
0x5e: {  	_ =	shalt  }
0x5f: {  	_ =	shalt  }
0x60: {  	_ =	shalt  }
0x61: {  	_ =	shalt  }
0x62: {  	_ =	shalt  }
0x63: {  	_ =	shalt  }
0x64: {  	_ =	shalt  }
0x65: {  	_ =	shalt  }
0x66: {  	_ =	shalt  }
0x67: {  	_ =	shalt  }
0x68: {  	_ =	shalt  }
0x69: {  	_ =	shalt  }
0x6a: {  	_ =	shalt  }
0x6b: {  	_ =	shalt  }
0x6c: {  	_ =	shalt  }
0x6d: {  	_ =	shalt  }
0x6e: {  	_ =	shalt  }
0x6f: {  	_ =	shalt  }
0x70: {  	_ =	shalt  }
0x71: {  	_ =	shalt  }
0x72: {  	_ =	shalt  }
0x73: {  	_ =	shalt  }
0x74: {  	_ =	shalt  }
0x75: {  	_ =	shalt  }
0x76: {  	_ =	shalt  }
0x77: {  	_ =	shalt  }
0x78: {  	_ =	shalt  }
0x79: {  	_ =	shalt  }
0x7a: {  	_ =	shalt  }
0x7b: {  	_ =	shalt  }
0x7c: {  	_ =	shalt  }
0x7d: {  	_ =	shalt  }
0x7e: {  	_ =	shalt  }
0x7f: {  	_ =	shalt  }
0x80: {  	_ =	shalt  }
0x81: {  	_ =	shalt  }
0x82: {  	_ =	shalt  }
0x83: {  	_ =	shalt  }
0x84: {  	_ =	shalt  }
0x85: {  	_ =	shalt  }
0x86: {  	_ =	shalt  }
0x87: {  	_ =	shalt  }
.Lfunc_end0:
.L_simem_size_0:
called_computation.1_lowered:
.L_overlay_start_0:
0x88: {  	s2 =	sld [smem:$0x3FD9]  }
0x89: {  	s3 =	sld [smem:$0x3FFE];
	_ =	sdelay $0x1  }
0x8a: {  	s1 =	srdreg.scid  }
0x8b: {  	s0 =	sand.u32 $0x1, s1  }
0x8c: {  	s17 =	sshll.u32 s0, $0xA;
	s2 =	sadd.s32 s3, s2  }
0x8d: {  	s2 =	sadd.s32 s2, s17  }
0x8e: {  	[smem:$0x3FB3] =	sst s2  }
0x8f: {  	_ = 	snop  }
0x90: {  	s2 =	sld [smem:$0x3FD0];
	(tm) =	ssettm $0x1  }
0x91: {  	s18 =	sld [smem:$0x3FFB];
	_ =	sdelay $0x3  }
0x92: {  	_ =	strace s18  }
0x93: {  	s3 =	sld [smem:$0x3FFC];
	_ =	sdelay $0x3  }
0x94: {  	_ =	strace s3  }
0x95: {  	s3 =	sld [smem:$0x3FFD];
	_ =	sdelay $0x3  }
0x96: {  	_ =	strace s3  }
0x97: {  	_ =	strace $0x8FFFFFFF  }
0x98: {  	s19 =	sld [smem:$0x3FDB];
	_ =	sdelay $0x1  }
0x99: {  	s4 =	simm.s32 $_scs_section_size  }
0x9a: {  	s5 =	simm.s32 $_size__tile_overlayer_lowered;
	s6 =	simm.s32 $_tile_overlayer_lowered  }
0x9b: {  	s22 =	simm.s32 $0x1BFF;
	s21 =	sshll.u32 s6, $0x1;
	s3 =	sadd.s32 s4, s19  }
0x9c: {  	s7 =	simm.s32 $0x0;
	s20 =	sshll.u32 s5, $0x1;
	s5 =	sadd.s32 s21, s3  }
0x9d: {  	[timem:s7], [sflag:s22] =	dma.local [hbm:s5], s20  }
0x9e: {  	_ =	swait.ge [sflag:s22], s20  }
0x9f: {  	s4 =	ssub.s32 $0x0, s20;
	[sflag:s22] =	ssyncset.done $0x0  }
0xa0: {  	[sflag:s22] =	ssyncadd.s32 s4;
	_ =	sdelay $0x1  }
0xa1: {  	s23 =	simm.s32 $0x1B8B  }
0xa2: {  	_ =	swait.ge [sflag:s23], $0x1  }
0xa3: {  	[sflag:s23] =	ssyncset.done $0x0  }
0xa4: {  	s25 =	simm.s32 $0x1B8E;
	s24 =	sld [smem:$0x3FFE];
	[sflag:s23] =	ssyncadd.s32 $0xFFFFFFFF  }
0xa5: {  	s26 =	simm.s32 $execute0_lowered;
	[smem:$0x3FD2] =	sst s25  }
0xa6: {  	s5 =	sshll.u32 s26, $0x1;
	_ =	strace $0x80000049;
	[dreg:$0x1] =	wrdreg $0xFFFFFFFF  }
0xa7: {  	s28 =	simm.s32 $_size_execute0_lowered;
	s3 =	sadd.s32 s3, s5;
	[dreg:$0x0] =	wrdreg $0x0  }
0xa8: {  	s5 =	sshll.u32 s28, $0x1;
	[dreg:$0x2] =	wrdreg s3  }
0xa9: {  	[dreg:$0x3] =	wrdreg s5  }
0xaa: {  	[dreg:$0x4] =	wrdreg $0xC0  }
0xab: {  	_ =	task [dreg:s7], $0x5FFFF  }
0xac: {  	[dreg:$0x1] =	wrdreg $0xFFFFFFFF  }
0xad: {  	[dreg:$0x0] =	wrdreg $0x60  }
0xae: {  	[dreg:$0x2] =	wrdreg s2  }
0xaf: {  	[dreg:$0x3] =	wrdreg s24  }
0xb0: {  	[dreg:$0x4] =	wrdreg $0x14A000  }
0xb1: {  	[dreg:$0x5] =	wrdreg $0x9  }
0xb2: {  	_ =	task.clear_ibuf [dreg:s7], $0x6FFFF;
	_ =	strace $0x90000049  }
0xb3: {  	s29 =	simm.s32 $0x9;
	_ =	strace $0x8000004B  }
0xb4: {  	_ =	swait.ge [sflag:s29], $0x1  }
0xb5: {  	[sflag:s29] =	ssyncadd.s32 $0xFFFFFFFF  }
0xb6: {  	_ =	strace $0x9000004B  }
0xb7: {  	_ =	sfence  }
0xb8: {  	s30 =	sld [smem:$0x0];
	_ =	sdelay $0x2  }
0xb9: {  	s31 =	sshll.u32 s1, $0xD;
	s1 =	sshrl.u32 s1, $0x2  }
0xba: {  	s3 =	sand.u32 $0x4000, s31;
	s1 =	sadd.s32 s1, s30  }
0xbb: {  	s0 =	sor.u32 s3, s0;
	s1 =	sshll.u32 s1, $0x11  }
0xbc: {  	s0 =	sor.u32 s1, s0  }
0xbd: {  	s0 =	sadd.s32 $0x8F2B, s0  }
0xbe: {  	[sflag:s0] =	ssyncadd.remote.s32 $0x1  }
0xbf: {  	_ =	sfence.sel $0xFFFF  }
0xc0: {  	[dreg:$0x0] =	wrdreg $0xFFFFFFFF;
	(pc) =	sbr.abs _section_cstart, $3  }
0xc1: {  	[dreg:$0x1] =	wrdreg $0xFFFFFFFF  }
0xc2: {  	_ =	task.clear_ibuf [dreg:s7], $0x2FFFF;
	_ =	strace $0x9FFFFFFF  }
0xc3: {  	(tm) =	ssettm $0x7FFFFFFF  }
tec
execute0_lowered:
.L_overlay_start_1:
0x0: {  	(tag) =	ssettag $0x1  }
0x1: {  	s0 =	rddreg [dreg:$0x0]  }
0x2: {  	s1 =	rddreg [dreg:$0x1]  }
0x3: {  	s2 =	rddreg [dreg:$0x2]  }
0x4: {  	s3 =	simm.s32 $0x0;
	s12 =	stileid.u32;
	s4 =	srdreg.scid  }
0x5: {  	s15 =	simm.s32 $0x4;
	s18 =	simm.s32 $0x80;
	s28 =	simm.s32 $0x280  }
0x6: {  	s29 =	simm.s32 $0x780;
	s30 =	simm.s32 $0xAA00;
	s13 =	simm.s32 $0x580  }
0x7: {  	s16 =	simm.s32 $0x680;
	s14 =	simm.s32 $0x800;
	s17 =	simm.s32 $0x880  }
0x8: {  	s19 =	simm.s32 $0x900;
	s20 =	simm.s32 $0x980;
	s5 =	smul.u32 $0x13800, s12  }
0x9: {  	[smem:$0x7FF] =	sst s3;
	s4 =	sand.u32 $0x1, s4;
	s6 =	smul.u32 $0x9C00, s12  }
0xa: {  	s8 =	sadd.s32 $0x3C00, s1;
	s22 =	sshll.u32 s12, $0x6;
	s12 =	smul.u32 $0xA00, s12  }
0xb: {  	_ =	strace $0x8000004A;
	s7 =	sshll.u32 s4, $0x6;
	s21 =	ssub.s32 $0x2, s4  }
0xc: {  	s22 =	sor.u32 $0x1C04, s22;
	s4 =	smul.u32 $0x13880, s4;
	s5 =	sor.u32 s7, s5  }
0xd: {  	s9 =	sshrl.u32 s6, $0x3;
	s10 =	sshrl.u32 s21, $0x1;
	s6 =	sadd.s32 s6, s2  }
0xe: {  	s7 =	sadd.s32 s8, s12;
	s23 =	sor.u32 $0x50, s12;
	[dreg:$0x4] =	wrdreg s12  }
0xf: {  	[dreg:$0x6] =	wrdreg s22;
	s5 =	sshrl.u32 s5, $0x3;
	s9 =	sadd.s32 s9, s1  }
0x10: {  	s11 =	ssub.s32 s21, s10;
	s10 =	sadd.s32 s0, s4;
	[dreg:$0x8] =	wrdreg s23  }
0x11: {  	s24 =	sadd.s32 s8, s23;
	s23 =	sshrl.u32 s6, $0x3;
	s0 =	simm.s32 $0xCA00  }
0x12: {  	s21 =	simm.s32 $0xEA00;
	s4 =	simm.s32 $0x700;
	s6 =	simm.s32 $0x3  }
0x13: {  	s8 =	simm.s32 $0x2;
	s5 =	sadd.s32 s5, s1;
	[dreg:$0x9] =	wrdreg s24  }
0x14: {  	s9 =	sadd.s32 $0x65E00, s9;
	s1 =	sadd.s32 $0xDC00, s1;
	[dreg:$0xc] =	wrdreg s23  }
.Ltmp0:
0x15: {  	s26 =	smax.u32 s11, $0x1;
	[dreg:$0x5] =	wrdreg s9;
	(pc) =	sbr.rel .LBB2_1-.Ltmp0, $4  }
0x16: {  	s11 =	simm.s32 $0x12A00;
	s24 =	simm.s32 $0x0;
	[dreg:$0xb] =	wrdreg s26  }
0x17: {  	s25 =	sadd.s32 $0x17C00, s5;
	[dreg:$0x7] =	wrdreg s1;
	s31 =	sadd.s32 s12, s1  }
0x18: {  	s5 =	simm.s32 $0x480;
	s12 =	simm.s32 $0x1;
	[dreg:$0xa] =	wrdreg s25  }
0x19: {  	s9 =	simm.s32 $0x600;
	[dreg:$0xd] =	wrdreg s31;
	s25 =	simm.s32 $0x10A00  }
.LBB2_4:
0x1a: {  	[bflag:$0x0] =	sbarrier.arrive $0xFFFF  }
0x1b: {  	s22 =	rddreg [dreg:$0x6]  }
0x1c: {  	s1 =	rddreg [dreg:$0xa]  }
0x1d: {  	s24 =	simm.s32 $0x10;
	s26 =	simm.s32 $0x8;
	s23 =	rddreg [dreg:$0xc]  }
0x1e: {  	[hbm:s1@s24], [sflag:s22] =	dma.strided [spmem:s23@s26], $0x1400, s12, $0x8   }
0x1f: {  	_ =	swait.ge [sflag:s15], $0x1400  }
0x20: {  	s26 =	rddreg [dreg:$0xe]  }
0x21: {  	s31 =	rddreg [dreg:$0xb];
	s24 =	sadd.s32 $0x1, s26  }
0x22: {  	p0 =	sne.s32 s24, s31  }
.Ltmp1:
0x23: {  	_ = 	snop;
	(pc) =	sbr.rel @!p0 .LBB2_5-.Ltmp1, $3  }
0x24: {  	_ =	sdelay $0x1  }
0x25: {  	[sflag:s15] =	ssyncset.done $0x0  }
0x26: {  	[sflag:s15] =	ssyncadd.s32 $0xFFFFEC00  }
.LBB2_1:
0x27: {  	[dreg:$0xe] =	wrdreg s24  }
0x28: {  	s1 =	rddreg [dreg:$0x5]  }
0x29: {  	[spmem:s23], [sflag:s22] =	dma.local [hbm:s1], $0x1400  }
0x2a: {  	_ =	swait.ge [sflag:s15], $0x1400  }
0x2b: {  	[sflag:s15] =	ssyncset.done $0x0  }
0x2c: {  	[sflag:s15] =	ssyncadd.s32 $0xFFFFEC00  }
0x2d: {  	[bflag:$0x0] =	sbarrier.arrive $0xFFFF  }
0x2e: {  	[tilespmem:s3], [sflag:$0x4] =	stream.linear.gather [hbm4b:s7+s3], $0x280, $0x38;
	[tilespmem:$0x1EE40] =	vst v63  }
0x2f: {  	_ =	swait.ge [sflag:s15], $0x280  }
0x30: {  	[sflag:s15] =	ssyncset.done $0x0  }
0x31: {  	s23 =	simm.s32 $0x500;
	s22 =	rddreg [dreg:$0xd];
	[sflag:s15] =	ssyncadd.s32 $0xFFFFFD80  }
0x32: {  	[tilespmem:s23], [sflag:$0x4] =	stream.linear.gather [hbm4b:s22+s3], $0x280, $0x38;
	[tilespmem:$0x1EE40] =	vst v63  }
0x33: {  	_ =	swait.ge [sflag:s15], $0x280  }
0x34: {  	[sflag:s15] =	ssyncset.done $0x0  }
0x35: {  	s24 =	simm.s32 $0xA00;
	[sflag:s15] =	ssyncadd.s32 $0xFFFFFD80  }
0x36: {  	[tilespmem:s24], [sflag:$0x1] =	stream.indirect.gather [hbm4b:s10+s18], $0x40, s3, s18, $0xb8;
	[tilespmem:$0x1EE40] =	vst v63  }
0x37: {  	s26 =	simm.s32 $0x2A00  }
0x38: {  	[tilespmem:s26], [sflag:$0x1] =	stream.indirect.gather [hbm4b:s10+s18], $0x40, s18, s18, $0xb8;
	[tilespmem:$0x1EE40] =	vst v63  }
0x39: {  	s22 =	simm.s32 $0x100;
	s23 =	simm.s32 $0x4A00  }
0x3a: {  	[tilespmem:s23], [sflag:$0x1] =	stream.indirect.gather [hbm4b:s10+s18], $0x40, s22, s18, $0xb8;
	[tilespmem:$0x1EE40] =	vst v63  }
0x3b: {  	s24 =	simm.s32 $0x180;
	s26 =	simm.s32 $0x6A00  }
0x3c: {  	[tilespmem:s26], [sflag:$0x1] =	stream.indirect.gather [hbm4b:s10+s18], $0x40, s24, s18, $0xb8;
	[tilespmem:$0x1EE40] =	vst v63  }
0x3d: {  	s23 =	simm.s32 $0x200;
	s24 =	simm.s32 $0x8A00  }
0x3e: {  	[tilespmem:s24], [sflag:$0x1] =	stream.indirect.gather [hbm4b:s10+s18], $0x40, s23, s18, $0xb8;
	[tilespmem:$0x1EE40] =	vst v63  }
0x3f: {  	s26 =	rddreg [dreg:$0x9]  }
0x40: {  	[tilespmem:s28], [sflag:$0x4] =	stream.linear.gather [hbm4b:s26+s3], $0x280, $0x38;
	[tilespmem:$0x1EE40] =	vst v63  }
0x41: {  	_ =	swait.ge [sflag:s15], $0x280  }
0x42: {  	s23 =	rddreg [dreg:$0x7]  }
0x43: {  	[sflag:s15] =	ssyncset.done $0x0;
	s22 =	rddreg [dreg:$0x8]  }
0x44: {  	[sflag:s15] =	ssyncadd.s32 $0xFFFFFD80;
	s24 =	sadd.s32 s22, s23  }
0x45: {  	[tilespmem:s29], [sflag:$0x4] =	stream.linear.gather [hbm4b:s24+s3], $0x280, $0x38;
	[tilespmem:$0x1EE40] =	vst v63  }
0x46: {  	_ =	swait.ge [sflag:s15], $0x280  }
0x47: {  	[sflag:s15] =	ssyncset.done $0x0  }
0x48: {  	[sflag:s15] =	ssyncadd.s32 $0xFFFFFD80  }
0x49: {  	[tilespmem:s30], [sflag:$0x2] =	stream.indirect.gather [hbm4b:s10+s18], $0x40, s28, s18, $0xb8;
	[tilespmem:$0x1EE40] =	vst v63  }
0x4a: {  	s26 =	simm.s32 $0x300  }
0x4b: {  	[tilespmem:s0], [sflag:$0x2] =	stream.indirect.gather [hbm4b:s10+s18], $0x40, s26, s18, $0xb8;
	[tilespmem:$0x1EE40] =	vst v63  }
0x4c: {  	s22 =	simm.s32 $0x380  }
0x4d: {  	[tilespmem:s21], [sflag:$0x2] =	stream.indirect.gather [hbm4b:s10+s18], $0x40, s22, s18, $0xb8;
	[tilespmem:$0x1EE40] =	vst v63  }
0x4e: {  	s24 =	simm.s32 $0x400;
	s26 =	rddreg [dreg:$0x4]  }
0x4f: {  	[tilespmem:s25], [sflag:$0x2] =	stream.indirect.gather [hbm4b:s10+s18], $0x40, s24, s18, $0xb8;
	[tilespmem:$0x1EE40] =	vst v63  }
0x50: {  	s31 =	simm.s32 $0xFFFFF6A0;
	s22 =	sadd.s32 s23, s26  }
0x51: {  	[tilespmem:s11], [sflag:$0x2] =	stream.indirect.gather [hbm4b:s10+s18], $0x40, s5, s18, $0xb8;
	[tilespmem:$0x1EE40] =	vst v63  }
.LBB2_2:
0x52: {  	_ =	swait.ge [sflag:s12], $0x2000  }
0x53: {  	[sflag:s12] =	ssyncset.done $0x0  }
0x54: {  	[sflag:s12] =	ssyncadd.s32 $0xFFFFE000  }
0x55: {  	_ =	swait.ge [sflag:s12], $0x2000  }
0x56: {  	[sflag:s12] =	ssyncset.done $0x0  }
0x57: {  	[sflag:s12] =	ssyncadd.s32 $0xFFFFE000  }
0x58: {  	_ =	swait.ge [sflag:s12], $0x2000  }
0x59: {  	[sflag:s12] =	ssyncset.done $0x0  }
0x5a: {  	[sflag:s12] =	ssyncadd.s32 $0xFFFFE000  }
0x5b: {  	_ =	swait.ge [sflag:s12], $0x2000  }
0x5c: {  	[sflag:s12] =	ssyncset.done $0x0  }
0x5d: {  	[sflag:s12] =	ssyncadd.s32 $0xFFFFE000  }
0x5e: {  	_ =	swait.ge [sflag:s12], $0x2000  }
0x5f: {  	[sflag:s12] =	ssyncset.done $0x0  }
0x60: {  	s1 =	simm.s32 $0x500;
	s23 =	simm.s32 $0xA00;
	[sflag:s12] =	ssyncadd.s32 $0xFFFFE000  }
0x61: {  	[spmem:s2] =	stream.indirect.scatter.add.f32 [tilespmem:s23], [sflag:$0x3], $0x40, s1, s18, $0xb8;
	[tilespmem:$0x1EE40] =	vst v63  }
0x62: {  	s26 =	simm.s32 $0x2A00  }
0x63: {  	[spmem:s2] =	stream.indirect.scatter.add.f32 [tilespmem:s26], [sflag:$0x3], $0x40, s13, s18, $0xb8;
	[tilespmem:$0x1EE40] =	vst v63  }
0x64: {  	s23 =	simm.s32 $0x4A00  }
0x65: {  	[spmem:s2] =	stream.indirect.scatter.add.f32 [tilespmem:s23], [sflag:$0x3], $0x40, s9, s18, $0xb8;
	[tilespmem:$0x1EE40] =	vst v63  }
0x66: {  	s24 =	simm.s32 $0x6A00  }
0x67: {  	[spmem:s2] =	stream.indirect.scatter.add.f32 [tilespmem:s24], [sflag:$0x3], $0x40, s16, s18, $0xb8;
	[tilespmem:$0x1EE40] =	vst v63  }
0x68: {  	s26 =	simm.s32 $0x8A00  }
0x69: {  	[spmem:s2] =	stream.indirect.scatter.add.f32 [tilespmem:s26], [sflag:$0x3], $0x40, s4, s18, $0xb8;
	[tilespmem:$0x1EE40] =	vst v63  }
0x6a: {  	_ =	swait.ge [sflag:s6], $0x2000  }
0x6b: {  	[sflag:s6] =	ssyncset.done $0x0  }
0x6c: {  	[sflag:s6] =	ssyncadd.s32 $0xFFFFE000  }
0x6d: {  	_ =	swait.ge [sflag:s6], $0x2000  }
0x6e: {  	[sflag:s6] =	ssyncset.done $0x0  }
0x6f: {  	[sflag:s6] =	ssyncadd.s32 $0xFFFFE000  }
0x70: {  	_ =	swait.ge [sflag:s6], $0x2000  }
0x71: {  	[sflag:s6] =	ssyncset.done $0x0  }
0x72: {  	[sflag:s6] =	ssyncadd.s32 $0xFFFFE000  }
0x73: {  	_ =	swait.ge [sflag:s6], $0x2000  }
0x74: {  	[sflag:s6] =	ssyncset.done $0x0  }
0x75: {  	[sflag:s6] =	ssyncadd.s32 $0xFFFFE000  }
0x76: {  	p0 =	seq.s32 s31, $0x0;
	_ =	swait.ge [sflag:s6], $0x2000  }
0x77: {  	s24 =	sadd.s32 @!p0 s31, s7;
	[sflag:s6] =	ssyncset.done $0x0  }
0x78: {  	s1 =	simm.s32 @!p0 $0x0;
	s24 =	sadd.s32 @!p0 $0xA00, s24;
	[sflag:s6] =	ssyncadd.s32 $0xFFFFE000  }
0x79: {  	[tilespmem:s1], [sflag:$0x4] =	stream.linear.gather @!p0 [hbm4b:s24+s1], $0x280, $0x38;
	[tilespmem:$0x1EE40] =	vst v63  }
0x7a: {  	s24 =	simm.s32 @!p0 $0x4  }
0x7b: {  	_ =	swait.ge @!p0 [sflag:s24], $0x280  }
0x7c: {  	s26 =	sadd.s32 @!p0 s31, s22;
	[sflag:s24] =	ssyncset.done @!p0 $0x0  }
0x7d: {  	s23 =	simm.s32 @!p0 $0x500;
	s26 =	sadd.s32 @!p0 $0xA00, s26;
	[sflag:s24] =	ssyncadd.s32 @!p0 $0xFFFFFD80  }
0x7e: {  	[tilespmem:s23], [sflag:$0x4] =	stream.linear.gather @!p0 [hbm4b:s26+s1], $0x280, $0x38;
	[tilespmem:$0x1EE40] =	vst v63  }
0x7f: {  	_ =	swait.ge @!p0 [sflag:s24], $0x280  }
0x80: {  	[sflag:s24] =	ssyncset.done @!p0 $0x0  }
0x81: {  	s23 =	simm.s32 @!p0 $0x80;
	[sflag:s24] =	ssyncadd.s32 @!p0 $0xFFFFFD80;
	s24 =	simm.s32 @!p0 $0xA00  }
0x82: {  	[tilespmem:s24], [sflag:$0x1] =	stream.indirect.gather @!p0 [hbm4b:s10+s23], $0x40, s1, s23, $0xb8;
	[tilespmem:$0x1EE40] =	vst v63  }
0x83: {  	s1 =	simm.s32 @!p0 $0x2A00  }
0x84: {  	[tilespmem:s1], [sflag:$0x1] =	stream.indirect.gather @!p0 [hbm4b:s10+s23], $0x40, s23, s23, $0xb8;
	[tilespmem:$0x1EE40] =	vst v63  }
0x85: {  	s24 =	simm.s32 @!p0 $0x4A00;
	s1 =	simm.s32 @!p0 $0x100  }
0x86: {  	[tilespmem:s24], [sflag:$0x1] =	stream.indirect.gather @!p0 [hbm4b:s10+s23], $0x40, s1, s23, $0xb8;
	[tilespmem:$0x1EE40] =	vst v63  }
0x87: {  	s1 =	simm.s32 @!p0 $0x180;
	s24 =	simm.s32 @!p0 $0x6A00  }
0x88: {  	[tilespmem:s24], [sflag:$0x1] =	stream.indirect.gather @!p0 [hbm4b:s10+s23], $0x40, s1, s23, $0xb8;
	[tilespmem:$0x1EE40] =	vst v63  }
0x89: {  	s1 =	simm.s32 @!p0 $0x200;
	s24 =	simm.s32 @!p0 $0x8A00  }
0x8a: {  	[tilespmem:s24], [sflag:$0x1] =	stream.indirect.gather @!p0 [hbm4b:s10+s23], $0x40, s1, s23, $0xb8;
	[tilespmem:$0x1EE40] =	vst v63  }
0x8b: {  	_ =	swait.ge [sflag:s8], $0x2000  }
0x8c: {  	[sflag:s8] =	ssyncset.done $0x0  }
0x8d: {  	[sflag:s8] =	ssyncadd.s32 $0xFFFFE000  }
0x8e: {  	_ =	swait.ge [sflag:s8], $0x2000  }
0x8f: {  	[sflag:s8] =	ssyncset.done $0x0  }
0x90: {  	[sflag:s8] =	ssyncadd.s32 $0xFFFFE000  }
0x91: {  	_ =	swait.ge [sflag:s8], $0x2000  }
0x92: {  	[sflag:s8] =	ssyncset.done $0x0  }
0x93: {  	[sflag:s8] =	ssyncadd.s32 $0xFFFFE000  }
0x94: {  	_ =	swait.ge [sflag:s8], $0x2000  }
0x95: {  	[sflag:s8] =	ssyncset.done $0x0  }
0x96: {  	[sflag:s8] =	ssyncadd.s32 $0xFFFFE000  }
0x97: {  	_ =	swait.ge [sflag:s8], $0x2000  }
0x98: {  	[sflag:s8] =	ssyncset.done $0x0  }
0x99: {  	[sflag:s8] =	ssyncadd.s32 $0xFFFFE000  }
0x9a: {  	[spmem:s2] =	stream.indirect.scatter.add.f32 [tilespmem:s30], [sflag:$0x3], $0x40, s29, s18, $0xb8;
	[tilespmem:$0x1EE40] =	vst v63  }
0x9b: {  	_ = 	snop  }
0x9c: {  	[spmem:s2] =	stream.indirect.scatter.add.f32 [tilespmem:s0], [sflag:$0x3], $0x40, s14, s18, $0xb8;
	[tilespmem:$0x1EE40] =	vst v63  }
0x9d: {  	_ = 	snop  }
0x9e: {  	[spmem:s2] =	stream.indirect.scatter.add.f32 [tilespmem:s21], [sflag:$0x3], $0x40, s17, s18, $0xb8;
	[tilespmem:$0x1EE40] =	vst v63  }
0x9f: {  	_ = 	snop  }
0xa0: {  	[spmem:s2] =	stream.indirect.scatter.add.f32 [tilespmem:s25], [sflag:$0x3], $0x40, s19, s18, $0xb8;
	[tilespmem:$0x1EE40] =	vst v63  }
0xa1: {  	_ = 	snop  }
0xa2: {  	[spmem:s2] =	stream.indirect.scatter.add.f32 [tilespmem:s11], [sflag:$0x3], $0x40, s20, s18, $0xb8;
	[tilespmem:$0x1EE40] =	vst v63  }
0xa3: {  	_ =	swait.ge [sflag:s6], $0x2000  }
0xa4: {  	[sflag:s6] =	ssyncset.done $0x0  }
0xa5: {  	[sflag:s6] =	ssyncadd.s32 $0xFFFFE000  }
0xa6: {  	_ =	swait.ge [sflag:s6], $0x2000  }
0xa7: {  	[sflag:s6] =	ssyncset.done $0x0  }
0xa8: {  	[sflag:s6] =	ssyncadd.s32 $0xFFFFE000  }
0xa9: {  	_ =	swait.ge [sflag:s6], $0x2000  }
0xaa: {  	[sflag:s6] =	ssyncset.done $0x0  }
0xab: {  	[sflag:s6] =	ssyncadd.s32 $0xFFFFE000  }
0xac: {  	_ =	swait.ge [sflag:s6], $0x2000  }
.Ltmp2:
0xad: {  	[sflag:s6] =	ssyncset.done $0x0;
	(pc) =	sbr.rel @p0 .LBB2_4-.Ltmp2, $4  }
0xae: {  	[sflag:s6] =	ssyncadd.s32 $0xFFFFE000  }
0xaf: {  	_ =	swait.ge [sflag:s6], $0x2000  }
0xb0: {  	[sflag:s6] =	ssyncset.done $0x0  }
0xb1: {  	[sflag:s6] =	ssyncadd.s32 $0xFFFFE000  }
0xb2: {  	s1 =	sadd.s32 s31, s7  }
0xb3: {  	s1 =	sadd.s32 $0xA50, s1  }
0xb4: {  	[tilespmem:s28], [sflag:$0x4] =	stream.linear.gather [hbm4b:s1+s3], $0x280, $0x38;
	[tilespmem:$0x1EE40] =	vst v63  }
0xb5: {  	_ =	swait.ge [sflag:s15], $0x280  }
0xb6: {  	s26 =	sadd.s32 s31, s22;
	[sflag:s15] =	ssyncset.done $0x0  }
0xb7: {  	s1 =	sadd.s32 $0xA50, s26;
	[sflag:s15] =	ssyncadd.s32 $0xFFFFFD80  }
0xb8: {  	[tilespmem:s29], [sflag:$0x4] =	stream.linear.gather [hbm4b:s1+s3], $0x280, $0x38;
	[tilespmem:$0x1EE40] =	vst v63  }
0xb9: {  	_ =	swait.ge [sflag:s15], $0x280  }
0xba: {  	[sflag:s15] =	ssyncset.done $0x0  }
0xbb: {  	[sflag:s15] =	ssyncadd.s32 $0xFFFFFD80  }
0xbc: {  	[tilespmem:s30], [sflag:$0x2] =	stream.indirect.gather [hbm4b:s10+s18], $0x40, s28, s18, $0xb8;
	[tilespmem:$0x1EE40] =	vst v63  }
0xbd: {  	s23 =	simm.s32 $0x300  }
0xbe: {  	[tilespmem:s0], [sflag:$0x2] =	stream.indirect.gather [hbm4b:s10+s18], $0x40, s23, s18, $0xb8;
	[tilespmem:$0x1EE40] =	vst v63  }
0xbf: {  	s24 =	simm.s32 $0x380  }
0xc0: {  	[tilespmem:s21], [sflag:$0x2] =	stream.indirect.gather [hbm4b:s10+s18], $0x40, s24, s18, $0xb8;
	[tilespmem:$0x1EE40] =	vst v63  }
.Ltmp3:
0xc1: {  	_ = 	snop;
	(pc) =	sbr.rel .LBB2_2-.Ltmp3, $4  }
0xc2: {  	s26 =	simm.s32 $0x400  }
0xc3: {  	[tilespmem:s25], [sflag:$0x2] =	stream.indirect.gather [hbm4b:s10+s18], $0x40, s26, s18, $0xb8;
	[tilespmem:$0x1EE40] =	vst v63  }
0xc4: {  	s31 =	sadd.s32 $0xA0, s31  }
0xc5: {  	[tilespmem:s11], [sflag:$0x2] =	stream.indirect.gather [hbm4b:s10+s18], $0x40, s5, s18, $0xb8;
	[tilespmem:$0x1EE40] =	vst v63  }
.LBB2_5:
0xc6: {  	_ =	sfence.sel $0x180000  }
0xc7: {  	[bflag:$0x0] =	sbarrier.arrive $0xFFFF  }
0xc8: {  	_ =	strace $0x9000004A  }
0xc9: {  	s0 =	stileid.u32;
	[bflag:$0x2] =	sbarrier.arrive $0xFFFF  }
0xca: {  	p0 =	sne.s32 s0, $0x0;
	s0 =	rddreg [dreg:$0x3]  }
0xcb: {  	s0 =	sadd.s32 @!p0 $0x100000, s0  }
0xcc: {  	[sflag:s0] =	ssyncadd.tile.s32 @!p0 $0x1;
	_ =	shalt  }
.Lfunc_end2:
_tile_overlayer_lowered:
.L_overlay_start_2:
0xcd: {  	(tag) =	ssettag $0x2  }
0xce: {  	s0 =	rddreg [dreg:$0x0];
	s2 =	stileid.u32  }
0xcf: {  	s1 =	rddreg [dreg:$0x1];
	p0 =	sne.s32 s2, $0x0  }
0xd0: {  	s3 =	rddreg [dreg:$0x2];
	[bflag:$0x3] =	sbarrier.arrive $0xFFFF;
	s2 =	simm.s32 @!p0 $0x1C04  }
0xd1: {  	[timem:s3], [sflag:s2] =	dma.local @!p0 [hbm:s0], s1  }
0xd2: {  	s0 =	simm.s32 @!p0 $0x4  }
0xd3: {  	_ =	swait.ge @!p0 [sflag:s0], s1  }
0xd4: {  	s1 =	ssub.s32 @!p0 $0x0, s1;
	[sflag:s0] =	ssyncset.done @!p0 $0x0  }
0xd5: {  	[sflag:s0] =	ssyncadd.s32 @!p0 s1  }
0xd6: {  	[bflag:$0x3] =	sbarrier.arrive $0xFFFF  }
0xd7: {  	_ =	shalt  }

</sc_bundles>
